<compile_context>
chip_gen: v7x
topology: tpu7x:2x2x1
jax: 0.10.2.dev20260603
libtpu: 0.0.44.dev20260713+nightly
codegen_flags: <defaults>
</compile_context>

<pallas_src>
import functools

import jax
import jax.numpy as jnp
from jax import lax
from jax.experimental import pallas as pl
from jax.experimental.pallas import tpu as pltpu
from jax.experimental.pallas import tpu_sc as plsc

N = 10000
E = 320000
D = 128
G = 64
DOUT = 10

NC = 2
NS = 16
NW = NC * NS
CH = 80
K = 126
KP = K + 2
K2 = 250
KP2 = K2 + 2
NPAD = 10112
RPT = NPAD // NS
DUMMY = N + 8

HREAL = 5120
HN = 5248
HRPT = HN // NS
LOCDUMMY = HREAL + 8

BN = 2560
NBLK = 4

_mesh = plsc.VectorSubcoreMesh(core_axis_name="c", subcore_axis_name="s")



@functools.partial(
    pl.kernel,
    out_type=jax.ShapeDtypeStruct((NC * NPAD,), jnp.float32),
    mesh=_mesh,
    scratch_types=[
        pltpu.VMEM((KP, CH), jnp.int32),
        pltpu.VMEM((CH,), jnp.float32),
        pltpu.VMEM((RPT + 8, ), jnp.float32),
        pltpu.VMEM_SHARED((NPAD,), jnp.float32),
    ],
)
def _sc_deg(dst_hbm, out_hbm, dst_v, ones_v, zb_v, deg_sh):
    c = lax.axis_index("c")
    s = lax.axis_index("s")
    wid = s * NC + c
    pltpu.sync_copy(dst_hbm.at[wid], dst_v)

    z16 = jnp.zeros((16,), jnp.float32)
    ones16 = jnp.ones((16,), jnp.float32)

    def _fill(i, carry):
        ones_v[pl.ds(i * 16, 16)] = ones16
        return carry

    lax.fori_loop(0, CH // 16, _fill, 0)

    def _zero(i, carry):
        zb_v[pl.ds(i * 16, 16)] = z16
        return carry

    lax.fori_loop(0, (RPT + 8) // 16, _zero, 0)

    base = s * RPT
    pltpu.sync_copy(zb_v.at[pl.ds(0, RPT)], deg_sh.at[pl.ds(base, RPT)])
    plsc.subcore_barrier()

    def _count(j, carry):
        pltpu.sync_copy(ones_v, deg_sh.at[dst_v.at[j]], add=True)
        return carry

    lax.fori_loop(0, KP, _count, 0)
    plsc.subcore_barrier()
    pltpu.sync_copy(deg_sh.at[pl.ds(base, RPT)], zb_v.at[pl.ds(0, RPT)])
    pltpu.sync_copy(zb_v.at[pl.ds(0, RPT)],
                    out_hbm.at[pl.ds(c * NPAD + base, RPT)])


@functools.partial(
    pl.kernel,
    out_type=jax.ShapeDtypeStruct((NC, HN, D), jnp.float32),
    mesh=_mesh,
    scratch_types=[
        pltpu.VMEM((KP2, CH), jnp.int32),
        pltpu.VMEM((KP2, CH), jnp.int32),
        pltpu.VMEM((2, CH, D), jnp.float32),
        pltpu.VMEM_SHARED((HN, D), jnp.float32),
        (pltpu.SemaphoreType.DMA,) * 2,
    ],
)
def _sc_scatter(yh, src_hbm, dst_hbm, out_hbm, src_v, dst_v, rows, acc_sh,
                gsem):
    c = lax.axis_index("c")
    s = lax.axis_index("s")
    pltpu.sync_copy(src_hbm.at[s], src_v)
    pltpu.sync_copy(dst_hbm.at[s], dst_v)

    off = c * HREAL
    nsub = CH // 16

    def _remap(i, carry):
        v = dst_v[i // nsub, pl.ds((i % nsub) * 16, 16)]
        loc = v - off
        bad = (loc < 0) | (loc >= HREAL)
        dst_v[i // nsub, pl.ds((i % nsub) * 16, 16)] = jnp.where(
            bad, HREAL + (loc & 63), loc)
        return carry

    lax.fori_loop(0, KP2 * nsub, _remap, 0)

    z16 = jnp.zeros((16,), jnp.float32)

    def _zero(i, carry):
        rows[0, i // (D // 16), pl.ds((i % (D // 16)) * 16, 16)] = z16
        return carry

    lax.fori_loop(0, CH * D // 16, _zero, 0)

    base = s * HRPT
    for k in range(HRPT // CH):
        pltpu.sync_copy(rows.at[0], acc_sh.at[pl.ds(base + k * CH, CH)])
    rem = HRPT % CH
    if rem:
        pltpu.sync_copy(rows.at[0, pl.ds(0, rem)],
                        acc_sh.at[pl.ds(base + (HRPT // CH) * CH, rem)])
    plsc.subcore_barrier()

    def _gather(j, b):
        return pltpu.make_async_copy(yh.at[src_v.at[j]], rows.at[b], gsem[b])

    _gather(0, 0).start()
    _gather(1, 1).start()

    def _body(t, carry):
        j = t * 2
        _gather(j, 0).wait()
        pltpu.sync_copy(rows.at[0], acc_sh.at[dst_v.at[j]], add=True)
        _gather(j + 2, 0).start()
        _gather(j + 1, 1).wait()
        pltpu.sync_copy(rows.at[1], acc_sh.at[dst_v.at[j + 1]], add=True)
        _gather(j + 3, 1).start()
        return carry

    lax.fori_loop(0, K2 // 2, _body, 0)
    _gather(K2, 0).wait()
    _gather(K2 + 1, 1).wait()
    plsc.subcore_barrier()

    nfull = HRPT // CH
    rem = HRPT % CH
    for k in range(nfull):
        b = k % 2
        pltpu.sync_copy(acc_sh.at[pl.ds(base + k * CH, CH)], rows.at[b])
        pltpu.make_async_copy(rows.at[b], out_hbm.at[c, pl.ds(base + k * CH, CH)],
                              gsem[b]).start()
        if k >= 1:
            pb = (k - 1) % 2
            pltpu.make_async_copy(
                rows.at[pb], out_hbm.at[c, pl.ds(base + (k - 1) * CH, CH)],
                gsem[pb]).wait()
    if rem:
        b = nfull % 2
        pltpu.sync_copy(acc_sh.at[pl.ds(base + nfull * CH, rem)],
                        rows.at[b, pl.ds(0, rem)])
        pltpu.sync_copy(rows.at[b, pl.ds(0, rem)],
                        out_hbm.at[c, pl.ds(base + nfull * CH, rem)])
    pb = (nfull - 1) % 2
    pltpu.make_async_copy(rows.at[pb],
                          out_hbm.at[c, pl.ds(base + (nfull - 1) * CH, CH)],
                          gsem[pb]).wait()



def _acc_spec():
    return pl.BlockSpec((1, BN, D), lambda i: (i // 2, i % 2, 0))


def _mm_first_body(deg_ref, x_ref, w_ref, y_ref, dinv_ref):
    degs = jnp.maximum(deg_ref[0] + deg_ref[1] + 1.0, 1.0)
    dinv = lax.rsqrt(degs)
    dinv_ref[...] = jnp.broadcast_to(dinv[None, :], (8, BN))
    y_ref[...] = dinv[:, None] * jnp.dot(
        x_ref[...], w_ref[...], preferred_element_type=jnp.float32)


def _mm_first(deg_part, x, w):
    return pl.pallas_call(
        _mm_first_body,
        grid=(NBLK,),
        in_specs=[
            pl.BlockSpec((NC, BN), lambda i: (0, i)),
            pl.BlockSpec((BN, D), lambda i: (i, 0)),
            pl.BlockSpec((D, D), lambda i: (0, 0)),
        ],
        out_specs=[
            pl.BlockSpec((BN, D), lambda i: (i, 0)),
            pl.BlockSpec((8, BN), lambda i: (0, i)),
        ],
        out_shape=[
            jax.ShapeDtypeStruct((N, D), jnp.float32),
            jax.ShapeDtypeStruct((8, NBLK * BN), jnp.float32),
        ],
    )(deg_part, x, w)


def _mm_mid_body(acc_ref, y_ref, dinv_ref, b_ref, w_ref, out_ref):
    a = acc_ref[0] + y_ref[...]
    dv = dinv_ref[0]
    h = jnp.maximum(dv[:, None] * a + b_ref[...][None, :], 0.0)
    out_ref[...] = dv[:, None] * jnp.dot(
        h, w_ref[...], preferred_element_type=jnp.float32)


def _mm_mid(acc, y, dinv, b, w):
    return pl.pallas_call(
        _mm_mid_body,
        grid=(NBLK,),
        in_specs=[
            _acc_spec(),
            pl.BlockSpec((BN, D), lambda i: (i, 0)),
            pl.BlockSpec((8, BN), lambda i: (0, i)),
            pl.BlockSpec((D,), lambda i: (0,)),
            pl.BlockSpec((D, D), lambda i: (0, 0)),
        ],
        out_specs=pl.BlockSpec((BN, D), lambda i: (i, 0)),
        out_shape=jax.ShapeDtypeStruct((N, D), jnp.float32),
    )(acc, y, dinv, b, w)


def _mm_final_body(acc_ref, y_ref, dinv_ref, b_ref, batch_ref, wl_ref, bl_ref,
                   sums_ref, counts_ref, out_ref):
    i = pl.program_id(0)

    @pl.when(i == 0)
    def _():
        sums_ref[...] = jnp.zeros_like(sums_ref)
        counts_ref[...] = jnp.zeros_like(counts_ref)

    a = acc_ref[0] + y_ref[...]
    h = dinv_ref[0][:, None] * a + b_ref[...][None, :]
    validc = (i * BN + lax.broadcasted_iota(jnp.int32, (BN, 1), 0)) < N
    h = jnp.where(validc, h, 0.0)
    validr = (i * BN + lax.broadcasted_iota(jnp.int32, (1, BN), 1)) < N
    oh = jnp.where(
        (lax.broadcasted_iota(jnp.int32, (G, BN), 0) == batch_ref[0][None, :])
        & validr, 1.0, 0.0)
    sums_ref[...] += jnp.dot(oh, h, preferred_element_type=jnp.float32)
    counts_ref[...] += jnp.sum(oh, axis=1, keepdims=True)

    @pl.when(i == NBLK - 1)
    def _():
        g = sums_ref[...] / jnp.maximum(counts_ref[...], 1.0)
        logits = jnp.dot(g, wl_ref[...],
                         preferred_element_type=jnp.float32) + bl_ref[...][None, :]
        m = jnp.max(logits, axis=1, keepdims=True)
        lse = jnp.log(jnp.sum(jnp.exp(logits - m), axis=1, keepdims=True)) + m
        out_ref[...] = logits - lse


def _mm_final(acc, y, dinv, b, batch, wl, bl):
    _, _, out = pl.pallas_call(
        _mm_final_body,
        grid=(NBLK,),
        in_specs=[
            _acc_spec(),
            pl.BlockSpec((BN, D), lambda i: (i, 0)),
            pl.BlockSpec((8, BN), lambda i: (0, i)),
            pl.BlockSpec((D,), lambda i: (0,)),
            pl.BlockSpec((8, BN), lambda i: (0, i)),
            pl.BlockSpec((D, DOUT), lambda i: (0, 0)),
            pl.BlockSpec((DOUT,), lambda i: (0,)),
        ],
        out_specs=[
            pl.BlockSpec((G, D), lambda i: (0, 0)),
            pl.BlockSpec((G, 1), lambda i: (0, 0)),
            pl.BlockSpec((G, DOUT), lambda i: (0, 0)),
        ],
        out_shape=[
            jax.ShapeDtypeStruct((G, D), jnp.float32),
            jax.ShapeDtypeStruct((G, 1), jnp.float32),
            jax.ShapeDtypeStruct((G, DOUT), jnp.float32),
        ],
    )(acc, y, dinv, b, batch, wl, bl)
    return out



def kernel(x, edge_index, batch, W1, b1, W2, b2, W3, b3, Wl, bl):
    src = edge_index[0].astype(jnp.int32)
    dst = edge_index[1].astype(jnp.int32)
    batch = batch.astype(jnp.int32)

    pad = NW * K * CH - E
    dst_p = jnp.concatenate([dst, jnp.full((pad,), DUMMY, jnp.int32)]).reshape(NW, K, CH)
    dst3 = jnp.concatenate([dst_p, jnp.full((NW, 2, CH), DUMMY, jnp.int32)], axis=1)

    pad2 = NS * K2 * CH - E
    src_q = jnp.concatenate([src, jnp.zeros((pad2,), jnp.int32)]).reshape(NS, K2, CH)
    dst_q = jnp.concatenate([dst, jnp.full((pad2,), DUMMY, jnp.int32)]).reshape(NS, K2, CH)
    src2 = jnp.concatenate([src_q, jnp.zeros((NS, KP2 - K2, CH), jnp.int32)], axis=1)
    dst2 = jnp.concatenate([dst_q, jnp.full((NS, KP2 - K2, CH), DUMMY, jnp.int32)], axis=1)

    deg_part = _sc_deg(dst3).reshape(NC, NPAD)
    y1, dinv = _mm_first(deg_part, x, W1)
    acc1 = _sc_scatter(y1, src2, dst2)
    y2 = _mm_mid(acc1, y1, dinv, b1, W2)
    acc2 = _sc_scatter(y2, src2, dst2)
    y3 = _mm_mid(acc2, y2, dinv, b2, W3)
    acc3 = _sc_scatter(y3, src2, dst2)
    batch2 = jnp.broadcast_to(
        jnp.pad(batch, (0, NBLK * BN - N))[None, :], (8, NBLK * BN))
    return _mm_final(acc3, y3, dinv, b3, batch2, Wl, bl)

# --- scband reference (transcript-rebuilt; emitter-appended) ---
"""Pipeline reference for scband-graph-sage-1666447311245 (READ-ONLY COPY).

The authoritative reference and input builder live on the scoring server;
editing this copy changes nothing except your own understanding.
"""

import jax, jax.numpy as jnp
import numpy as np

N_NODES = 10000
N_EDGES = 320000
D_IN = 128
D_H = 128
D_OUT = 10
N_GRAPHS = 64


def setup_inputs(seed: int = 0) -> dict:
    key = jax.random.key(seed)
    ks = jax.random.split(key, 12)
    x = jax.random.normal(ks[0], (N_NODES, D_IN), dtype=jnp.float32)
    edge_index = jax.random.randint(ks[1], (2, N_EDGES), 0, N_NODES, dtype=jnp.int64)
    batch = jnp.sort(jax.random.randint(ks[2], (N_NODES,), 0, N_GRAPHS, dtype=jnp.int64))
    def glorot(k, fan_in, fan_out):
        lim = jnp.sqrt(6.0 / (fan_in + fan_out))
        return jax.random.uniform(k, (fan_in, fan_out), dtype=jnp.float32, minval=-lim, maxval=lim)
    W1 = glorot(ks[3], D_IN, D_H)
    b1 = jnp.zeros((D_H,), dtype=jnp.float32)
    W2 = glorot(ks[4], D_H, D_H)
    b2 = jnp.zeros((D_H,), dtype=jnp.float32)
    W3 = glorot(ks[5], D_H, D_H)
    b3 = jnp.zeros((D_H,), dtype=jnp.float32)
    Wl = glorot(ks[6], D_H, D_OUT)
    bl = jnp.zeros((D_OUT,), dtype=jnp.float32)
    return {"x": x, "edge_index": edge_index, "batch": batch,
            "W1": W1, "b1": b1, "W2": W2, "b2": b2, "W3": W3, "b3": b3,
            "Wl": Wl, "bl": bl}


def _gcn_conv(x, edge_index, W, b, num_nodes):
    # GCNConv: x' = D^{-1/2} (A + I) D^{-1/2} (x W) + b
    loop = jnp.arange(num_nodes, dtype=edge_index.dtype)
    src = jnp.concatenate([edge_index[0], loop])
    dst = jnp.concatenate([edge_index[1], loop])
    h = x @ W
    deg = jnp.zeros((num_nodes,), dtype=h.dtype).at[dst].add(1.0)
    dinv = jax.lax.rsqrt(jnp.maximum(deg, 1.0))
    norm = dinv[src] * dinv[dst]
    msg = h[src] * norm[:, None]
    out = jnp.zeros_like(h).at[dst].add(msg)
    return out + b


def _global_mean_pool(x, batch, num_graphs):
    sums = jax.ops.segment_sum(x, batch, num_segments=num_graphs)
    counts = jax.ops.segment_sum(jnp.ones((x.shape[0],), dtype=x.dtype), batch, num_segments=num_graphs)
    return sums / jnp.maximum(counts, 1.0)[:, None]


def reference(x, edge_index, batch, W1, b1, W2, b2, W3, b3, Wl, bl):
    # eval mode: dropout is identity
    h = _gcn_conv(x, edge_index, W1, b1, N_NODES)
    h = jax.nn.relu(h)
    h = _gcn_conv(h, edge_index, W2, b2, N_NODES)
    h = jax.nn.relu(h)
    h = _gcn_conv(h, edge_index, W3, b3, N_NODES)
    g = _global_mean_pool(h, batch, N_GRAPHS)
    logits = g @ Wl + bl
    return jax.nn.log_softmax(logits, axis=1)

if __name__ == "__main__":
    import jax
    _d = setup_inputs()
    print(jax.jit(kernel)(*tuple(_d.values())))

</pallas_src>

<mosaic_0001>
#map = affine_map<(d0, d1) -> (0, 0)>
#map1 = affine_map<(d0, d1) -> (0, 0, 0)>
module attributes {stable_mosaic.version = 14 : i64} {
  func.func @_sc_scatter(%arg0: i32, %arg1: i32, %arg2: memref<10000x128xf32, #tpu.memory_space<hbm>>, %arg3: memref<16x252x80xi32, #tpu.memory_space<hbm>>, %arg4: memref<16x252x80xi32, #tpu.memory_space<hbm>>, %arg5: memref<2x5248x128xf32, #tpu.memory_space<hbm>>, %arg6: memref<252x80xi32, #tpu.memory_space<vmem>>, %arg7: memref<252x80xi32, #tpu.memory_space<vmem>>, %arg8: memref<2x80x128xf32, #tpu.memory_space<vmem>>, %arg9: memref<5248x128xf32, #tpu.memory_space<vmem_shared>>, %arg10: memref<!tpu.dma_semaphore, #tpu.memory_space<semaphore_mem>>, %arg11: memref<!tpu.dma_semaphore, #tpu.memory_space<semaphore_mem>>) attributes {dimension_semantics = [#tpu.dimension_semantics<core_parallel>, #tpu.dimension_semantics<subcore_parallel>], iteration_bounds = array<i64: 2, 16>, scalar_prefetch = 0 : i64, scratch_operands = 6 : i64, tpu.core_type = #tpu.core_type<sc_vector_subcore>, window_params = [{transform_indices = #map}, {transform_indices = #map1}, {transform_indices = #map1}, {transform_indices = #map1}]} {
    "tpu.region"() ({
      %run_scoped3A_235 = tpu.sem_alloc : memref<!tpu.dma_semaphore, #tpu.memory_space<semaphore_mem>>
      %dma_start3A_236 = arith.constant 0 : i32
      %dma_start3A_237 = arith.constant 0 : i32
      %dma_start3A_238 = tpu.memref_slice %arg3[%arg1, %dma_start3A_236, %dma_start3A_237] : memref<16x252x80xi32, #tpu.memory_space<hbm>> -> memref<1x252x80xi32, #tpu.memory_space<hbm>>
      %dma_start3A_239 = tpu.memref_squeeze %dma_start3A_238 : memref<1x252x80xi32, #tpu.memory_space<hbm>> -> memref<252x80xi32, #tpu.memory_space<hbm>>
      %dma_start3A_240 = arith.constant 0 : i32
      %dma_start3A_241 = arith.constant 0 : i32
      %dma_start3A_242 = tpu.memref_slice %arg3[%arg1, %dma_start3A_240, %dma_start3A_241] : memref<16x252x80xi32, #tpu.memory_space<hbm>> -> memref<1x252x80xi32, #tpu.memory_space<hbm>>
      %dma_start3A_243 = tpu.memref_squeeze %dma_start3A_242 : memref<1x252x80xi32, #tpu.memory_space<hbm>> -> memref<252x80xi32, #tpu.memory_space<hbm>>
      tpu.enqueue_dma source(%dma_start3A_243 : memref<252x80xi32, #tpu.memory_space<hbm>>) target(%arg6 : memref<252x80xi32, #tpu.memory_space<vmem>>) target_semaphore(%run_scoped3A_235 : memref<!tpu.dma_semaphore, #tpu.memory_space<semaphore_mem>>)
      %dma_wait3A_244 = arith.constant 0 : i32
      %dma_wait3A_245 = arith.constant 0 : i32
      %dma_wait3A_246 = tpu.memref_slice %arg3[%arg1, %dma_wait3A_244, %dma_wait3A_245] : memref<16x252x80xi32, #tpu.memory_space<hbm>> -> memref<1x252x80xi32, #tpu.memory_space<hbm>>
      %dma_wait3A_247 = tpu.memref_squeeze %dma_wait3A_246 : memref<1x252x80xi32, #tpu.memory_space<hbm>> -> memref<252x80xi32, #tpu.memory_space<hbm>>
      %dma_wait3A_248 = arith.constant 0 : i32
      %dma_wait3A_249 = arith.constant 0 : i32
      %dma_wait3A_250 = tpu.memref_slice %arg3[%arg1, %dma_wait3A_248, %dma_wait3A_249] : memref<16x252x80xi32, #tpu.memory_space<hbm>> -> memref<1x252x80xi32, #tpu.memory_space<hbm>>
      %dma_wait3A_251 = tpu.memref_squeeze %dma_wait3A_250 : memref<1x252x80xi32, #tpu.memory_space<hbm>> -> memref<252x80xi32, #tpu.memory_space<hbm>>
      tpu.wait_dma2 semaphore(%run_scoped3A_235 : memref<!tpu.dma_semaphore, #tpu.memory_space<semaphore_mem>>) src(%dma_wait3A_251 : memref<252x80xi32, #tpu.memory_space<hbm>>) dst(%arg6 : memref<252x80xi32, #tpu.memory_space<vmem>>)
      tpu.yield
    }) : () -> ()
    "tpu.region"() ({
      %run_scoped3A_235 = tpu.sem_alloc : memref<!tpu.dma_semaphore, #tpu.memory_space<semaphore_mem>>
      %dma_start3A_236 = arith.constant 0 : i32
      %dma_start3A_237 = arith.constant 0 : i32
      %dma_start3A_238 = tpu.memref_slice %arg4[%arg1, %dma_start3A_236, %dma_start3A_237] : memref<16x252x80xi32, #tpu.memory_space<hbm>> -> memref<1x252x80xi32, #tpu.memory_space<hbm>>
      %dma_start3A_239 = tpu.memref_squeeze %dma_start3A_238 : memref<1x252x80xi32, #tpu.memory_space<hbm>> -> memref<252x80xi32, #tpu.memory_space<hbm>>
      %dma_start3A_240 = arith.constant 0 : i32
      %dma_start3A_241 = arith.constant 0 : i32
      %dma_start3A_242 = tpu.memref_slice %arg4[%arg1, %dma_start3A_240, %dma_start3A_241] : memref<16x252x80xi32, #tpu.memory_space<hbm>> -> memref<1x252x80xi32, #tpu.memory_space<hbm>>
      %dma_start3A_243 = tpu.memref_squeeze %dma_start3A_242 : memref<1x252x80xi32, #tpu.memory_space<hbm>> -> memref<252x80xi32, #tpu.memory_space<hbm>>
      tpu.enqueue_dma source(%dma_start3A_243 : memref<252x80xi32, #tpu.memory_space<hbm>>) target(%arg7 : memref<252x80xi32, #tpu.memory_space<vmem>>) target_semaphore(%run_scoped3A_235 : memref<!tpu.dma_semaphore, #tpu.memory_space<semaphore_mem>>)
      %dma_wait3A_244 = arith.constant 0 : i32
      %dma_wait3A_245 = arith.constant 0 : i32
      %dma_wait3A_246 = tpu.memref_slice %arg4[%arg1, %dma_wait3A_244, %dma_wait3A_245] : memref<16x252x80xi32, #tpu.memory_space<hbm>> -> memref<1x252x80xi32, #tpu.memory_space<hbm>>
      %dma_wait3A_247 = tpu.memref_squeeze %dma_wait3A_246 : memref<1x252x80xi32, #tpu.memory_space<hbm>> -> memref<252x80xi32, #tpu.memory_space<hbm>>
      %dma_wait3A_248 = arith.constant 0 : i32
      %dma_wait3A_249 = arith.constant 0 : i32
      %dma_wait3A_250 = tpu.memref_slice %arg4[%arg1, %dma_wait3A_248, %dma_wait3A_249] : memref<16x252x80xi32, #tpu.memory_space<hbm>> -> memref<1x252x80xi32, #tpu.memory_space<hbm>>
      %dma_wait3A_251 = tpu.memref_squeeze %dma_wait3A_250 : memref<1x252x80xi32, #tpu.memory_space<hbm>> -> memref<252x80xi32, #tpu.memory_space<hbm>>
      tpu.wait_dma2 semaphore(%run_scoped3A_235 : memref<!tpu.dma_semaphore, #tpu.memory_space<semaphore_mem>>) src(%dma_wait3A_251 : memref<252x80xi32, #tpu.memory_space<hbm>>) dst(%arg7 : memref<252x80xi32, #tpu.memory_space<vmem>>)
      tpu.yield
    }) : () -> ()
    %mul3A = arith.constant 5120 : i32
    %mul3A_0 = arith.muli %arg0, %mul3A : i32
    %scan3A = arith.constant 0 : i32
    %scan3A_1 = arith.constant 0 : i32
    %scan3A_2 = arith.constant 1260 : i32
    %scan3A_3 = arith.addi %scan3A_1, %scan3A_2 : i32
    %scan3A_4 = arith.constant 1 : i32
    scf.for %scan3A_235 = %scan3A_1 to %scan3A_3 step %scan3A_4  : i32 {
      %jit3A = arith.constant 5 : i32
      %div3A = arith.divsi %scan3A_235, %jit3A : i32
      %sign3A = arith.constant 0 : i32
      %sign3A_236 = arith.cmpi sgt, %scan3A_235, %sign3A : i32
      %sign3A_237 = arith.extui %sign3A_236 : i1 to i32
      %sign3A_238 = arith.constant 0 : i32
      %sign3A_239 = arith.cmpi slt, %scan3A_235, %sign3A_238 : i32
      %sign3A_240 = arith.extui %sign3A_239 : i1 to i32
      %sign3A_241 = arith.subi %sign3A_237, %sign3A_240 : i32
      %sign3A_242 = arith.constant 0 : i32
      %sign3A_243 = arith.cmpi sgt, %jit3A, %sign3A_242 : i32
      %sign3A_244 = arith.extui %sign3A_243 : i1 to i32
      %sign3A_245 = arith.constant 0 : i32
      %sign3A_246 = arith.cmpi slt, %jit3A, %sign3A_245 : i32
      %sign3A_247 = arith.extui %sign3A_246 : i1 to i32
      %sign3A_248 = arith.subi %sign3A_244, %sign3A_247 : i32
      %ne3A = arith.cmpi ne, %sign3A_241, %sign3A_248 : i32
      %rem3A = arith.remsi %scan3A_235, %jit3A : i32
      %ne3A_249 = arith.constant 0 : i32
      %ne3A_250 = arith.cmpi ne, %rem3A, %ne3A_249 : i32
      %and3A = arith.andi %ne3A, %ne3A_250 : i1
      %sub3A = arith.constant 1 : i32
      %sub3A_251 = arith.subi %div3A, %sub3A : i32
      %select_n3A = arith.select %and3A, %sub3A_251, %div3A : i32
      %jit3A_252 = arith.constant 5 : i32
      %eq3A = arith.constant 0 : i32
      %eq3A_253 = arith.cmpi eq, %jit3A_252, %eq3A : i32
      %jit3A_254 = arith.constant 1 : i32
      %select_n3A_255 = arith.select %eq3A_253, %jit3A_254, %jit3A_252 : i32
      %rem3A_256 = arith.remsi %scan3A_235, %select_n3A_255 : i32
      %ne3A_257 = arith.constant 0 : i32
      %ne3A_258 = arith.cmpi ne, %rem3A_256, %ne3A_257 : i32
      %lt3A = arith.constant 0 : i32
      %lt3A_259 = arith.cmpi slt, %rem3A_256, %lt3A : i32
      %lt3A_260 = arith.constant 0 : i32
      %lt3A_261 = arith.cmpi slt, %select_n3A_255, %lt3A_260 : i32
      %ne3A_262 = arith.xori %lt3A_259, %lt3A_261 : i1
      %and3A_263 = arith.andi %ne3A_262, %ne3A_258 : i1
      %add3A_264 = arith.addi %rem3A_256, %select_n3A_255 : i32
      %select_n3A_265 = arith.select %and3A_263, %add3A_264, %rem3A_256 : i32
      %mul3A_266 = arith.constant 16 : i32
      %mul3A_267 = arith.muli %select_n3A_265, %mul3A_266 : i32
      %get3A = arith.index_cast %select_n3A : i32 to index
      %get3A_268 = arith.index_cast %mul3A_267 : i32 to index
      %get3A_269 = tpu.vector_load %arg7[%get3A, %get3A_268] {strides = array<i32>} : memref<252x80xi32, #tpu.memory_space<vmem>>, vector<1x16xi32>,
      %get3A_270 = vector.shape_cast %get3A_269 : vector<1x16xi32> to vector<16xi32>
      %sub3A_271 = vector.broadcast %mul3A_0 : i32 to vector<16xi32>
      %sub3A_272 = arith.subi %get3A_270, %sub3A_271 : vector<16xi32>
      %lt3A_273 = arith.constant 0 : i32
      %lt3A_274 = vector.broadcast %lt3A_273 : i32 to vector<16xi32>
      %lt3A_275 = arith.cmpi slt, %sub3A_272, %lt3A_274 : vector<16xi32>
      %ge3A = arith.constant 5120 : i32
      %ge3A_276 = vector.broadcast %ge3A : i32 to vector<16xi32>
      %ge3A_277 = arith.cmpi sge, %sub3A_272, %ge3A_276 : vector<16xi32>
      %or3A = arith.ori %lt3A_275, %ge3A_277 : vector<16xi1>
      %and3A_278 = arith.constant 63 : i32
      %and3A_279 = vector.broadcast %and3A_278 : i32 to vector<16xi32>
      %and3A_280 = arith.andi %sub3A_272, %and3A_279 : vector<16xi32>
      %add3A_281 = arith.constant 5120 : i32
      %add3A_282 = vector.broadcast %add3A_281 : i32 to vector<16xi32>
      %add3A_283 = arith.addi %add3A_282, %and3A_280 : vector<16xi32>
      %select_n3A_284 = arith.select %or3A, %add3A_283, %sub3A_272 : vector<16xi1>, vector<16xi32>
      %jit3A_285 = arith.constant 5 : i32
      %div3A_286 = arith.divsi %scan3A_235, %jit3A_285 : i32
      %sign3A_287 = arith.constant 0 : i32
      %sign3A_288 = arith.cmpi sgt, %scan3A_235, %sign3A_287 : i32
      %sign3A_289 = arith.extui %sign3A_288 : i1 to i32
      %sign3A_290 = arith.constant 0 : i32
      %sign3A_291 = arith.cmpi slt, %scan3A_235, %sign3A_290 : i32
      %sign3A_292 = arith.extui %sign3A_291 : i1 to i32
      %sign3A_293 = arith.subi %sign3A_289, %sign3A_292 : i32
      %sign3A_294 = arith.constant 0 : i32
      %sign3A_295 = arith.cmpi sgt, %jit3A_285, %sign3A_294 : i32
      %sign3A_296 = arith.extui %sign3A_295 : i1 to i32
      %sign3A_297 = arith.constant 0 : i32
      %sign3A_298 = arith.cmpi slt, %jit3A_285, %sign3A_297 : i32
      %sign3A_299 = arith.extui %sign3A_298 : i1 to i32
      %sign3A_300 = arith.subi %sign3A_296, %sign3A_299 : i32
      %ne3A_301 = arith.cmpi ne, %sign3A_293, %sign3A_300 : i32
      %rem3A_302 = arith.remsi %scan3A_235, %jit3A_285 : i32
      %ne3A_303 = arith.constant 0 : i32
      %ne3A_304 = arith.cmpi ne, %rem3A_302, %ne3A_303 : i32
      %and3A_305 = arith.andi %ne3A_301, %ne3A_304 : i1
      %sub3A_306 = arith.constant 1 : i32
      %sub3A_307 = arith.subi %div3A_286, %sub3A_306 : i32
      %select_n3A_308 = arith.select %and3A_305, %sub3A_307, %div3A_286 : i32
      %jit3A_309 = arith.constant 5 : i32
      %eq3A_310 = arith.constant 0 : i32
      %eq3A_311 = arith.cmpi eq, %jit3A_309, %eq3A_310 : i32
      %jit3A_312 = arith.constant 1 : i32
      %select_n3A_313 = arith.select %eq3A_311, %jit3A_312, %jit3A_309 : i32
      %rem3A_314 = arith.remsi %scan3A_235, %select_n3A_313 : i32
      %ne3A_315 = arith.constant 0 : i32
      %ne3A_316 = arith.cmpi ne, %rem3A_314, %ne3A_315 : i32
      %lt3A_317 = arith.constant 0 : i32
      %lt3A_318 = arith.cmpi slt, %rem3A_314, %lt3A_317 : i32
      %lt3A_319 = arith.constant 0 : i32
      %lt3A_320 = arith.cmpi slt, %select_n3A_313, %lt3A_319 : i32
      %ne3A_321 = arith.xori %lt3A_318, %lt3A_320 : i1
      %and3A_322 = arith.andi %ne3A_321, %ne3A_316 : i1
      %add3A_323 = arith.addi %rem3A_314, %select_n3A_313 : i32
      %select_n3A_324 = arith.select %and3A_322, %add3A_323, %rem3A_314 : i32
      %mul3A_325 = arith.constant 16 : i32
      %mul3A_326 = arith.muli %select_n3A_324, %mul3A_325 : i32
      %swap3A = arith.index_cast %select_n3A_308 : i32 to index
      %swap3A_327 = arith.index_cast %mul3A_326 : i32 to index
      %swap3A_328 = tpu.vector_load %arg7[%swap3A, %swap3A_327] {strides = array<i32>} : memref<252x80xi32, #tpu.memory_space<vmem>>, vector<1x16xi32>,
      %swap3A_329 = vector.shape_cast %swap3A_328 : vector<1x16xi32> to vector<16xi32>
      %swap3A_330 = vector.shape_cast %select_n3A_284 : vector<16xi32> to vector<1x16xi32>
      tpu.vector_store %arg7[%swap3A, %swap3A_327], %swap3A_330 {strides = array<i32>} : memref<252x80xi32, #tpu.memory_space<vmem>>, vector<1x16xi32>,
    }
    %scan3A_5 = arith.constant 1260 : i32
    %broadcast_in_dim3A = arith.constant 0.000000e+00 : f32
    %broadcast_in_dim3A_6 = vector.broadcast %broadcast_in_dim3A : f32 to vector<16xf32>
    %scan3A_7 = arith.constant 0 : i32
    %scan3A_8 = arith.constant 0 : i32
    %scan3A_9 = arith.constant 640 : i32
    %scan3A_10 = arith.addi %scan3A_8, %scan3A_9 : i32
    %scan3A_11 = arith.constant 1 : i32
    scf.for %scan3A_235 = %scan3A_8 to %scan3A_10 step %scan3A_11  : i32 {
      %jit3A = arith.constant 8 : i32
      %div3A = arith.divsi %scan3A_235, %jit3A : i32
      %sign3A = arith.constant 0 : i32
      %sign3A_236 = arith.cmpi sgt, %scan3A_235, %sign3A : i32
      %sign3A_237 = arith.extui %sign3A_236 : i1 to i32
      %sign3A_238 = arith.constant 0 : i32
      %sign3A_239 = arith.cmpi slt, %scan3A_235, %sign3A_238 : i32
      %sign3A_240 = arith.extui %sign3A_239 : i1 to i32
      %sign3A_241 = arith.subi %sign3A_237, %sign3A_240 : i32
      %sign3A_242 = arith.constant 0 : i32
      %sign3A_243 = arith.cmpi sgt, %jit3A, %sign3A_242 : i32
      %sign3A_244 = arith.extui %sign3A_243 : i1 to i32
      %sign3A_245 = arith.constant 0 : i32
      %sign3A_246 = arith.cmpi slt, %jit3A, %sign3A_245 : i32
      %sign3A_247 = arith.extui %sign3A_246 : i1 to i32
      %sign3A_248 = arith.subi %sign3A_244, %sign3A_247 : i32
      %ne3A = arith.cmpi ne, %sign3A_241, %sign3A_248 : i32
      %rem3A = arith.remsi %scan3A_235, %jit3A : i32
      %ne3A_249 = arith.constant 0 : i32
      %ne3A_250 = arith.cmpi ne, %rem3A, %ne3A_249 : i32
      %and3A = arith.andi %ne3A, %ne3A_250 : i1
      %sub3A = arith.constant 1 : i32
      %sub3A_251 = arith.subi %div3A, %sub3A : i32
      %select_n3A = arith.select %and3A, %sub3A_251, %div3A : i32
      %jit3A_252 = arith.constant 8 : i32
      %eq3A = arith.constant 0 : i32
      %eq3A_253 = arith.cmpi eq, %jit3A_252, %eq3A : i32
      %jit3A_254 = arith.constant 1 : i32
      %select_n3A_255 = arith.select %eq3A_253, %jit3A_254, %jit3A_252 : i32
      %rem3A_256 = arith.remsi %scan3A_235, %select_n3A_255 : i32
      %ne3A_257 = arith.constant 0 : i32
      %ne3A_258 = arith.cmpi ne, %rem3A_256, %ne3A_257 : i32
      %lt3A = arith.constant 0 : i32
      %lt3A_259 = arith.cmpi slt, %rem3A_256, %lt3A : i32
      %lt3A_260 = arith.constant 0 : i32
      %lt3A_261 = arith.cmpi slt, %select_n3A_255, %lt3A_260 : i32
      %ne3A_262 = arith.xori %lt3A_259, %lt3A_261 : i1
      %and3A_263 = arith.andi %ne3A_262, %ne3A_258 : i1
      %add3A_264 = arith.addi %rem3A_256, %select_n3A_255 : i32
      %select_n3A_265 = arith.select %and3A_263, %add3A_264, %rem3A_256 : i32
      %mul3A_266 = arith.constant 16 : i32
      %mul3A_267 = arith.muli %select_n3A_265, %mul3A_266 : i32
      %swap3A = arith.constant 0 : i32
      %swap3A_268 = arith.index_cast %swap3A : i32 to index
      %swap3A_269 = arith.index_cast %select_n3A : i32 to index
      %swap3A_270 = arith.index_cast %mul3A_267 : i32 to index
      %swap3A_271 = tpu.vector_load %arg8[%swap3A_268, %swap3A_269, %swap3A_270] {strides = array<i32>} : memref<2x80x128xf32, #tpu.memory_space<vmem>>, vector<1x1x16xf32>,
      %swap3A_272 = vector.shape_cast %swap3A_271 : vector<1x1x16xf32> to vector<16xf32>
      %swap3A_273 = vector.shape_cast %broadcast_in_dim3A_6 : vector<16xf32> to vector<1x1x16xf32>
      tpu.vector_store %arg8[%swap3A_268, %swap3A_269, %swap3A_270], %swap3A_273 {strides = array<i32>} : memref<2x80x128xf32, #tpu.memory_space<vmem>>, vector<1x1x16xf32>,
    }
    %scan3A_12 = arith.constant 640 : i32
    %mul3A_13 = arith.constant 328 : i32
    %mul3A_14 = arith.muli %arg1, %mul3A_13 : i32
    %add3A = arith.constant 0 : i32
    %add3A_15 = arith.addi %mul3A_14, %add3A : i32
    %run_scoped3A = arith.constant 0 : i32
    "tpu.region"() ({
      %run_scoped3A_235 = tpu.sem_alloc : memref<!tpu.dma_semaphore, #tpu.memory_space<semaphore_mem>>
      %dma_start3A_236 = arith.constant 0 : i32
      %dma_start3A_237 = arith.constant 0 : i32
      %dma_start3A_238 = tpu.memref_slice %arg8[%run_scoped3A, %dma_start3A_236, %dma_start3A_237] : memref<2x80x128xf32, #tpu.memory_space<vmem>> -> memref<1x80x128xf32, #tpu.memory_space<vmem>>
      %dma_start3A_239 = tpu.memref_squeeze %dma_start3A_238 : memref<1x80x128xf32, #tpu.memory_space<vmem>> -> memref<80x128xf32, #tpu.memory_space<vmem>>
      %dma_start3A_240 = arith.constant 0 : i32
      %dma_start3A_241 = tpu.memref_slice %arg9[%add3A_15, %dma_start3A_240] : memref<5248x128xf32, #tpu.memory_space<vmem_shared>> -> memref<80x128xf32, #tpu.memory_space<vmem_shared>>
      %dma_start3A_242 = arith.constant 0 : i32
      %dma_start3A_243 = tpu.memref_slice %arg9[%add3A_15, %dma_start3A_242] : memref<5248x128xf32, #tpu.memory_space<vmem_shared>> -> memref<80x128xf32, #tpu.memory_space<vmem_shared>>
      %dma_start3A_244 = arith.constant 0 : i32
      %dma_start3A_245 = arith.constant 0 : i32
      %dma_start3A_246 = tpu.memref_slice %arg8[%run_scoped3A, %dma_start3A_244, %dma_start3A_245] : memref<2x80x128xf32, #tpu.memory_space<vmem>> -> memref<1x80x128xf32, #tpu.memory_space<vmem>>
      %dma_start3A_247 = tpu.memref_squeeze %dma_start3A_246 : memref<1x80x128xf32, #tpu.memory_space<vmem>> -> memref<80x128xf32, #tpu.memory_space<vmem>>
      tpu.enqueue_dma source(%dma_start3A_247 : memref<80x128xf32, #tpu.memory_space<vmem>>) target(%dma_start3A_243 : memref<80x128xf32, #tpu.memory_space<vmem_shared>>) target_semaphore(%run_scoped3A_235 : memref<!tpu.dma_semaphore, #tpu.memory_space<semaphore_mem>>)
      %dma_wait3A_248 = arith.constant 0 : i32
      %dma_wait3A_249 = arith.constant 0 : i32
      %dma_wait3A_250 = tpu.memref_slice %arg8[%run_scoped3A, %dma_wait3A_248, %dma_wait3A_249] : memref<2x80x128xf32, #tpu.memory_space<vmem>> -> memref<1x80x128xf32, #tpu.memory_space<vmem>>
      %dma_wait3A_251 = tpu.memref_squeeze %dma_wait3A_250 : memref<1x80x128xf32, #tpu.memory_space<vmem>> -> memref<80x128xf32, #tpu.memory_space<vmem>>
      %dma_wait3A_252 = arith.constant 0 : i32
      %dma_wait3A_253 = tpu.memref_slice %arg9[%add3A_15, %dma_wait3A_252] : memref<5248x128xf32, #tpu.memory_space<vmem_shared>> -> memref<80x128xf32, #tpu.memory_space<vmem_shared>>
      %dma_wait3A_254 = arith.constant 0 : i32
      %dma_wait3A_255 = tpu.memref_slice %arg9[%add3A_15, %dma_wait3A_254] : memref<5248x128xf32, #tpu.memory_space<vmem_shared>> -> memref<80x128xf32, #tpu.memory_space<vmem_shared>>
      %dma_wait3A_256 = arith.constant 0 : i32
      %dma_wait3A_257 = arith.constant 0 : i32
      %dma_wait3A_258 = tpu.memref_slice %arg8[%run_scoped3A, %dma_wait3A_256, %dma_wait3A_257] : memref<2x80x128xf32, #tpu.memory_space<vmem>> -> memref<1x80x128xf32, #tpu.memory_space<vmem>>
      %dma_wait3A_259 = tpu.memref_squeeze %dma_wait3A_258 : memref<1x80x128xf32, #tpu.memory_space<vmem>> -> memref<80x128xf32, #tpu.memory_space<vmem>>
      tpu.wait_dma2 semaphore(%run_scoped3A_235 : memref<!tpu.dma_semaphore, #tpu.memory_space<semaphore_mem>>) src(%dma_wait3A_259 : memref<80x128xf32, #tpu.memory_space<vmem>>) dst(%dma_wait3A_255 : memref<80x128xf32, #tpu.memory_space<vmem_shared>>)
      tpu.yield
    }) : () -> ()
    %add3A_16 = arith.constant 80 : i32
    %add3A_17 = arith.addi %mul3A_14, %add3A_16 : i32
    %run_scoped3A_18 = arith.constant 0 : i32
    "tpu.region"() ({
      %run_scoped3A_235 = tpu.sem_alloc : memref<!tpu.dma_semaphore, #tpu.memory_space<semaphore_mem>>
      %dma_start3A_236 = arith.constant 0 : i32
      %dma_start3A_237 = arith.constant 0 : i32
      %dma_start3A_238 = tpu.memref_slice %arg8[%run_scoped3A_18, %dma_start3A_236, %dma_start3A_237] : memref<2x80x128xf32, #tpu.memory_space<vmem>> -> memref<1x80x128xf32, #tpu.memory_space<vmem>>
      %dma_start3A_239 = tpu.memref_squeeze %dma_start3A_238 : memref<1x80x128xf32, #tpu.memory_space<vmem>> -> memref<80x128xf32, #tpu.memory_space<vmem>>
      %dma_start3A_240 = arith.constant 0 : i32
      %dma_start3A_241 = tpu.memref_slice %arg9[%add3A_17, %dma_start3A_240] : memref<5248x128xf32, #tpu.memory_space<vmem_shared>> -> memref<80x128xf32, #tpu.memory_space<vmem_shared>>
      %dma_start3A_242 = arith.constant 0 : i32
      %dma_start3A_243 = tpu.memref_slice %arg9[%add3A_17, %dma_start3A_242] : memref<5248x128xf32, #tpu.memory_space<vmem_shared>> -> memref<80x128xf32, #tpu.memory_space<vmem_shared>>
      %dma_start3A_244 = arith.constant 0 : i32
      %dma_start3A_245 = arith.constant 0 : i32
      %dma_start3A_246 = tpu.memref_slice %arg8[%run_scoped3A_18, %dma_start3A_244, %dma_start3A_245] : memref<2x80x128xf32, #tpu.memory_space<vmem>> -> memref<1x80x128xf32, #tpu.memory_space<vmem>>
      %dma_start3A_247 = tpu.memref_squeeze %dma_start3A_246 : memref<1x80x128xf32, #tpu.memory_space<vmem>> -> memref<80x128xf32, #tpu.memory_space<vmem>>
      tpu.enqueue_dma source(%dma_start3A_247 : memref<80x128xf32, #tpu.memory_space<vmem>>) target(%dma_start3A_243 : memref<80x128xf32, #tpu.memory_space<vmem_shared>>) target_semaphore(%run_scoped3A_235 : memref<!tpu.dma_semaphore, #tpu.memory_space<semaphore_mem>>)
      %dma_wait3A_248 = arith.constant 0 : i32
      %dma_wait3A_249 = arith.constant 0 : i32
      %dma_wait3A_250 = tpu.memref_slice %arg8[%run_scoped3A_18, %dma_wait3A_248, %dma_wait3A_249] : memref<2x80x128xf32, #tpu.memory_space<vmem>> -> memref<1x80x128xf32, #tpu.memory_space<vmem>>
      %dma_wait3A_251 = tpu.memref_squeeze %dma_wait3A_250 : memref<1x80x128xf32, #tpu.memory_space<vmem>> -> memref<80x128xf32, #tpu.memory_space<vmem>>
      %dma_wait3A_252 = arith.constant 0 : i32
      %dma_wait3A_253 = tpu.memref_slice %arg9[%add3A_17, %dma_wait3A_252] : memref<5248x128xf32, #tpu.memory_space<vmem_shared>> -> memref<80x128xf32, #tpu.memory_space<vmem_shared>>
      %dma_wait3A_254 = arith.constant 0 : i32
      %dma_wait3A_255 = tpu.memref_slice %arg9[%add3A_17, %dma_wait3A_254] : memref<5248x128xf32, #tpu.memory_space<vmem_shared>> -> memref<80x128xf32, #tpu.memory_space<vmem_shared>>
      %dma_wait3A_256 = arith.constant 0 : i32
      %dma_wait3A_257 = arith.constant 0 : i32
      %dma_wait3A_258 = tpu.memref_slice %arg8[%run_scoped3A_18, %dma_wait3A_256, %dma_wait3A_257] : memref<2x80x128xf32, #tpu.memory_space<vmem>> -> memref<1x80x128xf32, #tpu.memory_space<vmem>>
      %dma_wait3A_259 = tpu.memref_squeeze %dma_wait3A_258 : memref<1x80x128xf32, #tpu.memory_space<vmem>> -> memref<80x128xf32, #tpu.memory_space<vmem>>
      tpu.wait_dma2 semaphore(%run_scoped3A_235 : memref<!tpu.dma_semaphore, #tpu.memory_space<semaphore_mem>>) src(%dma_wait3A_259 : memref<80x128xf32, #tpu.memory_space<vmem>>) dst(%dma_wait3A_255 : memref<80x128xf32, #tpu.memory_space<vmem_shared>>)
      tpu.yield
    }) : () -> ()
    %add3A_19 = arith.constant 160 : i32
    %add3A_20 = arith.addi %mul3A_14, %add3A_19 : i32
    %run_scoped3A_21 = arith.constant 0 : i32
    "tpu.region"() ({
      %run_scoped3A_235 = tpu.sem_alloc : memref<!tpu.dma_semaphore, #tpu.memory_space<semaphore_mem>>
      %dma_start3A_236 = arith.constant 0 : i32
      %dma_start3A_237 = arith.constant 0 : i32
      %dma_start3A_238 = tpu.memref_slice %arg8[%run_scoped3A_21, %dma_start3A_236, %dma_start3A_237] : memref<2x80x128xf32, #tpu.memory_space<vmem>> -> memref<1x80x128xf32, #tpu.memory_space<vmem>>
      %dma_start3A_239 = tpu.memref_squeeze %dma_start3A_238 : memref<1x80x128xf32, #tpu.memory_space<vmem>> -> memref<80x128xf32, #tpu.memory_space<vmem>>
      %dma_start3A_240 = arith.constant 0 : i32
      %dma_start3A_241 = tpu.memref_slice %arg9[%add3A_20, %dma_start3A_240] : memref<5248x128xf32, #tpu.memory_space<vmem_shared>> -> memref<80x128xf32, #tpu.memory_space<vmem_shared>>
      %dma_start3A_242 = arith.constant 0 : i32
      %dma_start3A_243 = tpu.memref_slice %arg9[%add3A_20, %dma_start3A_242] : memref<5248x128xf32, #tpu.memory_space<vmem_shared>> -> memref<80x128xf32, #tpu.memory_space<vmem_shared>>
      %dma_start3A_244 = arith.constant 0 : i32
      %dma_start3A_245 = arith.constant 0 : i32
      %dma_start3A_246 = tpu.memref_slice %arg8[%run_scoped3A_21, %dma_start3A_244, %dma_start3A_245] : memref<2x80x128xf32, #tpu.memory_space<vmem>> -> memref<1x80x128xf32, #tpu.memory_space<vmem>>
      %dma_start3A_247 = tpu.memref_squeeze %dma_start3A_246 : memref<1x80x128xf32, #tpu.memory_space<vmem>> -> memref<80x128xf32, #tpu.memory_space<vmem>>
      tpu.enqueue_dma source(%dma_start3A_247 : memref<80x128xf32, #tpu.memory_space<vmem>>) target(%dma_start3A_243 : memref<80x128xf32, #tpu.memory_space<vmem_shared>>) target_semaphore(%run_scoped3A_235 : memref<!tpu.dma_semaphore, #tpu.memory_space<semaphore_mem>>)
      %dma_wait3A_248 = arith.constant 0 : i32
      %dma_wait3A_249 = arith.constant 0 : i32
      %dma_wait3A_250 = tpu.memref_slice %arg8[%run_scoped3A_21, %dma_wait3A_248, %dma_wait3A_249] : memref<2x80x128xf32, #tpu.memory_space<vmem>> -> memref<1x80x128xf32, #tpu.memory_space<vmem>>
      %dma_wait3A_251 = tpu.memref_squeeze %dma_wait3A_250 : memref<1x80x128xf32, #tpu.memory_space<vmem>> -> memref<80x128xf32, #tpu.memory_space<vmem>>
      %dma_wait3A_252 = arith.constant 0 : i32
      %dma_wait3A_253 = tpu.memref_slice %arg9[%add3A_20, %dma_wait3A_252] : memref<5248x128xf32, #tpu.memory_space<vmem_shared>> -> memref<80x128xf32, #tpu.memory_space<vmem_shared>>
      %dma_wait3A_254 = arith.constant 0 : i32
      %dma_wait3A_255 = tpu.memref_slice %arg9[%add3A_20, %dma_wait3A_254] : memref<5248x128xf32, #tpu.memory_space<vmem_shared>> -> memref<80x128xf32, #tpu.memory_space<vmem_shared>>
      %dma_wait3A_256 = arith.constant 0 : i32
      %dma_wait3A_257 = arith.constant 0 : i32
      %dma_wait3A_258 = tpu.memref_slice %arg8[%run_scoped3A_21, %dma_wait3A_256, %dma_wait3A_257] : memref<2x80x128xf32, #tpu.memory_space<vmem>> -> memref<1x80x128xf32, #tpu.memory_space<vmem>>
      %dma_wait3A_259 = tpu.memref_squeeze %dma_wait3A_258 : memref<1x80x128xf32, #tpu.memory_space<vmem>> -> memref<80x128xf32, #tpu.memory_space<vmem>>
      tpu.wait_dma2 semaphore(%run_scoped3A_235 : memref<!tpu.dma_semaphore, #tpu.memory_space<semaphore_mem>>) src(%dma_wait3A_259 : memref<80x128xf32, #tpu.memory_space<vmem>>) dst(%dma_wait3A_255 : memref<80x128xf32, #tpu.memory_space<vmem_shared>>)
      tpu.yield
    }) : () -> ()
    %add3A_22 = arith.constant 240 : i32
    %add3A_23 = arith.addi %mul3A_14, %add3A_22 : i32
    %run_scoped3A_24 = arith.constant 0 : i32
    "tpu.region"() ({
      %run_scoped3A_235 = tpu.sem_alloc : memref<!tpu.dma_semaphore, #tpu.memory_space<semaphore_mem>>
      %dma_start3A_236 = arith.constant 0 : i32
      %dma_start3A_237 = arith.constant 0 : i32
      %dma_start3A_238 = tpu.memref_slice %arg8[%run_scoped3A_24, %dma_start3A_236, %dma_start3A_237] : memref<2x80x128xf32, #tpu.memory_space<vmem>> -> memref<1x80x128xf32, #tpu.memory_space<vmem>>
      %dma_start3A_239 = tpu.memref_squeeze %dma_start3A_238 : memref<1x80x128xf32, #tpu.memory_space<vmem>> -> memref<80x128xf32, #tpu.memory_space<vmem>>
      %dma_start3A_240 = arith.constant 0 : i32
      %dma_start3A_241 = tpu.memref_slice %arg9[%add3A_23, %dma_start3A_240] : memref<5248x128xf32, #tpu.memory_space<vmem_shared>> -> memref<80x128xf32, #tpu.memory_space<vmem_shared>>
      %dma_start3A_242 = arith.constant 0 : i32
      %dma_start3A_243 = tpu.memref_slice %arg9[%add3A_23, %dma_start3A_242] : memref<5248x128xf32, #tpu.memory_space<vmem_shared>> -> memref<80x128xf32, #tpu.memory_space<vmem_shared>>
      %dma_start3A_244 = arith.constant 0 : i32
      %dma_start3A_245 = arith.constant 0 : i32
      %dma_start3A_246 = tpu.memref_slice %arg8[%run_scoped3A_24, %dma_start3A_244, %dma_start3A_245] : memref<2x80x128xf32, #tpu.memory_space<vmem>> -> memref<1x80x128xf32, #tpu.memory_space<vmem>>
      %dma_start3A_247 = tpu.memref_squeeze %dma_start3A_246 : memref<1x80x128xf32, #tpu.memory_space<vmem>> -> memref<80x128xf32, #tpu.memory_space<vmem>>
      tpu.enqueue_dma source(%dma_start3A_247 : memref<80x128xf32, #tpu.memory_space<vmem>>) target(%dma_start3A_243 : memref<80x128xf32, #tpu.memory_space<vmem_shared>>) target_semaphore(%run_scoped3A_235 : memref<!tpu.dma_semaphore, #tpu.memory_space<semaphore_mem>>)
      %dma_wait3A_248 = arith.constant 0 : i32
      %dma_wait3A_249 = arith.constant 0 : i32
      %dma_wait3A_250 = tpu.memref_slice %arg8[%run_scoped3A_24, %dma_wait3A_248, %dma_wait3A_249] : memref<2x80x128xf32, #tpu.memory_space<vmem>> -> memref<1x80x128xf32, #tpu.memory_space<vmem>>
      %dma_wait3A_251 = tpu.memref_squeeze %dma_wait3A_250 : memref<1x80x128xf32, #tpu.memory_space<vmem>> -> memref<80x128xf32, #tpu.memory_space<vmem>>
      %dma_wait3A_252 = arith.constant 0 : i32
      %dma_wait3A_253 = tpu.memref_slice %arg9[%add3A_23, %dma_wait3A_252] : memref<5248x128xf32, #tpu.memory_space<vmem_shared>> -> memref<80x128xf32, #tpu.memory_space<vmem_shared>>
      %dma_wait3A_254 = arith.constant 0 : i32
      %dma_wait3A_255 = tpu.memref_slice %arg9[%add3A_23, %dma_wait3A_254] : memref<5248x128xf32, #tpu.memory_space<vmem_shared>> -> memref<80x128xf32, #tpu.memory_space<vmem_shared>>
      %dma_wait3A_256 = arith.constant 0 : i32
      %dma_wait3A_257 = arith.constant 0 : i32
      %dma_wait3A_258 = tpu.memref_slice %arg8[%run_scoped3A_24, %dma_wait3A_256, %dma_wait3A_257] : memref<2x80x128xf32, #tpu.memory_space<vmem>> -> memref<1x80x128xf32, #tpu.memory_space<vmem>>
      %dma_wait3A_259 = tpu.memref_squeeze %dma_wait3A_258 : memref<1x80x128xf32, #tpu.memory_space<vmem>> -> memref<80x128xf32, #tpu.memory_space<vmem>>
      tpu.wait_dma2 semaphore(%run_scoped3A_235 : memref<!tpu.dma_semaphore, #tpu.memory_space<semaphore_mem>>) src(%dma_wait3A_259 : memref<80x128xf32, #tpu.memory_space<vmem>>) dst(%dma_wait3A_255 : memref<80x128xf32, #tpu.memory_space<vmem_shared>>)
      tpu.yield
    }) : () -> ()
    %add3A_25 = arith.constant 320 : i32
    %add3A_26 = arith.addi %mul3A_14, %add3A_25 : i32
    %run_scoped3A_27 = arith.constant 0 : i32
    "tpu.region"() ({
      %run_scoped3A_235 = tpu.sem_alloc : memref<!tpu.dma_semaphore, #tpu.memory_space<semaphore_mem>>
      %dma_start3A_236 = arith.constant 0 : i32
      %dma_start3A_237 = arith.constant 0 : i32
      %dma_start3A_238 = tpu.memref_slice %arg8[%run_scoped3A_27, %dma_start3A_236, %dma_start3A_237] : memref<2x80x128xf32, #tpu.memory_space<vmem>> -> memref<1x8x128xf32, #tpu.memory_space<vmem>>
      %dma_start3A_239 = tpu.memref_squeeze %dma_start3A_238 : memref<1x8x128xf32, #tpu.memory_space<vmem>> -> memref<8x128xf32, #tpu.memory_space<vmem>>
      %dma_start3A_240 = arith.constant 0 : i32
      %dma_start3A_241 = tpu.memref_slice %arg9[%add3A_26, %dma_start3A_240] : memref<5248x128xf32, #tpu.memory_space<vmem_shared>> -> memref<8x128xf32, #tpu.memory_space<vmem_shared>>
      %dma_start3A_242 = arith.constant 0 : i32
      %dma_start3A_243 = tpu.memref_slice %arg9[%add3A_26, %dma_start3A_242] : memref<5248x128xf32, #tpu.memory_space<vmem_shared>> -> memref<8x128xf32, #tpu.memory_space<vmem_shared>>
      %dma_start3A_244 = arith.constant 0 : i32
      %dma_start3A_245 = arith.constant 0 : i32
      %dma_start3A_246 = tpu.memref_slice %arg8[%run_scoped3A_27, %dma_start3A_244, %dma_start3A_245] : memref<2x80x128xf32, #tpu.memory_space<vmem>> -> memref<1x8x128xf32, #tpu.memory_space<vmem>>
      %dma_start3A_247 = tpu.memref_squeeze %dma_start3A_246 : memref<1x8x128xf32, #tpu.memory_space<vmem>> -> memref<8x128xf32, #tpu.memory_space<vmem>>
      tpu.enqueue_dma source(%dma_start3A_247 : memref<8x128xf32, #tpu.memory_space<vmem>>) target(%dma_start3A_243 : memref<8x128xf32, #tpu.memory_space<vmem_shared>>) target_semaphore(%run_scoped3A_235 : memref<!tpu.dma_semaphore, #tpu.memory_space<semaphore_mem>>)
      %dma_wait3A_248 = arith.constant 0 : i32
      %dma_wait3A_249 = arith.constant 0 : i32
      %dma_wait3A_250 = tpu.memref_slice %arg8[%run_scoped3A_27, %dma_wait3A_248, %dma_wait3A_249] : memref<2x80x128xf32, #tpu.memory_space<vmem>> -> memref<1x8x128xf32, #tpu.memory_space<vmem>>
      %dma_wait3A_251 = tpu.memref_squeeze %dma_wait3A_250 : memref<1x8x128xf32, #tpu.memory_space<vmem>> -> memref<8x128xf32, #tpu.memory_space<vmem>>
      %dma_wait3A_252 = arith.constant 0 : i32
      %dma_wait3A_253 = tpu.memref_slice %arg9[%add3A_26, %dma_wait3A_252] : memref<5248x128xf32, #tpu.memory_space<vmem_shared>> -> memref<8x128xf32, #tpu.memory_space<vmem_shared>>
      %dma_wait3A_254 = arith.constant 0 : i32
      %dma_wait3A_255 = tpu.memref_slice %arg9[%add3A_26, %dma_wait3A_254] : memref<5248x128xf32, #tpu.memory_space<vmem_shared>> -> memref<8x128xf32, #tpu.memory_space<vmem_shared>>
      %dma_wait3A_256 = arith.constant 0 : i32
      %dma_wait3A_257 = arith.constant 0 : i32
      %dma_wait3A_258 = tpu.memref_slice %arg8[%run_scoped3A_27, %dma_wait3A_256, %dma_wait3A_257] : memref<2x80x128xf32, #tpu.memory_space<vmem>> -> memref<1x8x128xf32, #tpu.memory_space<vmem>>
      %dma_wait3A_259 = tpu.memref_squeeze %dma_wait3A_258 : memref<1x8x128xf32, #tpu.memory_space<vmem>> -> memref<8x128xf32, #tpu.memory_space<vmem>>
      tpu.wait_dma2 semaphore(%run_scoped3A_235 : memref<!tpu.dma_semaphore, #tpu.memory_space<semaphore_mem>>) src(%dma_wait3A_259 : memref<8x128xf32, #tpu.memory_space<vmem>>) dst(%dma_wait3A_255 : memref<8x128xf32, #tpu.memory_space<vmem_shared>>)
      tpu.yield
    }) : () -> ()
    %barrier3A = arith.constant 0 : index
    tpu.barrier barrier_id(%barrier3A)
    %dma_start3A = arith.constant 0 : i32
    %dma_start3A_28 = arith.constant 0 : i32
    %dma_start3A_29 = arith.constant 0 : i32
    %dma_start3A_30 = arith.constant 0 : i32
    %dma_start3A_31 = tpu.memref_slice %arg8[%dma_start3A_28, %dma_start3A_29, %dma_start3A_30] : memref<2x80x128xf32, #tpu.memory_space<vmem>> -> memref<1x80x128xf32, #tpu.memory_space<vmem>>
    %dma_start3A_32 = tpu.memref_squeeze %dma_start3A_31 : memref<1x80x128xf32, #tpu.memory_space<vmem>> -> memref<80x128xf32, #tpu.memory_space<vmem>>
    %dma_start3A_33 = arith.constant 0 : i32
    %dma_start3A_34 = tpu.memref_slice %arg6[%dma_start3A, %dma_start3A_33] : memref<252x80xi32, #tpu.memory_space<vmem>> -> memref<1x80xi32, #tpu.memory_space<vmem>>
    %dma_start3A_35 = tpu.memref_squeeze %dma_start3A_34 : memref<1x80xi32, #tpu.memory_space<vmem>> -> memref<80xi32, #tpu.memory_space<vmem>>
    %dma_start3A_36 = arith.constant 0 : i32
    %dma_start3A_37 = arith.constant 0 : i32
    %dma_start3A_38 = tpu.memref_slice %arg2[%dma_start3A_36, %dma_start3A_37] : memref<10000x128xf32, #tpu.memory_space<hbm>> -> memref<10000x128xf32, #tpu.memory_space<hbm>>
    tpu.enqueue_indirect_dma source(%dma_start3A_38 : memref<10000x128xf32, #tpu.memory_space<hbm>>) target(%dma_start3A_32 : memref<80x128xf32, #tpu.memory_space<vmem>>) offsets(%dma_start3A_35 : memref<80xi32, #tpu.memory_space<vmem>>) semaphore(%arg10 : memref<!tpu.dma_semaphore, #tpu.memory_space<semaphore_mem>>)
    %dma_start3A_39 = arith.constant 1 : i32
    %dma_start3A_40 = arith.constant 1 : i32
    %dma_start3A_41 = arith.constant 0 : i32
    %dma_start3A_42 = arith.constant 0 : i32
    %dma_start3A_43 = tpu.memref_slice %arg8[%dma_start3A_40, %dma_start3A_41, %dma_start3A_42] : memref<2x80x128xf32, #tpu.memory_space<vmem>> -> memref<1x80x128xf32, #tpu.memory_space<vmem>>
    %dma_start3A_44 = tpu.memref_squeeze %dma_start3A_43 : memref<1x80x128xf32, #tpu.memory_space<vmem>> -> memref<80x128xf32, #tpu.memory_space<vmem>>
    %dma_start3A_45 = arith.constant 0 : i32
    %dma_start3A_46 = tpu.memref_slice %arg6[%dma_start3A_39, %dma_start3A_45] : memref<252x80xi32, #tpu.memory_space<vmem>> -> memref<1x80xi32, #tpu.memory_space<vmem>>
    %dma_start3A_47 = tpu.memref_squeeze %dma_start3A_46 : memref<1x80xi32, #tpu.memory_space<vmem>> -> memref<80xi32, #tpu.memory_space<vmem>>
    %dma_start3A_48 = arith.constant 0 : i32
    %dma_start3A_49 = arith.constant 0 : i32
    %dma_start3A_50 = tpu.memref_slice %arg2[%dma_start3A_48, %dma_start3A_49] : memref<10000x128xf32, #tpu.memory_space<hbm>> -> memref<10000x128xf32, #tpu.memory_space<hbm>>
    tpu.enqueue_indirect_dma source(%dma_start3A_50 : memref<10000x128xf32, #tpu.memory_space<hbm>>) target(%dma_start3A_44 : memref<80x128xf32, #tpu.memory_space<vmem>>) offsets(%dma_start3A_47 : memref<80xi32, #tpu.memory_space<vmem>>) semaphore(%arg11 : memref<!tpu.dma_semaphore, #tpu.memory_space<semaphore_mem>>)
    %scan3A_51 = arith.constant 0 : i32
    %scan3A_52 = arith.constant 0 : i32
    %scan3A_53 = arith.constant 125 : i32
    %scan3A_54 = arith.addi %scan3A_52, %scan3A_53 : i32
    %scan3A_55 = arith.constant 1 : i32
    scf.for %scan3A_235 = %scan3A_52 to %scan3A_54 step %scan3A_55  : i32 {
      %mul3A_236 = arith.constant 2 : i32
      %mul3A_237 = arith.muli %scan3A_235, %mul3A_236 : i32
      %dma_wait3A_238 = arith.constant 0 : i32
      %dma_wait3A_239 = arith.constant 0 : i32
      %dma_wait3A_240 = arith.constant 0 : i32
      %dma_wait3A_241 = tpu.memref_slice %arg8[%dma_wait3A_238, %dma_wait3A_239, %dma_wait3A_240] : memref<2x80x128xf32, #tpu.memory_space<vmem>> -> memref<1x80x128xf32, #tpu.memory_space<vmem>>
      %dma_wait3A_242 = tpu.memref_squeeze %dma_wait3A_241 : memref<1x80x128xf32, #tpu.memory_space<vmem>> -> memref<80x128xf32, #tpu.memory_space<vmem>>
      %dma_wait3A_243 = arith.constant 0 : i32
      %dma_wait3A_244 = tpu.memref_slice %arg6[%mul3A_237, %dma_wait3A_243] : memref<252x80xi32, #tpu.memory_space<vmem>> -> memref<1x80xi32, #tpu.memory_space<vmem>>
      %dma_wait3A_245 = tpu.memref_squeeze %dma_wait3A_244 : memref<1x80xi32, #tpu.memory_space<vmem>> -> memref<80xi32, #tpu.memory_space<vmem>>
      %dma_wait3A_246 = arith.constant 0 : i32
      %dma_wait3A_247 = arith.constant 0 : i32
      %dma_wait3A_248 = tpu.memref_slice %arg2[%dma_wait3A_246, %dma_wait3A_247] : memref<10000x128xf32, #tpu.memory_space<hbm>> -> memref<10000x128xf32, #tpu.memory_space<hbm>>
      tpu.wait_indirect_dma semaphore(%arg10 : memref<!tpu.dma_semaphore, #tpu.memory_space<semaphore_mem>>) src(%dma_wait3A_248 : memref<10000x128xf32, #tpu.memory_space<hbm>>) dst(%dma_wait3A_242 : memref<80x128xf32, #tpu.memory_space<vmem>>)
      %run_scoped3A_249 = arith.constant 0 : i32
      "tpu.region"() ({
        %run_scoped3A_292 = tpu.sem_alloc : memref<!tpu.dma_semaphore, #tpu.memory_space<semaphore_mem>>
        %dma_start3A_293 = arith.constant 0 : i32
        %dma_start3A_294 = arith.constant 0 : i32
        %dma_start3A_295 = tpu.memref_slice %arg8[%run_scoped3A_249, %dma_start3A_293, %dma_start3A_294] : memref<2x80x128xf32, #tpu.memory_space<vmem>> -> memref<1x80x128xf32, #tpu.memory_space<vmem>>
        %dma_start3A_296 = tpu.memref_squeeze %dma_start3A_295 : memref<1x80x128xf32, #tpu.memory_space<vmem>> -> memref<80x128xf32, #tpu.memory_space<vmem>>
        %dma_start3A_297 = arith.constant 0 : i32
        %dma_start3A_298 = tpu.memref_slice %arg7[%mul3A_237, %dma_start3A_297] : memref<252x80xi32, #tpu.memory_space<vmem>> -> memref<1x80xi32, #tpu.memory_space<vmem>>
        %dma_start3A_299 = tpu.memref_squeeze %dma_start3A_298 : memref<1x80xi32, #tpu.memory_space<vmem>> -> memref<80xi32, #tpu.memory_space<vmem>>
        %dma_start3A_300 = arith.constant 0 : i32
        %dma_start3A_301 = arith.constant 0 : i32
        %dma_start3A_302 = tpu.memref_slice %arg9[%dma_start3A_300, %dma_start3A_301] : memref<5248x128xf32, #tpu.memory_space<vmem_shared>> -> memref<5248x128xf32, #tpu.memory_space<vmem_shared>>
        tpu.enqueue_indirect_dma source(%dma_start3A_296 : memref<80x128xf32, #tpu.memory_space<vmem>>) target(%dma_start3A_302 : memref<5248x128xf32, #tpu.memory_space<vmem_shared>>) offsets(%dma_start3A_299 : memref<80xi32, #tpu.memory_space<vmem>>) semaphore(%run_scoped3A_292 : memref<!tpu.dma_semaphore, #tpu.memory_space<semaphore_mem>>) {add = true}
        %dma_wait3A_303 = arith.constant 0 : i32
        %dma_wait3A_304 = arith.constant 0 : i32
        %dma_wait3A_305 = tpu.memref_slice %arg8[%run_scoped3A_249, %dma_wait3A_303, %dma_wait3A_304] : memref<2x80x128xf32, #tpu.memory_space<vmem>> -> memref<1x80x128xf32, #tpu.memory_space<vmem>>
        %dma_wait3A_306 = tpu.memref_squeeze %dma_wait3A_305 : memref<1x80x128xf32, #tpu.memory_space<vmem>> -> memref<80x128xf32, #tpu.memory_space<vmem>>
        %dma_wait3A_307 = arith.constant 0 : i32
        %dma_wait3A_308 = tpu.memref_slice %arg7[%mul3A_237, %dma_wait3A_307] : memref<252x80xi32, #tpu.memory_space<vmem>> -> memref<1x80xi32, #tpu.memory_space<vmem>>
        %dma_wait3A_309 = tpu.memref_squeeze %dma_wait3A_308 : memref<1x80xi32, #tpu.memory_space<vmem>> -> memref<80xi32, #tpu.memory_space<vmem>>
        %dma_wait3A_310 = arith.constant 0 : i32
        %dma_wait3A_311 = arith.constant 0 : i32
        %dma_wait3A_312 = tpu.memref_slice %arg9[%dma_wait3A_310, %dma_wait3A_311] : memref<5248x128xf32, #tpu.memory_space<vmem_shared>> -> memref<5248x128xf32, #tpu.memory_space<vmem_shared>>
        tpu.wait_indirect_dma semaphore(%run_scoped3A_292 : memref<!tpu.dma_semaphore, #tpu.memory_space<semaphore_mem>>) src(%dma_wait3A_306 : memref<80x128xf32, #tpu.memory_space<vmem>>) dst(%dma_wait3A_312 : memref<5248x128xf32, #tpu.memory_space<vmem_shared>>)
        tpu.yield
      }) : () -> ()
      %add3A_250 = arith.constant 2 : i32
      %add3A_251 = arith.addi %mul3A_237, %add3A_250 : i32
      %dma_start3A_252 = arith.constant 0 : i32
      %dma_start3A_253 = arith.constant 0 : i32
      %dma_start3A_254 = arith.constant 0 : i32
      %dma_start3A_255 = tpu.memref_slice %arg8[%dma_start3A_252, %dma_start3A_253, %dma_start3A_254] : memref<2x80x128xf32, #tpu.memory_space<vmem>> -> memref<1x80x128xf32, #tpu.memory_space<vmem>>
      %dma_start3A_256 = tpu.memref_squeeze %dma_start3A_255 : memref<1x80x128xf32, #tpu.memory_space<vmem>> -> memref<80x128xf32, #tpu.memory_space<vmem>>
      %dma_start3A_257 = arith.constant 0 : i32
      %dma_start3A_258 = tpu.memref_slice %arg6[%add3A_251, %dma_start3A_257] : memref<252x80xi32, #tpu.memory_space<vmem>> -> memref<1x80xi32, #tpu.memory_space<vmem>>
      %dma_start3A_259 = tpu.memref_squeeze %dma_start3A_258 : memref<1x80xi32, #tpu.memory_space<vmem>> -> memref<80xi32, #tpu.memory_space<vmem>>
      %dma_start3A_260 = arith.constant 0 : i32
      %dma_start3A_261 = arith.constant 0 : i32
      %dma_start3A_262 = tpu.memref_slice %arg2[%dma_start3A_260, %dma_start3A_261] : memref<10000x128xf32, #tpu.memory_space<hbm>> -> memref<10000x128xf32, #tpu.memory_space<hbm>>
      tpu.enqueue_indirect_dma source(%dma_start3A_262 : memref<10000x128xf32, #tpu.memory_space<hbm>>) target(%dma_start3A_256 : memref<80x128xf32, #tpu.memory_space<vmem>>) offsets(%dma_start3A_259 : memref<80xi32, #tpu.memory_space<vmem>>) semaphore(%arg10 : memref<!tpu.dma_semaphore, #tpu.memory_space<semaphore_mem>>)
      %add3A_263 = arith.constant 1 : i32
      %add3A_264 = arith.addi %mul3A_237, %add3A_263 : i32
      %dma_wait3A_265 = arith.constant 1 : i32
      %dma_wait3A_266 = arith.constant 0 : i32
      %dma_wait3A_267 = arith.constant 0 : i32
      %dma_wait3A_268 = tpu.memref_slice %arg8[%dma_wait3A_265, %dma_wait3A_266, %dma_wait3A_267] : memref<2x80x128xf32, #tpu.memory_space<vmem>> -> memref<1x80x128xf32, #tpu.memory_space<vmem>>
      %dma_wait3A_269 = tpu.memref_squeeze %dma_wait3A_268 : memref<1x80x128xf32, #tpu.memory_space<vmem>> -> memref<80x128xf32, #tpu.memory_space<vmem>>
      %dma_wait3A_270 = arith.constant 0 : i32
      %dma_wait3A_271 = tpu.memref_slice %arg6[%add3A_264, %dma_wait3A_270] : memref<252x80xi32, #tpu.memory_space<vmem>> -> memref<1x80xi32, #tpu.memory_space<vmem>>
      %dma_wait3A_272 = tpu.memref_squeeze %dma_wait3A_271 : memref<1x80xi32, #tpu.memory_space<vmem>> -> memref<80xi32, #tpu.memory_space<vmem>>
      %dma_wait3A_273 = arith.constant 0 : i32
      %dma_wait3A_274 = arith.constant 0 : i32
      %dma_wait3A_275 = tpu.memref_slice %arg2[%dma_wait3A_273, %dma_wait3A_274] : memref<10000x128xf32, #tpu.memory_space<hbm>> -> memref<10000x128xf32, #tpu.memory_space<hbm>>
      tpu.wait_indirect_dma semaphore(%arg11 : memref<!tpu.dma_semaphore, #tpu.memory_space<semaphore_mem>>) src(%dma_wait3A_275 : memref<10000x128xf32, #tpu.memory_space<hbm>>) dst(%dma_wait3A_269 : memref<80x128xf32, #tpu.memory_space<vmem>>)
      %add3A_276 = arith.constant 1 : i32
      %add3A_277 = arith.addi %mul3A_237, %add3A_276 : i32
      %run_scoped3A_278 = arith.constant 1 : i32
      "tpu.region"() ({
        %run_scoped3A_292 = tpu.sem_alloc : memref<!tpu.dma_semaphore, #tpu.memory_space<semaphore_mem>>
        %dma_start3A_293 = arith.constant 0 : i32
        %dma_start3A_294 = arith.constant 0 : i32
        %dma_start3A_295 = tpu.memref_slice %arg8[%run_scoped3A_278, %dma_start3A_293, %dma_start3A_294] : memref<2x80x128xf32, #tpu.memory_space<vmem>> -> memref<1x80x128xf32, #tpu.memory_space<vmem>>
        %dma_start3A_296 = tpu.memref_squeeze %dma_start3A_295 : memref<1x80x128xf32, #tpu.memory_space<vmem>> -> memref<80x128xf32, #tpu.memory_space<vmem>>
        %dma_start3A_297 = arith.constant 0 : i32
        %dma_start3A_298 = tpu.memref_slice %arg7[%add3A_277, %dma_start3A_297] : memref<252x80xi32, #tpu.memory_space<vmem>> -> memref<1x80xi32, #tpu.memory_space<vmem>>
        %dma_start3A_299 = tpu.memref_squeeze %dma_start3A_298 : memref<1x80xi32, #tpu.memory_space<vmem>> -> memref<80xi32, #tpu.memory_space<vmem>>
        %dma_start3A_300 = arith.constant 0 : i32
        %dma_start3A_301 = arith.constant 0 : i32
        %dma_start3A_302 = tpu.memref_slice %arg9[%dma_start3A_300, %dma_start3A_301] : memref<5248x128xf32, #tpu.memory_space<vmem_shared>> -> memref<5248x128xf32, #tpu.memory_space<vmem_shared>>
        tpu.enqueue_indirect_dma source(%dma_start3A_296 : memref<80x128xf32, #tpu.memory_space<vmem>>) target(%dma_start3A_302 : memref<5248x128xf32, #tpu.memory_space<vmem_shared>>) offsets(%dma_start3A_299 : memref<80xi32, #tpu.memory_space<vmem>>) semaphore(%run_scoped3A_292 : memref<!tpu.dma_semaphore, #tpu.memory_space<semaphore_mem>>) {add = true}
        %dma_wait3A_303 = arith.constant 0 : i32
        %dma_wait3A_304 = arith.constant 0 : i32
        %dma_wait3A_305 = tpu.memref_slice %arg8[%run_scoped3A_278, %dma_wait3A_303, %dma_wait3A_304] : memref<2x80x128xf32, #tpu.memory_space<vmem>> -> memref<1x80x128xf32, #tpu.memory_space<vmem>>
        %dma_wait3A_306 = tpu.memref_squeeze %dma_wait3A_305 : memref<1x80x128xf32, #tpu.memory_space<vmem>> -> memref<80x128xf32, #tpu.memory_space<vmem>>
        %dma_wait3A_307 = arith.constant 0 : i32
        %dma_wait3A_308 = tpu.memref_slice %arg7[%add3A_277, %dma_wait3A_307] : memref<252x80xi32, #tpu.memory_space<vmem>> -> memref<1x80xi32, #tpu.memory_space<vmem>>
        %dma_wait3A_309 = tpu.memref_squeeze %dma_wait3A_308 : memref<1x80xi32, #tpu.memory_space<vmem>> -> memref<80xi32, #tpu.memory_space<vmem>>
        %dma_wait3A_310 = arith.constant 0 : i32
        %dma_wait3A_311 = arith.constant 0 : i32
        %dma_wait3A_312 = tpu.memref_slice %arg9[%dma_wait3A_310, %dma_wait3A_311] : memref<5248x128xf32, #tpu.memory_space<vmem_shared>> -> memref<5248x128xf32, #tpu.memory_space<vmem_shared>>
        tpu.wait_indirect_dma semaphore(%run_scoped3A_292 : memref<!tpu.dma_semaphore, #tpu.memory_space<semaphore_mem>>) src(%dma_wait3A_306 : memref<80x128xf32, #tpu.memory_space<vmem>>) dst(%dma_wait3A_312 : memref<5248x128xf32, #tpu.memory_space<vmem_shared>>)
        tpu.yield
      }) : () -> ()
      %add3A_279 = arith.constant 3 : i32
      %add3A_280 = arith.addi %mul3A_237, %add3A_279 : i32
      %dma_start3A_281 = arith.constant 1 : i32
      %dma_start3A_282 = arith.constant 0 : i32
      %dma_start3A_283 = arith.constant 0 : i32
      %dma_start3A_284 = tpu.memref_slice %arg8[%dma_start3A_281, %dma_start3A_282, %dma_start3A_283] : memref<2x80x128xf32, #tpu.memory_space<vmem>> -> memref<1x80x128xf32, #tpu.memory_space<vmem>>
      %dma_start3A_285 = tpu.memref_squeeze %dma_start3A_284 : memref<1x80x128xf32, #tpu.memory_space<vmem>> -> memref<80x128xf32, #tpu.memory_space<vmem>>
      %dma_start3A_286 = arith.constant 0 : i32
      %dma_start3A_287 = tpu.memref_slice %arg6[%add3A_280, %dma_start3A_286] : memref<252x80xi32, #tpu.memory_space<vmem>> -> memref<1x80xi32, #tpu.memory_space<vmem>>
      %dma_start3A_288 = tpu.memref_squeeze %dma_start3A_287 : memref<1x80xi32, #tpu.memory_space<vmem>> -> memref<80xi32, #tpu.memory_space<vmem>>
      %dma_start3A_289 = arith.constant 0 : i32
      %dma_start3A_290 = arith.constant 0 : i32
      %dma_start3A_291 = tpu.memref_slice %arg2[%dma_start3A_289, %dma_start3A_290] : memref<10000x128xf32, #tpu.memory_space<hbm>> -> memref<10000x128xf32, #tpu.memory_space<hbm>>
      tpu.enqueue_indirect_dma source(%dma_start3A_291 : memref<10000x128xf32, #tpu.memory_space<hbm>>) target(%dma_start3A_285 : memref<80x128xf32, #tpu.memory_space<vmem>>) offsets(%dma_start3A_288 : memref<80xi32, #tpu.memory_space<vmem>>) semaphore(%arg11 : memref<!tpu.dma_semaphore, #tpu.memory_space<semaphore_mem>>)
    }
    %scan3A_56 = arith.constant 125 : i32
    %dma_wait3A = arith.constant 250 : i32
    %dma_wait3A_57 = arith.constant 0 : i32
    %dma_wait3A_58 = arith.constant 0 : i32
    %dma_wait3A_59 = arith.constant 0 : i32
    %dma_wait3A_60 = tpu.memref_slice %arg8[%dma_wait3A_57, %dma_wait3A_58, %dma_wait3A_59] : memref<2x80x128xf32, #tpu.memory_space<vmem>> -> memref<1x80x128xf32, #tpu.memory_space<vmem>>
    %dma_wait3A_61 = tpu.memref_squeeze %dma_wait3A_60 : memref<1x80x128xf32, #tpu.memory_space<vmem>> -> memref<80x128xf32, #tpu.memory_space<vmem>>
    %dma_wait3A_62 = arith.constant 0 : i32
    %dma_wait3A_63 = tpu.memref_slice %arg6[%dma_wait3A, %dma_wait3A_62] : memref<252x80xi32, #tpu.memory_space<vmem>> -> memref<1x80xi32, #tpu.memory_space<vmem>>
    %dma_wait3A_64 = tpu.memref_squeeze %dma_wait3A_63 : memref<1x80xi32, #tpu.memory_space<vmem>> -> memref<80xi32, #tpu.memory_space<vmem>>
    %dma_wait3A_65 = arith.constant 0 : i32
    %dma_wait3A_66 = arith.constant 0 : i32
    %dma_wait3A_67 = tpu.memref_slice %arg2[%dma_wait3A_65, %dma_wait3A_66] : memref<10000x128xf32, #tpu.memory_space<hbm>> -> memref<10000x128xf32, #tpu.memory_space<hbm>>
    tpu.wait_indirect_dma semaphore(%arg10 : memref<!tpu.dma_semaphore, #tpu.memory_space<semaphore_mem>>) src(%dma_wait3A_67 : memref<10000x128xf32, #tpu.memory_space<hbm>>) dst(%dma_wait3A_61 : memref<80x128xf32, #tpu.memory_space<vmem>>)
    %dma_wait3A_68 = arith.constant 251 : i32
    %dma_wait3A_69 = arith.constant 1 : i32
    %dma_wait3A_70 = arith.constant 0 : i32
    %dma_wait3A_71 = arith.constant 0 : i32
    %dma_wait3A_72 = tpu.memref_slice %arg8[%dma_wait3A_69, %dma_wait3A_70, %dma_wait3A_71] : memref<2x80x128xf32, #tpu.memory_space<vmem>> -> memref<1x80x128xf32, #tpu.memory_space<vmem>>
    %dma_wait3A_73 = tpu.memref_squeeze %dma_wait3A_72 : memref<1x80x128xf32, #tpu.memory_space<vmem>> -> memref<80x128xf32, #tpu.memory_space<vmem>>
    %dma_wait3A_74 = arith.constant 0 : i32
    %dma_wait3A_75 = tpu.memref_slice %arg6[%dma_wait3A_68, %dma_wait3A_74] : memref<252x80xi32, #tpu.memory_space<vmem>> -> memref<1x80xi32, #tpu.memory_space<vmem>>
    %dma_wait3A_76 = tpu.memref_squeeze %dma_wait3A_75 : memref<1x80xi32, #tpu.memory_space<vmem>> -> memref<80xi32, #tpu.memory_space<vmem>>
    %dma_wait3A_77 = arith.constant 0 : i32
    %dma_wait3A_78 = arith.constant 0 : i32
    %dma_wait3A_79 = tpu.memref_slice %arg2[%dma_wait3A_77, %dma_wait3A_78] : memref<10000x128xf32, #tpu.memory_space<hbm>> -> memref<10000x128xf32, #tpu.memory_space<hbm>>
    tpu.wait_indirect_dma semaphore(%arg11 : memref<!tpu.dma_semaphore, #tpu.memory_space<semaphore_mem>>) src(%dma_wait3A_79 : memref<10000x128xf32, #tpu.memory_space<hbm>>) dst(%dma_wait3A_73 : memref<80x128xf32, #tpu.memory_space<vmem>>)
    %barrier3A_80 = arith.constant 0 : index
    tpu.barrier barrier_id(%barrier3A_80)
    %add3A_81 = arith.constant 0 : i32
    %add3A_82 = arith.addi %mul3A_14, %add3A_81 : i32
    %run_scoped3A_83 = arith.constant 0 : i32
    "tpu.region"() ({
      %run_scoped3A_235 = tpu.sem_alloc : memref<!tpu.dma_semaphore, #tpu.memory_space<semaphore_mem>>
      %dma_start3A_236 = arith.constant 0 : i32
      %dma_start3A_237 = arith.constant 0 : i32
      %dma_start3A_238 = tpu.memref_slice %arg8[%run_scoped3A_83, %dma_start3A_236, %dma_start3A_237] : memref<2x80x128xf32, #tpu.memory_space<vmem>> -> memref<1x80x128xf32, #tpu.memory_space<vmem>>
      %dma_start3A_239 = tpu.memref_squeeze %dma_start3A_238 : memref<1x80x128xf32, #tpu.memory_space<vmem>> -> memref<80x128xf32, #tpu.memory_space<vmem>>
      %dma_start3A_240 = arith.constant 0 : i32
      %dma_start3A_241 = tpu.memref_slice %arg9[%add3A_82, %dma_start3A_240] : memref<5248x128xf32, #tpu.memory_space<vmem_shared>> -> memref<80x128xf32, #tpu.memory_space<vmem_shared>>
      %dma_start3A_242 = arith.constant 0 : i32
      %dma_start3A_243 = arith.constant 0 : i32
      %dma_start3A_244 = tpu.memref_slice %arg8[%run_scoped3A_83, %dma_start3A_242, %dma_start3A_243] : memref<2x80x128xf32, #tpu.memory_space<vmem>> -> memref<1x80x128xf32, #tpu.memory_space<vmem>>
      %dma_start3A_245 = tpu.memref_squeeze %dma_start3A_244 : memref<1x80x128xf32, #tpu.memory_space<vmem>> -> memref<80x128xf32, #tpu.memory_space<vmem>>
      %dma_start3A_246 = arith.constant 0 : i32
      %dma_start3A_247 = tpu.memref_slice %arg9[%add3A_82, %dma_start3A_246] : memref<5248x128xf32, #tpu.memory_space<vmem_shared>> -> memref<80x128xf32, #tpu.memory_space<vmem_shared>>
      tpu.enqueue_dma source(%dma_start3A_247 : memref<80x128xf32, #tpu.memory_space<vmem_shared>>) target(%dma_start3A_245 : memref<80x128xf32, #tpu.memory_space<vmem>>) target_semaphore(%run_scoped3A_235 : memref<!tpu.dma_semaphore, #tpu.memory_space<semaphore_mem>>)
      %dma_wait3A_248 = arith.constant 0 : i32
      %dma_wait3A_249 = arith.constant 0 : i32
      %dma_wait3A_250 = tpu.memref_slice %arg8[%run_scoped3A_83, %dma_wait3A_248, %dma_wait3A_249] : memref<2x80x128xf32, #tpu.memory_space<vmem>> -> memref<1x80x128xf32, #tpu.memory_space<vmem>>
      %dma_wait3A_251 = tpu.memref_squeeze %dma_wait3A_250 : memref<1x80x128xf32, #tpu.memory_space<vmem>> -> memref<80x128xf32, #tpu.memory_space<vmem>>
      %dma_wait3A_252 = arith.constant 0 : i32
      %dma_wait3A_253 = tpu.memref_slice %arg9[%add3A_82, %dma_wait3A_252] : memref<5248x128xf32, #tpu.memory_space<vmem_shared>> -> memref<80x128xf32, #tpu.memory_space<vmem_shared>>
      %dma_wait3A_254 = arith.constant 0 : i32
      %dma_wait3A_255 = arith.constant 0 : i32
      %dma_wait3A_256 = tpu.memref_slice %arg8[%run_scoped3A_83, %dma_wait3A_254, %dma_wait3A_255] : memref<2x80x128xf32, #tpu.memory_space<vmem>> -> memref<1x80x128xf32, #tpu.memory_space<vmem>>
      %dma_wait3A_257 = tpu.memref_squeeze %dma_wait3A_256 : memref<1x80x128xf32, #tpu.memory_space<vmem>> -> memref<80x128xf32, #tpu.memory_space<vmem>>
      %dma_wait3A_258 = arith.constant 0 : i32
      %dma_wait3A_259 = tpu.memref_slice %arg9[%add3A_82, %dma_wait3A_258] : memref<5248x128xf32, #tpu.memory_space<vmem_shared>> -> memref<80x128xf32, #tpu.memory_space<vmem_shared>>
      tpu.wait_dma2 semaphore(%run_scoped3A_235 : memref<!tpu.dma_semaphore, #tpu.memory_space<semaphore_mem>>) src(%dma_wait3A_259 : memref<80x128xf32, #tpu.memory_space<vmem_shared>>) dst(%dma_wait3A_257 : memref<80x128xf32, #tpu.memory_space<vmem>>)
      tpu.yield
    }) : () -> ()
    %add3A_84 = arith.constant 0 : i32
    %add3A_85 = arith.addi %mul3A_14, %add3A_84 : i32
    %dma_start3A_86 = arith.constant 0 : i32
    %dma_start3A_87 = arith.constant 0 : i32
    %dma_start3A_88 = arith.constant 0 : i32
    %dma_start3A_89 = tpu.memref_slice %arg8[%dma_start3A_86, %dma_start3A_87, %dma_start3A_88] : memref<2x80x128xf32, #tpu.memory_space<vmem>> -> memref<1x80x128xf32, #tpu.memory_space<vmem>>
    %dma_start3A_90 = tpu.memref_squeeze %dma_start3A_89 : memref<1x80x128xf32, #tpu.memory_space<vmem>> -> memref<80x128xf32, #tpu.memory_space<vmem>>
    %dma_start3A_91 = arith.constant 0 : i32
    %dma_start3A_92 = tpu.memref_slice %arg5[%arg0, %add3A_85, %dma_start3A_91] : memref<2x5248x128xf32, #tpu.memory_space<hbm>> -> memref<1x80x128xf32, #tpu.memory_space<hbm>>
    %dma_start3A_93 = tpu.memref_squeeze %dma_start3A_92 : memref<1x80x128xf32, #tpu.memory_space<hbm>> -> memref<80x128xf32, #tpu.memory_space<hbm>>
    %dma_start3A_94 = arith.constant 0 : i32
    %dma_start3A_95 = tpu.memref_slice %arg5[%arg0, %add3A_85, %dma_start3A_94] : memref<2x5248x128xf32, #tpu.memory_space<hbm>> -> memref<1x80x128xf32, #tpu.memory_space<hbm>>
    %dma_start3A_96 = tpu.memref_squeeze %dma_start3A_95 : memref<1x80x128xf32, #tpu.memory_space<hbm>> -> memref<80x128xf32, #tpu.memory_space<hbm>>
    %dma_start3A_97 = arith.constant 0 : i32
    %dma_start3A_98 = arith.constant 0 : i32
    %dma_start3A_99 = tpu.memref_slice %arg8[%dma_start3A_86, %dma_start3A_97, %dma_start3A_98] : memref<2x80x128xf32, #tpu.memory_space<vmem>> -> memref<1x80x128xf32, #tpu.memory_space<vmem>>
    %dma_start3A_100 = tpu.memref_squeeze %dma_start3A_99 : memref<1x80x128xf32, #tpu.memory_space<vmem>> -> memref<80x128xf32, #tpu.memory_space<vmem>>
    tpu.enqueue_dma source(%dma_start3A_100 : memref<80x128xf32, #tpu.memory_space<vmem>>) target(%dma_start3A_96 : memref<80x128xf32, #tpu.memory_space<hbm>>) target_semaphore(%arg10 : memref<!tpu.dma_semaphore, #tpu.memory_space<semaphore_mem>>)
    %add3A_101 = arith.constant 80 : i32
    %add3A_102 = arith.addi %mul3A_14, %add3A_101 : i32
    %run_scoped3A_103 = arith.constant 1 : i32
    "tpu.region"() ({
      %run_scoped3A_235 = tpu.sem_alloc : memref<!tpu.dma_semaphore, #tpu.memory_space<semaphore_mem>>
      %dma_start3A_236 = arith.constant 0 : i32
      %dma_start3A_237 = arith.constant 0 : i32
      %dma_start3A_238 = tpu.memref_slice %arg8[%run_scoped3A_103, %dma_start3A_236, %dma_start3A_237] : memref<2x80x128xf32, #tpu.memory_space<vmem>> -> memref<1x80x128xf32, #tpu.memory_space<vmem>>
      %dma_start3A_239 = tpu.memref_squeeze %dma_start3A_238 : memref<1x80x128xf32, #tpu.memory_space<vmem>> -> memref<80x128xf32, #tpu.memory_space<vmem>>
      %dma_start3A_240 = arith.constant 0 : i32
      %dma_start3A_241 = tpu.memref_slice %arg9[%add3A_102, %dma_start3A_240] : memref<5248x128xf32, #tpu.memory_space<vmem_shared>> -> memref<80x128xf32, #tpu.memory_space<vmem_shared>>
      %dma_start3A_242 = arith.constant 0 : i32
      %dma_start3A_243 = arith.constant 0 : i32
      %dma_start3A_244 = tpu.memref_slice %arg8[%run_scoped3A_103, %dma_start3A_242, %dma_start3A_243] : memref<2x80x128xf32, #tpu.memory_space<vmem>> -> memref<1x80x128xf32, #tpu.memory_space<vmem>>
      %dma_start3A_245 = tpu.memref_squeeze %dma_start3A_244 : memref<1x80x128xf32, #tpu.memory_space<vmem>> -> memref<80x128xf32, #tpu.memory_space<vmem>>
      %dma_start3A_246 = arith.constant 0 : i32
      %dma_start3A_247 = tpu.memref_slice %arg9[%add3A_102, %dma_start3A_246] : memref<5248x128xf32, #tpu.memory_space<vmem_shared>> -> memref<80x128xf32, #tpu.memory_space<vmem_shared>>
      tpu.enqueue_dma source(%dma_start3A_247 : memref<80x128xf32, #tpu.memory_space<vmem_shared>>) target(%dma_start3A_245 : memref<80x128xf32, #tpu.memory_space<vmem>>) target_semaphore(%run_scoped3A_235 : memref<!tpu.dma_semaphore, #tpu.memory_space<semaphore_mem>>)
      %dma_wait3A_248 = arith.constant 0 : i32
      %dma_wait3A_249 = arith.constant 0 : i32
      %dma_wait3A_250 = tpu.memref_slice %arg8[%run_scoped3A_103, %dma_wait3A_248, %dma_wait3A_249] : memref<2x80x128xf32, #tpu.memory_space<vmem>> -> memref<1x80x128xf32, #tpu.memory_space<vmem>>
      %dma_wait3A_251 = tpu.memref_squeeze %dma_wait3A_250 : memref<1x80x128xf32, #tpu.memory_space<vmem>> -> memref<80x128xf32, #tpu.memory_space<vmem>>
      %dma_wait3A_252 = arith.constant 0 : i32
      %dma_wait3A_253 = tpu.memref_slice %arg9[%add3A_102, %dma_wait3A_252] : memref<5248x128xf32, #tpu.memory_space<vmem_shared>> -> memref<80x128xf32, #tpu.memory_space<vmem_shared>>
      %dma_wait3A_254 = arith.constant 0 : i32
      %dma_wait3A_255 = arith.constant 0 : i32
      %dma_wait3A_256 = tpu.memref_slice %arg8[%run_scoped3A_103, %dma_wait3A_254, %dma_wait3A_255] : memref<2x80x128xf32, #tpu.memory_space<vmem>> -> memref<1x80x128xf32, #tpu.memory_space<vmem>>
      %dma_wait3A_257 = tpu.memref_squeeze %dma_wait3A_256 : memref<1x80x128xf32, #tpu.memory_space<vmem>> -> memref<80x128xf32, #tpu.memory_space<vmem>>
      %dma_wait3A_258 = arith.constant 0 : i32
      %dma_wait3A_259 = tpu.memref_slice %arg9[%add3A_102, %dma_wait3A_258] : memref<5248x128xf32, #tpu.memory_space<vmem_shared>> -> memref<80x128xf32, #tpu.memory_space<vmem_shared>>
      tpu.wait_dma2 semaphore(%run_scoped3A_235 : memref<!tpu.dma_semaphore, #tpu.memory_space<semaphore_mem>>) src(%dma_wait3A_259 : memref<80x128xf32, #tpu.memory_space<vmem_shared>>) dst(%dma_wait3A_257 : memref<80x128xf32, #tpu.memory_space<vmem>>)
      tpu.yield
    }) : () -> ()
    %add3A_104 = arith.constant 80 : i32
    %add3A_105 = arith.addi %mul3A_14, %add3A_104 : i32
    %dma_start3A_106 = arith.constant 1 : i32
    %dma_start3A_107 = arith.constant 0 : i32
    %dma_start3A_108 = arith.constant 0 : i32
    %dma_start3A_109 = tpu.memref_slice %arg8[%dma_start3A_106, %dma_start3A_107, %dma_start3A_108] : memref<2x80x128xf32, #tpu.memory_space<vmem>> -> memref<1x80x128xf32, #tpu.memory_space<vmem>>
    %dma_start3A_110 = tpu.memref_squeeze %dma_start3A_109 : memref<1x80x128xf32, #tpu.memory_space<vmem>> -> memref<80x128xf32, #tpu.memory_space<vmem>>
    %dma_start3A_111 = arith.constant 0 : i32
    %dma_start3A_112 = tpu.memref_slice %arg5[%arg0, %add3A_105, %dma_start3A_111] : memref<2x5248x128xf32, #tpu.memory_space<hbm>> -> memref<1x80x128xf32, #tpu.memory_space<hbm>>
    %dma_start3A_113 = tpu.memref_squeeze %dma_start3A_112 : memref<1x80x128xf32, #tpu.memory_space<hbm>> -> memref<80x128xf32, #tpu.memory_space<hbm>>
    %dma_start3A_114 = arith.constant 0 : i32
    %dma_start3A_115 = tpu.memref_slice %arg5[%arg0, %add3A_105, %dma_start3A_114] : memref<2x5248x128xf32, #tpu.memory_space<hbm>> -> memref<1x80x128xf32, #tpu.memory_space<hbm>>
    %dma_start3A_116 = tpu.memref_squeeze %dma_start3A_115 : memref<1x80x128xf32, #tpu.memory_space<hbm>> -> memref<80x128xf32, #tpu.memory_space<hbm>>
    %dma_start3A_117 = arith.constant 0 : i32
    %dma_start3A_118 = arith.constant 0 : i32
    %dma_start3A_119 = tpu.memref_slice %arg8[%dma_start3A_106, %dma_start3A_117, %dma_start3A_118] : memref<2x80x128xf32, #tpu.memory_space<vmem>> -> memref<1x80x128xf32, #tpu.memory_space<vmem>>
    %dma_start3A_120 = tpu.memref_squeeze %dma_start3A_119 : memref<1x80x128xf32, #tpu.memory_space<vmem>> -> memref<80x128xf32, #tpu.memory_space<vmem>>
    tpu.enqueue_dma source(%dma_start3A_120 : memref<80x128xf32, #tpu.memory_space<vmem>>) target(%dma_start3A_116 : memref<80x128xf32, #tpu.memory_space<hbm>>) target_semaphore(%arg11 : memref<!tpu.dma_semaphore, #tpu.memory_space<semaphore_mem>>)
    %add3A_121 = arith.constant 0 : i32
    %add3A_122 = arith.addi %mul3A_14, %add3A_121 : i32
    %dma_wait3A_123 = arith.constant 0 : i32
    %dma_wait3A_124 = arith.constant 0 : i32
    %dma_wait3A_125 = arith.constant 0 : i32
    %dma_wait3A_126 = tpu.memref_slice %arg8[%dma_wait3A_123, %dma_wait3A_124, %dma_wait3A_125] : memref<2x80x128xf32, #tpu.memory_space<vmem>> -> memref<1x80x128xf32, #tpu.memory_space<vmem>>
    %dma_wait3A_127 = tpu.memref_squeeze %dma_wait3A_126 : memref<1x80x128xf32, #tpu.memory_space<vmem>> -> memref<80x128xf32, #tpu.memory_space<vmem>>
    %dma_wait3A_128 = arith.constant 0 : i32
    %dma_wait3A_129 = tpu.memref_slice %arg5[%arg0, %add3A_122, %dma_wait3A_128] : memref<2x5248x128xf32, #tpu.memory_space<hbm>> -> memref<1x80x128xf32, #tpu.memory_space<hbm>>
    %dma_wait3A_130 = tpu.memref_squeeze %dma_wait3A_129 : memref<1x80x128xf32, #tpu.memory_space<hbm>> -> memref<80x128xf32, #tpu.memory_space<hbm>>
    %dma_wait3A_131 = arith.constant 0 : i32
    %dma_wait3A_132 = tpu.memref_slice %arg5[%arg0, %add3A_122, %dma_wait3A_131] : memref<2x5248x128xf32, #tpu.memory_space<hbm>> -> memref<1x80x128xf32, #tpu.memory_space<hbm>>
    %dma_wait3A_133 = tpu.memref_squeeze %dma_wait3A_132 : memref<1x80x128xf32, #tpu.memory_space<hbm>> -> memref<80x128xf32, #tpu.memory_space<hbm>>
    %dma_wait3A_134 = arith.constant 0 : i32
    %dma_wait3A_135 = arith.constant 0 : i32
    %dma_wait3A_136 = tpu.memref_slice %arg8[%dma_wait3A_123, %dma_wait3A_134, %dma_wait3A_135] : memref<2x80x128xf32, #tpu.memory_space<vmem>> -> memref<1x80x128xf32, #tpu.memory_space<vmem>>
    %dma_wait3A_137 = tpu.memref_squeeze %dma_wait3A_136 : memref<1x80x128xf32, #tpu.memory_space<vmem>> -> memref<80x128xf32, #tpu.memory_space<vmem>>
    tpu.wait_dma2 semaphore(%arg10 : memref<!tpu.dma_semaphore, #tpu.memory_space<semaphore_mem>>) src(%dma_wait3A_137 : memref<80x128xf32, #tpu.memory_space<vmem>>) dst(%dma_wait3A_133 : memref<80x128xf32, #tpu.memory_space<hbm>>)
    %add3A_138 = arith.constant 160 : i32
    %add3A_139 = arith.addi %mul3A_14, %add3A_138 : i32
    %run_scoped3A_140 = arith.constant 0 : i32
    "tpu.region"() ({
      %run_scoped3A_235 = tpu.sem_alloc : memref<!tpu.dma_semaphore, #tpu.memory_space<semaphore_mem>>
      %dma_start3A_236 = arith.constant 0 : i32
      %dma_start3A_237 = arith.constant 0 : i32
      %dma_start3A_238 = tpu.memref_slice %arg8[%run_scoped3A_140, %dma_start3A_236, %dma_start3A_237] : memref<2x80x128xf32, #tpu.memory_space<vmem>> -> memref<1x80x128xf32, #tpu.memory_space<vmem>>
      %dma_start3A_239 = tpu.memref_squeeze %dma_start3A_238 : memref<1x80x128xf32, #tpu.memory_space<vmem>> -> memref<80x128xf32, #tpu.memory_space<vmem>>
      %dma_start3A_240 = arith.constant 0 : i32
      %dma_start3A_241 = tpu.memref_slice %arg9[%add3A_139, %dma_start3A_240] : memref<5248x128xf32, #tpu.memory_space<vmem_shared>> -> memref<80x128xf32, #tpu.memory_space<vmem_shared>>
      %dma_start3A_242 = arith.constant 0 : i32
      %dma_start3A_243 = arith.constant 0 : i32
      %dma_start3A_244 = tpu.memref_slice %arg8[%run_scoped3A_140, %dma_start3A_242, %dma_start3A_243] : memref<2x80x128xf32, #tpu.memory_space<vmem>> -> memref<1x80x128xf32, #tpu.memory_space<vmem>>
      %dma_start3A_245 = tpu.memref_squeeze %dma_start3A_244 : memref<1x80x128xf32, #tpu.memory_space<vmem>> -> memref<80x128xf32, #tpu.memory_space<vmem>>
      %dma_start3A_246 = arith.constant 0 : i32
      %dma_start3A_247 = tpu.memref_slice %arg9[%add3A_139, %dma_start3A_246] : memref<5248x128xf32, #tpu.memory_space<vmem_shared>> -> memref<80x128xf32, #tpu.memory_space<vmem_shared>>
      tpu.enqueue_dma source(%dma_start3A_247 : memref<80x128xf32, #tpu.memory_space<vmem_shared>>) target(%dma_start3A_245 : memref<80x128xf32, #tpu.memory_space<vmem>>) target_semaphore(%run_scoped3A_235 : memref<!tpu.dma_semaphore, #tpu.memory_space<semaphore_mem>>)
      %dma_wait3A_248 = arith.constant 0 : i32
      %dma_wait3A_249 = arith.constant 0 : i32
      %dma_wait3A_250 = tpu.memref_slice %arg8[%run_scoped3A_140, %dma_wait3A_248, %dma_wait3A_249] : memref<2x80x128xf32, #tpu.memory_space<vmem>> -> memref<1x80x128xf32, #tpu.memory_space<vmem>>
      %dma_wait3A_251 = tpu.memref_squeeze %dma_wait3A_250 : memref<1x80x128xf32, #tpu.memory_space<vmem>> -> memref<80x128xf32, #tpu.memory_space<vmem>>
      %dma_wait3A_252 = arith.constant 0 : i32
      %dma_wait3A_253 = tpu.memref_slice %arg9[%add3A_139, %dma_wait3A_252] : memref<5248x128xf32, #tpu.memory_space<vmem_shared>> -> memref<80x128xf32, #tpu.memory_space<vmem_shared>>
      %dma_wait3A_254 = arith.constant 0 : i32
      %dma_wait3A_255 = arith.constant 0 : i32
      %dma_wait3A_256 = tpu.memref_slice %arg8[%run_scoped3A_140, %dma_wait3A_254, %dma_wait3A_255] : memref<2x80x128xf32, #tpu.memory_space<vmem>> -> memref<1x80x128xf32, #tpu.memory_space<vmem>>
      %dma_wait3A_257 = tpu.memref_squeeze %dma_wait3A_256 : memref<1x80x128xf32, #tpu.memory_space<vmem>> -> memref<80x128xf32, #tpu.memory_space<vmem>>
      %dma_wait3A_258 = arith.constant 0 : i32
      %dma_wait3A_259 = tpu.memref_slice %arg9[%add3A_139, %dma_wait3A_258] : memref<5248x128xf32, #tpu.memory_space<vmem_shared>> -> memref<80x128xf32, #tpu.memory_space<vmem_shared>>
      tpu.wait_dma2 semaphore(%run_scoped3A_235 : memref<!tpu.dma_semaphore, #tpu.memory_space<semaphore_mem>>) src(%dma_wait3A_259 : memref<80x128xf32, #tpu.memory_space<vmem_shared>>) dst(%dma_wait3A_257 : memref<80x128xf32, #tpu.memory_space<vmem>>)
      tpu.yield
    }) : () -> ()
    %add3A_141 = arith.constant 160 : i32
    %add3A_142 = arith.addi %mul3A_14, %add3A_141 : i32
    %dma_start3A_143 = arith.constant 0 : i32
    %dma_start3A_144 = arith.constant 0 : i32
    %dma_start3A_145 = arith.constant 0 : i32
    %dma_start3A_146 = tpu.memref_slice %arg8[%dma_start3A_143, %dma_start3A_144, %dma_start3A_145] : memref<2x80x128xf32, #tpu.memory_space<vmem>> -> memref<1x80x128xf32, #tpu.memory_space<vmem>>
    %dma_start3A_147 = tpu.memref_squeeze %dma_start3A_146 : memref<1x80x128xf32, #tpu.memory_space<vmem>> -> memref<80x128xf32, #tpu.memory_space<vmem>>
    %dma_start3A_148 = arith.constant 0 : i32
    %dma_start3A_149 = tpu.memref_slice %arg5[%arg0, %add3A_142, %dma_start3A_148] : memref<2x5248x128xf32, #tpu.memory_space<hbm>> -> memref<1x80x128xf32, #tpu.memory_space<hbm>>
    %dma_start3A_150 = tpu.memref_squeeze %dma_start3A_149 : memref<1x80x128xf32, #tpu.memory_space<hbm>> -> memref<80x128xf32, #tpu.memory_space<hbm>>
    %dma_start3A_151 = arith.constant 0 : i32
    %dma_start3A_152 = tpu.memref_slice %arg5[%arg0, %add3A_142, %dma_start3A_151] : memref<2x5248x128xf32, #tpu.memory_space<hbm>> -> memref<1x80x128xf32, #tpu.memory_space<hbm>>
    %dma_start3A_153 = tpu.memref_squeeze %dma_start3A_152 : memref<1x80x128xf32, #tpu.memory_space<hbm>> -> memref<80x128xf32, #tpu.memory_space<hbm>>
    %dma_start3A_154 = arith.constant 0 : i32
    %dma_start3A_155 = arith.constant 0 : i32
    %dma_start3A_156 = tpu.memref_slice %arg8[%dma_start3A_143, %dma_start3A_154, %dma_start3A_155] : memref<2x80x128xf32, #tpu.memory_space<vmem>> -> memref<1x80x128xf32, #tpu.memory_space<vmem>>
    %dma_start3A_157 = tpu.memref_squeeze %dma_start3A_156 : memref<1x80x128xf32, #tpu.memory_space<vmem>> -> memref<80x128xf32, #tpu.memory_space<vmem>>
    tpu.enqueue_dma source(%dma_start3A_157 : memref<80x128xf32, #tpu.memory_space<vmem>>) target(%dma_start3A_153 : memref<80x128xf32, #tpu.memory_space<hbm>>) target_semaphore(%arg10 : memref<!tpu.dma_semaphore, #tpu.memory_space<semaphore_mem>>)
    %add3A_158 = arith.constant 80 : i32
    %add3A_159 = arith.addi %mul3A_14, %add3A_158 : i32
    %dma_wait3A_160 = arith.constant 1 : i32
    %dma_wait3A_161 = arith.constant 0 : i32
    %dma_wait3A_162 = arith.constant 0 : i32
    %dma_wait3A_163 = tpu.memref_slice %arg8[%dma_wait3A_160, %dma_wait3A_161, %dma_wait3A_162] : memref<2x80x128xf32, #tpu.memory_space<vmem>> -> memref<1x80x128xf32, #tpu.memory_space<vmem>>
    %dma_wait3A_164 = tpu.memref_squeeze %dma_wait3A_163 : memref<1x80x128xf32, #tpu.memory_space<vmem>> -> memref<80x128xf32, #tpu.memory_space<vmem>>
    %dma_wait3A_165 = arith.constant 0 : i32
    %dma_wait3A_166 = tpu.memref_slice %arg5[%arg0, %add3A_159, %dma_wait3A_165] : memref<2x5248x128xf32, #tpu.memory_space<hbm>> -> memref<1x80x128xf32, #tpu.memory_space<hbm>>
    %dma_wait3A_167 = tpu.memref_squeeze %dma_wait3A_166 : memref<1x80x128xf32, #tpu.memory_space<hbm>> -> memref<80x128xf32, #tpu.memory_space<hbm>>
    %dma_wait3A_168 = arith.constant 0 : i32
    %dma_wait3A_169 = tpu.memref_slice %arg5[%arg0, %add3A_159, %dma_wait3A_168] : memref<2x5248x128xf32, #tpu.memory_space<hbm>> -> memref<1x80x128xf32, #tpu.memory_space<hbm>>
    %dma_wait3A_170 = tpu.memref_squeeze %dma_wait3A_169 : memref<1x80x128xf32, #tpu.memory_space<hbm>> -> memref<80x128xf32, #tpu.memory_space<hbm>>
    %dma_wait3A_171 = arith.constant 0 : i32
    %dma_wait3A_172 = arith.constant 0 : i32
    %dma_wait3A_173 = tpu.memref_slice %arg8[%dma_wait3A_160, %dma_wait3A_171, %dma_wait3A_172] : memref<2x80x128xf32, #tpu.memory_space<vmem>> -> memref<1x80x128xf32, #tpu.memory_space<vmem>>
    %dma_wait3A_174 = tpu.memref_squeeze %dma_wait3A_173 : memref<1x80x128xf32, #tpu.memory_space<vmem>> -> memref<80x128xf32, #tpu.memory_space<vmem>>
    tpu.wait_dma2 semaphore(%arg11 : memref<!tpu.dma_semaphore, #tpu.memory_space<semaphore_mem>>) src(%dma_wait3A_174 : memref<80x128xf32, #tpu.memory_space<vmem>>) dst(%dma_wait3A_170 : memref<80x128xf32, #tpu.memory_space<hbm>>)
    %add3A_175 = arith.constant 240 : i32
    %add3A_176 = arith.addi %mul3A_14, %add3A_175 : i32
    %run_scoped3A_177 = arith.constant 1 : i32
    "tpu.region"() ({
      %run_scoped3A_235 = tpu.sem_alloc : memref<!tpu.dma_semaphore, #tpu.memory_space<semaphore_mem>>
      %dma_start3A_236 = arith.constant 0 : i32
      %dma_start3A_237 = arith.constant 0 : i32
      %dma_start3A_238 = tpu.memref_slice %arg8[%run_scoped3A_177, %dma_start3A_236, %dma_start3A_237] : memref<2x80x128xf32, #tpu.memory_space<vmem>> -> memref<1x80x128xf32, #tpu.memory_space<vmem>>
      %dma_start3A_239 = tpu.memref_squeeze %dma_start3A_238 : memref<1x80x128xf32, #tpu.memory_space<vmem>> -> memref<80x128xf32, #tpu.memory_space<vmem>>
      %dma_start3A_240 = arith.constant 0 : i32
      %dma_start3A_241 = tpu.memref_slice %arg9[%add3A_176, %dma_start3A_240] : memref<5248x128xf32, #tpu.memory_space<vmem_shared>> -> memref<80x128xf32, #tpu.memory_space<vmem_shared>>
      %dma_start3A_242 = arith.constant 0 : i32
      %dma_start3A_243 = arith.constant 0 : i32
      %dma_start3A_244 = tpu.memref_slice %arg8[%run_scoped3A_177, %dma_start3A_242, %dma_start3A_243] : memref<2x80x128xf32, #tpu.memory_space<vmem>> -> memref<1x80x128xf32, #tpu.memory_space<vmem>>
      %dma_start3A_245 = tpu.memref_squeeze %dma_start3A_244 : memref<1x80x128xf32, #tpu.memory_space<vmem>> -> memref<80x128xf32, #tpu.memory_space<vmem>>
      %dma_start3A_246 = arith.constant 0 : i32
      %dma_start3A_247 = tpu.memref_slice %arg9[%add3A_176, %dma_start3A_246] : memref<5248x128xf32, #tpu.memory_space<vmem_shared>> -> memref<80x128xf32, #tpu.memory_space<vmem_shared>>
      tpu.enqueue_dma source(%dma_start3A_247 : memref<80x128xf32, #tpu.memory_space<vmem_shared>>) target(%dma_start3A_245 : memref<80x128xf32, #tpu.memory_space<vmem>>) target_semaphore(%run_scoped3A_235 : memref<!tpu.dma_semaphore, #tpu.memory_space<semaphore_mem>>)
      %dma_wait3A_248 = arith.constant 0 : i32
      %dma_wait3A_249 = arith.constant 0 : i32
      %dma_wait3A_250 = tpu.memref_slice %arg8[%run_scoped3A_177, %dma_wait3A_248, %dma_wait3A_249] : memref<2x80x128xf32, #tpu.memory_space<vmem>> -> memref<1x80x128xf32, #tpu.memory_space<vmem>>
      %dma_wait3A_251 = tpu.memref_squeeze %dma_wait3A_250 : memref<1x80x128xf32, #tpu.memory_space<vmem>> -> memref<80x128xf32, #tpu.memory_space<vmem>>
      %dma_wait3A_252 = arith.constant 0 : i32
      %dma_wait3A_253 = tpu.memref_slice %arg9[%add3A_176, %dma_wait3A_252] : memref<5248x128xf32, #tpu.memory_space<vmem_shared>> -> memref<80x128xf32, #tpu.memory_space<vmem_shared>>
      %dma_wait3A_254 = arith.constant 0 : i32
      %dma_wait3A_255 = arith.constant 0 : i32
      %dma_wait3A_256 = tpu.memref_slice %arg8[%run_scoped3A_177, %dma_wait3A_254, %dma_wait3A_255] : memref<2x80x128xf32, #tpu.memory_space<vmem>> -> memref<1x80x128xf32, #tpu.memory_space<vmem>>
      %dma_wait3A_257 = tpu.memref_squeeze %dma_wait3A_256 : memref<1x80x128xf32, #tpu.memory_space<vmem>> -> memref<80x128xf32, #tpu.memory_space<vmem>>
      %dma_wait3A_258 = arith.constant 0 : i32
      %dma_wait3A_259 = tpu.memref_slice %arg9[%add3A_176, %dma_wait3A_258] : memref<5248x128xf32, #tpu.memory_space<vmem_shared>> -> memref<80x128xf32, #tpu.memory_space<vmem_shared>>
      tpu.wait_dma2 semaphore(%run_scoped3A_235 : memref<!tpu.dma_semaphore, #tpu.memory_space<semaphore_mem>>) src(%dma_wait3A_259 : memref<80x128xf32, #tpu.memory_space<vmem_shared>>) dst(%dma_wait3A_257 : memref<80x128xf32, #tpu.memory_space<vmem>>)
      tpu.yield
    }) : () -> ()
    %add3A_178 = arith.constant 240 : i32
    %add3A_179 = arith.addi %mul3A_14, %add3A_178 : i32
    %dma_start3A_180 = arith.constant 1 : i32
    %dma_start3A_181 = arith.constant 0 : i32
    %dma_start3A_182 = arith.constant 0 : i32
    %dma_start3A_183 = tpu.memref_slice %arg8[%dma_start3A_180, %dma_start3A_181, %dma_start3A_182] : memref<2x80x128xf32, #tpu.memory_space<vmem>> -> memref<1x80x128xf32, #tpu.memory_space<vmem>>
    %dma_start3A_184 = tpu.memref_squeeze %dma_start3A_183 : memref<1x80x128xf32, #tpu.memory_space<vmem>> -> memref<80x128xf32, #tpu.memory_space<vmem>>
    %dma_start3A_185 = arith.constant 0 : i32
    %dma_start3A_186 = tpu.memref_slice %arg5[%arg0, %add3A_179, %dma_start3A_185] : memref<2x5248x128xf32, #tpu.memory_space<hbm>> -> memref<1x80x128xf32, #tpu.memory_space<hbm>>
    %dma_start3A_187 = tpu.memref_squeeze %dma_start3A_186 : memref<1x80x128xf32, #tpu.memory_space<hbm>> -> memref<80x128xf32, #tpu.memory_space<hbm>>
    %dma_start3A_188 = arith.constant 0 : i32
    %dma_start3A_189 = tpu.memref_slice %arg5[%arg0, %add3A_179, %dma_start3A_188] : memref<2x5248x128xf32, #tpu.memory_space<hbm>> -> memref<1x80x128xf32, #tpu.memory_space<hbm>>
    %dma_start3A_190 = tpu.memref_squeeze %dma_start3A_189 : memref<1x80x128xf32, #tpu.memory_space<hbm>> -> memref<80x128xf32, #tpu.memory_space<hbm>>
    %dma_start3A_191 = arith.constant 0 : i32
    %dma_start3A_192 = arith.constant 0 : i32
    %dma_start3A_193 = tpu.memref_slice %arg8[%dma_start3A_180, %dma_start3A_191, %dma_start3A_192] : memref<2x80x128xf32, #tpu.memory_space<vmem>> -> memref<1x80x128xf32, #tpu.memory_space<vmem>>
    %dma_start3A_194 = tpu.memref_squeeze %dma_start3A_193 : memref<1x80x128xf32, #tpu.memory_space<vmem>> -> memref<80x128xf32, #tpu.memory_space<vmem>>
    tpu.enqueue_dma source(%dma_start3A_194 : memref<80x128xf32, #tpu.memory_space<vmem>>) target(%dma_start3A_190 : memref<80x128xf32, #tpu.memory_space<hbm>>) target_semaphore(%arg11 : memref<!tpu.dma_semaphore, #tpu.memory_space<semaphore_mem>>)
    %add3A_195 = arith.constant 160 : i32
    %add3A_196 = arith.addi %mul3A_14, %add3A_195 : i32
    %dma_wait3A_197 = arith.constant 0 : i32
    %dma_wait3A_198 = arith.constant 0 : i32
    %dma_wait3A_199 = arith.constant 0 : i32
    %dma_wait3A_200 = tpu.memref_slice %arg8[%dma_wait3A_197, %dma_wait3A_198, %dma_wait3A_199] : memref<2x80x128xf32, #tpu.memory_space<vmem>> -> memref<1x80x128xf32, #tpu.memory_space<vmem>>
    %dma_wait3A_201 = tpu.memref_squeeze %dma_wait3A_200 : memref<1x80x128xf32, #tpu.memory_space<vmem>> -> memref<80x128xf32, #tpu.memory_space<vmem>>
    %dma_wait3A_202 = arith.constant 0 : i32
    %dma_wait3A_203 = tpu.memref_slice %arg5[%arg0, %add3A_196, %dma_wait3A_202] : memref<2x5248x128xf32, #tpu.memory_space<hbm>> -> memref<1x80x128xf32, #tpu.memory_space<hbm>>
    %dma_wait3A_204 = tpu.memref_squeeze %dma_wait3A_203 : memref<1x80x128xf32, #tpu.memory_space<hbm>> -> memref<80x128xf32, #tpu.memory_space<hbm>>
    %dma_wait3A_205 = arith.constant 0 : i32
    %dma_wait3A_206 = tpu.memref_slice %arg5[%arg0, %add3A_196, %dma_wait3A_205] : memref<2x5248x128xf32, #tpu.memory_space<hbm>> -> memref<1x80x128xf32, #tpu.memory_space<hbm>>
    %dma_wait3A_207 = tpu.memref_squeeze %dma_wait3A_206 : memref<1x80x128xf32, #tpu.memory_space<hbm>> -> memref<80x128xf32, #tpu.memory_space<hbm>>
    %dma_wait3A_208 = arith.constant 0 : i32
    %dma_wait3A_209 = arith.constant 0 : i32
    %dma_wait3A_210 = tpu.memref_slice %arg8[%dma_wait3A_197, %dma_wait3A_208, %dma_wait3A_209] : memref<2x80x128xf32, #tpu.memory_space<vmem>> -> memref<1x80x128xf32, #tpu.memory_space<vmem>>
    %dma_wait3A_211 = tpu.memref_squeeze %dma_wait3A_210 : memref<1x80x128xf32, #tpu.memory_space<vmem>> -> memref<80x128xf32, #tpu.memory_space<vmem>>
    tpu.wait_dma2 semaphore(%arg10 : memref<!tpu.dma_semaphore, #tpu.memory_space<semaphore_mem>>) src(%dma_wait3A_211 : memref<80x128xf32, #tpu.memory_space<vmem>>) dst(%dma_wait3A_207 : memref<80x128xf32, #tpu.memory_space<hbm>>)
    %add3A_212 = arith.constant 320 : i32
    %add3A_213 = arith.addi %mul3A_14, %add3A_212 : i32
    %run_scoped3A_214 = arith.constant 0 : i32
    "tpu.region"() ({
      %run_scoped3A_235 = tpu.sem_alloc : memref<!tpu.dma_semaphore, #tpu.memory_space<semaphore_mem>>
      %dma_start3A_236 = arith.constant 0 : i32
      %dma_start3A_237 = arith.constant 0 : i32
      %dma_start3A_238 = tpu.memref_slice %arg8[%run_scoped3A_214, %dma_start3A_236, %dma_start3A_237] : memref<2x80x128xf32, #tpu.memory_space<vmem>> -> memref<1x8x128xf32, #tpu.memory_space<vmem>>
      %dma_start3A_239 = tpu.memref_squeeze %dma_start3A_238 : memref<1x8x128xf32, #tpu.memory_space<vmem>> -> memref<8x128xf32, #tpu.memory_space<vmem>>
      %dma_start3A_240 = arith.constant 0 : i32
      %dma_start3A_241 = tpu.memref_slice %arg9[%add3A_213, %dma_start3A_240] : memref<5248x128xf32, #tpu.memory_space<vmem_shared>> -> memref<8x128xf32, #tpu.memory_space<vmem_shared>>
      %dma_start3A_242 = arith.constant 0 : i32
      %dma_start3A_243 = arith.constant 0 : i32
      %dma_start3A_244 = tpu.memref_slice %arg8[%run_scoped3A_214, %dma_start3A_242, %dma_start3A_243] : memref<2x80x128xf32, #tpu.memory_space<vmem>> -> memref<1x8x128xf32, #tpu.memory_space<vmem>>
      %dma_start3A_245 = tpu.memref_squeeze %dma_start3A_244 : memref<1x8x128xf32, #tpu.memory_space<vmem>> -> memref<8x128xf32, #tpu.memory_space<vmem>>
      %dma_start3A_246 = arith.constant 0 : i32
      %dma_start3A_247 = tpu.memref_slice %arg9[%add3A_213, %dma_start3A_246] : memref<5248x128xf32, #tpu.memory_space<vmem_shared>> -> memref<8x128xf32, #tpu.memory_space<vmem_shared>>
      tpu.enqueue_dma source(%dma_start3A_247 : memref<8x128xf32, #tpu.memory_space<vmem_shared>>) target(%dma_start3A_245 : memref<8x128xf32, #tpu.memory_space<vmem>>) target_semaphore(%run_scoped3A_235 : memref<!tpu.dma_semaphore, #tpu.memory_space<semaphore_mem>>)
      %dma_wait3A_248 = arith.constant 0 : i32
      %dma_wait3A_249 = arith.constant 0 : i32
      %dma_wait3A_250 = tpu.memref_slice %arg8[%run_scoped3A_214, %dma_wait3A_248, %dma_wait3A_249] : memref<2x80x128xf32, #tpu.memory_space<vmem>> -> memref<1x8x128xf32, #tpu.memory_space<vmem>>
      %dma_wait3A_251 = tpu.memref_squeeze %dma_wait3A_250 : memref<1x8x128xf32, #tpu.memory_space<vmem>> -> memref<8x128xf32, #tpu.memory_space<vmem>>
      %dma_wait3A_252 = arith.constant 0 : i32
      %dma_wait3A_253 = tpu.memref_slice %arg9[%add3A_213, %dma_wait3A_252] : memref<5248x128xf32, #tpu.memory_space<vmem_shared>> -> memref<8x128xf32, #tpu.memory_space<vmem_shared>>
      %dma_wait3A_254 = arith.constant 0 : i32
      %dma_wait3A_255 = arith.constant 0 : i32
      %dma_wait3A_256 = tpu.memref_slice %arg8[%run_scoped3A_214, %dma_wait3A_254, %dma_wait3A_255] : memref<2x80x128xf32, #tpu.memory_space<vmem>> -> memref<1x8x128xf32, #tpu.memory_space<vmem>>
      %dma_wait3A_257 = tpu.memref_squeeze %dma_wait3A_256 : memref<1x8x128xf32, #tpu.memory_space<vmem>> -> memref<8x128xf32, #tpu.memory_space<vmem>>
      %dma_wait3A_258 = arith.constant 0 : i32
      %dma_wait3A_259 = tpu.memref_slice %arg9[%add3A_213, %dma_wait3A_258] : memref<5248x128xf32, #tpu.memory_space<vmem_shared>> -> memref<8x128xf32, #tpu.memory_space<vmem_shared>>
      tpu.wait_dma2 semaphore(%run_scoped3A_235 : memref<!tpu.dma_semaphore, #tpu.memory_space<semaphore_mem>>) src(%dma_wait3A_259 : memref<8x128xf32, #tpu.memory_space<vmem_shared>>) dst(%dma_wait3A_257 : memref<8x128xf32, #tpu.memory_space<vmem>>)
      tpu.yield
    }) : () -> ()
    %add3A_215 = arith.constant 320 : i32
    %add3A_216 = arith.addi %mul3A_14, %add3A_215 : i32
    %run_scoped3A_217 = arith.constant 0 : i32
    "tpu.region"() ({
      %run_scoped3A_235 = tpu.sem_alloc : memref<!tpu.dma_semaphore, #tpu.memory_space<semaphore_mem>>
      %dma_start3A_236 = arith.constant 0 : i32
      %dma_start3A_237 = arith.constant 0 : i32
      %dma_start3A_238 = tpu.memref_slice %arg8[%run_scoped3A_217, %dma_start3A_236, %dma_start3A_237] : memref<2x80x128xf32, #tpu.memory_space<vmem>> -> memref<1x8x128xf32, #tpu.memory_space<vmem>>
      %dma_start3A_239 = tpu.memref_squeeze %dma_start3A_238 : memref<1x8x128xf32, #tpu.memory_space<vmem>> -> memref<8x128xf32, #tpu.memory_space<vmem>>
      %dma_start3A_240 = arith.constant 0 : i32
      %dma_start3A_241 = tpu.memref_slice %arg5[%arg0, %add3A_216, %dma_start3A_240] : memref<2x5248x128xf32, #tpu.memory_space<hbm>> -> memref<1x8x128xf32, #tpu.memory_space<hbm>>
      %dma_start3A_242 = tpu.memref_squeeze %dma_start3A_241 : memref<1x8x128xf32, #tpu.memory_space<hbm>> -> memref<8x128xf32, #tpu.memory_space<hbm>>
      %dma_start3A_243 = arith.constant 0 : i32
      %dma_start3A_244 = tpu.memref_slice %arg5[%arg0, %add3A_216, %dma_start3A_243] : memref<2x5248x128xf32, #tpu.memory_space<hbm>> -> memref<1x8x128xf32, #tpu.memory_space<hbm>>
      %dma_start3A_245 = tpu.memref_squeeze %dma_start3A_244 : memref<1x8x128xf32, #tpu.memory_space<hbm>> -> memref<8x128xf32, #tpu.memory_space<hbm>>
      %dma_start3A_246 = arith.constant 0 : i32
      %dma_start3A_247 = arith.constant 0 : i32
      %dma_start3A_248 = tpu.memref_slice %arg8[%run_scoped3A_217, %dma_start3A_246, %dma_start3A_247] : memref<2x80x128xf32, #tpu.memory_space<vmem>> -> memref<1x8x128xf32, #tpu.memory_space<vmem>>
      %dma_start3A_249 = tpu.memref_squeeze %dma_start3A_248 : memref<1x8x128xf32, #tpu.memory_space<vmem>> -> memref<8x128xf32, #tpu.memory_space<vmem>>
      tpu.enqueue_dma source(%dma_start3A_249 : memref<8x128xf32, #tpu.memory_space<vmem>>) target(%dma_start3A_245 : memref<8x128xf32, #tpu.memory_space<hbm>>) target_semaphore(%run_scoped3A_235 : memref<!tpu.dma_semaphore, #tpu.memory_space<semaphore_mem>>)
      %dma_wait3A_250 = arith.constant 0 : i32
      %dma_wait3A_251 = arith.constant 0 : i32
      %dma_wait3A_252 = tpu.memref_slice %arg8[%run_scoped3A_217, %dma_wait3A_250, %dma_wait3A_251] : memref<2x80x128xf32, #tpu.memory_space<vmem>> -> memref<1x8x128xf32, #tpu.memory_space<vmem>>
      %dma_wait3A_253 = tpu.memref_squeeze %dma_wait3A_252 : memref<1x8x128xf32, #tpu.memory_space<vmem>> -> memref<8x128xf32, #tpu.memory_space<vmem>>
      %dma_wait3A_254 = arith.constant 0 : i32
      %dma_wait3A_255 = tpu.memref_slice %arg5[%arg0, %add3A_216, %dma_wait3A_254] : memref<2x5248x128xf32, #tpu.memory_space<hbm>> -> memref<1x8x128xf32, #tpu.memory_space<hbm>>
      %dma_wait3A_256 = tpu.memref_squeeze %dma_wait3A_255 : memref<1x8x128xf32, #tpu.memory_space<hbm>> -> memref<8x128xf32, #tpu.memory_space<hbm>>
      %dma_wait3A_257 = arith.constant 0 : i32
      %dma_wait3A_258 = tpu.memref_slice %arg5[%arg0, %add3A_216, %dma_wait3A_257] : memref<2x5248x128xf32, #tpu.memory_space<hbm>> -> memref<1x8x128xf32, #tpu.memory_space<hbm>>
      %dma_wait3A_259 = tpu.memref_squeeze %dma_wait3A_258 : memref<1x8x128xf32, #tpu.memory_space<hbm>> -> memref<8x128xf32, #tpu.memory_space<hbm>>
      %dma_wait3A_260 = arith.constant 0 : i32
      %dma_wait3A_261 = arith.constant 0 : i32
      %dma_wait3A_262 = tpu.memref_slice %arg8[%run_scoped3A_217, %dma_wait3A_260, %dma_wait3A_261] : memref<2x80x128xf32, #tpu.memory_space<vmem>> -> memref<1x8x128xf32, #tpu.memory_space<vmem>>
      %dma_wait3A_263 = tpu.memref_squeeze %dma_wait3A_262 : memref<1x8x128xf32, #tpu.memory_space<vmem>> -> memref<8x128xf32, #tpu.memory_space<vmem>>
      tpu.wait_dma2 semaphore(%run_scoped3A_235 : memref<!tpu.dma_semaphore, #tpu.memory_space<semaphore_mem>>) src(%dma_wait3A_263 : memref<8x128xf32, #tpu.memory_space<vmem>>) dst(%dma_wait3A_259 : memref<8x128xf32, #tpu.memory_space<hbm>>)
      tpu.yield
    }) : () -> ()
    %add3A_218 = arith.constant 240 : i32
    %add3A_219 = arith.addi %mul3A_14, %add3A_218 : i32
    %dma_wait3A_220 = arith.constant 1 : i32
    %dma_wait3A_221 = arith.constant 0 : i32
    %dma_wait3A_222 = arith.constant 0 : i32
    %dma_wait3A_223 = tpu.memref_slice %arg8[%dma_wait3A_220, %dma_wait3A_221, %dma_wait3A_222] : memref<2x80x128xf32, #tpu.memory_space<vmem>> -> memref<1x80x128xf32, #tpu.memory_space<vmem>>
    %dma_wait3A_224 = tpu.memref_squeeze %dma_wait3A_223 : memref<1x80x128xf32, #tpu.memory_space<vmem>> -> memref<80x128xf32, #tpu.memory_space<vmem>>
    %dma_wait3A_225 = arith.constant 0 : i32
    %dma_wait3A_226 = tpu.memref_slice %arg5[%arg0, %add3A_219, %dma_wait3A_225] : memref<2x5248x128xf32, #tpu.memory_space<hbm>> -> memref<1x80x128xf32, #tpu.memory_space<hbm>>
    %dma_wait3A_227 = tpu.memref_squeeze %dma_wait3A_226 : memref<1x80x128xf32, #tpu.memory_space<hbm>> -> memref<80x128xf32, #tpu.memory_space<hbm>>
    %dma_wait3A_228 = arith.constant 0 : i32
    %dma_wait3A_229 = tpu.memref_slice %arg5[%arg0, %add3A_219, %dma_wait3A_228] : memref<2x5248x128xf32, #tpu.memory_space<hbm>> -> memref<1x80x128xf32, #tpu.memory_space<hbm>>
    %dma_wait3A_230 = tpu.memref_squeeze %dma_wait3A_229 : memref<1x80x128xf32, #tpu.memory_space<hbm>> -> memref<80x128xf32, #tpu.memory_space<hbm>>
    %dma_wait3A_231 = arith.constant 0 : i32
    %dma_wait3A_232 = arith.constant 0 : i32
    %dma_wait3A_233 = tpu.memref_slice %arg8[%dma_wait3A_220, %dma_wait3A_231, %dma_wait3A_232] : memref<2x80x128xf32, #tpu.memory_space<vmem>> -> memref<1x80x128xf32, #tpu.memory_space<vmem>>
    %dma_wait3A_234 = tpu.memref_squeeze %dma_wait3A_233 : memref<1x80x128xf32, #tpu.memory_space<vmem>> -> memref<80x128xf32, #tpu.memory_space<vmem>>
    tpu.wait_dma2 semaphore(%arg11 : memref<!tpu.dma_semaphore, #tpu.memory_space<semaphore_mem>>) src(%dma_wait3A_234 : memref<80x128xf32, #tpu.memory_space<vmem>>) dst(%dma_wait3A_230 : memref<80x128xf32, #tpu.memory_space<hbm>>)
    return
  }
}

#map = affine_map<(d0, d1) -> (0, 0)>
#map1 = affine_map<(d0, d1) -> (0, 0, 0)>
module attributes {stable_mosaic.version = 14 : i64} {
  func.func @_sc_scatter(%arg0: i32, %arg1: i32, %arg2: memref<10000x128xf32, #tpu.memory_space<hbm>>, %arg3: memref<16x252x80xi32, #tpu.memory_space<hbm>>, %arg4: memref<16x252x80xi32, #tpu.memory_space<hbm>>, %arg5: memref<2x5248x128xf32, #tpu.memory_space<hbm>>, %arg6: memref<252x80xi32, #tpu.memory_space<vmem>>, %arg7: memref<252x80xi32, #tpu.memory_space<vmem>>, %arg8: memref<2x80x128xf32, #tpu.memory_space<vmem>>, %arg9: memref<5248x128xf32, #tpu.memory_space<vmem_shared>>, %arg10: memref<!tpu.dma_semaphore, #tpu.memory_space<semaphore_mem>>, %arg11: memref<!tpu.dma_semaphore, #tpu.memory_space<semaphore_mem>>) attributes {dimension_semantics = [#tpu.dimension_semantics<core_parallel>, #tpu.dimension_semantics<subcore_parallel>], iteration_bounds = array<i64: 2, 16>, scalar_prefetch = 0 : i64, scratch_operands = 6 : i64, tpu.core_type = #tpu.core_type<sc_vector_subcore>, window_params = [{transform_indices = #map}, {transform_indices = #map1}, {transform_indices = #map1}, {transform_indices = #map1}]} {
    "tpu.region"() ({
      %run_scoped3A_235 = tpu.sem_alloc : memref<!tpu.dma_semaphore, #tpu.memory_space<semaphore_mem>>
      %dma_start3A_236 = arith.constant 0 : i32
      %dma_start3A_237 = arith.constant 0 : i32
      %dma_start3A_238 = tpu.memref_slice %arg3[%arg1, %dma_start3A_236, %dma_start3A_237] : memref<16x252x80xi32, #tpu.memory_space<hbm>> -> memref<1x252x80xi32, #tpu.memory_space<hbm>>
      %dma_start3A_239 = tpu.memref_squeeze %dma_start3A_238 : memref<1x252x80xi32, #tpu.memory_space<hbm>> -> memref<252x80xi32, #tpu.memory_space<hbm>>
      %dma_start3A_240 = arith.constant 0 : i32
      %dma_start3A_241 = arith.constant 0 : i32
      %dma_start3A_242 = tpu.memref_slice %arg3[%arg1, %dma_start3A_240, %dma_start3A_241] : memref<16x252x80xi32, #tpu.memory_space<hbm>> -> memref<1x252x80xi32, #tpu.memory_space<hbm>>
      %dma_start3A_243 = tpu.memref_squeeze %dma_start3A_242 : memref<1x252x80xi32, #tpu.memory_space<hbm>> -> memref<252x80xi32, #tpu.memory_space<hbm>>
      tpu.enqueue_dma source(%dma_start3A_243 : memref<252x80xi32, #tpu.memory_space<hbm>>) target(%arg6 : memref<252x80xi32, #tpu.memory_space<vmem>>) target_semaphore(%run_scoped3A_235 : memref<!tpu.dma_semaphore, #tpu.memory_space<semaphore_mem>>)
      %dma_wait3A_244 = arith.constant 0 : i32
      %dma_wait3A_245 = arith.constant 0 : i32
      %dma_wait3A_246 = tpu.memref_slice %arg3[%arg1, %dma_wait3A_244, %dma_wait3A_245] : memref<16x252x80xi32, #tpu.memory_space<hbm>> -> memref<1x252x80xi32, #tpu.memory_space<hbm>>
      %dma_wait3A_247 = tpu.memref_squeeze %dma_wait3A_246 : memref<1x252x80xi32, #tpu.memory_space<hbm>> -> memref<252x80xi32, #tpu.memory_space<hbm>>
      %dma_wait3A_248 = arith.constant 0 : i32
      %dma_wait3A_249 = arith.constant 0 : i32
      %dma_wait3A_250 = tpu.memref_slice %arg3[%arg1, %dma_wait3A_248, %dma_wait3A_249] : memref<16x252x80xi32, #tpu.memory_space<hbm>> -> memref<1x252x80xi32, #tpu.memory_space<hbm>>
      %dma_wait3A_251 = tpu.memref_squeeze %dma_wait3A_250 : memref<1x252x80xi32, #tpu.memory_space<hbm>> -> memref<252x80xi32, #tpu.memory_space<hbm>>
      tpu.wait_dma2 semaphore(%run_scoped3A_235 : memref<!tpu.dma_semaphore, #tpu.memory_space<semaphore_mem>>) src(%dma_wait3A_251 : memref<252x80xi32, #tpu.memory_space<hbm>>) dst(%arg6 : memref<252x80xi32, #tpu.memory_space<vmem>>)
      tpu.yield
    }) : () -> ()
    "tpu.region"() ({
      %run_scoped3A_235 = tpu.sem_alloc : memref<!tpu.dma_semaphore, #tpu.memory_space<semaphore_mem>>
      %dma_start3A_236 = arith.constant 0 : i32
      %dma_start3A_237 = arith.constant 0 : i32
      %dma_start3A_238 = tpu.memref_slice %arg4[%arg1, %dma_start3A_236, %dma_start3A_237] : memref<16x252x80xi32, #tpu.memory_space<hbm>> -> memref<1x252x80xi32, #tpu.memory_space<hbm>>
      %dma_start3A_239 = tpu.memref_squeeze %dma_start3A_238 : memref<1x252x80xi32, #tpu.memory_space<hbm>> -> memref<252x80xi32, #tpu.memory_space<hbm>>
      %dma_start3A_240 = arith.constant 0 : i32
      %dma_start3A_241 = arith.constant 0 : i32
      %dma_start3A_242 = tpu.memref_slice %arg4[%arg1, %dma_start3A_240, %dma_start3A_241] : memref<16x252x80xi32, #tpu.memory_space<hbm>> -> memref<1x252x80xi32, #tpu.memory_space<hbm>>
      %dma_start3A_243 = tpu.memref_squeeze %dma_start3A_242 : memref<1x252x80xi32, #tpu.memory_space<hbm>> -> memref<252x80xi32, #tpu.memory_space<hbm>>
      tpu.enqueue_dma source(%dma_start3A_243 : memref<252x80xi32, #tpu.memory_space<hbm>>) target(%arg7 : memref<252x80xi32, #tpu.memory_space<vmem>>) target_semaphore(%run_scoped3A_235 : memref<!tpu.dma_semaphore, #tpu.memory_space<semaphore_mem>>)
      %dma_wait3A_244 = arith.constant 0 : i32
      %dma_wait3A_245 = arith.constant 0 : i32
      %dma_wait3A_246 = tpu.memref_slice %arg4[%arg1, %dma_wait3A_244, %dma_wait3A_245] : memref<16x252x80xi32, #tpu.memory_space<hbm>> -> memref<1x252x80xi32, #tpu.memory_space<hbm>>
      %dma_wait3A_247 = tpu.memref_squeeze %dma_wait3A_246 : memref<1x252x80xi32, #tpu.memory_space<hbm>> -> memref<252x80xi32, #tpu.memory_space<hbm>>
      %dma_wait3A_248 = arith.constant 0 : i32
      %dma_wait3A_249 = arith.constant 0 : i32
      %dma_wait3A_250 = tpu.memref_slice %arg4[%arg1, %dma_wait3A_248, %dma_wait3A_249] : memref<16x252x80xi32, #tpu.memory_space<hbm>> -> memref<1x252x80xi32, #tpu.memory_space<hbm>>
      %dma_wait3A_251 = tpu.memref_squeeze %dma_wait3A_250 : memref<1x252x80xi32, #tpu.memory_space<hbm>> -> memref<252x80xi32, #tpu.memory_space<hbm>>
      tpu.wait_dma2 semaphore(%run_scoped3A_235 : memref<!tpu.dma_semaphore, #tpu.memory_space<semaphore_mem>>) src(%dma_wait3A_251 : memref<252x80xi32, #tpu.memory_space<hbm>>) dst(%arg7 : memref<252x80xi32, #tpu.memory_space<vmem>>)
      tpu.yield
    }) : () -> ()
    %mul3A = arith.constant 5120 : i32
    %mul3A_0 = arith.muli %arg0, %mul3A : i32
    %scan3A = arith.constant 0 : i32
    %scan3A_1 = arith.constant 0 : i32
    %scan3A_2 = arith.constant 1260 : i32
    %scan3A_3 = arith.addi %scan3A_1, %scan3A_2 : i32
    %scan3A_4 = arith.constant 1 : i32
    scf.for %scan3A_235 = %scan3A_1 to %scan3A_3 step %scan3A_4  : i32 {
      %jit3A = arith.constant 5 : i32
      %div3A = arith.divsi %scan3A_235, %jit3A : i32
      %sign3A = arith.constant 0 : i32
      %sign3A_236 = arith.cmpi sgt, %scan3A_235, %sign3A : i32
      %sign3A_237 = arith.extui %sign3A_236 : i1 to i32
      %sign3A_238 = arith.constant 0 : i32
      %sign3A_239 = arith.cmpi slt, %scan3A_235, %sign3A_238 : i32
      %sign3A_240 = arith.extui %sign3A_239 : i1 to i32
      %sign3A_241 = arith.subi %sign3A_237, %sign3A_240 : i32
      %sign3A_242 = arith.constant 0 : i32
      %sign3A_243 = arith.cmpi sgt, %jit3A, %sign3A_242 : i32
      %sign3A_244 = arith.extui %sign3A_243 : i1 to i32
      %sign3A_245 = arith.constant 0 : i32
      %sign3A_246 = arith.cmpi slt, %jit3A, %sign3A_245 : i32
      %sign3A_247 = arith.extui %sign3A_246 : i1 to i32
      %sign3A_248 = arith.subi %sign3A_244, %sign3A_247 : i32
      %ne3A = arith.cmpi ne, %sign3A_241, %sign3A_248 : i32
      %rem3A = arith.remsi %scan3A_235, %jit3A : i32
      %ne3A_249 = arith.constant 0 : i32
      %ne3A_250 = arith.cmpi ne, %rem3A, %ne3A_249 : i32
      %and3A = arith.andi %ne3A, %ne3A_250 : i1
      %sub3A = arith.constant 1 : i32
      %sub3A_251 = arith.subi %div3A, %sub3A : i32
      %select_n3A = arith.select %and3A, %sub3A_251, %div3A : i32
      %jit3A_252 = arith.constant 5 : i32
      %eq3A = arith.constant 0 : i32
      %eq3A_253 = arith.cmpi eq, %jit3A_252, %eq3A : i32
      %jit3A_254 = arith.constant 1 : i32
      %select_n3A_255 = arith.select %eq3A_253, %jit3A_254, %jit3A_252 : i32
      %rem3A_256 = arith.remsi %scan3A_235, %select_n3A_255 : i32
      %ne3A_257 = arith.constant 0 : i32
      %ne3A_258 = arith.cmpi ne, %rem3A_256, %ne3A_257 : i32
      %lt3A = arith.constant 0 : i32
      %lt3A_259 = arith.cmpi slt, %rem3A_256, %lt3A : i32
      %lt3A_260 = arith.constant 0 : i32
      %lt3A_261 = arith.cmpi slt, %select_n3A_255, %lt3A_260 : i32
      %ne3A_262 = arith.xori %lt3A_259, %lt3A_261 : i1
      %and3A_263 = arith.andi %ne3A_262, %ne3A_258 : i1
      %add3A_264 = arith.addi %rem3A_256, %select_n3A_255 : i32
      %select_n3A_265 = arith.select %and3A_263, %add3A_264, %rem3A_256 : i32
      %mul3A_266 = arith.constant 16 : i32
      %mul3A_267 = arith.muli %select_n3A_265, %mul3A_266 : i32
      %get3A = arith.index_cast %select_n3A : i32 to index
      %get3A_268 = arith.index_cast %mul3A_267 : i32 to index
      %get3A_269 = tpu.vector_load %arg7[%get3A, %get3A_268] {strides = array<i32>} : memref<252x80xi32, #tpu.memory_space<vmem>>, vector<1x16xi32>,
      %get3A_270 = vector.shape_cast %get3A_269 : vector<1x16xi32> to vector<16xi32>
      %sub3A_271 = vector.broadcast %mul3A_0 : i32 to vector<16xi32>
      %sub3A_272 = arith.subi %get3A_270, %sub3A_271 : vector<16xi32>
      %lt3A_273 = arith.constant 0 : i32
      %lt3A_274 = vector.broadcast %lt3A_273 : i32 to vector<16xi32>
      %lt3A_275 = arith.cmpi slt, %sub3A_272, %lt3A_274 : vector<16xi32>
      %ge3A = arith.constant 5120 : i32
      %ge3A_276 = vector.broadcast %ge3A : i32 to vector<16xi32>
      %ge3A_277 = arith.cmpi sge, %sub3A_272, %ge3A_276 : vector<16xi32>
      %or3A = arith.ori %lt3A_275, %ge3A_277 : vector<16xi1>
      %and3A_278 = arith.constant 63 : i32
      %and3A_279 = vector.broadcast %and3A_278 : i32 to vector<16xi32>
      %and3A_280 = arith.andi %sub3A_272, %and3A_279 : vector<16xi32>
      %add3A_281 = arith.constant 5120 : i32
      %add3A_282 = vector.broadcast %add3A_281 : i32 to vector<16xi32>
      %add3A_283 = arith.addi %add3A_282, %and3A_280 : vector<16xi32>
      %select_n3A_284 = arith.select %or3A, %add3A_283, %sub3A_272 : vector<16xi1>, vector<16xi32>
      %jit3A_285 = arith.constant 5 : i32
      %div3A_286 = arith.divsi %scan3A_235, %jit3A_285 : i32
      %sign3A_287 = arith.constant 0 : i32
      %sign3A_288 = arith.cmpi sgt, %scan3A_235, %sign3A_287 : i32
      %sign3A_289 = arith.extui %sign3A_288 : i1 to i32
      %sign3A_290 = arith.constant 0 : i32
      %sign3A_291 = arith.cmpi slt, %scan3A_235, %sign3A_290 : i32
      %sign3A_292 = arith.extui %sign3A_291 : i1 to i32
      %sign3A_293 = arith.subi %sign3A_289, %sign3A_292 : i32
      %sign3A_294 = arith.constant 0 : i32
      %sign3A_295 = arith.cmpi sgt, %jit3A_285, %sign3A_294 : i32
      %sign3A_296 = arith.extui %sign3A_295 : i1 to i32
      %sign3A_297 = arith.constant 0 : i32
      %sign3A_298 = arith.cmpi slt, %jit3A_285, %sign3A_297 : i32
      %sign3A_299 = arith.extui %sign3A_298 : i1 to i32
      %sign3A_300 = arith.subi %sign3A_296, %sign3A_299 : i32
      %ne3A_301 = arith.cmpi ne, %sign3A_293, %sign3A_300 : i32
      %rem3A_302 = arith.remsi %scan3A_235, %jit3A_285 : i32
      %ne3A_303 = arith.constant 0 : i32
      %ne3A_304 = arith.cmpi ne, %rem3A_302, %ne3A_303 : i32
      %and3A_305 = arith.andi %ne3A_301, %ne3A_304 : i1
      %sub3A_306 = arith.constant 1 : i32
      %sub3A_307 = arith.subi %div3A_286, %sub3A_306 : i32
      %select_n3A_308 = arith.select %and3A_305, %sub3A_307, %div3A_286 : i32
      %jit3A_309 = arith.constant 5 : i32
      %eq3A_310 = arith.constant 0 : i32
      %eq3A_311 = arith.cmpi eq, %jit3A_309, %eq3A_310 : i32
      %jit3A_312 = arith.constant 1 : i32
      %select_n3A_313 = arith.select %eq3A_311, %jit3A_312, %jit3A_309 : i32
      %rem3A_314 = arith.remsi %scan3A_235, %select_n3A_313 : i32
      %ne3A_315 = arith.constant 0 : i32
      %ne3A_316 = arith.cmpi ne, %rem3A_314, %ne3A_315 : i32
      %lt3A_317 = arith.constant 0 : i32
      %lt3A_318 = arith.cmpi slt, %rem3A_314, %lt3A_317 : i32
      %lt3A_319 = arith.constant 0 : i32
      %lt3A_320 = arith.cmpi slt, %select_n3A_313, %lt3A_319 : i32
      %ne3A_321 = arith.xori %lt3A_318, %lt3A_320 : i1
      %and3A_322 = arith.andi %ne3A_321, %ne3A_316 : i1
      %add3A_323 = arith.addi %rem3A_314, %select_n3A_313 : i32
      %select_n3A_324 = arith.select %and3A_322, %add3A_323, %rem3A_314 : i32
      %mul3A_325 = arith.constant 16 : i32
      %mul3A_326 = arith.muli %select_n3A_324, %mul3A_325 : i32
      %swap3A = arith.index_cast %select_n3A_308 : i32 to index
      %swap3A_327 = arith.index_cast %mul3A_326 : i32 to index
      %swap3A_328 = tpu.vector_load %arg7[%swap3A, %swap3A_327] {strides = array<i32>} : memref<252x80xi32, #tpu.memory_space<vmem>>, vector<1x16xi32>,
      %swap3A_329 = vector.shape_cast %swap3A_328 : vector<1x16xi32> to vector<16xi32>
      %swap3A_330 = vector.shape_cast %select_n3A_284 : vector<16xi32> to vector<1x16xi32>
      tpu.vector_store %arg7[%swap3A, %swap3A_327], %swap3A_330 {strides = array<i32>} : memref<252x80xi32, #tpu.memory_space<vmem>>, vector<1x16xi32>,
    }
    %scan3A_5 = arith.constant 1260 : i32
    %broadcast_in_dim3A = arith.constant 0.000000e+00 : f32
    %broadcast_in_dim3A_6 = vector.broadcast %broadcast_in_dim3A : f32 to vector<16xf32>
    %scan3A_7 = arith.constant 0 : i32
    %scan3A_8 = arith.constant 0 : i32
    %scan3A_9 = arith.constant 640 : i32
    %scan3A_10 = arith.addi %scan3A_8, %scan3A_9 : i32
    %scan3A_11 = arith.constant 1 : i32
    scf.for %scan3A_235 = %scan3A_8 to %scan3A_10 step %scan3A_11  : i32 {
      %jit3A = arith.constant 8 : i32
      %div3A = arith.divsi %scan3A_235, %jit3A : i32
      %sign3A = arith.constant 0 : i32
      %sign3A_236 = arith.cmpi sgt, %scan3A_235, %sign3A : i32
      %sign3A_237 = arith.extui %sign3A_236 : i1 to i32
      %sign3A_238 = arith.constant 0 : i32
      %sign3A_239 = arith.cmpi slt, %scan3A_235, %sign3A_238 : i32
      %sign3A_240 = arith.extui %sign3A_239 : i1 to i32
      %sign3A_241 = arith.subi %sign3A_237, %sign3A_240 : i32
      %sign3A_242 = arith.constant 0 : i32
      %sign3A_243 = arith.cmpi sgt, %jit3A, %sign3A_242 : i32
      %sign3A_244 = arith.extui %sign3A_243 : i1 to i32
      %sign3A_245 = arith.constant 0 : i32
      %sign3A_246 = arith.cmpi slt, %jit3A, %sign3A_245 : i32
      %sign3A_247 = arith.extui %sign3A_246 : i1 to i32
      %sign3A_248 = arith.subi %sign3A_244, %sign3A_247 : i32
      %ne3A = arith.cmpi ne, %sign3A_241, %sign3A_248 : i32
      %rem3A = arith.remsi %scan3A_235, %jit3A : i32
      %ne3A_249 = arith.constant 0 : i32
      %ne3A_250 = arith.cmpi ne, %rem3A, %ne3A_249 : i32
      %and3A = arith.andi %ne3A, %ne3A_250 : i1
      %sub3A = arith.constant 1 : i32
      %sub3A_251 = arith.subi %div3A, %sub3A : i32
      %select_n3A = arith.select %and3A, %sub3A_251, %div3A : i32
      %jit3A_252 = arith.constant 8 : i32
      %eq3A = arith.constant 0 : i32
      %eq3A_253 = arith.cmpi eq, %jit3A_252, %eq3A : i32
      %jit3A_254 = arith.constant 1 : i32
      %select_n3A_255 = arith.select %eq3A_253, %jit3A_254, %jit3A_252 : i32
      %rem3A_256 = arith.remsi %scan3A_235, %select_n3A_255 : i32
      %ne3A_257 = arith.constant 0 : i32
      %ne3A_258 = arith.cmpi ne, %rem3A_256, %ne3A_257 : i32
      %lt3A = arith.constant 0 : i32
      %lt3A_259 = arith.cmpi slt, %rem3A_256, %lt3A : i32
      %lt3A_260 = arith.constant 0 : i32
      %lt3A_261 = arith.cmpi slt, %select_n3A_255, %lt3A_260 : i32
      %ne3A_262 = arith.xori %lt3A_259, %lt3A_261 : i1
      %and3A_263 = arith.andi %ne3A_262, %ne3A_258 : i1
      %add3A_264 = arith.addi %rem3A_256, %select_n3A_255 : i32
      %select_n3A_265 = arith.select %and3A_263, %add3A_264, %rem3A_256 : i32
      %mul3A_266 = arith.constant 16 : i32
      %mul3A_267 = arith.muli %select_n3A_265, %mul3A_266 : i32
      %swap3A = arith.constant 0 : i32
      %swap3A_268 = arith.index_cast %swap3A : i32 to index
      %swap3A_269 = arith.index_cast %select_n3A : i32 to index
      %swap3A_270 = arith.index_cast %mul3A_267 : i32 to index
      %swap3A_271 = tpu.vector_load %arg8[%swap3A_268, %swap3A_269, %swap3A_270] {strides = array<i32>} : memref<2x80x128xf32, #tpu.memory_space<vmem>>, vector<1x1x16xf32>,
      %swap3A_272 = vector.shape_cast %swap3A_271 : vector<1x1x16xf32> to vector<16xf32>
      %swap3A_273 = vector.shape_cast %broadcast_in_dim3A_6 : vector<16xf32> to vector<1x1x16xf32>
      tpu.vector_store %arg8[%swap3A_268, %swap3A_269, %swap3A_270], %swap3A_273 {strides = array<i32>} : memref<2x80x128xf32, #tpu.memory_space<vmem>>, vector<1x1x16xf32>,
    }
    %scan3A_12 = arith.constant 640 : i32
    %mul3A_13 = arith.constant 328 : i32
    %mul3A_14 = arith.muli %arg1, %mul3A_13 : i32
    %add3A = arith.constant 0 : i32
    %add3A_15 = arith.addi %mul3A_14, %add3A : i32
    %run_scoped3A = arith.constant 0 : i32
    "tpu.region"() ({
      %run_scoped3A_235 = tpu.sem_alloc : memref<!tpu.dma_semaphore, #tpu.memory_space<semaphore_mem>>
      %dma_start3A_236 = arith.constant 0 : i32
      %dma_start3A_237 = arith.constant 0 : i32
      %dma_start3A_238 = tpu.memref_slice %arg8[%run_scoped3A, %dma_start3A_236, %dma_start3A_237] : memref<2x80x128xf32, #tpu.memory_space<vmem>> -> memref<1x80x128xf32, #tpu.memory_space<vmem>>
      %dma_start3A_239 = tpu.memref_squeeze %dma_start3A_238 : memref<1x80x128xf32, #tpu.memory_space<vmem>> -> memref<80x128xf32, #tpu.memory_space<vmem>>
      %dma_start3A_240 = arith.constant 0 : i32
      %dma_start3A_241 = tpu.memref_slice %arg9[%add3A_15, %dma_start3A_240] : memref<5248x128xf32, #tpu.memory_space<vmem_shared>> -> memref<80x128xf32, #tpu.memory_space<vmem_shared>>
      %dma_start3A_242 = arith.constant 0 : i32
      %dma_start3A_243 = tpu.memref_slice %arg9[%add3A_15, %dma_start3A_242] : memref<5248x128xf32, #tpu.memory_space<vmem_shared>> -> memref<80x128xf32, #tpu.memory_space<vmem_shared>>
      %dma_start3A_244 = arith.constant 0 : i32
      %dma_start3A_245 = arith.constant 0 : i32
      %dma_start3A_246 = tpu.memref_slice %arg8[%run_scoped3A, %dma_start3A_244, %dma_start3A_245] : memref<2x80x128xf32, #tpu.memory_space<vmem>> -> memref<1x80x128xf32, #tpu.memory_space<vmem>>
      %dma_start3A_247 = tpu.memref_squeeze %dma_start3A_246 : memref<1x80x128xf32, #tpu.memory_space<vmem>> -> memref<80x128xf32, #tpu.memory_space<vmem>>
      tpu.enqueue_dma source(%dma_start3A_247 : memref<80x128xf32, #tpu.memory_space<vmem>>) target(%dma_start3A_243 : memref<80x128xf32, #tpu.memory_space<vmem_shared>>) target_semaphore(%run_scoped3A_235 : memref<!tpu.dma_semaphore, #tpu.memory_space<semaphore_mem>>)
      %dma_wait3A_248 = arith.constant 0 : i32
      %dma_wait3A_249 = arith.constant 0 : i32
      %dma_wait3A_250 = tpu.memref_slice %arg8[%run_scoped3A, %dma_wait3A_248, %dma_wait3A_249] : memref<2x80x128xf32, #tpu.memory_space<vmem>> -> memref<1x80x128xf32, #tpu.memory_space<vmem>>
      %dma_wait3A_251 = tpu.memref_squeeze %dma_wait3A_250 : memref<1x80x128xf32, #tpu.memory_space<vmem>> -> memref<80x128xf32, #tpu.memory_space<vmem>>
      %dma_wait3A_252 = arith.constant 0 : i32
      %dma_wait3A_253 = tpu.memref_slice %arg9[%add3A_15, %dma_wait3A_252] : memref<5248x128xf32, #tpu.memory_space<vmem_shared>> -> memref<80x128xf32, #tpu.memory_space<vmem_shared>>
      %dma_wait3A_254 = arith.constant 0 : i32
      %dma_wait3A_255 = tpu.memref_slice %arg9[%add3A_15, %dma_wait3A_254] : memref<5248x128xf32, #tpu.memory_space<vmem_shared>> -> memref<80x128xf32, #tpu.memory_space<vmem_shared>>
      %dma_wait3A_256 = arith.constant 0 : i32
      %dma_wait3A_257 = arith.constant 0 : i32
      %dma_wait3A_258 = tpu.memref_slice %arg8[%run_scoped3A, %dma_wait3A_256, %dma_wait3A_257] : memref<2x80x128xf32, #tpu.memory_space<vmem>> -> memref<1x80x128xf32, #tpu.memory_space<vmem>>
      %dma_wait3A_259 = tpu.memref_squeeze %dma_wait3A_258 : memref<1x80x128xf32, #tpu.memory_space<vmem>> -> memref<80x128xf32, #tpu.memory_space<vmem>>
      tpu.wait_dma2 semaphore(%run_scoped3A_235 : memref<!tpu.dma_semaphore, #tpu.memory_space<semaphore_mem>>) src(%dma_wait3A_259 : memref<80x128xf32, #tpu.memory_space<vmem>>) dst(%dma_wait3A_255 : memref<80x128xf32, #tpu.memory_space<vmem_shared>>)
      tpu.yield
    }) : () -> ()
    %add3A_16 = arith.constant 80 : i32
    %add3A_17 = arith.addi %mul3A_14, %add3A_16 : i32
    %run_scoped3A_18 = arith.constant 0 : i32
    "tpu.region"() ({
      %run_scoped3A_235 = tpu.sem_alloc : memref<!tpu.dma_semaphore, #tpu.memory_space<semaphore_mem>>
      %dma_start3A_236 = arith.constant 0 : i32
      %dma_start3A_237 = arith.constant 0 : i32
      %dma_start3A_238 = tpu.memref_slice %arg8[%run_scoped3A_18, %dma_start3A_236, %dma_start3A_237] : memref<2x80x128xf32, #tpu.memory_space<vmem>> -> memref<1x80x128xf32, #tpu.memory_space<vmem>>
      %dma_start3A_239 = tpu.memref_squeeze %dma_start3A_238 : memref<1x80x128xf32, #tpu.memory_space<vmem>> -> memref<80x128xf32, #tpu.memory_space<vmem>>
      %dma_start3A_240 = arith.constant 0 : i32
      %dma_start3A_241 = tpu.memref_slice %arg9[%add3A_17, %dma_start3A_240] : memref<5248x128xf32, #tpu.memory_space<vmem_shared>> -> memref<80x128xf32, #tpu.memory_space<vmem_shared>>
      %dma_start3A_242 = arith.constant 0 : i32
      %dma_start3A_243 = tpu.memref_slice %arg9[%add3A_17, %dma_start3A_242] : memref<5248x128xf32, #tpu.memory_space<vmem_shared>> -> memref<80x128xf32, #tpu.memory_space<vmem_shared>>
      %dma_start3A_244 = arith.constant 0 : i32
      %dma_start3A_245 = arith.constant 0 : i32
      %dma_start3A_246 = tpu.memref_slice %arg8[%run_scoped3A_18, %dma_start3A_244, %dma_start3A_245] : memref<2x80x128xf32, #tpu.memory_space<vmem>> -> memref<1x80x128xf32, #tpu.memory_space<vmem>>
      %dma_start3A_247 = tpu.memref_squeeze %dma_start3A_246 : memref<1x80x128xf32, #tpu.memory_space<vmem>> -> memref<80x128xf32, #tpu.memory_space<vmem>>
      tpu.enqueue_dma source(%dma_start3A_247 : memref<80x128xf32, #tpu.memory_space<vmem>>) target(%dma_start3A_243 : memref<80x128xf32, #tpu.memory_space<vmem_shared>>) target_semaphore(%run_scoped3A_235 : memref<!tpu.dma_semaphore, #tpu.memory_space<semaphore_mem>>)
      %dma_wait3A_248 = arith.constant 0 : i32
      %dma_wait3A_249 = arith.constant 0 : i32
      %dma_wait3A_250 = tpu.memref_slice %arg8[%run_scoped3A_18, %dma_wait3A_248, %dma_wait3A_249] : memref<2x80x128xf32, #tpu.memory_space<vmem>> -> memref<1x80x128xf32, #tpu.memory_space<vmem>>
      %dma_wait3A_251 = tpu.memref_squeeze %dma_wait3A_250 : memref<1x80x128xf32, #tpu.memory_space<vmem>> -> memref<80x128xf32, #tpu.memory_space<vmem>>
      %dma_wait3A_252 = arith.constant 0 : i32
      %dma_wait3A_253 = tpu.memref_slice %arg9[%add3A_17, %dma_wait3A_252] : memref<5248x128xf32, #tpu.memory_space<vmem_shared>> -> memref<80x128xf32, #tpu.memory_space<vmem_shared>>
      %dma_wait3A_254 = arith.constant 0 : i32
      %dma_wait3A_255 = tpu.memref_slice %arg9[%add3A_17, %dma_wait3A_254] : memref<5248x128xf32, #tpu.memory_space<vmem_shared>> -> memref<80x128xf32, #tpu.memory_space<vmem_shared>>
      %dma_wait3A_256 = arith.constant 0 : i32
      %dma_wait3A_257 = arith.constant 0 : i32
      %dma_wait3A_258 = tpu.memref_slice %arg8[%run_scoped3A_18, %dma_wait3A_256, %dma_wait3A_257] : memref<2x80x128xf32, #tpu.memory_space<vmem>> -> memref<1x80x128xf32, #tpu.memory_space<vmem>>
      %dma_wait3A_259 = tpu.memref_squeeze %dma_wait3A_258 : memref<1x80x128xf32, #tpu.memory_space<vmem>> -> memref<80x128xf32, #tpu.memory_space<vmem>>
      tpu.wait_dma2 semaphore(%run_scoped3A_235 : memref<!tpu.dma_semaphore, #tpu.memory_space<semaphore_mem>>) src(%dma_wait3A_259 : memref<80x128xf32, #tpu.memory_space<vmem>>) dst(%dma_wait3A_255 : memref<80x128xf32, #tpu.memory_space<vmem_shared>>)
      tpu.yield
    }) : () -> ()
    %add3A_19 = arith.constant 160 : i32
    %add3A_20 = arith.addi %mul3A_14, %add3A_19 : i32
    %run_scoped3A_21 = arith.constant 0 : i32
    "tpu.region"() ({
      %run_scoped3A_235 = tpu.sem_alloc : memref<!tpu.dma_semaphore, #tpu.memory_space<semaphore_mem>>
      %dma_start3A_236 = arith.constant 0 : i32
      %dma_start3A_237 = arith.constant 0 : i32
      %dma_start3A_238 = tpu.memref_slice %arg8[%run_scoped3A_21, %dma_start3A_236, %dma_start3A_237] : memref<2x80x128xf32, #tpu.memory_space<vmem>> -> memref<1x80x128xf32, #tpu.memory_space<vmem>>
      %dma_start3A_239 = tpu.memref_squeeze %dma_start3A_238 : memref<1x80x128xf32, #tpu.memory_space<vmem>> -> memref<80x128xf32, #tpu.memory_space<vmem>>
      %dma_start3A_240 = arith.constant 0 : i32
      %dma_start3A_241 = tpu.memref_slice %arg9[%add3A_20, %dma_start3A_240] : memref<5248x128xf32, #tpu.memory_space<vmem_shared>> -> memref<80x128xf32, #tpu.memory_space<vmem_shared>>
      %dma_start3A_242 = arith.constant 0 : i32
      %dma_start3A_243 = tpu.memref_slice %arg9[%add3A_20, %dma_start3A_242] : memref<5248x128xf32, #tpu.memory_space<vmem_shared>> -> memref<80x128xf32, #tpu.memory_space<vmem_shared>>
      %dma_start3A_244 = arith.constant 0 : i32
      %dma_start3A_245 = arith.constant 0 : i32
      %dma_start3A_246 = tpu.memref_slice %arg8[%run_scoped3A_21, %dma_start3A_244, %dma_start3A_245] : memref<2x80x128xf32, #tpu.memory_space<vmem>> -> memref<1x80x128xf32, #tpu.memory_space<vmem>>
      %dma_start3A_247 = tpu.memref_squeeze %dma_start3A_246 : memref<1x80x128xf32, #tpu.memory_space<vmem>> -> memref<80x128xf32, #tpu.memory_space<vmem>>
      tpu.enqueue_dma source(%dma_start3A_247 : memref<80x128xf32, #tpu.memory_space<vmem>>) target(%dma_start3A_243 : memref<80x128xf32, #tpu.memory_space<vmem_shared>>) target_semaphore(%run_scoped3A_235 : memref<!tpu.dma_semaphore, #tpu.memory_space<semaphore_mem>>)
      %dma_wait3A_248 = arith.constant 0 : i32
      %dma_wait3A_249 = arith.constant 0 : i32
      %dma_wait3A_250 = tpu.memref_slice %arg8[%run_scoped3A_21, %dma_wait3A_248, %dma_wait3A_249] : memref<2x80x128xf32, #tpu.memory_space<vmem>> -> memref<1x80x128xf32, #tpu.memory_space<vmem>>
      %dma_wait3A_251 = tpu.memref_squeeze %dma_wait3A_250 : memref<1x80x128xf32, #tpu.memory_space<vmem>> -> memref<80x128xf32, #tpu.memory_space<vmem>>
      %dma_wait3A_252 = arith.constant 0 : i32
      %dma_wait3A_253 = tpu.memref_slice %arg9[%add3A_20, %dma_wait3A_252] : memref<5248x128xf32, #tpu.memory_space<vmem_shared>> -> memref<80x128xf32, #tpu.memory_space<vmem_shared>>
      %dma_wait3A_254 = arith.constant 0 : i32
      %dma_wait3A_255 = tpu.memref_slice %arg9[%add3A_20, %dma_wait3A_254] : memref<5248x128xf32, #tpu.memory_space<vmem_shared>> -> memref<80x128xf32, #tpu.memory_space<vmem_shared>>
      %dma_wait3A_256 = arith.constant 0 : i32
      %dma_wait3A_257 = arith.constant 0 : i32
      %dma_wait3A_258 = tpu.memref_slice %arg8[%run_scoped3A_21, %dma_wait3A_256, %dma_wait3A_257] : memref<2x80x128xf32, #tpu.memory_space<vmem>> -> memref<1x80x128xf32, #tpu.memory_space<vmem>>
      %dma_wait3A_259 = tpu.memref_squeeze %dma_wait3A_258 : memref<1x80x128xf32, #tpu.memory_space<vmem>> -> memref<80x128xf32, #tpu.memory_space<vmem>>
      tpu.wait_dma2 semaphore(%run_scoped3A_235 : memref<!tpu.dma_semaphore, #tpu.memory_space<semaphore_mem>>) src(%dma_wait3A_259 : memref<80x128xf32, #tpu.memory_space<vmem>>) dst(%dma_wait3A_255 : memref<80x128xf32, #tpu.memory_space<vmem_shared>>)
      tpu.yield
    }) : () -> ()
    %add3A_22 = arith.constant 240 : i32
    %add3A_23 = arith.addi %mul3A_14, %add3A_22 : i32
    %run_scoped3A_24 = arith.constant 0 : i32
    "tpu.region"() ({
      %run_scoped3A_235 = tpu.sem_alloc : memref<!tpu.dma_semaphore, #tpu.memory_space<semaphore_mem>>
      %dma_start3A_236 = arith.constant 0 : i32
      %dma_start3A_237 = arith.constant 0 : i32
      %dma_start3A_238 = tpu.memref_slice %arg8[%run_scoped3A_24, %dma_start3A_236, %dma_start3A_237] : memref<2x80x128xf32, #tpu.memory_space<vmem>> -> memref<1x80x128xf32, #tpu.memory_space<vmem>>
      %dma_start3A_239 = tpu.memref_squeeze %dma_start3A_238 : memref<1x80x128xf32, #tpu.memory_space<vmem>> -> memref<80x128xf32, #tpu.memory_space<vmem>>
      %dma_start3A_240 = arith.constant 0 : i32
      %dma_start3A_241 = tpu.memref_slice %arg9[%add3A_23, %dma_start3A_240] : memref<5248x128xf32, #tpu.memory_space<vmem_shared>> -> memref<80x128xf32, #tpu.memory_space<vmem_shared>>
      %dma_start3A_242 = arith.constant 0 : i32
      %dma_start3A_243 = tpu.memref_slice %arg9[%add3A_23, %dma_start3A_242] : memref<5248x128xf32, #tpu.memory_space<vmem_shared>> -> memref<80x128xf32, #tpu.memory_space<vmem_shared>>
      %dma_start3A_244 = arith.constant 0 : i32
      %dma_start3A_245 = arith.constant 0 : i32
      %dma_start3A_246 = tpu.memref_slice %arg8[%run_scoped3A_24, %dma_start3A_244, %dma_start3A_245] : memref<2x80x128xf32, #tpu.memory_space<vmem>> -> memref<1x80x128xf32, #tpu.memory_space<vmem>>
      %dma_start3A_247 = tpu.memref_squeeze %dma_start3A_246 : memref<1x80x128xf32, #tpu.memory_space<vmem>> -> memref<80x128xf32, #tpu.memory_space<vmem>>
      tpu.enqueue_dma source(%dma_start3A_247 : memref<80x128xf32, #tpu.memory_space<vmem>>) target(%dma_start3A_243 : memref<80x128xf32, #tpu.memory_space<vmem_shared>>) target_semaphore(%run_scoped3A_235 : memref<!tpu.dma_semaphore, #tpu.memory_space<semaphore_mem>>)
      %dma_wait3A_248 = arith.constant 0 : i32
      %dma_wait3A_249 = arith.constant 0 : i32
      %dma_wait3A_250 = tpu.memref_slice %arg8[%run_scoped3A_24, %dma_wait3A_248, %dma_wait3A_249] : memref<2x80x128xf32, #tpu.memory_space<vmem>> -> memref<1x80x128xf32, #tpu.memory_space<vmem>>
      %dma_wait3A_251 = tpu.memref_squeeze %dma_wait3A_250 : memref<1x80x128xf32, #tpu.memory_space<vmem>> -> memref<80x128xf32, #tpu.memory_space<vmem>>
      %dma_wait3A_252 = arith.constant 0 : i32
      %dma_wait3A_253 = tpu.memref_slice %arg9[%add3A_23, %dma_wait3A_252] : memref<5248x128xf32, #tpu.memory_space<vmem_shared>> -> memref<80x128xf32, #tpu.memory_space<vmem_shared>>
      %dma_wait3A_254 = arith.constant 0 : i32
      %dma_wait3A_255 = tpu.memref_slice %arg9[%add3A_23, %dma_wait3A_254] : memref<5248x128xf32, #tpu.memory_space<vmem_shared>> -> memref<80x128xf32, #tpu.memory_space<vmem_shared>>
      %dma_wait3A_256 = arith.constant 0 : i32
      %dma_wait3A_257 = arith.constant 0 : i32
      %dma_wait3A_258 = tpu.memref_slice %arg8[%run_scoped3A_24, %dma_wait3A_256, %dma_wait3A_257] : memref<2x80x128xf32, #tpu.memory_space<vmem>> -> memref<1x80x128xf32, #tpu.memory_space<vmem>>
      %dma_wait3A_259 = tpu.memref_squeeze %dma_wait3A_258 : memref<1x80x128xf32, #tpu.memory_space<vmem>> -> memref<80x128xf32, #tpu.memory_space<vmem>>
      tpu.wait_dma2 semaphore(%run_scoped3A_235 : memref<!tpu.dma_semaphore, #tpu.memory_space<semaphore_mem>>) src(%dma_wait3A_259 : memref<80x128xf32, #tpu.memory_space<vmem>>) dst(%dma_wait3A_255 : memref<80x128xf32, #tpu.memory_space<vmem_shared>>)
      tpu.yield
    }) : () -> ()
    %add3A_25 = arith.constant 320 : i32
    %add3A_26 = arith.addi %mul3A_14, %add3A_25 : i32
    %run_scoped3A_27 = arith.constant 0 : i32
    "tpu.region"() ({
      %run_scoped3A_235 = tpu.sem_alloc : memref<!tpu.dma_semaphore, #tpu.memory_space<semaphore_mem>>
      %dma_start3A_236 = arith.constant 0 : i32
      %dma_start3A_237 = arith.constant 0 : i32
      %dma_start3A_238 = tpu.memref_slice %arg8[%run_scoped3A_27, %dma_start3A_236, %dma_start3A_237] : memref<2x80x128xf32, #tpu.memory_space<vmem>> -> memref<1x8x128xf32, #tpu.memory_space<vmem>>
      %dma_start3A_239 = tpu.memref_squeeze %dma_start3A_238 : memref<1x8x128xf32, #tpu.memory_space<vmem>> -> memref<8x128xf32, #tpu.memory_space<vmem>>
      %dma_start3A_240 = arith.constant 0 : i32
      %dma_start3A_241 = tpu.memref_slice %arg9[%add3A_26, %dma_start3A_240] : memref<5248x128xf32, #tpu.memory_space<vmem_shared>> -> memref<8x128xf32, #tpu.memory_space<vmem_shared>>
      %dma_start3A_242 = arith.constant 0 : i32
      %dma_start3A_243 = tpu.memref_slice %arg9[%add3A_26, %dma_start3A_242] : memref<5248x128xf32, #tpu.memory_space<vmem_shared>> -> memref<8x128xf32, #tpu.memory_space<vmem_shared>>
      %dma_start3A_244 = arith.constant 0 : i32
      %dma_start3A_245 = arith.constant 0 : i32
      %dma_start3A_246 = tpu.memref_slice %arg8[%run_scoped3A_27, %dma_start3A_244, %dma_start3A_245] : memref<2x80x128xf32, #tpu.memory_space<vmem>> -> memref<1x8x128xf32, #tpu.memory_space<vmem>>
      %dma_start3A_247 = tpu.memref_squeeze %dma_start3A_246 : memref<1x8x128xf32, #tpu.memory_space<vmem>> -> memref<8x128xf32, #tpu.memory_space<vmem>>
      tpu.enqueue_dma source(%dma_start3A_247 : memref<8x128xf32, #tpu.memory_space<vmem>>) target(%dma_start3A_243 : memref<8x128xf32, #tpu.memory_space<vmem_shared>>) target_semaphore(%run_scoped3A_235 : memref<!tpu.dma_semaphore, #tpu.memory_space<semaphore_mem>>)
      %dma_wait3A_248 = arith.constant 0 : i32
      %dma_wait3A_249 = arith.constant 0 : i32
      %dma_wait3A_250 = tpu.memref_slice %arg8[%run_scoped3A_27, %dma_wait3A_248, %dma_wait3A_249] : memref<2x80x128xf32, #tpu.memory_space<vmem>> -> memref<1x8x128xf32, #tpu.memory_space<vmem>>
      %dma_wait3A_251 = tpu.memref_squeeze %dma_wait3A_250 : memref<1x8x128xf32, #tpu.memory_space<vmem>> -> memref<8x128xf32, #tpu.memory_space<vmem>>
      %dma_wait3A_252 = arith.constant 0 : i32
      %dma_wait3A_253 = tpu.memref_slice %arg9[%add3A_26, %dma_wait3A_252] : memref<5248x128xf32, #tpu.memory_space<vmem_shared>> -> memref<8x128xf32, #tpu.memory_space<vmem_shared>>
      %dma_wait3A_254 = arith.constant 0 : i32
      %dma_wait3A_255 = tpu.memref_slice %arg9[%add3A_26, %dma_wait3A_254] : memref<5248x128xf32, #tpu.memory_space<vmem_shared>> -> memref<8x128xf32, #tpu.memory_space<vmem_shared>>
      %dma_wait3A_256 = arith.constant 0 : i32
      %dma_wait3A_257 = arith.constant 0 : i32
      %dma_wait3A_258 = tpu.memref_slice %arg8[%run_scoped3A_27, %dma_wait3A_256, %dma_wait3A_257] : memref<2x80x128xf32, #tpu.memory_space<vmem>> -> memref<1x8x128xf32, #tpu.memory_space<vmem>>
      %dma_wait3A_259 = tpu.memref_squeeze %dma_wait3A_258 : memref<1x8x128xf32, #tpu.memory_space<vmem>> -> memref<8x128xf32, #tpu.memory_space<vmem>>
      tpu.wait_dma2 semaphore(%run_scoped3A_235 : memref<!tpu.dma_semaphore, #tpu.memory_space<semaphore_mem>>) src(%dma_wait3A_259 : memref<8x128xf32, #tpu.memory_space<vmem>>) dst(%dma_wait3A_255 : memref<8x128xf32, #tpu.memory_space<vmem_shared>>)
      tpu.yield
    }) : () -> ()
    %barrier3A = arith.constant 0 : index
    tpu.barrier barrier_id(%barrier3A)
    %dma_start3A = arith.constant 0 : i32
    %dma_start3A_28 = arith.constant 0 : i32
    %dma_start3A_29 = arith.constant 0 : i32
    %dma_start3A_30 = arith.constant 0 : i32
    %dma_start3A_31 = tpu.memref_slice %arg8[%dma_start3A_28, %dma_start3A_29, %dma_start3A_30] : memref<2x80x128xf32, #tpu.memory_space<vmem>> -> memref<1x80x128xf32, #tpu.memory_space<vmem>>
    %dma_start3A_32 = tpu.memref_squeeze %dma_start3A_31 : memref<1x80x128xf32, #tpu.memory_space<vmem>> -> memref<80x128xf32, #tpu.memory_space<vmem>>
    %dma_start3A_33 = arith.constant 0 : i32
    %dma_start3A_34 = tpu.memref_slice %arg6[%dma_start3A, %dma_start3A_33] : memref<252x80xi32, #tpu.memory_space<vmem>> -> memref<1x80xi32, #tpu.memory_space<vmem>>
    %dma_start3A_35 = tpu.memref_squeeze %dma_start3A_34 : memref<1x80xi32, #tpu.memory_space<vmem>> -> memref<80xi32, #tpu.memory_space<vmem>>
    %dma_start3A_36 = arith.constant 0 : i32
    %dma_start3A_37 = arith.constant 0 : i32
    %dma_start3A_38 = tpu.memref_slice %arg2[%dma_start3A_36, %dma_start3A_37] : memref<10000x128xf32, #tpu.memory_space<hbm>> -> memref<10000x128xf32, #tpu.memory_space<hbm>>
    tpu.enqueue_indirect_dma source(%dma_start3A_38 : memref<10000x128xf32, #tpu.memory_space<hbm>>) target(%dma_start3A_32 : memref<80x128xf32, #tpu.memory_space<vmem>>) offsets(%dma_start3A_35 : memref<80xi32, #tpu.memory_space<vmem>>) semaphore(%arg10 : memref<!tpu.dma_semaphore, #tpu.memory_space<semaphore_mem>>)
    %dma_start3A_39 = arith.constant 1 : i32
    %dma_start3A_40 = arith.constant 1 : i32
    %dma_start3A_41 = arith.constant 0 : i32
    %dma_start3A_42 = arith.constant 0 : i32
    %dma_start3A_43 = tpu.memref_slice %arg8[%dma_start3A_40, %dma_start3A_41, %dma_start3A_42] : memref<2x80x128xf32, #tpu.memory_space<vmem>> -> memref<1x80x128xf32, #tpu.memory_space<vmem>>
    %dma_start3A_44 = tpu.memref_squeeze %dma_start3A_43 : memref<1x80x128xf32, #tpu.memory_space<vmem>> -> memref<80x128xf32, #tpu.memory_space<vmem>>
    %dma_start3A_45 = arith.constant 0 : i32
    %dma_start3A_46 = tpu.memref_slice %arg6[%dma_start3A_39, %dma_start3A_45] : memref<252x80xi32, #tpu.memory_space<vmem>> -> memref<1x80xi32, #tpu.memory_space<vmem>>
    %dma_start3A_47 = tpu.memref_squeeze %dma_start3A_46 : memref<1x80xi32, #tpu.memory_space<vmem>> -> memref<80xi32, #tpu.memory_space<vmem>>
    %dma_start3A_48 = arith.constant 0 : i32
    %dma_start3A_49 = arith.constant 0 : i32
    %dma_start3A_50 = tpu.memref_slice %arg2[%dma_start3A_48, %dma_start3A_49] : memref<10000x128xf32, #tpu.memory_space<hbm>> -> memref<10000x128xf32, #tpu.memory_space<hbm>>
    tpu.enqueue_indirect_dma source(%dma_start3A_50 : memref<10000x128xf32, #tpu.memory_space<hbm>>) target(%dma_start3A_44 : memref<80x128xf32, #tpu.memory_space<vmem>>) offsets(%dma_start3A_47 : memref<80xi32, #tpu.memory_space<vmem>>) semaphore(%arg11 : memref<!tpu.dma_semaphore, #tpu.memory_space<semaphore_mem>>)
    %scan3A_51 = arith.constant 0 : i32
    %scan3A_52 = arith.constant 0 : i32
    %scan3A_53 = arith.constant 125 : i32
    %scan3A_54 = arith.addi %scan3A_52, %scan3A_53 : i32
    %scan3A_55 = arith.constant 1 : i32
    scf.for %scan3A_235 = %scan3A_52 to %scan3A_54 step %scan3A_55  : i32 {
      %mul3A_236 = arith.constant 2 : i32
      %mul3A_237 = arith.muli %scan3A_235, %mul3A_236 : i32
      %dma_wait3A_238 = arith.constant 0 : i32
      %dma_wait3A_239 = arith.constant 0 : i32
      %dma_wait3A_240 = arith.constant 0 : i32
      %dma_wait3A_241 = tpu.memref_slice %arg8[%dma_wait3A_238, %dma_wait3A_239, %dma_wait3A_240] : memref<2x80x128xf32, #tpu.memory_space<vmem>> -> memref<1x80x128xf32, #tpu.memory_space<vmem>>
      %dma_wait3A_242 = tpu.memref_squeeze %dma_wait3A_241 : memref<1x80x128xf32, #tpu.memory_space<vmem>> -> memref<80x128xf32, #tpu.memory_space<vmem>>
      %dma_wait3A_243 = arith.constant 0 : i32
      %dma_wait3A_244 = tpu.memref_slice %arg6[%mul3A_237, %dma_wait3A_243] : memref<252x80xi32, #tpu.memory_space<vmem>> -> memref<1x80xi32, #tpu.memory_space<vmem>>
      %dma_wait3A_245 = tpu.memref_squeeze %dma_wait3A_244 : memref<1x80xi32, #tpu.memory_space<vmem>> -> memref<80xi32, #tpu.memory_space<vmem>>
      %dma_wait3A_246 = arith.constant 0 : i32
      %dma_wait3A_247 = arith.constant 0 : i32
      %dma_wait3A_248 = tpu.memref_slice %arg2[%dma_wait3A_246, %dma_wait3A_247] : memref<10000x128xf32, #tpu.memory_space<hbm>> -> memref<10000x128xf32, #tpu.memory_space<hbm>>
      tpu.wait_indirect_dma semaphore(%arg10 : memref<!tpu.dma_semaphore, #tpu.memory_space<semaphore_mem>>) src(%dma_wait3A_248 : memref<10000x128xf32, #tpu.memory_space<hbm>>) dst(%dma_wait3A_242 : memref<80x128xf32, #tpu.memory_space<vmem>>)
      %run_scoped3A_249 = arith.constant 0 : i32
      "tpu.region"() ({
        %run_scoped3A_292 = tpu.sem_alloc : memref<!tpu.dma_semaphore, #tpu.memory_space<semaphore_mem>>
        %dma_start3A_293 = arith.constant 0 : i32
        %dma_start3A_294 = arith.constant 0 : i32
        %dma_start3A_295 = tpu.memref_slice %arg8[%run_scoped3A_249, %dma_start3A_293, %dma_start3A_294] : memref<2x80x128xf32, #tpu.memory_space<vmem>> -> memref<1x80x128xf32, #tpu.memory_space<vmem>>
        %dma_start3A_296 = tpu.memref_squeeze %dma_start3A_295 : memref<1x80x128xf32, #tpu.memory_space<vmem>> -> memref<80x128xf32, #tpu.memory_space<vmem>>
        %dma_start3A_297 = arith.constant 0 : i32
        %dma_start3A_298 = tpu.memref_slice %arg7[%mul3A_237, %dma_start3A_297] : memref<252x80xi32, #tpu.memory_space<vmem>> -> memref<1x80xi32, #tpu.memory_space<vmem>>
        %dma_start3A_299 = tpu.memref_squeeze %dma_start3A_298 : memref<1x80xi32, #tpu.memory_space<vmem>> -> memref<80xi32, #tpu.memory_space<vmem>>
        %dma_start3A_300 = arith.constant 0 : i32
        %dma_start3A_301 = arith.constant 0 : i32
        %dma_start3A_302 = tpu.memref_slice %arg9[%dma_start3A_300, %dma_start3A_301] : memref<5248x128xf32, #tpu.memory_space<vmem_shared>> -> memref<5248x128xf32, #tpu.memory_space<vmem_shared>>
        tpu.enqueue_indirect_dma source(%dma_start3A_296 : memref<80x128xf32, #tpu.memory_space<vmem>>) target(%dma_start3A_302 : memref<5248x128xf32, #tpu.memory_space<vmem_shared>>) offsets(%dma_start3A_299 : memref<80xi32, #tpu.memory_space<vmem>>) semaphore(%run_scoped3A_292 : memref<!tpu.dma_semaphore, #tpu.memory_space<semaphore_mem>>) {add = true}
        %dma_wait3A_303 = arith.constant 0 : i32
        %dma_wait3A_304 = arith.constant 0 : i32
        %dma_wait3A_305 = tpu.memref_slice %arg8[%run_scoped3A_249, %dma_wait3A_303, %dma_wait3A_304] : memref<2x80x128xf32, #tpu.memory_space<vmem>> -> memref<1x80x128xf32, #tpu.memory_space<vmem>>
        %dma_wait3A_306 = tpu.memref_squeeze %dma_wait3A_305 : memref<1x80x128xf32, #tpu.memory_space<vmem>> -> memref<80x128xf32, #tpu.memory_space<vmem>>
        %dma_wait3A_307 = arith.constant 0 : i32
        %dma_wait3A_308 = tpu.memref_slice %arg7[%mul3A_237, %dma_wait3A_307] : memref<252x80xi32, #tpu.memory_space<vmem>> -> memref<1x80xi32, #tpu.memory_space<vmem>>
        %dma_wait3A_309 = tpu.memref_squeeze %dma_wait3A_308 : memref<1x80xi32, #tpu.memory_space<vmem>> -> memref<80xi32, #tpu.memory_space<vmem>>
        %dma_wait3A_310 = arith.constant 0 : i32
        %dma_wait3A_311 = arith.constant 0 : i32
        %dma_wait3A_312 = tpu.memref_slice %arg9[%dma_wait3A_310, %dma_wait3A_311] : memref<5248x128xf32, #tpu.memory_space<vmem_shared>> -> memref<5248x128xf32, #tpu.memory_space<vmem_shared>>
        tpu.wait_indirect_dma semaphore(%run_scoped3A_292 : memref<!tpu.dma_semaphore, #tpu.memory_space<semaphore_mem>>) src(%dma_wait3A_306 : memref<80x128xf32, #tpu.memory_space<vmem>>) dst(%dma_wait3A_312 : memref<5248x128xf32, #tpu.memory_space<vmem_shared>>)
        tpu.yield
      }) : () -> ()
      %add3A_250 = arith.constant 2 : i32
      %add3A_251 = arith.addi %mul3A_237, %add3A_250 : i32
      %dma_start3A_252 = arith.constant 0 : i32
      %dma_start3A_253 = arith.constant 0 : i32
      %dma_start3A_254 = arith.constant 0 : i32
      %dma_start3A_255 = tpu.memref_slice %arg8[%dma_start3A_252, %dma_start3A_253, %dma_start3A_254] : memref<2x80x128xf32, #tpu.memory_space<vmem>> -> memref<1x80x128xf32, #tpu.memory_space<vmem>>
      %dma_start3A_256 = tpu.memref_squeeze %dma_start3A_255 : memref<1x80x128xf32, #tpu.memory_space<vmem>> -> memref<80x128xf32, #tpu.memory_space<vmem>>
      %dma_start3A_257 = arith.constant 0 : i32
      %dma_start3A_258 = tpu.memref_slice %arg6[%add3A_251, %dma_start3A_257] : memref<252x80xi32, #tpu.memory_space<vmem>> -> memref<1x80xi32, #tpu.memory_space<vmem>>
      %dma_start3A_259 = tpu.memref_squeeze %dma_start3A_258 : memref<1x80xi32, #tpu.memory_space<vmem>> -> memref<80xi32, #tpu.memory_space<vmem>>
      %dma_start3A_260 = arith.constant 0 : i32
      %dma_start3A_261 = arith.constant 0 : i32
      %dma_start3A_262 = tpu.memref_slice %arg2[%dma_start3A_260, %dma_start3A_261] : memref<10000x128xf32, #tpu.memory_space<hbm>> -> memref<10000x128xf32, #tpu.memory_space<hbm>>
      tpu.enqueue_indirect_dma source(%dma_start3A_262 : memref<10000x128xf32, #tpu.memory_space<hbm>>) target(%dma_start3A_256 : memref<80x128xf32, #tpu.memory_space<vmem>>) offsets(%dma_start3A_259 : memref<80xi32, #tpu.memory_space<vmem>>) semaphore(%arg10 : memref<!tpu.dma_semaphore, #tpu.memory_space<semaphore_mem>>)
      %add3A_263 = arith.constant 1 : i32
      %add3A_264 = arith.addi %mul3A_237, %add3A_263 : i32
      %dma_wait3A_265 = arith.constant 1 : i32
      %dma_wait3A_266 = arith.constant 0 : i32
      %dma_wait3A_267 = arith.constant 0 : i32
      %dma_wait3A_268 = tpu.memref_slice %arg8[%dma_wait3A_265, %dma_wait3A_266, %dma_wait3A_267] : memref<2x80x128xf32, #tpu.memory_space<vmem>> -> memref<1x80x128xf32, #tpu.memory_space<vmem>>
      %dma_wait3A_269 = tpu.memref_squeeze %dma_wait3A_268 : memref<1x80x128xf32, #tpu.memory_space<vmem>> -> memref<80x128xf32, #tpu.memory_space<vmem>>
      %dma_wait3A_270 = arith.constant 0 : i32
      %dma_wait3A_271 = tpu.memref_slice %arg6[%add3A_264, %dma_wait3A_270] : memref<252x80xi32, #tpu.memory_space<vmem>> -> memref<1x80xi32, #tpu.memory_space<vmem>>
      %dma_wait3A_272 = tpu.memref_squeeze %dma_wait3A_271 : memref<1x80xi32, #tpu.memory_space<vmem>> -> memref<80xi32, #tpu.memory_space<vmem>>
      %dma_wait3A_273 = arith.constant 0 : i32
      %dma_wait3A_274 = arith.constant 0 : i32
      %dma_wait3A_275 = tpu.memref_slice %arg2[%dma_wait3A_273, %dma_wait3A_274] : memref<10000x128xf32, #tpu.memory_space<hbm>> -> memref<10000x128xf32, #tpu.memory_space<hbm>>
      tpu.wait_indirect_dma semaphore(%arg11 : memref<!tpu.dma_semaphore, #tpu.memory_space<semaphore_mem>>) src(%dma_wait3A_275 : memref<10000x128xf32, #tpu.memory_space<hbm>>) dst(%dma_wait3A_269 : memref<80x128xf32, #tpu.memory_space<vmem>>)
      %add3A_276 = arith.constant 1 : i32
      %add3A_277 = arith.addi %mul3A_237, %add3A_276 : i32
      %run_scoped3A_278 = arith.constant 1 : i32
      "tpu.region"() ({
        %run_scoped3A_292 = tpu.sem_alloc : memref<!tpu.dma_semaphore, #tpu.memory_space<semaphore_mem>>
        %dma_start3A_293 = arith.constant 0 : i32
        %dma_start3A_294 = arith.constant 0 : i32
        %dma_start3A_295 = tpu.memref_slice %arg8[%run_scoped3A_278, %dma_start3A_293, %dma_start3A_294] : memref<2x80x128xf32, #tpu.memory_space<vmem>> -> memref<1x80x128xf32, #tpu.memory_space<vmem>>
        %dma_start3A_296 = tpu.memref_squeeze %dma_start3A_295 : memref<1x80x128xf32, #tpu.memory_space<vmem>> -> memref<80x128xf32, #tpu.memory_space<vmem>>
        %dma_start3A_297 = arith.constant 0 : i32
        %dma_start3A_298 = tpu.memref_slice %arg7[%add3A_277, %dma_start3A_297] : memref<252x80xi32, #tpu.memory_space<vmem>> -> memref<1x80xi32, #tpu.memory_space<vmem>>
        %dma_start3A_299 = tpu.memref_squeeze %dma_start3A_298 : memref<1x80xi32, #tpu.memory_space<vmem>> -> memref<80xi32, #tpu.memory_space<vmem>>
        %dma_start3A_300 = arith.constant 0 : i32
        %dma_start3A_301 = arith.constant 0 : i32
        %dma_start3A_302 = tpu.memref_slice %arg9[%dma_start3A_300, %dma_start3A_301] : memref<5248x128xf32, #tpu.memory_space<vmem_shared>> -> memref<5248x128xf32, #tpu.memory_space<vmem_shared>>
        tpu.enqueue_indirect_dma source(%dma_start3A_296 : memref<80x128xf32, #tpu.memory_space<vmem>>) target(%dma_start3A_302 : memref<5248x128xf32, #tpu.memory_space<vmem_shared>>) offsets(%dma_start3A_299 : memref<80xi32, #tpu.memory_space<vmem>>) semaphore(%run_scoped3A_292 : memref<!tpu.dma_semaphore, #tpu.memory_space<semaphore_mem>>) {add = true}
        %dma_wait3A_303 = arith.constant 0 : i32
        %dma_wait3A_304 = arith.constant 0 : i32
        %dma_wait3A_305 = tpu.memref_slice %arg8[%run_scoped3A_278, %dma_wait3A_303, %dma_wait3A_304] : memref<2x80x128xf32, #tpu.memory_space<vmem>> -> memref<1x80x128xf32, #tpu.memory_space<vmem>>
        %dma_wait3A_306 = tpu.memref_squeeze %dma_wait3A_305 : memref<1x80x128xf32, #tpu.memory_space<vmem>> -> memref<80x128xf32, #tpu.memory_space<vmem>>
        %dma_wait3A_307 = arith.constant 0 : i32
        %dma_wait3A_308 = tpu.memref_slice %arg7[%add3A_277, %dma_wait3A_307] : memref<252x80xi32, #tpu.memory_space<vmem>> -> memref<1x80xi32, #tpu.memory_space<vmem>>
        %dma_wait3A_309 = tpu.memref_squeeze %dma_wait3A_308 : memref<1x80xi32, #tpu.memory_space<vmem>> -> memref<80xi32, #tpu.memory_space<vmem>>
        %dma_wait3A_310 = arith.constant 0 : i32
        %dma_wait3A_311 = arith.constant 0 : i32
        %dma_wait3A_312 = tpu.memref_slice %arg9[%dma_wait3A_310, %dma_wait3A_311] : memref<5248x128xf32, #tpu.memory_space<vmem_shared>> -> memref<5248x128xf32, #tpu.memory_space<vmem_shared>>
        tpu.wait_indirect_dma semaphore(%run_scoped3A_292 : memref<!tpu.dma_semaphore, #tpu.memory_space<semaphore_mem>>) src(%dma_wait3A_306 : memref<80x128xf32, #tpu.memory_space<vmem>>) dst(%dma_wait3A_312 : memref<5248x128xf32, #tpu.memory_space<vmem_shared>>)
        tpu.yield
      }) : () -> ()
      %add3A_279 = arith.constant 3 : i32
      %add3A_280 = arith.addi %mul3A_237, %add3A_279 : i32
      %dma_start3A_281 = arith.constant 1 : i32
      %dma_start3A_282 = arith.constant 0 : i32
      %dma_start3A_283 = arith.constant 0 : i32
      %dma_start3A_284 = tpu.memref_slice %arg8[%dma_start3A_281, %dma_start3A_282, %dma_start3A_283] : memref<2x80x128xf32, #tpu.memory_space<vmem>> -> memref<1x80x128xf32, #tpu.memory_space<vmem>>
      %dma_start3A_285 = tpu.memref_squeeze %dma_start3A_284 : memref<1x80x128xf32, #tpu.memory_space<vmem>> -> memref<80x128xf32, #tpu.memory_space<vmem>>
      %dma_start3A_286 = arith.constant 0 : i32
      %dma_start3A_287 = tpu.memref_slice %arg6[%add3A_280, %dma_start3A_286] : memref<252x80xi32, #tpu.memory_space<vmem>> -> memref<1x80xi32, #tpu.memory_space<vmem>>
      %dma_start3A_288 = tpu.memref_squeeze %dma_start3A_287 : memref<1x80xi32, #tpu.memory_space<vmem>> -> memref<80xi32, #tpu.memory_space<vmem>>
      %dma_start3A_289 = arith.constant 0 : i32
      %dma_start3A_290 = arith.constant 0 : i32
      %dma_start3A_291 = tpu.memref_slice %arg2[%dma_start3A_289, %dma_start3A_290] : memref<10000x128xf32, #tpu.memory_space<hbm>> -> memref<10000x128xf32, #tpu.memory_space<hbm>>
      tpu.enqueue_indirect_dma source(%dma_start3A_291 : memref<10000x128xf32, #tpu.memory_space<hbm>>) target(%dma_start3A_285 : memref<80x128xf32, #tpu.memory_space<vmem>>) offsets(%dma_start3A_288 : memref<80xi32, #tpu.memory_space<vmem>>) semaphore(%arg11 : memref<!tpu.dma_semaphore, #tpu.memory_space<semaphore_mem>>)
    }
    %scan3A_56 = arith.constant 125 : i32
    %dma_wait3A = arith.constant 250 : i32
    %dma_wait3A_57 = arith.constant 0 : i32
    %dma_wait3A_58 = arith.constant 0 : i32
    %dma_wait3A_59 = arith.constant 0 : i32
    %dma_wait3A_60 = tpu.memref_slice %arg8[%dma_wait3A_57, %dma_wait3A_58, %dma_wait3A_59] : memref<2x80x128xf32, #tpu.memory_space<vmem>> -> memref<1x80x128xf32, #tpu.memory_space<vmem>>
    %dma_wait3A_61 = tpu.memref_squeeze %dma_wait3A_60 : memref<1x80x128xf32, #tpu.memory_space<vmem>> -> memref<80x128xf32, #tpu.memory_space<vmem>>
    %dma_wait3A_62 = arith.constant 0 : i32
    %dma_wait3A_63 = tpu.memref_slice %arg6[%dma_wait3A, %dma_wait3A_62] : memref<252x80xi32, #tpu.memory_space<vmem>> -> memref<1x80xi32, #tpu.memory_space<vmem>>
    %dma_wait3A_64 = tpu.memref_squeeze %dma_wait3A_63 : memref<1x80xi32, #tpu.memory_space<vmem>> -> memref<80xi32, #tpu.memory_space<vmem>>
    %dma_wait3A_65 = arith.constant 0 : i32
    %dma_wait3A_66 = arith.constant 0 : i32
    %dma_wait3A_67 = tpu.memref_slice %arg2[%dma_wait3A_65, %dma_wait3A_66] : memref<10000x128xf32, #tpu.memory_space<hbm>> -> memref<10000x128xf32, #tpu.memory_space<hbm>>
    tpu.wait_indirect_dma semaphore(%arg10 : memref<!tpu.dma_semaphore, #tpu.memory_space<semaphore_mem>>) src(%dma_wait3A_67 : memref<10000x128xf32, #tpu.memory_space<hbm>>) dst(%dma_wait3A_61 : memref<80x128xf32, #tpu.memory_space<vmem>>)
    %dma_wait3A_68 = arith.constant 251 : i32
    %dma_wait3A_69 = arith.constant 1 : i32
    %dma_wait3A_70 = arith.constant 0 : i32
    %dma_wait3A_71 = arith.constant 0 : i32
    %dma_wait3A_72 = tpu.memref_slice %arg8[%dma_wait3A_69, %dma_wait3A_70, %dma_wait3A_71] : memref<2x80x128xf32, #tpu.memory_space<vmem>> -> memref<1x80x128xf32, #tpu.memory_space<vmem>>
    %dma_wait3A_73 = tpu.memref_squeeze %dma_wait3A_72 : memref<1x80x128xf32, #tpu.memory_space<vmem>> -> memref<80x128xf32, #tpu.memory_space<vmem>>
    %dma_wait3A_74 = arith.constant 0 : i32
    %dma_wait3A_75 = tpu.memref_slice %arg6[%dma_wait3A_68, %dma_wait3A_74] : memref<252x80xi32, #tpu.memory_space<vmem>> -> memref<1x80xi32, #tpu.memory_space<vmem>>
    %dma_wait3A_76 = tpu.memref_squeeze %dma_wait3A_75 : memref<1x80xi32, #tpu.memory_space<vmem>> -> memref<80xi32, #tpu.memory_space<vmem>>
    %dma_wait3A_77 = arith.constant 0 : i32
    %dma_wait3A_78 = arith.constant 0 : i32
    %dma_wait3A_79 = tpu.memref_slice %arg2[%dma_wait3A_77, %dma_wait3A_78] : memref<10000x128xf32, #tpu.memory_space<hbm>> -> memref<10000x128xf32, #tpu.memory_space<hbm>>
    tpu.wait_indirect_dma semaphore(%arg11 : memref<!tpu.dma_semaphore, #tpu.memory_space<semaphore_mem>>) src(%dma_wait3A_79 : memref<10000x128xf32, #tpu.memory_space<hbm>>) dst(%dma_wait3A_73 : memref<80x128xf32, #tpu.memory_space<vmem>>)
    %barrier3A_80 = arith.constant 0 : index
    tpu.barrier barrier_id(%barrier3A_80)
    %add3A_81 = arith.constant 0 : i32
    %add3A_82 = arith.addi %mul3A_14, %add3A_81 : i32
    %run_scoped3A_83 = arith.constant 0 : i32
    "tpu.region"() ({
      %run_scoped3A_235 = tpu.sem_alloc : memref<!tpu.dma_semaphore, #tpu.memory_space<semaphore_mem>>
      %dma_start3A_236 = arith.constant 0 : i32
      %dma_start3A_237 = arith.constant 0 : i32
      %dma_start3A_238 = tpu.memref_slice %arg8[%run_scoped3A_83, %dma_start3A_236, %dma_start3A_237] : memref<2x80x128xf32, #tpu.memory_space<vmem>> -> memref<1x80x128xf32, #tpu.memory_space<vmem>>
      %dma_start3A_239 = tpu.memref_squeeze %dma_start3A_238 : memref<1x80x128xf32, #tpu.memory_space<vmem>> -> memref<80x128xf32, #tpu.memory_space<vmem>>
      %dma_start3A_240 = arith.constant 0 : i32
      %dma_start3A_241 = tpu.memref_slice %arg9[%add3A_82, %dma_start3A_240] : memref<5248x128xf32, #tpu.memory_space<vmem_shared>> -> memref<80x128xf32, #tpu.memory_space<vmem_shared>>
      %dma_start3A_242 = arith.constant 0 : i32
      %dma_start3A_243 = arith.constant 0 : i32
      %dma_start3A_244 = tpu.memref_slice %arg8[%run_scoped3A_83, %dma_start3A_242, %dma_start3A_243] : memref<2x80x128xf32, #tpu.memory_space<vmem>> -> memref<1x80x128xf32, #tpu.memory_space<vmem>>
      %dma_start3A_245 = tpu.memref_squeeze %dma_start3A_244 : memref<1x80x128xf32, #tpu.memory_space<vmem>> -> memref<80x128xf32, #tpu.memory_space<vmem>>
      %dma_start3A_246 = arith.constant 0 : i32
      %dma_start3A_247 = tpu.memref_slice %arg9[%add3A_82, %dma_start3A_246] : memref<5248x128xf32, #tpu.memory_space<vmem_shared>> -> memref<80x128xf32, #tpu.memory_space<vmem_shared>>
      tpu.enqueue_dma source(%dma_start3A_247 : memref<80x128xf32, #tpu.memory_space<vmem_shared>>) target(%dma_start3A_245 : memref<80x128xf32, #tpu.memory_space<vmem>>) target_semaphore(%run_scoped3A_235 : memref<!tpu.dma_semaphore, #tpu.memory_space<semaphore_mem>>)
      %dma_wait3A_248 = arith.constant 0 : i32
      %dma_wait3A_249 = arith.constant 0 : i32
      %dma_wait3A_250 = tpu.memref_slice %arg8[%run_scoped3A_83, %dma_wait3A_248, %dma_wait3A_249] : memref<2x80x128xf32, #tpu.memory_space<vmem>> -> memref<1x80x128xf32, #tpu.memory_space<vmem>>
      %dma_wait3A_251 = tpu.memref_squeeze %dma_wait3A_250 : memref<1x80x128xf32, #tpu.memory_space<vmem>> -> memref<80x128xf32, #tpu.memory_space<vmem>>
      %dma_wait3A_252 = arith.constant 0 : i32
      %dma_wait3A_253 = tpu.memref_slice %arg9[%add3A_82, %dma_wait3A_252] : memref<5248x128xf32, #tpu.memory_space<vmem_shared>> -> memref<80x128xf32, #tpu.memory_space<vmem_shared>>
      %dma_wait3A_254 = arith.constant 0 : i32
      %dma_wait3A_255 = arith.constant 0 : i32
      %dma_wait3A_256 = tpu.memref_slice %arg8[%run_scoped3A_83, %dma_wait3A_254, %dma_wait3A_255] : memref<2x80x128xf32, #tpu.memory_space<vmem>> -> memref<1x80x128xf32, #tpu.memory_space<vmem>>
      %dma_wait3A_257 = tpu.memref_squeeze %dma_wait3A_256 : memref<1x80x128xf32, #tpu.memory_space<vmem>> -> memref<80x128xf32, #tpu.memory_space<vmem>>
      %dma_wait3A_258 = arith.constant 0 : i32
      %dma_wait3A_259 = tpu.memref_slice %arg9[%add3A_82, %dma_wait3A_258] : memref<5248x128xf32, #tpu.memory_space<vmem_shared>> -> memref<80x128xf32, #tpu.memory_space<vmem_shared>>
      tpu.wait_dma2 semaphore(%run_scoped3A_235 : memref<!tpu.dma_semaphore, #tpu.memory_space<semaphore_mem>>) src(%dma_wait3A_259 : memref<80x128xf32, #tpu.memory_space<vmem_shared>>) dst(%dma_wait3A_257 : memref<80x128xf32, #tpu.memory_space<vmem>>)
      tpu.yield
    }) : () -> ()
    %add3A_84 = arith.constant 0 : i32
    %add3A_85 = arith.addi %mul3A_14, %add3A_84 : i32
    %dma_start3A_86 = arith.constant 0 : i32
    %dma_start3A_87 = arith.constant 0 : i32
    %dma_start3A_88 = arith.constant 0 : i32
    %dma_start3A_89 = tpu.memref_slice %arg8[%dma_start3A_86, %dma_start3A_87, %dma_start3A_88] : memref<2x80x128xf32, #tpu.memory_space<vmem>> -> memref<1x80x128xf32, #tpu.memory_space<vmem>>
    %dma_start3A_90 = tpu.memref_squeeze %dma_start3A_89 : memref<1x80x128xf32, #tpu.memory_space<vmem>> -> memref<80x128xf32, #tpu.memory_space<vmem>>
    %dma_start3A_91 = arith.constant 0 : i32
    %dma_start3A_92 = tpu.memref_slice %arg5[%arg0, %add3A_85, %dma_start3A_91] : memref<2x5248x128xf32, #tpu.memory_space<hbm>> -> memref<1x80x128xf32, #tpu.memory_space<hbm>>
    %dma_start3A_93 = tpu.memref_squeeze %dma_start3A_92 : memref<1x80x128xf32, #tpu.memory_space<hbm>> -> memref<80x128xf32, #tpu.memory_space<hbm>>
    %dma_start3A_94 = arith.constant 0 : i32
    %dma_start3A_95 = tpu.memref_slice %arg5[%arg0, %add3A_85, %dma_start3A_94] : memref<2x5248x128xf32, #tpu.memory_space<hbm>> -> memref<1x80x128xf32, #tpu.memory_space<hbm>>
    %dma_start3A_96 = tpu.memref_squeeze %dma_start3A_95 : memref<1x80x128xf32, #tpu.memory_space<hbm>> -> memref<80x128xf32, #tpu.memory_space<hbm>>
    %dma_start3A_97 = arith.constant 0 : i32
    %dma_start3A_98 = arith.constant 0 : i32
    %dma_start3A_99 = tpu.memref_slice %arg8[%dma_start3A_86, %dma_start3A_97, %dma_start3A_98] : memref<2x80x128xf32, #tpu.memory_space<vmem>> -> memref<1x80x128xf32, #tpu.memory_space<vmem>>
    %dma_start3A_100 = tpu.memref_squeeze %dma_start3A_99 : memref<1x80x128xf32, #tpu.memory_space<vmem>> -> memref<80x128xf32, #tpu.memory_space<vmem>>
    tpu.enqueue_dma source(%dma_start3A_100 : memref<80x128xf32, #tpu.memory_space<vmem>>) target(%dma_start3A_96 : memref<80x128xf32, #tpu.memory_space<hbm>>) target_semaphore(%arg10 : memref<!tpu.dma_semaphore, #tpu.memory_space<semaphore_mem>>)
    %add3A_101 = arith.constant 80 : i32
    %add3A_102 = arith.addi %mul3A_14, %add3A_101 : i32
    %run_scoped3A_103 = arith.constant 1 : i32
    "tpu.region"() ({
      %run_scoped3A_235 = tpu.sem_alloc : memref<!tpu.dma_semaphore, #tpu.memory_space<semaphore_mem>>
      %dma_start3A_236 = arith.constant 0 : i32
      %dma_start3A_237 = arith.constant 0 : i32
      %dma_start3A_238 = tpu.memref_slice %arg8[%run_scoped3A_103, %dma_start3A_236, %dma_start3A_237] : memref<2x80x128xf32, #tpu.memory_space<vmem>> -> memref<1x80x128xf32, #tpu.memory_space<vmem>>
      %dma_start3A_239 = tpu.memref_squeeze %dma_start3A_238 : memref<1x80x128xf32, #tpu.memory_space<vmem>> -> memref<80x128xf32, #tpu.memory_space<vmem>>
      %dma_start3A_240 = arith.constant 0 : i32
      %dma_start3A_241 = tpu.memref_slice %arg9[%add3A_102, %dma_start3A_240] : memref<5248x128xf32, #tpu.memory_space<vmem_shared>> -> memref<80x128xf32, #tpu.memory_space<vmem_shared>>
      %dma_start3A_242 = arith.constant 0 : i32
      %dma_start3A_243 = arith.constant 0 : i32
      %dma_start3A_244 = tpu.memref_slice %arg8[%run_scoped3A_103, %dma_start3A_242, %dma_start3A_243] : memref<2x80x128xf32, #tpu.memory_space<vmem>> -> memref<1x80x128xf32, #tpu.memory_space<vmem>>
      %dma_start3A_245 = tpu.memref_squeeze %dma_start3A_244 : memref<1x80x128xf32, #tpu.memory_space<vmem>> -> memref<80x128xf32, #tpu.memory_space<vmem>>
      %dma_start3A_246 = arith.constant 0 : i32
      %dma_start3A_247 = tpu.memref_slice %arg9[%add3A_102, %dma_start3A_246] : memref<5248x128xf32, #tpu.memory_space<vmem_shared>> -> memref<80x128xf32, #tpu.memory_space<vmem_shared>>
      tpu.enqueue_dma source(%dma_start3A_247 : memref<80x128xf32, #tpu.memory_space<vmem_shared>>) target(%dma_start3A_245 : memref<80x128xf32, #tpu.memory_space<vmem>>) target_semaphore(%run_scoped3A_235 : memref<!tpu.dma_semaphore, #tpu.memory_space<semaphore_mem>>)
      %dma_wait3A_248 = arith.constant 0 : i32
      %dma_wait3A_249 = arith.constant 0 : i32
      %dma_wait3A_250 = tpu.memref_slice %arg8[%run_scoped3A_103, %dma_wait3A_248, %dma_wait3A_249] : memref<2x80x128xf32, #tpu.memory_space<vmem>> -> memref<1x80x128xf32, #tpu.memory_space<vmem>>
      %dma_wait3A_251 = tpu.memref_squeeze %dma_wait3A_250 : memref<1x80x128xf32, #tpu.memory_space<vmem>> -> memref<80x128xf32, #tpu.memory_space<vmem>>
      %dma_wait3A_252 = arith.constant 0 : i32
      %dma_wait3A_253 = tpu.memref_slice %arg9[%add3A_102, %dma_wait3A_252] : memref<5248x128xf32, #tpu.memory_space<vmem_shared>> -> memref<80x128xf32, #tpu.memory_space<vmem_shared>>
      %dma_wait3A_254 = arith.constant 0 : i32
      %dma_wait3A_255 = arith.constant 0 : i32
      %dma_wait3A_256 = tpu.memref_slice %arg8[%run_scoped3A_103, %dma_wait3A_254, %dma_wait3A_255] : memref<2x80x128xf32, #tpu.memory_space<vmem>> -> memref<1x80x128xf32, #tpu.memory_space<vmem>>
      %dma_wait3A_257 = tpu.memref_squeeze %dma_wait3A_256 : memref<1x80x128xf32, #tpu.memory_space<vmem>> -> memref<80x128xf32, #tpu.memory_space<vmem>>
      %dma_wait3A_258 = arith.constant 0 : i32
      %dma_wait3A_259 = tpu.memref_slice %arg9[%add3A_102, %dma_wait3A_258] : memref<5248x128xf32, #tpu.memory_space<vmem_shared>> -> memref<80x128xf32, #tpu.memory_space<vmem_shared>>
      tpu.wait_dma2 semaphore(%run_scoped3A_235 : memref<!tpu.dma_semaphore, #tpu.memory_space<semaphore_mem>>) src(%dma_wait3A_259 : memref<80x128xf32, #tpu.memory_space<vmem_shared>>) dst(%dma_wait3A_257 : memref<80x128xf32, #tpu.memory_space<vmem>>)
      tpu.yield
    }) : () -> ()
    %add3A_104 = arith.constant 80 : i32
    %add3A_105 = arith.addi %mul3A_14, %add3A_104 : i32
    %dma_start3A_106 = arith.constant 1 : i32
    %dma_start3A_107 = arith.constant 0 : i32
    %dma_start3A_108 = arith.constant 0 : i32
    %dma_start3A_109 = tpu.memref_slice %arg8[%dma_start3A_106, %dma_start3A_107, %dma_start3A_108] : memref<2x80x128xf32, #tpu.memory_space<vmem>> -> memref<1x80x128xf32, #tpu.memory_space<vmem>>
    %dma_start3A_110 = tpu.memref_squeeze %dma_start3A_109 : memref<1x80x128xf32, #tpu.memory_space<vmem>> -> memref<80x128xf32, #tpu.memory_space<vmem>>
    %dma_start3A_111 = arith.constant 0 : i32
    %dma_start3A_112 = tpu.memref_slice %arg5[%arg0, %add3A_105, %dma_start3A_111] : memref<2x5248x128xf32, #tpu.memory_space<hbm>> -> memref<1x80x128xf32, #tpu.memory_space<hbm>>
    %dma_start3A_113 = tpu.memref_squeeze %dma_start3A_112 : memref<1x80x128xf32, #tpu.memory_space<hbm>> -> memref<80x128xf32, #tpu.memory_space<hbm>>
    %dma_start3A_114 = arith.constant 0 : i32
    %dma_start3A_115 = tpu.memref_slice %arg5[%arg0, %add3A_105, %dma_start3A_114] : memref<2x5248x128xf32, #tpu.memory_space<hbm>> -> memref<1x80x128xf32, #tpu.memory_space<hbm>>
    %dma_start3A_116 = tpu.memref_squeeze %dma_start3A_115 : memref<1x80x128xf32, #tpu.memory_space<hbm>> -> memref<80x128xf32, #tpu.memory_space<hbm>>
    %dma_start3A_117 = arith.constant 0 : i32
    %dma_start3A_118 = arith.constant 0 : i32
    %dma_start3A_119 = tpu.memref_slice %arg8[%dma_start3A_106, %dma_start3A_117, %dma_start3A_118] : memref<2x80x128xf32, #tpu.memory_space<vmem>> -> memref<1x80x128xf32, #tpu.memory_space<vmem>>
    %dma_start3A_120 = tpu.memref_squeeze %dma_start3A_119 : memref<1x80x128xf32, #tpu.memory_space<vmem>> -> memref<80x128xf32, #tpu.memory_space<vmem>>
    tpu.enqueue_dma source(%dma_start3A_120 : memref<80x128xf32, #tpu.memory_space<vmem>>) target(%dma_start3A_116 : memref<80x128xf32, #tpu.memory_space<hbm>>) target_semaphore(%arg11 : memref<!tpu.dma_semaphore, #tpu.memory_space<semaphore_mem>>)
    %add3A_121 = arith.constant 0 : i32
    %add3A_122 = arith.addi %mul3A_14, %add3A_121 : i32
    %dma_wait3A_123 = arith.constant 0 : i32
    %dma_wait3A_124 = arith.constant 0 : i32
    %dma_wait3A_125 = arith.constant 0 : i32
    %dma_wait3A_126 = tpu.memref_slice %arg8[%dma_wait3A_123, %dma_wait3A_124, %dma_wait3A_125] : memref<2x80x128xf32, #tpu.memory_space<vmem>> -> memref<1x80x128xf32, #tpu.memory_space<vmem>>
    %dma_wait3A_127 = tpu.memref_squeeze %dma_wait3A_126 : memref<1x80x128xf32, #tpu.memory_space<vmem>> -> memref<80x128xf32, #tpu.memory_space<vmem>>
    %dma_wait3A_128 = arith.constant 0 : i32
    %dma_wait3A_129 = tpu.memref_slice %arg5[%arg0, %add3A_122, %dma_wait3A_128] : memref<2x5248x128xf32, #tpu.memory_space<hbm>> -> memref<1x80x128xf32, #tpu.memory_space<hbm>>
    %dma_wait3A_130 = tpu.memref_squeeze %dma_wait3A_129 : memref<1x80x128xf32, #tpu.memory_space<hbm>> -> memref<80x128xf32, #tpu.memory_space<hbm>>
    %dma_wait3A_131 = arith.constant 0 : i32
    %dma_wait3A_132 = tpu.memref_slice %arg5[%arg0, %add3A_122, %dma_wait3A_131] : memref<2x5248x128xf32, #tpu.memory_space<hbm>> -> memref<1x80x128xf32, #tpu.memory_space<hbm>>
    %dma_wait3A_133 = tpu.memref_squeeze %dma_wait3A_132 : memref<1x80x128xf32, #tpu.memory_space<hbm>> -> memref<80x128xf32, #tpu.memory_space<hbm>>
    %dma_wait3A_134 = arith.constant 0 : i32
    %dma_wait3A_135 = arith.constant 0 : i32
    %dma_wait3A_136 = tpu.memref_slice %arg8[%dma_wait3A_123, %dma_wait3A_134, %dma_wait3A_135] : memref<2x80x128xf32, #tpu.memory_space<vmem>> -> memref<1x80x128xf32, #tpu.memory_space<vmem>>
    %dma_wait3A_137 = tpu.memref_squeeze %dma_wait3A_136 : memref<1x80x128xf32, #tpu.memory_space<vmem>> -> memref<80x128xf32, #tpu.memory_space<vmem>>
    tpu.wait_dma2 semaphore(%arg10 : memref<!tpu.dma_semaphore, #tpu.memory_space<semaphore_mem>>) src(%dma_wait3A_137 : memref<80x128xf32, #tpu.memory_space<vmem>>) dst(%dma_wait3A_133 : memref<80x128xf32, #tpu.memory_space<hbm>>)
    %add3A_138 = arith.constant 160 : i32
    %add3A_139 = arith.addi %mul3A_14, %add3A_138 : i32
    %run_scoped3A_140 = arith.constant 0 : i32
    "tpu.region"() ({
      %run_scoped3A_235 = tpu.sem_alloc : memref<!tpu.dma_semaphore, #tpu.memory_space<semaphore_mem>>
      %dma_start3A_236 = arith.constant 0 : i32
      %dma_start3A_237 = arith.constant 0 : i32
      %dma_start3A_238 = tpu.memref_slice %arg8[%run_scoped3A_140, %dma_start3A_236, %dma_start3A_237] : memref<2x80x128xf32, #tpu.memory_space<vmem>> -> memref<1x80x128xf32, #tpu.memory_space<vmem>>
      %dma_start3A_239 = tpu.memref_squeeze %dma_start3A_238 : memref<1x80x128xf32, #tpu.memory_space<vmem>> -> memref<80x128xf32, #tpu.memory_space<vmem>>
      %dma_start3A_240 = arith.constant 0 : i32
      %dma_start3A_241 = tpu.memref_slice %arg9[%add3A_139, %dma_start3A_240] : memref<5248x128xf32, #tpu.memory_space<vmem_shared>> -> memref<80x128xf32, #tpu.memory_space<vmem_shared>>
      %dma_start3A_242 = arith.constant 0 : i32
      %dma_start3A_243 = arith.constant 0 : i32
      %dma_start3A_244 = tpu.memref_slice %arg8[%run_scoped3A_140, %dma_start3A_242, %dma_start3A_243] : memref<2x80x128xf32, #tpu.memory_space<vmem>> -> memref<1x80x128xf32, #tpu.memory_space<vmem>>
      %dma_start3A_245 = tpu.memref_squeeze %dma_start3A_244 : memref<1x80x128xf32, #tpu.memory_space<vmem>> -> memref<80x128xf32, #tpu.memory_space<vmem>>
      %dma_start3A_246 = arith.constant 0 : i32
      %dma_start3A_247 = tpu.memref_slice %arg9[%add3A_139, %dma_start3A_246] : memref<5248x128xf32, #tpu.memory_space<vmem_shared>> -> memref<80x128xf32, #tpu.memory_space<vmem_shared>>
      tpu.enqueue_dma source(%dma_start3A_247 : memref<80x128xf32, #tpu.memory_space<vmem_shared>>) target(%dma_start3A_245 : memref<80x128xf32, #tpu.memory_space<vmem>>) target_semaphore(%run_scoped3A_235 : memref<!tpu.dma_semaphore, #tpu.memory_space<semaphore_mem>>)
      %dma_wait3A_248 = arith.constant 0 : i32
      %dma_wait3A_249 = arith.constant 0 : i32
      %dma_wait3A_250 = tpu.memref_slice %arg8[%run_scoped3A_140, %dma_wait3A_248, %dma_wait3A_249] : memref<2x80x128xf32, #tpu.memory_space<vmem>> -> memref<1x80x128xf32, #tpu.memory_space<vmem>>
      %dma_wait3A_251 = tpu.memref_squeeze %dma_wait3A_250 : memref<1x80x128xf32, #tpu.memory_space<vmem>> -> memref<80x128xf32, #tpu.memory_space<vmem>>
      %dma_wait3A_252 = arith.constant 0 : i32
      %dma_wait3A_253 = tpu.memref_slice %arg9[%add3A_139, %dma_wait3A_252] : memref<5248x128xf32, #tpu.memory_space<vmem_shared>> -> memref<80x128xf32, #tpu.memory_space<vmem_shared>>
      %dma_wait3A_254 = arith.constant 0 : i32
      %dma_wait3A_255 = arith.constant 0 : i32
      %dma_wait3A_256 = tpu.memref_slice %arg8[%run_scoped3A_140, %dma_wait3A_254, %dma_wait3A_255] : memref<2x80x128xf32, #tpu.memory_space<vmem>> -> memref<1x80x128xf32, #tpu.memory_space<vmem>>
      %dma_wait3A_257 = tpu.memref_squeeze %dma_wait3A_256 : memref<1x80x128xf32, #tpu.memory_space<vmem>> -> memref<80x128xf32, #tpu.memory_space<vmem>>
      %dma_wait3A_258 = arith.constant 0 : i32
      %dma_wait3A_259 = tpu.memref_slice %arg9[%add3A_139, %dma_wait3A_258] : memref<5248x128xf32, #tpu.memory_space<vmem_shared>> -> memref<80x128xf32, #tpu.memory_space<vmem_shared>>
      tpu.wait_dma2 semaphore(%run_scoped3A_235 : memref<!tpu.dma_semaphore, #tpu.memory_space<semaphore_mem>>) src(%dma_wait3A_259 : memref<80x128xf32, #tpu.memory_space<vmem_shared>>) dst(%dma_wait3A_257 : memref<80x128xf32, #tpu.memory_space<vmem>>)
      tpu.yield
    }) : () -> ()
    %add3A_141 = arith.constant 160 : i32
    %add3A_142 = arith.addi %mul3A_14, %add3A_141 : i32
    %dma_start3A_143 = arith.constant 0 : i32
    %dma_start3A_144 = arith.constant 0 : i32
    %dma_start3A_145 = arith.constant 0 : i32
    %dma_start3A_146 = tpu.memref_slice %arg8[%dma_start3A_143, %dma_start3A_144, %dma_start3A_145] : memref<2x80x128xf32, #tpu.memory_space<vmem>> -> memref<1x80x128xf32, #tpu.memory_space<vmem>>
    %dma_start3A_147 = tpu.memref_squeeze %dma_start3A_146 : memref<1x80x128xf32, #tpu.memory_space<vmem>> -> memref<80x128xf32, #tpu.memory_space<vmem>>
    %dma_start3A_148 = arith.constant 0 : i32
    %dma_start3A_149 = tpu.memref_slice %arg5[%arg0, %add3A_142, %dma_start3A_148] : memref<2x5248x128xf32, #tpu.memory_space<hbm>> -> memref<1x80x128xf32, #tpu.memory_space<hbm>>
    %dma_start3A_150 = tpu.memref_squeeze %dma_start3A_149 : memref<1x80x128xf32, #tpu.memory_space<hbm>> -> memref<80x128xf32, #tpu.memory_space<hbm>>
    %dma_start3A_151 = arith.constant 0 : i32
    %dma_start3A_152 = tpu.memref_slice %arg5[%arg0, %add3A_142, %dma_start3A_151] : memref<2x5248x128xf32, #tpu.memory_space<hbm>> -> memref<1x80x128xf32, #tpu.memory_space<hbm>>
    %dma_start3A_153 = tpu.memref_squeeze %dma_start3A_152 : memref<1x80x128xf32, #tpu.memory_space<hbm>> -> memref<80x128xf32, #tpu.memory_space<hbm>>
    %dma_start3A_154 = arith.constant 0 : i32
    %dma_start3A_155 = arith.constant 0 : i32
    %dma_start3A_156 = tpu.memref_slice %arg8[%dma_start3A_143, %dma_start3A_154, %dma_start3A_155] : memref<2x80x128xf32, #tpu.memory_space<vmem>> -> memref<1x80x128xf32, #tpu.memory_space<vmem>>
    %dma_start3A_157 = tpu.memref_squeeze %dma_start3A_156 : memref<1x80x128xf32, #tpu.memory_space<vmem>> -> memref<80x128xf32, #tpu.memory_space<vmem>>
    tpu.enqueue_dma source(%dma_start3A_157 : memref<80x128xf32, #tpu.memory_space<vmem>>) target(%dma_start3A_153 : memref<80x128xf32, #tpu.memory_space<hbm>>) target_semaphore(%arg10 : memref<!tpu.dma_semaphore, #tpu.memory_space<semaphore_mem>>)
    %add3A_158 = arith.constant 80 : i32
    %add3A_159 = arith.addi %mul3A_14, %add3A_158 : i32
    %dma_wait3A_160 = arith.constant 1 : i32
    %dma_wait3A_161 = arith.constant 0 : i32
    %dma_wait3A_162 = arith.constant 0 : i32
    %dma_wait3A_163 = tpu.memref_slice %arg8[%dma_wait3A_160, %dma_wait3A_161, %dma_wait3A_162] : memref<2x80x128xf32, #tpu.memory_space<vmem>> -> memref<1x80x128xf32, #tpu.memory_space<vmem>>
    %dma_wait3A_164 = tpu.memref_squeeze %dma_wait3A_163 : memref<1x80x128xf32, #tpu.memory_space<vmem>> -> memref<80x128xf32, #tpu.memory_space<vmem>>
    %dma_wait3A_165 = arith.constant 0 : i32
    %dma_wait3A_166 = tpu.memref_slice %arg5[%arg0, %add3A_159, %dma_wait3A_165] : memref<2x5248x128xf32, #tpu.memory_space<hbm>> -> memref<1x80x128xf32, #tpu.memory_space<hbm>>
    %dma_wait3A_167 = tpu.memref_squeeze %dma_wait3A_166 : memref<1x80x128xf32, #tpu.memory_space<hbm>> -> memref<80x128xf32, #tpu.memory_space<hbm>>
    %dma_wait3A_168 = arith.constant 0 : i32
    %dma_wait3A_169 = tpu.memref_slice %arg5[%arg0, %add3A_159, %dma_wait3A_168] : memref<2x5248x128xf32, #tpu.memory_space<hbm>> -> memref<1x80x128xf32, #tpu.memory_space<hbm>>
    %dma_wait3A_170 = tpu.memref_squeeze %dma_wait3A_169 : memref<1x80x128xf32, #tpu.memory_space<hbm>> -> memref<80x128xf32, #tpu.memory_space<hbm>>
    %dma_wait3A_171 = arith.constant 0 : i32
    %dma_wait3A_172 = arith.constant 0 : i32
    %dma_wait3A_173 = tpu.memref_slice %arg8[%dma_wait3A_160, %dma_wait3A_171, %dma_wait3A_172] : memref<2x80x128xf32, #tpu.memory_space<vmem>> -> memref<1x80x128xf32, #tpu.memory_space<vmem>>
    %dma_wait3A_174 = tpu.memref_squeeze %dma_wait3A_173 : memref<1x80x128xf32, #tpu.memory_space<vmem>> -> memref<80x128xf32, #tpu.memory_space<vmem>>
    tpu.wait_dma2 semaphore(%arg11 : memref<!tpu.dma_semaphore, #tpu.memory_space<semaphore_mem>>) src(%dma_wait3A_174 : memref<80x128xf32, #tpu.memory_space<vmem>>) dst(%dma_wait3A_170 : memref<80x128xf32, #tpu.memory_space<hbm>>)
    %add3A_175 = arith.constant 240 : i32
    %add3A_176 = arith.addi %mul3A_14, %add3A_175 : i32
    %run_scoped3A_177 = arith.constant 1 : i32
    "tpu.region"() ({
      %run_scoped3A_235 = tpu.sem_alloc : memref<!tpu.dma_semaphore, #tpu.memory_space<semaphore_mem>>
      %dma_start3A_236 = arith.constant 0 : i32
      %dma_start3A_237 = arith.constant 0 : i32
      %dma_start3A_238 = tpu.memref_slice %arg8[%run_scoped3A_177, %dma_start3A_236, %dma_start3A_237] : memref<2x80x128xf32, #tpu.memory_space<vmem>> -> memref<1x80x128xf32, #tpu.memory_space<vmem>>
      %dma_start3A_239 = tpu.memref_squeeze %dma_start3A_238 : memref<1x80x128xf32, #tpu.memory_space<vmem>> -> memref<80x128xf32, #tpu.memory_space<vmem>>
      %dma_start3A_240 = arith.constant 0 : i32
      %dma_start3A_241 = tpu.memref_slice %arg9[%add3A_176, %dma_start3A_240] : memref<5248x128xf32, #tpu.memory_space<vmem_shared>> -> memref<80x128xf32, #tpu.memory_space<vmem_shared>>
      %dma_start3A_242 = arith.constant 0 : i32
      %dma_start3A_243 = arith.constant 0 : i32
      %dma_start3A_244 = tpu.memref_slice %arg8[%run_scoped3A_177, %dma_start3A_242, %dma_start3A_243] : memref<2x80x128xf32, #tpu.memory_space<vmem>> -> memref<1x80x128xf32, #tpu.memory_space<vmem>>
      %dma_start3A_245 = tpu.memref_squeeze %dma_start3A_244 : memref<1x80x128xf32, #tpu.memory_space<vmem>> -> memref<80x128xf32, #tpu.memory_space<vmem>>
      %dma_start3A_246 = arith.constant 0 : i32
      %dma_start3A_247 = tpu.memref_slice %arg9[%add3A_176, %dma_start3A_246] : memref<5248x128xf32, #tpu.memory_space<vmem_shared>> -> memref<80x128xf32, #tpu.memory_space<vmem_shared>>
      tpu.enqueue_dma source(%dma_start3A_247 : memref<80x128xf32, #tpu.memory_space<vmem_shared>>) target(%dma_start3A_245 : memref<80x128xf32, #tpu.memory_space<vmem>>) target_semaphore(%run_scoped3A_235 : memref<!tpu.dma_semaphore, #tpu.memory_space<semaphore_mem>>)
      %dma_wait3A_248 = arith.constant 0 : i32
      %dma_wait3A_249 = arith.constant 0 : i32
      %dma_wait3A_250 = tpu.memref_slice %arg8[%run_scoped3A_177, %dma_wait3A_248, %dma_wait3A_249] : memref<2x80x128xf32, #tpu.memory_space<vmem>> -> memref<1x80x128xf32, #tpu.memory_space<vmem>>
      %dma_wait3A_251 = tpu.memref_squeeze %dma_wait3A_250 : memref<1x80x128xf32, #tpu.memory_space<vmem>> -> memref<80x128xf32, #tpu.memory_space<vmem>>
      %dma_wait3A_252 = arith.constant 0 : i32
      %dma_wait3A_253 = tpu.memref_slice %arg9[%add3A_176, %dma_wait3A_252] : memref<5248x128xf32, #tpu.memory_space<vmem_shared>> -> memref<80x128xf32, #tpu.memory_space<vmem_shared>>
      %dma_wait3A_254 = arith.constant 0 : i32
      %dma_wait3A_255 = arith.constant 0 : i32
      %dma_wait3A_256 = tpu.memref_slice %arg8[%run_scoped3A_177, %dma_wait3A_254, %dma_wait3A_255] : memref<2x80x128xf32, #tpu.memory_space<vmem>> -> memref<1x80x128xf32, #tpu.memory_space<vmem>>
      %dma_wait3A_257 = tpu.memref_squeeze %dma_wait3A_256 : memref<1x80x128xf32, #tpu.memory_space<vmem>> -> memref<80x128xf32, #tpu.memory_space<vmem>>
      %dma_wait3A_258 = arith.constant 0 : i32
      %dma_wait3A_259 = tpu.memref_slice %arg9[%add3A_176, %dma_wait3A_258] : memref<5248x128xf32, #tpu.memory_space<vmem_shared>> -> memref<80x128xf32, #tpu.memory_space<vmem_shared>>
      tpu.wait_dma2 semaphore(%run_scoped3A_235 : memref<!tpu.dma_semaphore, #tpu.memory_space<semaphore_mem>>) src(%dma_wait3A_259 : memref<80x128xf32, #tpu.memory_space<vmem_shared>>) dst(%dma_wait3A_257 : memref<80x128xf32, #tpu.memory_space<vmem>>)
      tpu.yield
    }) : () -> ()
    %add3A_178 = arith.constant 240 : i32
    %add3A_179 = arith.addi %mul3A_14, %add3A_178 : i32
    %dma_start3A_180 = arith.constant 1 : i32
    %dma_start3A_181 = arith.constant 0 : i32
    %dma_start3A_182 = arith.constant 0 : i32
    %dma_start3A_183 = tpu.memref_slice %arg8[%dma_start3A_180, %dma_start3A_181, %dma_start3A_182] : memref<2x80x128xf32, #tpu.memory_space<vmem>> -> memref<1x80x128xf32, #tpu.memory_space<vmem>>
    %dma_start3A_184 = tpu.memref_squeeze %dma_start3A_183 : memref<1x80x128xf32, #tpu.memory_space<vmem>> -> memref<80x128xf32, #tpu.memory_space<vmem>>
    %dma_start3A_185 = arith.constant 0 : i32
    %dma_start3A_186 = tpu.memref_slice %arg5[%arg0, %add3A_179, %dma_start3A_185] : memref<2x5248x128xf32, #tpu.memory_space<hbm>> -> memref<1x80x128xf32, #tpu.memory_space<hbm>>
    %dma_start3A_187 = tpu.memref_squeeze %dma_start3A_186 : memref<1x80x128xf32, #tpu.memory_space<hbm>> -> memref<80x128xf32, #tpu.memory_space<hbm>>
    %dma_start3A_188 = arith.constant 0 : i32
    %dma_start3A_189 = tpu.memref_slice %arg5[%arg0, %add3A_179, %dma_start3A_188] : memref<2x5248x128xf32, #tpu.memory_space<hbm>> -> memref<1x80x128xf32, #tpu.memory_space<hbm>>
    %dma_start3A_190 = tpu.memref_squeeze %dma_start3A_189 : memref<1x80x128xf32, #tpu.memory_space<hbm>> -> memref<80x128xf32, #tpu.memory_space<hbm>>
    %dma_start3A_191 = arith.constant 0 : i32
    %dma_start3A_192 = arith.constant 0 : i32
    %dma_start3A_193 = tpu.memref_slice %arg8[%dma_start3A_180, %dma_start3A_191, %dma_start3A_192] : memref<2x80x128xf32, #tpu.memory_space<vmem>> -> memref<1x80x128xf32, #tpu.memory_space<vmem>>
    %dma_start3A_194 = tpu.memref_squeeze %dma_start3A_193 : memref<1x80x128xf32, #tpu.memory_space<vmem>> -> memref<80x128xf32, #tpu.memory_space<vmem>>
    tpu.enqueue_dma source(%dma_start3A_194 : memref<80x128xf32, #tpu.memory_space<vmem>>) target(%dma_start3A_190 : memref<80x128xf32, #tpu.memory_space<hbm>>) target_semaphore(%arg11 : memref<!tpu.dma_semaphore, #tpu.memory_space<semaphore_mem>>)
    %add3A_195 = arith.constant 160 : i32
    %add3A_196 = arith.addi %mul3A_14, %add3A_195 : i32
    %dma_wait3A_197 = arith.constant 0 : i32
    %dma_wait3A_198 = arith.constant 0 : i32
    %dma_wait3A_199 = arith.constant 0 : i32
    %dma_wait3A_200 = tpu.memref_slice %arg8[%dma_wait3A_197, %dma_wait3A_198, %dma_wait3A_199] : memref<2x80x128xf32, #tpu.memory_space<vmem>> -> memref<1x80x128xf32, #tpu.memory_space<vmem>>
    %dma_wait3A_201 = tpu.memref_squeeze %dma_wait3A_200 : memref<1x80x128xf32, #tpu.memory_space<vmem>> -> memref<80x128xf32, #tpu.memory_space<vmem>>
    %dma_wait3A_202 = arith.constant 0 : i32
    %dma_wait3A_203 = tpu.memref_slice %arg5[%arg0, %add3A_196, %dma_wait3A_202] : memref<2x5248x128xf32, #tpu.memory_space<hbm>> -> memref<1x80x128xf32, #tpu.memory_space<hbm>>
    %dma_wait3A_204 = tpu.memref_squeeze %dma_wait3A_203 : memref<1x80x128xf32, #tpu.memory_space<hbm>> -> memref<80x128xf32, #tpu.memory_space<hbm>>
    %dma_wait3A_205 = arith.constant 0 : i32
    %dma_wait3A_206 = tpu.memref_slice %arg5[%arg0, %add3A_196, %dma_wait3A_205] : memref<2x5248x128xf32, #tpu.memory_space<hbm>> -> memref<1x80x128xf32, #tpu.memory_space<hbm>>
    %dma_wait3A_207 = tpu.memref_squeeze %dma_wait3A_206 : memref<1x80x128xf32, #tpu.memory_space<hbm>> -> memref<80x128xf32, #tpu.memory_space<hbm>>
    %dma_wait3A_208 = arith.constant 0 : i32
    %dma_wait3A_209 = arith.constant 0 : i32
    %dma_wait3A_210 = tpu.memref_slice %arg8[%dma_wait3A_197, %dma_wait3A_208, %dma_wait3A_209] : memref<2x80x128xf32, #tpu.memory_space<vmem>> -> memref<1x80x128xf32, #tpu.memory_space<vmem>>
    %dma_wait3A_211 = tpu.memref_squeeze %dma_wait3A_210 : memref<1x80x128xf32, #tpu.memory_space<vmem>> -> memref<80x128xf32, #tpu.memory_space<vmem>>
    tpu.wait_dma2 semaphore(%arg10 : memref<!tpu.dma_semaphore, #tpu.memory_space<semaphore_mem>>) src(%dma_wait3A_211 : memref<80x128xf32, #tpu.memory_space<vmem>>) dst(%dma_wait3A_207 : memref<80x128xf32, #tpu.memory_space<hbm>>)
    %add3A_212 = arith.constant 320 : i32
    %add3A_213 = arith.addi %mul3A_14, %add3A_212 : i32
    %run_scoped3A_214 = arith.constant 0 : i32
    "tpu.region"() ({
      %run_scoped3A_235 = tpu.sem_alloc : memref<!tpu.dma_semaphore, #tpu.memory_space<semaphore_mem>>
      %dma_start3A_236 = arith.constant 0 : i32
      %dma_start3A_237 = arith.constant 0 : i32
      %dma_start3A_238 = tpu.memref_slice %arg8[%run_scoped3A_214, %dma_start3A_236, %dma_start3A_237] : memref<2x80x128xf32, #tpu.memory_space<vmem>> -> memref<1x8x128xf32, #tpu.memory_space<vmem>>
      %dma_start3A_239 = tpu.memref_squeeze %dma_start3A_238 : memref<1x8x128xf32, #tpu.memory_space<vmem>> -> memref<8x128xf32, #tpu.memory_space<vmem>>
      %dma_start3A_240 = arith.constant 0 : i32
      %dma_start3A_241 = tpu.memref_slice %arg9[%add3A_213, %dma_start3A_240] : memref<5248x128xf32, #tpu.memory_space<vmem_shared>> -> memref<8x128xf32, #tpu.memory_space<vmem_shared>>
      %dma_start3A_242 = arith.constant 0 : i32
      %dma_start3A_243 = arith.constant 0 : i32
      %dma_start3A_244 = tpu.memref_slice %arg8[%run_scoped3A_214, %dma_start3A_242, %dma_start3A_243] : memref<2x80x128xf32, #tpu.memory_space<vmem>> -> memref<1x8x128xf32, #tpu.memory_space<vmem>>
      %dma_start3A_245 = tpu.memref_squeeze %dma_start3A_244 : memref<1x8x128xf32, #tpu.memory_space<vmem>> -> memref<8x128xf32, #tpu.memory_space<vmem>>
      %dma_start3A_246 = arith.constant 0 : i32
      %dma_start3A_247 = tpu.memref_slice %arg9[%add3A_213, %dma_start3A_246] : memref<5248x128xf32, #tpu.memory_space<vmem_shared>> -> memref<8x128xf32, #tpu.memory_space<vmem_shared>>
      tpu.enqueue_dma source(%dma_start3A_247 : memref<8x128xf32, #tpu.memory_space<vmem_shared>>) target(%dma_start3A_245 : memref<8x128xf32, #tpu.memory_space<vmem>>) target_semaphore(%run_scoped3A_235 : memref<!tpu.dma_semaphore, #tpu.memory_space<semaphore_mem>>)
      %dma_wait3A_248 = arith.constant 0 : i32
      %dma_wait3A_249 = arith.constant 0 : i32
      %dma_wait3A_250 = tpu.memref_slice %arg8[%run_scoped3A_214, %dma_wait3A_248, %dma_wait3A_249] : memref<2x80x128xf32, #tpu.memory_space<vmem>> -> memref<1x8x128xf32, #tpu.memory_space<vmem>>
      %dma_wait3A_251 = tpu.memref_squeeze %dma_wait3A_250 : memref<1x8x128xf32, #tpu.memory_space<vmem>> -> memref<8x128xf32, #tpu.memory_space<vmem>>
      %dma_wait3A_252 = arith.constant 0 : i32
      %dma_wait3A_253 = tpu.memref_slice %arg9[%add3A_213, %dma_wait3A_252] : memref<5248x128xf32, #tpu.memory_space<vmem_shared>> -> memref<8x128xf32, #tpu.memory_space<vmem_shared>>
      %dma_wait3A_254 = arith.constant 0 : i32
      %dma_wait3A_255 = arith.constant 0 : i32
      %dma_wait3A_256 = tpu.memref_slice %arg8[%run_scoped3A_214, %dma_wait3A_254, %dma_wait3A_255] : memref<2x80x128xf32, #tpu.memory_space<vmem>> -> memref<1x8x128xf32, #tpu.memory_space<vmem>>
      %dma_wait3A_257 = tpu.memref_squeeze %dma_wait3A_256 : memref<1x8x128xf32, #tpu.memory_space<vmem>> -> memref<8x128xf32, #tpu.memory_space<vmem>>
      %dma_wait3A_258 = arith.constant 0 : i32
      %dma_wait3A_259 = tpu.memref_slice %arg9[%add3A_213, %dma_wait3A_258] : memref<5248x128xf32, #tpu.memory_space<vmem_shared>> -> memref<8x128xf32, #tpu.memory_space<vmem_shared>>
      tpu.wait_dma2 semaphore(%run_scoped3A_235 : memref<!tpu.dma_semaphore, #tpu.memory_space<semaphore_mem>>) src(%dma_wait3A_259 : memref<8x128xf32, #tpu.memory_space<vmem_shared>>) dst(%dma_wait3A_257 : memref<8x128xf32, #tpu.memory_space<vmem>>)
      tpu.yield
    }) : () -> ()
    %add3A_215 = arith.constant 320 : i32
    %add3A_216 = arith.addi %mul3A_14, %add3A_215 : i32
    %run_scoped3A_217 = arith.constant 0 : i32
    "tpu.region"() ({
      %run_scoped3A_235 = tpu.sem_alloc : memref<!tpu.dma_semaphore, #tpu.memory_space<semaphore_mem>>
      %dma_start3A_236 = arith.constant 0 : i32
      %dma_start3A_237 = arith.constant 0 : i32
      %dma_start3A_238 = tpu.memref_slice %arg8[%run_scoped3A_217, %dma_start3A_236, %dma_start3A_237] : memref<2x80x128xf32, #tpu.memory_space<vmem>> -> memref<1x8x128xf32, #tpu.memory_space<vmem>>
      %dma_start3A_239 = tpu.memref_squeeze %dma_start3A_238 : memref<1x8x128xf32, #tpu.memory_space<vmem>> -> memref<8x128xf32, #tpu.memory_space<vmem>>
      %dma_start3A_240 = arith.constant 0 : i32
      %dma_start3A_241 = tpu.memref_slice %arg5[%arg0, %add3A_216, %dma_start3A_240] : memref<2x5248x128xf32, #tpu.memory_space<hbm>> -> memref<1x8x128xf32, #tpu.memory_space<hbm>>
      %dma_start3A_242 = tpu.memref_squeeze %dma_start3A_241 : memref<1x8x128xf32, #tpu.memory_space<hbm>> -> memref<8x128xf32, #tpu.memory_space<hbm>>
      %dma_start3A_243 = arith.constant 0 : i32
      %dma_start3A_244 = tpu.memref_slice %arg5[%arg0, %add3A_216, %dma_start3A_243] : memref<2x5248x128xf32, #tpu.memory_space<hbm>> -> memref<1x8x128xf32, #tpu.memory_space<hbm>>
      %dma_start3A_245 = tpu.memref_squeeze %dma_start3A_244 : memref<1x8x128xf32, #tpu.memory_space<hbm>> -> memref<8x128xf32, #tpu.memory_space<hbm>>
      %dma_start3A_246 = arith.constant 0 : i32
      %dma_start3A_247 = arith.constant 0 : i32
      %dma_start3A_248 = tpu.memref_slice %arg8[%run_scoped3A_217, %dma_start3A_246, %dma_start3A_247] : memref<2x80x128xf32, #tpu.memory_space<vmem>> -> memref<1x8x128xf32, #tpu.memory_space<vmem>>
      %dma_start3A_249 = tpu.memref_squeeze %dma_start3A_248 : memref<1x8x128xf32, #tpu.memory_space<vmem>> -> memref<8x128xf32, #tpu.memory_space<vmem>>
      tpu.enqueue_dma source(%dma_start3A_249 : memref<8x128xf32, #tpu.memory_space<vmem>>) target(%dma_start3A_245 : memref<8x128xf32, #tpu.memory_space<hbm>>) target_semaphore(%run_scoped3A_235 : memref<!tpu.dma_semaphore, #tpu.memory_space<semaphore_mem>>)
      %dma_wait3A_250 = arith.constant 0 : i32
      %dma_wait3A_251 = arith.constant 0 : i32
      %dma_wait3A_252 = tpu.memref_slice %arg8[%run_scoped3A_217, %dma_wait3A_250, %dma_wait3A_251] : memref<2x80x128xf32, #tpu.memory_space<vmem>> -> memref<1x8x128xf32, #tpu.memory_space<vmem>>
      %dma_wait3A_253 = tpu.memref_squeeze %dma_wait3A_252 : memref<1x8x128xf32, #tpu.memory_space<vmem>> -> memref<8x128xf32, #tpu.memory_space<vmem>>
      %dma_wait3A_254 = arith.constant 0 : i32
      %dma_wait3A_255 = tpu.memref_slice %arg5[%arg0, %add3A_216, %dma_wait3A_254] : memref<2x5248x128xf32, #tpu.memory_space<hbm>> -> memref<1x8x128xf32, #tpu.memory_space<hbm>>
      %dma_wait3A_256 = tpu.memref_squeeze %dma_wait3A_255 : memref<1x8x128xf32, #tpu.memory_space<hbm>> -> memref<8x128xf32, #tpu.memory_space<hbm>>
      %dma_wait3A_257 = arith.constant 0 : i32
      %dma_wait3A_258 = tpu.memref_slice %arg5[%arg0, %add3A_216, %dma_wait3A_257] : memref<2x5248x128xf32, #tpu.memory_space<hbm>> -> memref<1x8x128xf32, #tpu.memory_space<hbm>>
      %dma_wait3A_259 = tpu.memref_squeeze %dma_wait3A_258 : memref<1x8x128xf32, #tpu.memory_space<hbm>> -> memref<8x128xf32, #tpu.memory_space<hbm>>
      %dma_wait3A_260 = arith.constant 0 : i32
      %dma_wait3A_261 = arith.constant 0 : i32
      %dma_wait3A_262 = tpu.memref_slice %arg8[%run_scoped3A_217, %dma_wait3A_260, %dma_wait3A_261] : memref<2x80x128xf32, #tpu.memory_space<vmem>> -> memref<1x8x128xf32, #tpu.memory_space<vmem>>
      %dma_wait3A_263 = tpu.memref_squeeze %dma_wait3A_262 : memref<1x8x128xf32, #tpu.memory_space<vmem>> -> memref<8x128xf32, #tpu.memory_space<vmem>>
      tpu.wait_dma2 semaphore(%run_scoped3A_235 : memref<!tpu.dma_semaphore, #tpu.memory_space<semaphore_mem>>) src(%dma_wait3A_263 : memref<8x128xf32, #tpu.memory_space<vmem>>) dst(%dma_wait3A_259 : memref<8x128xf32, #tpu.memory_space<hbm>>)
      tpu.yield
    }) : () -> ()
    %add3A_218 = arith.constant 240 : i32
    %add3A_219 = arith.addi %mul3A_14, %add3A_218 : i32
    %dma_wait3A_220 = arith.constant 1 : i32
    %dma_wait3A_221 = arith.constant 0 : i32
    %dma_wait3A_222 = arith.constant 0 : i32
    %dma_wait3A_223 = tpu.memref_slice %arg8[%dma_wait3A_220, %dma_wait3A_221, %dma_wait3A_222] : memref<2x80x128xf32, #tpu.memory_space<vmem>> -> memref<1x80x128xf32, #tpu.memory_space<vmem>>
    %dma_wait3A_224 = tpu.memref_squeeze %dma_wait3A_223 : memref<1x80x128xf32, #tpu.memory_space<vmem>> -> memref<80x128xf32, #tpu.memory_space<vmem>>
    %dma_wait3A_225 = arith.constant 0 : i32
    %dma_wait3A_226 = tpu.memref_slice %arg5[%arg0, %add3A_219, %dma_wait3A_225] : memref<2x5248x128xf32, #tpu.memory_space<hbm>> -> memref<1x80x128xf32, #tpu.memory_space<hbm>>
    %dma_wait3A_227 = tpu.memref_squeeze %dma_wait3A_226 : memref<1x80x128xf32, #tpu.memory_space<hbm>> -> memref<80x128xf32, #tpu.memory_space<hbm>>
    %dma_wait3A_228 = arith.constant 0 : i32
    %dma_wait3A_229 = tpu.memref_slice %arg5[%arg0, %add3A_219, %dma_wait3A_228] : memref<2x5248x128xf32, #tpu.memory_space<hbm>> -> memref<1x80x128xf32, #tpu.memory_space<hbm>>
    %dma_wait3A_230 = tpu.memref_squeeze %dma_wait3A_229 : memref<1x80x128xf32, #tpu.memory_space<hbm>> -> memref<80x128xf32, #tpu.memory_space<hbm>>
    %dma_wait3A_231 = arith.constant 0 : i32
    %dma_wait3A_232 = arith.constant 0 : i32
    %dma_wait3A_233 = tpu.memref_slice %arg8[%dma_wait3A_220, %dma_wait3A_231, %dma_wait3A_232] : memref<2x80x128xf32, #tpu.memory_space<vmem>> -> memref<1x80x128xf32, #tpu.memory_space<vmem>>
    %dma_wait3A_234 = tpu.memref_squeeze %dma_wait3A_233 : memref<1x80x128xf32, #tpu.memory_space<vmem>> -> memref<80x128xf32, #tpu.memory_space<vmem>>
    tpu.wait_dma2 semaphore(%arg11 : memref<!tpu.dma_semaphore, #tpu.memory_space<semaphore_mem>>) src(%dma_wait3A_234 : memref<80x128xf32, #tpu.memory_space<vmem>>) dst(%dma_wait3A_230 : memref<80x128xf32, #tpu.memory_space<hbm>>)
    return
  }
}

#map = affine_map<(d0, d1) -> (0, 0, 0)>
#map1 = affine_map<(d0, d1) -> (0)>
module attributes {stable_mosaic.version = 14 : i64} {
  func.func @_sc_deg(%arg0: i32, %arg1: i32, %arg2: memref<32x128x80xi32, #tpu.memory_space<hbm>>, %arg3: memref<20224xf32, #tpu.memory_space<hbm>>, %arg4: memref<128x80xi32, #tpu.memory_space<vmem>>, %arg5: memref<80xf32, #tpu.memory_space<vmem>>, %arg6: memref<640xf32, #tpu.memory_space<vmem>>, %arg7: memref<10112xf32, #tpu.memory_space<vmem_shared>>) attributes {dimension_semantics = [#tpu.dimension_semantics<core_parallel>, #tpu.dimension_semantics<subcore_parallel>], iteration_bounds = array<i64: 2, 16>, scalar_prefetch = 0 : i64, scratch_operands = 4 : i64, tpu.core_type = #tpu.core_type<sc_vector_subcore>, window_params = [{transform_indices = #map}, {transform_indices = #map1}]} {
    %mul3A = arith.constant 2 : i32
    %mul3A_0 = arith.muli %arg1, %mul3A : i32
    %add3A = arith.addi %mul3A_0, %arg0 : i32
    "tpu.region"() ({
      %run_scoped3A = tpu.sem_alloc : memref<!tpu.dma_semaphore, #tpu.memory_space<semaphore_mem>>
      %dma_start3A = arith.constant 0 : i32
      %dma_start3A_27 = arith.constant 0 : i32
      %dma_start3A_28 = tpu.memref_slice %arg2[%add3A, %dma_start3A, %dma_start3A_27] : memref<32x128x80xi32, #tpu.memory_space<hbm>> -> memref<1x128x80xi32, #tpu.memory_space<hbm>>
      %dma_start3A_29 = tpu.memref_squeeze %dma_start3A_28 : memref<1x128x80xi32, #tpu.memory_space<hbm>> -> memref<128x80xi32, #tpu.memory_space<hbm>>
      %dma_start3A_30 = arith.constant 0 : i32
      %dma_start3A_31 = arith.constant 0 : i32
      %dma_start3A_32 = tpu.memref_slice %arg2[%add3A, %dma_start3A_30, %dma_start3A_31] : memref<32x128x80xi32, #tpu.memory_space<hbm>> -> memref<1x128x80xi32, #tpu.memory_space<hbm>>
      %dma_start3A_33 = tpu.memref_squeeze %dma_start3A_32 : memref<1x128x80xi32, #tpu.memory_space<hbm>> -> memref<128x80xi32, #tpu.memory_space<hbm>>
      tpu.enqueue_dma source(%dma_start3A_33 : memref<128x80xi32, #tpu.memory_space<hbm>>) target(%arg4 : memref<128x80xi32, #tpu.memory_space<vmem>>) target_semaphore(%run_scoped3A : memref<!tpu.dma_semaphore, #tpu.memory_space<semaphore_mem>>)
      %dma_wait3A = arith.constant 0 : i32
      %dma_wait3A_34 = arith.constant 0 : i32
      %dma_wait3A_35 = tpu.memref_slice %arg2[%add3A, %dma_wait3A, %dma_wait3A_34] : memref<32x128x80xi32, #tpu.memory_space<hbm>> -> memref<1x128x80xi32, #tpu.memory_space<hbm>>
      %dma_wait3A_36 = tpu.memref_squeeze %dma_wait3A_35 : memref<1x128x80xi32, #tpu.memory_space<hbm>> -> memref<128x80xi32, #tpu.memory_space<hbm>>
      %dma_wait3A_37 = arith.constant 0 : i32
      %dma_wait3A_38 = arith.constant 0 : i32
      %dma_wait3A_39 = tpu.memref_slice %arg2[%add3A, %dma_wait3A_37, %dma_wait3A_38] : memref<32x128x80xi32, #tpu.memory_space<hbm>> -> memref<1x128x80xi32, #tpu.memory_space<hbm>>
      %dma_wait3A_40 = tpu.memref_squeeze %dma_wait3A_39 : memref<1x128x80xi32, #tpu.memory_space<hbm>> -> memref<128x80xi32, #tpu.memory_space<hbm>>
      tpu.wait_dma2 semaphore(%run_scoped3A : memref<!tpu.dma_semaphore, #tpu.memory_space<semaphore_mem>>) src(%dma_wait3A_40 : memref<128x80xi32, #tpu.memory_space<hbm>>) dst(%arg4 : memref<128x80xi32, #tpu.memory_space<vmem>>)
      tpu.yield
    }) : () -> ()
    %broadcast_in_dim3A = arith.constant 0.000000e+00 : f32
    %broadcast_in_dim3A_1 = vector.broadcast %broadcast_in_dim3A : f32 to vector<16xf32>
    %broadcast_in_dim3A_2 = arith.constant 1.000000e+00 : f32
    %broadcast_in_dim3A_3 = vector.broadcast %broadcast_in_dim3A_2 : f32 to vector<16xf32>
    %scan3A = arith.constant 0 : i32
    %scan3A_4 = arith.constant 0 : i32
    %scan3A_5 = arith.constant 5 : i32
    %scan3A_6 = arith.addi %scan3A_4, %scan3A_5 : i32
    %scan3A_7 = arith.constant 1 : i32
    scf.for %scan3A_27 = %scan3A_4 to %scan3A_6 step %scan3A_7  : i32 {
      %mul3A_28 = arith.constant 16 : i32
      %mul3A_29 = arith.muli %scan3A_27, %mul3A_28 : i32
      %swap3A = arith.index_cast %mul3A_29 : i32 to index
      %swap3A_30 = tpu.vector_load %arg5[%swap3A] {strides = array<i32>} : memref<80xf32, #tpu.memory_space<vmem>>, vector<16xf32>,
      %swap3A_31 = vector.shape_cast %swap3A_30 : vector<16xf32> to vector<16xf32>
      %swap3A_32 = vector.shape_cast %broadcast_in_dim3A_3 : vector<16xf32> to vector<16xf32>
      tpu.vector_store %arg5[%swap3A], %swap3A_32 {strides = array<i32>} : memref<80xf32, #tpu.memory_space<vmem>>, vector<16xf32>,
    }
    %scan3A_8 = arith.constant 5 : i32
    %scan3A_9 = arith.constant 0 : i32
    %scan3A_10 = arith.constant 0 : i32
    %scan3A_11 = arith.constant 40 : i32
    %scan3A_12 = arith.addi %scan3A_10, %scan3A_11 : i32
    %scan3A_13 = arith.constant 1 : i32
    scf.for %scan3A_27 = %scan3A_10 to %scan3A_12 step %scan3A_13  : i32 {
      %mul3A_28 = arith.constant 16 : i32
      %mul3A_29 = arith.muli %scan3A_27, %mul3A_28 : i32
      %swap3A = arith.index_cast %mul3A_29 : i32 to index
      %swap3A_30 = tpu.vector_load %arg6[%swap3A] {strides = array<i32>} : memref<640xf32, #tpu.memory_space<vmem>>, vector<16xf32>,
      %swap3A_31 = vector.shape_cast %swap3A_30 : vector<16xf32> to vector<16xf32>
      %swap3A_32 = vector.shape_cast %broadcast_in_dim3A_1 : vector<16xf32> to vector<16xf32>
      tpu.vector_store %arg6[%swap3A], %swap3A_32 {strides = array<i32>} : memref<640xf32, #tpu.memory_space<vmem>>, vector<16xf32>,
    }
    %scan3A_14 = arith.constant 40 : i32
    %mul3A_15 = arith.constant 632 : i32
    %mul3A_16 = arith.muli %arg1, %mul3A_15 : i32
    "tpu.region"() ({
      %run_scoped3A = tpu.sem_alloc : memref<!tpu.dma_semaphore, #tpu.memory_space<semaphore_mem>>
      %dma_start3A = arith.constant 0 : i32
      %dma_start3A_27 = tpu.memref_slice %arg6[%dma_start3A] : memref<640xf32, #tpu.memory_space<vmem>> -> memref<632xf32, #tpu.memory_space<vmem>>
      %dma_start3A_28 = tpu.memref_slice %arg7[%mul3A_16] : memref<10112xf32, #tpu.memory_space<vmem_shared>> -> memref<632xf32, #tpu.memory_space<vmem_shared>>
      %dma_start3A_29 = tpu.memref_slice %arg7[%mul3A_16] : memref<10112xf32, #tpu.memory_space<vmem_shared>> -> memref<632xf32, #tpu.memory_space<vmem_shared>>
      %dma_start3A_30 = arith.constant 0 : i32
      %dma_start3A_31 = tpu.memref_slice %arg6[%dma_start3A_30] : memref<640xf32, #tpu.memory_space<vmem>> -> memref<632xf32, #tpu.memory_space<vmem>>
      tpu.enqueue_dma source(%dma_start3A_31 : memref<632xf32, #tpu.memory_space<vmem>>) target(%dma_start3A_29 : memref<632xf32, #tpu.memory_space<vmem_shared>>) target_semaphore(%run_scoped3A : memref<!tpu.dma_semaphore, #tpu.memory_space<semaphore_mem>>)
      %dma_wait3A = arith.constant 0 : i32
      %dma_wait3A_32 = tpu.memref_slice %arg6[%dma_wait3A] : memref<640xf32, #tpu.memory_space<vmem>> -> memref<632xf32, #tpu.memory_space<vmem>>
      %dma_wait3A_33 = tpu.memref_slice %arg7[%mul3A_16] : memref<10112xf32, #tpu.memory_space<vmem_shared>> -> memref<632xf32, #tpu.memory_space<vmem_shared>>
      %dma_wait3A_34 = tpu.memref_slice %arg7[%mul3A_16] : memref<10112xf32, #tpu.memory_space<vmem_shared>> -> memref<632xf32, #tpu.memory_space<vmem_shared>>
      %dma_wait3A_35 = arith.constant 0 : i32
      %dma_wait3A_36 = tpu.memref_slice %arg6[%dma_wait3A_35] : memref<640xf32, #tpu.memory_space<vmem>> -> memref<632xf32, #tpu.memory_space<vmem>>
      tpu.wait_dma2 semaphore(%run_scoped3A : memref<!tpu.dma_semaphore, #tpu.memory_space<semaphore_mem>>) src(%dma_wait3A_36 : memref<632xf32, #tpu.memory_space<vmem>>) dst(%dma_wait3A_34 : memref<632xf32, #tpu.memory_space<vmem_shared>>)
      tpu.yield
    }) : () -> ()
    %barrier3A = arith.constant 0 : index
    tpu.barrier barrier_id(%barrier3A)
    %scan3A_17 = arith.constant 0 : i32
    %scan3A_18 = arith.constant 0 : i32
    %scan3A_19 = arith.constant 128 : i32
    %scan3A_20 = arith.addi %scan3A_18, %scan3A_19 : i32
    %scan3A_21 = arith.constant 1 : i32
    scf.for %scan3A_27 = %scan3A_18 to %scan3A_20 step %scan3A_21  : i32 {
      "tpu.region"() ({
        %run_scoped3A = tpu.sem_alloc : memref<!tpu.dma_semaphore, #tpu.memory_space<semaphore_mem>>
        %dma_start3A = arith.constant 0 : i32
        %dma_start3A_28 = tpu.memref_slice %arg4[%scan3A_27, %dma_start3A] : memref<128x80xi32, #tpu.memory_space<vmem>> -> memref<1x80xi32, #tpu.memory_space<vmem>>
        %dma_start3A_29 = tpu.memref_squeeze %dma_start3A_28 : memref<1x80xi32, #tpu.memory_space<vmem>> -> memref<80xi32, #tpu.memory_space<vmem>>
        %dma_start3A_30 = arith.constant 0 : i32
        %dma_start3A_31 = tpu.memref_slice %arg7[%dma_start3A_30] : memref<10112xf32, #tpu.memory_space<vmem_shared>> -> memref<10112xf32, #tpu.memory_space<vmem_shared>>
        tpu.enqueue_indirect_dma source(%arg5 : memref<80xf32, #tpu.memory_space<vmem>>) target(%dma_start3A_31 : memref<10112xf32, #tpu.memory_space<vmem_shared>>) offsets(%dma_start3A_29 : memref<80xi32, #tpu.memory_space<vmem>>) semaphore(%run_scoped3A : memref<!tpu.dma_semaphore, #tpu.memory_space<semaphore_mem>>) {add = true}
        %dma_wait3A = arith.constant 0 : i32
        %dma_wait3A_32 = tpu.memref_slice %arg4[%scan3A_27, %dma_wait3A] : memref<128x80xi32, #tpu.memory_space<vmem>> -> memref<1x80xi32, #tpu.memory_space<vmem>>
        %dma_wait3A_33 = tpu.memref_squeeze %dma_wait3A_32 : memref<1x80xi32, #tpu.memory_space<vmem>> -> memref<80xi32, #tpu.memory_space<vmem>>
        %dma_wait3A_34 = arith.constant 0 : i32
        %dma_wait3A_35 = tpu.memref_slice %arg7[%dma_wait3A_34] : memref<10112xf32, #tpu.memory_space<vmem_shared>> -> memref<10112xf32, #tpu.memory_space<vmem_shared>>
        tpu.wait_indirect_dma semaphore(%run_scoped3A : memref<!tpu.dma_semaphore, #tpu.memory_space<semaphore_mem>>) src(%arg5 : memref<80xf32, #tpu.memory_space<vmem>>) dst(%dma_wait3A_35 : memref<10112xf32, #tpu.memory_space<vmem_shared>>)
        tpu.yield
      }) : () -> ()
    }
    %scan3A_22 = arith.constant 128 : i32
    %barrier3A_23 = arith.constant 0 : index
    tpu.barrier barrier_id(%barrier3A_23)
    "tpu.region"() ({
      %run_scoped3A = tpu.sem_alloc : memref<!tpu.dma_semaphore, #tpu.memory_space<semaphore_mem>>
      %dma_start3A = arith.constant 0 : i32
      %dma_start3A_27 = tpu.memref_slice %arg6[%dma_start3A] : memref<640xf32, #tpu.memory_space<vmem>> -> memref<632xf32, #tpu.memory_space<vmem>>
      %dma_start3A_28 = tpu.memref_slice %arg7[%mul3A_16] : memref<10112xf32, #tpu.memory_space<vmem_shared>> -> memref<632xf32, #tpu.memory_space<vmem_shared>>
      %dma_start3A_29 = arith.constant 0 : i32
      %dma_start3A_30 = tpu.memref_slice %arg6[%dma_start3A_29] : memref<640xf32, #tpu.memory_space<vmem>> -> memref<632xf32, #tpu.memory_space<vmem>>
      %dma_start3A_31 = tpu.memref_slice %arg7[%mul3A_16] : memref<10112xf32, #tpu.memory_space<vmem_shared>> -> memref<632xf32, #tpu.memory_space<vmem_shared>>
      tpu.enqueue_dma source(%dma_start3A_31 : memref<632xf32, #tpu.memory_space<vmem_shared>>) target(%dma_start3A_30 : memref<632xf32, #tpu.memory_space<vmem>>) target_semaphore(%run_scoped3A : memref<!tpu.dma_semaphore, #tpu.memory_space<semaphore_mem>>)
      %dma_wait3A = arith.constant 0 : i32
      %dma_wait3A_32 = tpu.memref_slice %arg6[%dma_wait3A] : memref<640xf32, #tpu.memory_space<vmem>> -> memref<632xf32, #tpu.memory_space<vmem>>
      %dma_wait3A_33 = tpu.memref_slice %arg7[%mul3A_16] : memref<10112xf32, #tpu.memory_space<vmem_shared>> -> memref<632xf32, #tpu.memory_space<vmem_shared>>
      %dma_wait3A_34 = arith.constant 0 : i32
      %dma_wait3A_35 = tpu.memref_slice %arg6[%dma_wait3A_34] : memref<640xf32, #tpu.memory_space<vmem>> -> memref<632xf32, #tpu.memory_space<vmem>>
      %dma_wait3A_36 = tpu.memref_slice %arg7[%mul3A_16] : memref<10112xf32, #tpu.memory_space<vmem_shared>> -> memref<632xf32, #tpu.memory_space<vmem_shared>>
      tpu.wait_dma2 semaphore(%run_scoped3A : memref<!tpu.dma_semaphore, #tpu.memory_space<semaphore_mem>>) src(%dma_wait3A_36 : memref<632xf32, #tpu.memory_space<vmem_shared>>) dst(%dma_wait3A_35 : memref<632xf32, #tpu.memory_space<vmem>>)
      tpu.yield
    }) : () -> ()
    %mul3A_24 = arith.constant 10112 : i32
    %mul3A_25 = arith.muli %arg0, %mul3A_24 : i32
    %add3A_26 = arith.addi %mul3A_25, %mul3A_16 : i32
    "tpu.region"() ({
      %run_scoped3A = tpu.sem_alloc : memref<!tpu.dma_semaphore, #tpu.memory_space<semaphore_mem>>
      %dma_start3A = arith.constant 0 : i32
      %dma_start3A_27 = tpu.memref_slice %arg6[%dma_start3A] : memref<640xf32, #tpu.memory_space<vmem>> -> memref<632xf32, #tpu.memory_space<vmem>>
      %dma_start3A_28 = tpu.memref_slice %arg3[%add3A_26] : memref<20224xf32, #tpu.memory_space<hbm>> -> memref<632xf32, #tpu.memory_space<hbm>>
      %dma_start3A_29 = tpu.memref_slice %arg3[%add3A_26] : memref<20224xf32, #tpu.memory_space<hbm>> -> memref<632xf32, #tpu.memory_space<hbm>>
      %dma_start3A_30 = arith.constant 0 : i32
      %dma_start3A_31 = tpu.memref_slice %arg6[%dma_start3A_30] : memref<640xf32, #tpu.memory_space<vmem>> -> memref<632xf32, #tpu.memory_space<vmem>>
      tpu.enqueue_dma source(%dma_start3A_31 : memref<632xf32, #tpu.memory_space<vmem>>) target(%dma_start3A_29 : memref<632xf32, #tpu.memory_space<hbm>>) target_semaphore(%run_scoped3A : memref<!tpu.dma_semaphore, #tpu.memory_space<semaphore_mem>>)
      %dma_wait3A = arith.constant 0 : i32
      %dma_wait3A_32 = tpu.memref_slice %arg6[%dma_wait3A] : memref<640xf32, #tpu.memory_space<vmem>> -> memref<632xf32, #tpu.memory_space<vmem>>
      %dma_wait3A_33 = tpu.memref_slice %arg3[%add3A_26] : memref<20224xf32, #tpu.memory_space<hbm>> -> memref<632xf32, #tpu.memory_space<hbm>>
      %dma_wait3A_34 = tpu.memref_slice %arg3[%add3A_26] : memref<20224xf32, #tpu.memory_space<hbm>> -> memref<632xf32, #tpu.memory_space<hbm>>
      %dma_wait3A_35 = arith.constant 0 : i32
      %dma_wait3A_36 = tpu.memref_slice %arg6[%dma_wait3A_35] : memref<640xf32, #tpu.memory_space<vmem>> -> memref<632xf32, #tpu.memory_space<vmem>>
      tpu.wait_dma2 semaphore(%run_scoped3A : memref<!tpu.dma_semaphore, #tpu.memory_space<semaphore_mem>>) src(%dma_wait3A_36 : memref<632xf32, #tpu.memory_space<vmem>>) dst(%dma_wait3A_34 : memref<632xf32, #tpu.memory_space<hbm>>)
      tpu.yield
    }) : () -> ()
    return
  }
}

#map = affine_map<(d0, d1) -> (0, 0)>
#map1 = affine_map<(d0, d1) -> (0, 0, 0)>
module attributes {stable_mosaic.version = 14 : i64} {
  func.func @_sc_scatter(%arg0: i32, %arg1: i32, %arg2: memref<10000x128xf32, #tpu.memory_space<hbm>>, %arg3: memref<16x252x80xi32, #tpu.memory_space<hbm>>, %arg4: memref<16x252x80xi32, #tpu.memory_space<hbm>>, %arg5: memref<2x5248x128xf32, #tpu.memory_space<hbm>>, %arg6: memref<252x80xi32, #tpu.memory_space<vmem>>, %arg7: memref<252x80xi32, #tpu.memory_space<vmem>>, %arg8: memref<2x80x128xf32, #tpu.memory_space<vmem>>, %arg9: memref<5248x128xf32, #tpu.memory_space<vmem_shared>>, %arg10: memref<!tpu.dma_semaphore, #tpu.memory_space<semaphore_mem>>, %arg11: memref<!tpu.dma_semaphore, #tpu.memory_space<semaphore_mem>>) attributes {dimension_semantics = [#tpu.dimension_semantics<core_parallel>, #tpu.dimension_semantics<subcore_parallel>], iteration_bounds = array<i64: 2, 16>, scalar_prefetch = 0 : i64, scratch_operands = 6 : i64, tpu.core_type = #tpu.core_type<sc_vector_subcore>, window_params = [{transform_indices = #map}, {transform_indices = #map1}, {transform_indices = #map1}, {transform_indices = #map1}]} {
    "tpu.region"() ({
      %run_scoped3A_235 = tpu.sem_alloc : memref<!tpu.dma_semaphore, #tpu.memory_space<semaphore_mem>>
      %dma_start3A_236 = arith.constant 0 : i32
      %dma_start3A_237 = arith.constant 0 : i32
      %dma_start3A_238 = tpu.memref_slice %arg3[%arg1, %dma_start3A_236, %dma_start3A_237] : memref<16x252x80xi32, #tpu.memory_space<hbm>> -> memref<1x252x80xi32, #tpu.memory_space<hbm>>
      %dma_start3A_239 = tpu.memref_squeeze %dma_start3A_238 : memref<1x252x80xi32, #tpu.memory_space<hbm>> -> memref<252x80xi32, #tpu.memory_space<hbm>>
      %dma_start3A_240 = arith.constant 0 : i32
      %dma_start3A_241 = arith.constant 0 : i32
      %dma_start3A_242 = tpu.memref_slice %arg3[%arg1, %dma_start3A_240, %dma_start3A_241] : memref<16x252x80xi32, #tpu.memory_space<hbm>> -> memref<1x252x80xi32, #tpu.memory_space<hbm>>
      %dma_start3A_243 = tpu.memref_squeeze %dma_start3A_242 : memref<1x252x80xi32, #tpu.memory_space<hbm>> -> memref<252x80xi32, #tpu.memory_space<hbm>>
      tpu.enqueue_dma source(%dma_start3A_243 : memref<252x80xi32, #tpu.memory_space<hbm>>) target(%arg6 : memref<252x80xi32, #tpu.memory_space<vmem>>) target_semaphore(%run_scoped3A_235 : memref<!tpu.dma_semaphore, #tpu.memory_space<semaphore_mem>>)
      %dma_wait3A_244 = arith.constant 0 : i32
      %dma_wait3A_245 = arith.constant 0 : i32
      %dma_wait3A_246 = tpu.memref_slice %arg3[%arg1, %dma_wait3A_244, %dma_wait3A_245] : memref<16x252x80xi32, #tpu.memory_space<hbm>> -> memref<1x252x80xi32, #tpu.memory_space<hbm>>
      %dma_wait3A_247 = tpu.memref_squeeze %dma_wait3A_246 : memref<1x252x80xi32, #tpu.memory_space<hbm>> -> memref<252x80xi32, #tpu.memory_space<hbm>>
      %dma_wait3A_248 = arith.constant 0 : i32
      %dma_wait3A_249 = arith.constant 0 : i32
      %dma_wait3A_250 = tpu.memref_slice %arg3[%arg1, %dma_wait3A_248, %dma_wait3A_249] : memref<16x252x80xi32, #tpu.memory_space<hbm>> -> memref<1x252x80xi32, #tpu.memory_space<hbm>>
      %dma_wait3A_251 = tpu.memref_squeeze %dma_wait3A_250 : memref<1x252x80xi32, #tpu.memory_space<hbm>> -> memref<252x80xi32, #tpu.memory_space<hbm>>
      tpu.wait_dma2 semaphore(%run_scoped3A_235 : memref<!tpu.dma_semaphore, #tpu.memory_space<semaphore_mem>>) src(%dma_wait3A_251 : memref<252x80xi32, #tpu.memory_space<hbm>>) dst(%arg6 : memref<252x80xi32, #tpu.memory_space<vmem>>)
      tpu.yield
    }) : () -> ()
    "tpu.region"() ({
      %run_scoped3A_235 = tpu.sem_alloc : memref<!tpu.dma_semaphore, #tpu.memory_space<semaphore_mem>>
      %dma_start3A_236 = arith.constant 0 : i32
      %dma_start3A_237 = arith.constant 0 : i32
      %dma_start3A_238 = tpu.memref_slice %arg4[%arg1, %dma_start3A_236, %dma_start3A_237] : memref<16x252x80xi32, #tpu.memory_space<hbm>> -> memref<1x252x80xi32, #tpu.memory_space<hbm>>
      %dma_start3A_239 = tpu.memref_squeeze %dma_start3A_238 : memref<1x252x80xi32, #tpu.memory_space<hbm>> -> memref<252x80xi32, #tpu.memory_space<hbm>>
      %dma_start3A_240 = arith.constant 0 : i32
      %dma_start3A_241 = arith.constant 0 : i32
      %dma_start3A_242 = tpu.memref_slice %arg4[%arg1, %dma_start3A_240, %dma_start3A_241] : memref<16x252x80xi32, #tpu.memory_space<hbm>> -> memref<1x252x80xi32, #tpu.memory_space<hbm>>
      %dma_start3A_243 = tpu.memref_squeeze %dma_start3A_242 : memref<1x252x80xi32, #tpu.memory_space<hbm>> -> memref<252x80xi32, #tpu.memory_space<hbm>>
      tpu.enqueue_dma source(%dma_start3A_243 : memref<252x80xi32, #tpu.memory_space<hbm>>) target(%arg7 : memref<252x80xi32, #tpu.memory_space<vmem>>) target_semaphore(%run_scoped3A_235 : memref<!tpu.dma_semaphore, #tpu.memory_space<semaphore_mem>>)
      %dma_wait3A_244 = arith.constant 0 : i32
      %dma_wait3A_245 = arith.constant 0 : i32
      %dma_wait3A_246 = tpu.memref_slice %arg4[%arg1, %dma_wait3A_244, %dma_wait3A_245] : memref<16x252x80xi32, #tpu.memory_space<hbm>> -> memref<1x252x80xi32, #tpu.memory_space<hbm>>
      %dma_wait3A_247 = tpu.memref_squeeze %dma_wait3A_246 : memref<1x252x80xi32, #tpu.memory_space<hbm>> -> memref<252x80xi32, #tpu.memory_space<hbm>>
      %dma_wait3A_248 = arith.constant 0 : i32
      %dma_wait3A_249 = arith.constant 0 : i32
      %dma_wait3A_250 = tpu.memref_slice %arg4[%arg1, %dma_wait3A_248, %dma_wait3A_249] : memref<16x252x80xi32, #tpu.memory_space<hbm>> -> memref<1x252x80xi32, #tpu.memory_space<hbm>>
      %dma_wait3A_251 = tpu.memref_squeeze %dma_wait3A_250 : memref<1x252x80xi32, #tpu.memory_space<hbm>> -> memref<252x80xi32, #tpu.memory_space<hbm>>
      tpu.wait_dma2 semaphore(%run_scoped3A_235 : memref<!tpu.dma_semaphore, #tpu.memory_space<semaphore_mem>>) src(%dma_wait3A_251 : memref<252x80xi32, #tpu.memory_space<hbm>>) dst(%arg7 : memref<252x80xi32, #tpu.memory_space<vmem>>)
      tpu.yield
    }) : () -> ()
    %mul3A = arith.constant 5120 : i32
    %mul3A_0 = arith.muli %arg0, %mul3A : i32
    %scan3A = arith.constant 0 : i32
    %scan3A_1 = arith.constant 0 : i32
    %scan3A_2 = arith.constant 1260 : i32
    %scan3A_3 = arith.addi %scan3A_1, %scan3A_2 : i32
    %scan3A_4 = arith.constant 1 : i32
    scf.for %scan3A_235 = %scan3A_1 to %scan3A_3 step %scan3A_4  : i32 {
      %jit3A = arith.constant 5 : i32
      %div3A = arith.divsi %scan3A_235, %jit3A : i32
      %sign3A = arith.constant 0 : i32
      %sign3A_236 = arith.cmpi sgt, %scan3A_235, %sign3A : i32
      %sign3A_237 = arith.extui %sign3A_236 : i1 to i32
      %sign3A_238 = arith.constant 0 : i32
      %sign3A_239 = arith.cmpi slt, %scan3A_235, %sign3A_238 : i32
      %sign3A_240 = arith.extui %sign3A_239 : i1 to i32
      %sign3A_241 = arith.subi %sign3A_237, %sign3A_240 : i32
      %sign3A_242 = arith.constant 0 : i32
      %sign3A_243 = arith.cmpi sgt, %jit3A, %sign3A_242 : i32
      %sign3A_244 = arith.extui %sign3A_243 : i1 to i32
      %sign3A_245 = arith.constant 0 : i32
      %sign3A_246 = arith.cmpi slt, %jit3A, %sign3A_245 : i32
      %sign3A_247 = arith.extui %sign3A_246 : i1 to i32
      %sign3A_248 = arith.subi %sign3A_244, %sign3A_247 : i32
      %ne3A = arith.cmpi ne, %sign3A_241, %sign3A_248 : i32
      %rem3A = arith.remsi %scan3A_235, %jit3A : i32
      %ne3A_249 = arith.constant 0 : i32
      %ne3A_250 = arith.cmpi ne, %rem3A, %ne3A_249 : i32
      %and3A = arith.andi %ne3A, %ne3A_250 : i1
      %sub3A = arith.constant 1 : i32
      %sub3A_251 = arith.subi %div3A, %sub3A : i32
      %select_n3A = arith.select %and3A, %sub3A_251, %div3A : i32
      %jit3A_252 = arith.constant 5 : i32
      %eq3A = arith.constant 0 : i32
      %eq3A_253 = arith.cmpi eq, %jit3A_252, %eq3A : i32
      %jit3A_254 = arith.constant 1 : i32
      %select_n3A_255 = arith.select %eq3A_253, %jit3A_254, %jit3A_252 : i32
      %rem3A_256 = arith.remsi %scan3A_235, %select_n3A_255 : i32
      %ne3A_257 = arith.constant 0 : i32
      %ne3A_258 = arith.cmpi ne, %rem3A_256, %ne3A_257 : i32
      %lt3A = arith.constant 0 : i32
      %lt3A_259 = arith.cmpi slt, %rem3A_256, %lt3A : i32
      %lt3A_260 = arith.constant 0 : i32
      %lt3A_261 = arith.cmpi slt, %select_n3A_255, %lt3A_260 : i32
      %ne3A_262 = arith.xori %lt3A_259, %lt3A_261 : i1
      %and3A_263 = arith.andi %ne3A_262, %ne3A_258 : i1
      %add3A_264 = arith.addi %rem3A_256, %select_n3A_255 : i32
      %select_n3A_265 = arith.select %and3A_263, %add3A_264, %rem3A_256 : i32
      %mul3A_266 = arith.constant 16 : i32
      %mul3A_267 = arith.muli %select_n3A_265, %mul3A_266 : i32
      %get3A = arith.index_cast %select_n3A : i32 to index
      %get3A_268 = arith.index_cast %mul3A_267 : i32 to index
      %get3A_269 = tpu.vector_load %arg7[%get3A, %get3A_268] {strides = array<i32>} : memref<252x80xi32, #tpu.memory_space<vmem>>, vector<1x16xi32>,
      %get3A_270 = vector.shape_cast %get3A_269 : vector<1x16xi32> to vector<16xi32>
      %sub3A_271 = vector.broadcast %mul3A_0 : i32 to vector<16xi32>
      %sub3A_272 = arith.subi %get3A_270, %sub3A_271 : vector<16xi32>
      %lt3A_273 = arith.constant 0 : i32
      %lt3A_274 = vector.broadcast %lt3A_273 : i32 to vector<16xi32>
      %lt3A_275 = arith.cmpi slt, %sub3A_272, %lt3A_274 : vector<16xi32>
      %ge3A = arith.constant 5120 : i32
      %ge3A_276 = vector.broadcast %ge3A : i32 to vector<16xi32>
      %ge3A_277 = arith.cmpi sge, %sub3A_272, %ge3A_276 : vector<16xi32>
      %or3A = arith.ori %lt3A_275, %ge3A_277 : vector<16xi1>
      %and3A_278 = arith.constant 63 : i32
      %and3A_279 = vector.broadcast %and3A_278 : i32 to vector<16xi32>
      %and3A_280 = arith.andi %sub3A_272, %and3A_279 : vector<16xi32>
      %add3A_281 = arith.constant 5120 : i32
      %add3A_282 = vector.broadcast %add3A_281 : i32 to vector<16xi32>
      %add3A_283 = arith.addi %add3A_282, %and3A_280 : vector<16xi32>
      %select_n3A_284 = arith.select %or3A, %add3A_283, %sub3A_272 : vector<16xi1>, vector<16xi32>
      %jit3A_285 = arith.constant 5 : i32
      %div3A_286 = arith.divsi %scan3A_235, %jit3A_285 : i32
      %sign3A_287 = arith.constant 0 : i32
      %sign3A_288 = arith.cmpi sgt, %scan3A_235, %sign3A_287 : i32
      %sign3A_289 = arith.extui %sign3A_288 : i1 to i32
      %sign3A_290 = arith.constant 0 : i32
      %sign3A_291 = arith.cmpi slt, %scan3A_235, %sign3A_290 : i32
      %sign3A_292 = arith.extui %sign3A_291 : i1 to i32
      %sign3A_293 = arith.subi %sign3A_289, %sign3A_292 : i32
      %sign3A_294 = arith.constant 0 : i32
      %sign3A_295 = arith.cmpi sgt, %jit3A_285, %sign3A_294 : i32
      %sign3A_296 = arith.extui %sign3A_295 : i1 to i32
      %sign3A_297 = arith.constant 0 : i32
      %sign3A_298 = arith.cmpi slt, %jit3A_285, %sign3A_297 : i32
      %sign3A_299 = arith.extui %sign3A_298 : i1 to i32
      %sign3A_300 = arith.subi %sign3A_296, %sign3A_299 : i32
      %ne3A_301 = arith.cmpi ne, %sign3A_293, %sign3A_300 : i32
      %rem3A_302 = arith.remsi %scan3A_235, %jit3A_285 : i32
      %ne3A_303 = arith.constant 0 : i32
      %ne3A_304 = arith.cmpi ne, %rem3A_302, %ne3A_303 : i32
      %and3A_305 = arith.andi %ne3A_301, %ne3A_304 : i1
      %sub3A_306 = arith.constant 1 : i32
      %sub3A_307 = arith.subi %div3A_286, %sub3A_306 : i32
      %select_n3A_308 = arith.select %and3A_305, %sub3A_307, %div3A_286 : i32
      %jit3A_309 = arith.constant 5 : i32
      %eq3A_310 = arith.constant 0 : i32
      %eq3A_311 = arith.cmpi eq, %jit3A_309, %eq3A_310 : i32
      %jit3A_312 = arith.constant 1 : i32
      %select_n3A_313 = arith.select %eq3A_311, %jit3A_312, %jit3A_309 : i32
      %rem3A_314 = arith.remsi %scan3A_235, %select_n3A_313 : i32
      %ne3A_315 = arith.constant 0 : i32
      %ne3A_316 = arith.cmpi ne, %rem3A_314, %ne3A_315 : i32
      %lt3A_317 = arith.constant 0 : i32
      %lt3A_318 = arith.cmpi slt, %rem3A_314, %lt3A_317 : i32
      %lt3A_319 = arith.constant 0 : i32
      %lt3A_320 = arith.cmpi slt, %select_n3A_313, %lt3A_319 : i32
      %ne3A_321 = arith.xori %lt3A_318, %lt3A_320 : i1
      %and3A_322 = arith.andi %ne3A_321, %ne3A_316 : i1
      %add3A_323 = arith.addi %rem3A_314, %select_n3A_313 : i32
      %select_n3A_324 = arith.select %and3A_322, %add3A_323, %rem3A_314 : i32
      %mul3A_325 = arith.constant 16 : i32
      %mul3A_326 = arith.muli %select_n3A_324, %mul3A_325 : i32
      %swap3A = arith.index_cast %select_n3A_308 : i32 to index
      %swap3A_327 = arith.index_cast %mul3A_326 : i32 to index
      %swap3A_328 = tpu.vector_load %arg7[%swap3A, %swap3A_327] {strides = array<i32>} : memref<252x80xi32, #tpu.memory_space<vmem>>, vector<1x16xi32>,
      %swap3A_329 = vector.shape_cast %swap3A_328 : vector<1x16xi32> to vector<16xi32>
      %swap3A_330 = vector.shape_cast %select_n3A_284 : vector<16xi32> to vector<1x16xi32>
      tpu.vector_store %arg7[%swap3A, %swap3A_327], %swap3A_330 {strides = array<i32>} : memref<252x80xi32, #tpu.memory_space<vmem>>, vector<1x16xi32>,
    }
    %scan3A_5 = arith.constant 1260 : i32
    %broadcast_in_dim3A = arith.constant 0.000000e+00 : f32
    %broadcast_in_dim3A_6 = vector.broadcast %broadcast_in_dim3A : f32 to vector<16xf32>
    %scan3A_7 = arith.constant 0 : i32
    %scan3A_8 = arith.constant 0 : i32
    %scan3A_9 = arith.constant 640 : i32
    %scan3A_10 = arith.addi %scan3A_8, %scan3A_9 : i32
    %scan3A_11 = arith.constant 1 : i32
    scf.for %scan3A_235 = %scan3A_8 to %scan3A_10 step %scan3A_11  : i32 {
      %jit3A = arith.constant 8 : i32
      %div3A = arith.divsi %scan3A_235, %jit3A : i32
      %sign3A = arith.constant 0 : i32
      %sign3A_236 = arith.cmpi sgt, %scan3A_235, %sign3A : i32
      %sign3A_237 = arith.extui %sign3A_236 : i1 to i32
      %sign3A_238 = arith.constant 0 : i32
      %sign3A_239 = arith.cmpi slt, %scan3A_235, %sign3A_238 : i32
      %sign3A_240 = arith.extui %sign3A_239 : i1 to i32
      %sign3A_241 = arith.subi %sign3A_237, %sign3A_240 : i32
      %sign3A_242 = arith.constant 0 : i32
      %sign3A_243 = arith.cmpi sgt, %jit3A, %sign3A_242 : i32
      %sign3A_244 = arith.extui %sign3A_243 : i1 to i32
      %sign3A_245 = arith.constant 0 : i32
      %sign3A_246 = arith.cmpi slt, %jit3A, %sign3A_245 : i32
      %sign3A_247 = arith.extui %sign3A_246 : i1 to i32
      %sign3A_248 = arith.subi %sign3A_244, %sign3A_247 : i32
      %ne3A = arith.cmpi ne, %sign3A_241, %sign3A_248 : i32
      %rem3A = arith.remsi %scan3A_235, %jit3A : i32
      %ne3A_249 = arith.constant 0 : i32
      %ne3A_250 = arith.cmpi ne, %rem3A, %ne3A_249 : i32
      %and3A = arith.andi %ne3A, %ne3A_250 : i1
      %sub3A = arith.constant 1 : i32
      %sub3A_251 = arith.subi %div3A, %sub3A : i32
      %select_n3A = arith.select %and3A, %sub3A_251, %div3A : i32
      %jit3A_252 = arith.constant 8 : i32
      %eq3A = arith.constant 0 : i32
      %eq3A_253 = arith.cmpi eq, %jit3A_252, %eq3A : i32
      %jit3A_254 = arith.constant 1 : i32
      %select_n3A_255 = arith.select %eq3A_253, %jit3A_254, %jit3A_252 : i32
      %rem3A_256 = arith.remsi %scan3A_235, %select_n3A_255 : i32
      %ne3A_257 = arith.constant 0 : i32
      %ne3A_258 = arith.cmpi ne, %rem3A_256, %ne3A_257 : i32
      %lt3A = arith.constant 0 : i32
      %lt3A_259 = arith.cmpi slt, %rem3A_256, %lt3A : i32
      %lt3A_260 = arith.constant 0 : i32
      %lt3A_261 = arith.cmpi slt, %select_n3A_255, %lt3A_260 : i32
      %ne3A_262 = arith.xori %lt3A_259, %lt3A_261 : i1
      %and3A_263 = arith.andi %ne3A_262, %ne3A_258 : i1
      %add3A_264 = arith.addi %rem3A_256, %select_n3A_255 : i32
      %select_n3A_265 = arith.select %and3A_263, %add3A_264, %rem3A_256 : i32
      %mul3A_266 = arith.constant 16 : i32
      %mul3A_267 = arith.muli %select_n3A_265, %mul3A_266 : i32
      %swap3A = arith.constant 0 : i32
      %swap3A_268 = arith.index_cast %swap3A : i32 to index
      %swap3A_269 = arith.index_cast %select_n3A : i32 to index
      %swap3A_270 = arith.index_cast %mul3A_267 : i32 to index
      %swap3A_271 = tpu.vector_load %arg8[%swap3A_268, %swap3A_269, %swap3A_270] {strides = array<i32>} : memref<2x80x128xf32, #tpu.memory_space<vmem>>, vector<1x1x16xf32>,
      %swap3A_272 = vector.shape_cast %swap3A_271 : vector<1x1x16xf32> to vector<16xf32>
      %swap3A_273 = vector.shape_cast %broadcast_in_dim3A_6 : vector<16xf32> to vector<1x1x16xf32>
      tpu.vector_store %arg8[%swap3A_268, %swap3A_269, %swap3A_270], %swap3A_273 {strides = array<i32>} : memref<2x80x128xf32, #tpu.memory_space<vmem>>, vector<1x1x16xf32>,
    }
    %scan3A_12 = arith.constant 640 : i32
    %mul3A_13 = arith.constant 328 : i32
    %mul3A_14 = arith.muli %arg1, %mul3A_13 : i32
    %add3A = arith.constant 0 : i32
    %add3A_15 = arith.addi %mul3A_14, %add3A : i32
    %run_scoped3A = arith.constant 0 : i32
    "tpu.region"() ({
      %run_scoped3A_235 = tpu.sem_alloc : memref<!tpu.dma_semaphore, #tpu.memory_space<semaphore_mem>>
      %dma_start3A_236 = arith.constant 0 : i32
      %dma_start3A_237 = arith.constant 0 : i32
      %dma_start3A_238 = tpu.memref_slice %arg8[%run_scoped3A, %dma_start3A_236, %dma_start3A_237] : memref<2x80x128xf32, #tpu.memory_space<vmem>> -> memref<1x80x128xf32, #tpu.memory_space<vmem>>
      %dma_start3A_239 = tpu.memref_squeeze %dma_start3A_238 : memref<1x80x128xf32, #tpu.memory_space<vmem>> -> memref<80x128xf32, #tpu.memory_space<vmem>>
      %dma_start3A_240 = arith.constant 0 : i32
      %dma_start3A_241 = tpu.memref_slice %arg9[%add3A_15, %dma_start3A_240] : memref<5248x128xf32, #tpu.memory_space<vmem_shared>> -> memref<80x128xf32, #tpu.memory_space<vmem_shared>>
      %dma_start3A_242 = arith.constant 0 : i32
      %dma_start3A_243 = tpu.memref_slice %arg9[%add3A_15, %dma_start3A_242] : memref<5248x128xf32, #tpu.memory_space<vmem_shared>> -> memref<80x128xf32, #tpu.memory_space<vmem_shared>>
      %dma_start3A_244 = arith.constant 0 : i32
      %dma_start3A_245 = arith.constant 0 : i32
      %dma_start3A_246 = tpu.memref_slice %arg8[%run_scoped3A, %dma_start3A_244, %dma_start3A_245] : memref<2x80x128xf32, #tpu.memory_space<vmem>> -> memref<1x80x128xf32, #tpu.memory_space<vmem>>
      %dma_start3A_247 = tpu.memref_squeeze %dma_start3A_246 : memref<1x80x128xf32, #tpu.memory_space<vmem>> -> memref<80x128xf32, #tpu.memory_space<vmem>>
      tpu.enqueue_dma source(%dma_start3A_247 : memref<80x128xf32, #tpu.memory_space<vmem>>) target(%dma_start3A_243 : memref<80x128xf32, #tpu.memory_space<vmem_shared>>) target_semaphore(%run_scoped3A_235 : memref<!tpu.dma_semaphore, #tpu.memory_space<semaphore_mem>>)
      %dma_wait3A_248 = arith.constant 0 : i32
      %dma_wait3A_249 = arith.constant 0 : i32
      %dma_wait3A_250 = tpu.memref_slice %arg8[%run_scoped3A, %dma_wait3A_248, %dma_wait3A_249] : memref<2x80x128xf32, #tpu.memory_space<vmem>> -> memref<1x80x128xf32, #tpu.memory_space<vmem>>
      %dma_wait3A_251 = tpu.memref_squeeze %dma_wait3A_250 : memref<1x80x128xf32, #tpu.memory_space<vmem>> -> memref<80x128xf32, #tpu.memory_space<vmem>>
      %dma_wait3A_252 = arith.constant 0 : i32
      %dma_wait3A_253 = tpu.memref_slice %arg9[%add3A_15, %dma_wait3A_252] : memref<5248x128xf32, #tpu.memory_space<vmem_shared>> -> memref<80x128xf32, #tpu.memory_space<vmem_shared>>
      %dma_wait3A_254 = arith.constant 0 : i32
      %dma_wait3A_255 = tpu.memref_slice %arg9[%add3A_15, %dma_wait3A_254] : memref<5248x128xf32, #tpu.memory_space<vmem_shared>> -> memref<80x128xf32, #tpu.memory_space<vmem_shared>>
      %dma_wait3A_256 = arith.constant 0 : i32
      %dma_wait3A_257 = arith.constant 0 : i32
      %dma_wait3A_258 = tpu.memref_slice %arg8[%run_scoped3A, %dma_wait3A_256, %dma_wait3A_257] : memref<2x80x128xf32, #tpu.memory_space<vmem>> -> memref<1x80x128xf32, #tpu.memory_space<vmem>>
      %dma_wait3A_259 = tpu.memref_squeeze %dma_wait3A_258 : memref<1x80x128xf32, #tpu.memory_space<vmem>> -> memref<80x128xf32, #tpu.memory_space<vmem>>
      tpu.wait_dma2 semaphore(%run_scoped3A_235 : memref<!tpu.dma_semaphore, #tpu.memory_space<semaphore_mem>>) src(%dma_wait3A_259 : memref<80x128xf32, #tpu.memory_space<vmem>>) dst(%dma_wait3A_255 : memref<80x128xf32, #tpu.memory_space<vmem_shared>>)
      tpu.yield
    }) : () -> ()
    %add3A_16 = arith.constant 80 : i32
    %add3A_17 = arith.addi %mul3A_14, %add3A_16 : i32
    %run_scoped3A_18 = arith.constant 0 : i32
    "tpu.region"() ({
      %run_scoped3A_235 = tpu.sem_alloc : memref<!tpu.dma_semaphore, #tpu.memory_space<semaphore_mem>>
      %dma_start3A_236 = arith.constant 0 : i32
      %dma_start3A_237 = arith.constant 0 : i32
      %dma_start3A_238 = tpu.memref_slice %arg8[%run_scoped3A_18, %dma_start3A_236, %dma_start3A_237] : memref<2x80x128xf32, #tpu.memory_space<vmem>> -> memref<1x80x128xf32, #tpu.memory_space<vmem>>
      %dma_start3A_239 = tpu.memref_squeeze %dma_start3A_238 : memref<1x80x128xf32, #tpu.memory_space<vmem>> -> memref<80x128xf32, #tpu.memory_space<vmem>>
      %dma_start3A_240 = arith.constant 0 : i32
      %dma_start3A_241 = tpu.memref_slice %arg9[%add3A_17, %dma_start3A_240] : memref<5248x128xf32, #tpu.memory_space<vmem_shared>> -> memref<80x128xf32, #tpu.memory_space<vmem_shared>>
      %dma_start3A_242 = arith.constant 0 : i32
      %dma_start3A_243 = tpu.memref_slice %arg9[%add3A_17, %dma_start3A_242] : memref<5248x128xf32, #tpu.memory_space<vmem_shared>> -> memref<80x128xf32, #tpu.memory_space<vmem_shared>>
      %dma_start3A_244 = arith.constant 0 : i32
      %dma_start3A_245 = arith.constant 0 : i32
      %dma_start3A_246 = tpu.memref_slice %arg8[%run_scoped3A_18, %dma_start3A_244, %dma_start3A_245] : memref<2x80x128xf32, #tpu.memory_space<vmem>> -> memref<1x80x128xf32, #tpu.memory_space<vmem>>
      %dma_start3A_247 = tpu.memref_squeeze %dma_start3A_246 : memref<1x80x128xf32, #tpu.memory_space<vmem>> -> memref<80x128xf32, #tpu.memory_space<vmem>>
      tpu.enqueue_dma source(%dma_start3A_247 : memref<80x128xf32, #tpu.memory_space<vmem>>) target(%dma_start3A_243 : memref<80x128xf32, #tpu.memory_space<vmem_shared>>) target_semaphore(%run_scoped3A_235 : memref<!tpu.dma_semaphore, #tpu.memory_space<semaphore_mem>>)
      %dma_wait3A_248 = arith.constant 0 : i32
      %dma_wait3A_249 = arith.constant 0 : i32
      %dma_wait3A_250 = tpu.memref_slice %arg8[%run_scoped3A_18, %dma_wait3A_248, %dma_wait3A_249] : memref<2x80x128xf32, #tpu.memory_space<vmem>> -> memref<1x80x128xf32, #tpu.memory_space<vmem>>
      %dma_wait3A_251 = tpu.memref_squeeze %dma_wait3A_250 : memref<1x80x128xf32, #tpu.memory_space<vmem>> -> memref<80x128xf32, #tpu.memory_space<vmem>>
      %dma_wait3A_252 = arith.constant 0 : i32
      %dma_wait3A_253 = tpu.memref_slice %arg9[%add3A_17, %dma_wait3A_252] : memref<5248x128xf32, #tpu.memory_space<vmem_shared>> -> memref<80x128xf32, #tpu.memory_space<vmem_shared>>
      %dma_wait3A_254 = arith.constant 0 : i32
      %dma_wait3A_255 = tpu.memref_slice %arg9[%add3A_17, %dma_wait3A_254] : memref<5248x128xf32, #tpu.memory_space<vmem_shared>> -> memref<80x128xf32, #tpu.memory_space<vmem_shared>>
      %dma_wait3A_256 = arith.constant 0 : i32
      %dma_wait3A_257 = arith.constant 0 : i32
      %dma_wait3A_258 = tpu.memref_slice %arg8[%run_scoped3A_18, %dma_wait3A_256, %dma_wait3A_257] : memref<2x80x128xf32, #tpu.memory_space<vmem>> -> memref<1x80x128xf32, #tpu.memory_space<vmem>>
      %dma_wait3A_259 = tpu.memref_squeeze %dma_wait3A_258 : memref<1x80x128xf32, #tpu.memory_space<vmem>> -> memref<80x128xf32, #tpu.memory_space<vmem>>
      tpu.wait_dma2 semaphore(%run_scoped3A_235 : memref<!tpu.dma_semaphore, #tpu.memory_space<semaphore_mem>>) src(%dma_wait3A_259 : memref<80x128xf32, #tpu.memory_space<vmem>>) dst(%dma_wait3A_255 : memref<80x128xf32, #tpu.memory_space<vmem_shared>>)
      tpu.yield
    }) : () -> ()
    %add3A_19 = arith.constant 160 : i32
    %add3A_20 = arith.addi %mul3A_14, %add3A_19 : i32
    %run_scoped3A_21 = arith.constant 0 : i32
    "tpu.region"() ({
      %run_scoped3A_235 = tpu.sem_alloc : memref<!tpu.dma_semaphore, #tpu.memory_space<semaphore_mem>>
      %dma_start3A_236 = arith.constant 0 : i32
      %dma_start3A_237 = arith.constant 0 : i32
      %dma_start3A_238 = tpu.memref_slice %arg8[%run_scoped3A_21, %dma_start3A_236, %dma_start3A_237] : memref<2x80x128xf32, #tpu.memory_space<vmem>> -> memref<1x80x128xf32, #tpu.memory_space<vmem>>
      %dma_start3A_239 = tpu.memref_squeeze %dma_start3A_238 : memref<1x80x128xf32, #tpu.memory_space<vmem>> -> memref<80x128xf32, #tpu.memory_space<vmem>>
      %dma_start3A_240 = arith.constant 0 : i32
      %dma_start3A_241 = tpu.memref_slice %arg9[%add3A_20, %dma_start3A_240] : memref<5248x128xf32, #tpu.memory_space<vmem_shared>> -> memref<80x128xf32, #tpu.memory_space<vmem_shared>>
      %dma_start3A_242 = arith.constant 0 : i32
      %dma_start3A_243 = tpu.memref_slice %arg9[%add3A_20, %dma_start3A_242] : memref<5248x128xf32, #tpu.memory_space<vmem_shared>> -> memref<80x128xf32, #tpu.memory_space<vmem_shared>>
      %dma_start3A_244 = arith.constant 0 : i32
      %dma_start3A_245 = arith.constant 0 : i32
      %dma_start3A_246 = tpu.memref_slice %arg8[%run_scoped3A_21, %dma_start3A_244, %dma_start3A_245] : memref<2x80x128xf32, #tpu.memory_space<vmem>> -> memref<1x80x128xf32, #tpu.memory_space<vmem>>
      %dma_start3A_247 = tpu.memref_squeeze %dma_start3A_246 : memref<1x80x128xf32, #tpu.memory_space<vmem>> -> memref<80x128xf32, #tpu.memory_space<vmem>>
      tpu.enqueue_dma source(%dma_start3A_247 : memref<80x128xf32, #tpu.memory_space<vmem>>) target(%dma_start3A_243 : memref<80x128xf32, #tpu.memory_space<vmem_shared>>) target_semaphore(%run_scoped3A_235 : memref<!tpu.dma_semaphore, #tpu.memory_space<semaphore_mem>>)
      %dma_wait3A_248 = arith.constant 0 : i32
      %dma_wait3A_249 = arith.constant 0 : i32
      %dma_wait3A_250 = tpu.memref_slice %arg8[%run_scoped3A_21, %dma_wait3A_248, %dma_wait3A_249] : memref<2x80x128xf32, #tpu.memory_space<vmem>> -> memref<1x80x128xf32, #tpu.memory_space<vmem>>
      %dma_wait3A_251 = tpu.memref_squeeze %dma_wait3A_250 : memref<1x80x128xf32, #tpu.memory_space<vmem>> -> memref<80x128xf32, #tpu.memory_space<vmem>>
      %dma_wait3A_252 = arith.constant 0 : i32
      %dma_wait3A_253 = tpu.memref_slice %arg9[%add3A_20, %dma_wait3A_252] : memref<5248x128xf32, #tpu.memory_space<vmem_shared>> -> memref<80x128xf32, #tpu.memory_space<vmem_shared>>
      %dma_wait3A_254 = arith.constant 0 : i32
      %dma_wait3A_255 = tpu.memref_slice %arg9[%add3A_20, %dma_wait3A_254] : memref<5248x128xf32, #tpu.memory_space<vmem_shared>> -> memref<80x128xf32, #tpu.memory_space<vmem_shared>>
      %dma_wait3A_256 = arith.constant 0 : i32
      %dma_wait3A_257 = arith.constant 0 : i32
      %dma_wait3A_258 = tpu.memref_slice %arg8[%run_scoped3A_21, %dma_wait3A_256, %dma_wait3A_257] : memref<2x80x128xf32, #tpu.memory_space<vmem>> -> memref<1x80x128xf32, #tpu.memory_space<vmem>>
      %dma_wait3A_259 = tpu.memref_squeeze %dma_wait3A_258 : memref<1x80x128xf32, #tpu.memory_space<vmem>> -> memref<80x128xf32, #tpu.memory_space<vmem>>
      tpu.wait_dma2 semaphore(%run_scoped3A_235 : memref<!tpu.dma_semaphore, #tpu.memory_space<semaphore_mem>>) src(%dma_wait3A_259 : memref<80x128xf32, #tpu.memory_space<vmem>>) dst(%dma_wait3A_255 : memref<80x128xf32, #tpu.memory_space<vmem_shared>>)
      tpu.yield
    }) : () -> ()
    %add3A_22 = arith.constant 240 : i32
    %add3A_23 = arith.addi %mul3A_14, %add3A_22 : i32
    %run_scoped3A_24 = arith.constant 0 : i32
    "tpu.region"() ({
      %run_scoped3A_235 = tpu.sem_alloc : memref<!tpu.dma_semaphore, #tpu.memory_space<semaphore_mem>>
      %dma_start3A_236 = arith.constant 0 : i32
      %dma_start3A_237 = arith.constant 0 : i32
      %dma_start3A_238 = tpu.memref_slice %arg8[%run_scoped3A_24, %dma_start3A_236, %dma_start3A_237] : memref<2x80x128xf32, #tpu.memory_space<vmem>> -> memref<1x80x128xf32, #tpu.memory_space<vmem>>
      %dma_start3A_239 = tpu.memref_squeeze %dma_start3A_238 : memref<1x80x128xf32, #tpu.memory_space<vmem>> -> memref<80x128xf32, #tpu.memory_space<vmem>>
      %dma_start3A_240 = arith.constant 0 : i32
      %dma_start3A_241 = tpu.memref_slice %arg9[%add3A_23, %dma_start3A_240] : memref<5248x128xf32, #tpu.memory_space<vmem_shared>> -> memref<80x128xf32, #tpu.memory_space<vmem_shared>>
      %dma_start3A_242 = arith.constant 0 : i32
      %dma_start3A_243 = tpu.memref_slice %arg9[%add3A_23, %dma_start3A_242] : memref<5248x128xf32, #tpu.memory_space<vmem_shared>> -> memref<80x128xf32, #tpu.memory_space<vmem_shared>>
      %dma_start3A_244 = arith.constant 0 : i32
      %dma_start3A_245 = arith.constant 0 : i32
      %dma_start3A_246 = tpu.memref_slice %arg8[%run_scoped3A_24, %dma_start3A_244, %dma_start3A_245] : memref<2x80x128xf32, #tpu.memory_space<vmem>> -> memref<1x80x128xf32, #tpu.memory_space<vmem>>
      %dma_start3A_247 = tpu.memref_squeeze %dma_start3A_246 : memref<1x80x128xf32, #tpu.memory_space<vmem>> -> memref<80x128xf32, #tpu.memory_space<vmem>>
      tpu.enqueue_dma source(%dma_start3A_247 : memref<80x128xf32, #tpu.memory_space<vmem>>) target(%dma_start3A_243 : memref<80x128xf32, #tpu.memory_space<vmem_shared>>) target_semaphore(%run_scoped3A_235 : memref<!tpu.dma_semaphore, #tpu.memory_space<semaphore_mem>>)
      %dma_wait3A_248 = arith.constant 0 : i32
      %dma_wait3A_249 = arith.constant 0 : i32
      %dma_wait3A_250 = tpu.memref_slice %arg8[%run_scoped3A_24, %dma_wait3A_248, %dma_wait3A_249] : memref<2x80x128xf32, #tpu.memory_space<vmem>> -> memref<1x80x128xf32, #tpu.memory_space<vmem>>
      %dma_wait3A_251 = tpu.memref_squeeze %dma_wait3A_250 : memref<1x80x128xf32, #tpu.memory_space<vmem>> -> memref<80x128xf32, #tpu.memory_space<vmem>>
      %dma_wait3A_252 = arith.constant 0 : i32
      %dma_wait3A_253 = tpu.memref_slice %arg9[%add3A_23, %dma_wait3A_252] : memref<5248x128xf32, #tpu.memory_space<vmem_shared>> -> memref<80x128xf32, #tpu.memory_space<vmem_shared>>
      %dma_wait3A_254 = arith.constant 0 : i32
      %dma_wait3A_255 = tpu.memref_slice %arg9[%add3A_23, %dma_wait3A_254] : memref<5248x128xf32, #tpu.memory_space<vmem_shared>> -> memref<80x128xf32, #tpu.memory_space<vmem_shared>>
      %dma_wait3A_256 = arith.constant 0 : i32
      %dma_wait3A_257 = arith.constant 0 : i32
      %dma_wait3A_258 = tpu.memref_slice %arg8[%run_scoped3A_24, %dma_wait3A_256, %dma_wait3A_257] : memref<2x80x128xf32, #tpu.memory_space<vmem>> -> memref<1x80x128xf32, #tpu.memory_space<vmem>>
      %dma_wait3A_259 = tpu.memref_squeeze %dma_wait3A_258 : memref<1x80x128xf32, #tpu.memory_space<vmem>> -> memref<80x128xf32, #tpu.memory_space<vmem>>
      tpu.wait_dma2 semaphore(%run_scoped3A_235 : memref<!tpu.dma_semaphore, #tpu.memory_space<semaphore_mem>>) src(%dma_wait3A_259 : memref<80x128xf32, #tpu.memory_space<vmem>>) dst(%dma_wait3A_255 : memref<80x128xf32, #tpu.memory_space<vmem_shared>>)
      tpu.yield
    }) : () -> ()
    %add3A_25 = arith.constant 320 : i32
    %add3A_26 = arith.addi %mul3A_14, %add3A_25 : i32
    %run_scoped3A_27 = arith.constant 0 : i32
    "tpu.region"() ({
      %run_scoped3A_235 = tpu.sem_alloc : memref<!tpu.dma_semaphore, #tpu.memory_space<semaphore_mem>>
      %dma_start3A_236 = arith.constant 0 : i32
      %dma_start3A_237 = arith.constant 0 : i32
      %dma_start3A_238 = tpu.memref_slice %arg8[%run_scoped3A_27, %dma_start3A_236, %dma_start3A_237] : memref<2x80x128xf32, #tpu.memory_space<vmem>> -> memref<1x8x128xf32, #tpu.memory_space<vmem>>
      %dma_start3A_239 = tpu.memref_squeeze %dma_start3A_238 : memref<1x8x128xf32, #tpu.memory_space<vmem>> -> memref<8x128xf32, #tpu.memory_space<vmem>>
      %dma_start3A_240 = arith.constant 0 : i32
      %dma_start3A_241 = tpu.memref_slice %arg9[%add3A_26, %dma_start3A_240] : memref<5248x128xf32, #tpu.memory_space<vmem_shared>> -> memref<8x128xf32, #tpu.memory_space<vmem_shared>>
      %dma_start3A_242 = arith.constant 0 : i32
      %dma_start3A_243 = tpu.memref_slice %arg9[%add3A_26, %dma_start3A_242] : memref<5248x128xf32, #tpu.memory_space<vmem_shared>> -> memref<8x128xf32, #tpu.memory_space<vmem_shared>>
      %dma_start3A_244 = arith.constant 0 : i32
      %dma_start3A_245 = arith.constant 0 : i32
      %dma_start3A_246 = tpu.memref_slice %arg8[%run_scoped3A_27, %dma_start3A_244, %dma_start3A_245] : memref<2x80x128xf32, #tpu.memory_space<vmem>> -> memref<1x8x128xf32, #tpu.memory_space<vmem>>
      %dma_start3A_247 = tpu.memref_squeeze %dma_start3A_246 : memref<1x8x128xf32, #tpu.memory_space<vmem>> -> memref<8x128xf32, #tpu.memory_space<vmem>>
      tpu.enqueue_dma source(%dma_start3A_247 : memref<8x128xf32, #tpu.memory_space<vmem>>) target(%dma_start3A_243 : memref<8x128xf32, #tpu.memory_space<vmem_shared>>) target_semaphore(%run_scoped3A_235 : memref<!tpu.dma_semaphore, #tpu.memory_space<semaphore_mem>>)
      %dma_wait3A_248 = arith.constant 0 : i32
      %dma_wait3A_249 = arith.constant 0 : i32
      %dma_wait3A_250 = tpu.memref_slice %arg8[%run_scoped3A_27, %dma_wait3A_248, %dma_wait3A_249] : memref<2x80x128xf32, #tpu.memory_space<vmem>> -> memref<1x8x128xf32, #tpu.memory_space<vmem>>
      %dma_wait3A_251 = tpu.memref_squeeze %dma_wait3A_250 : memref<1x8x128xf32, #tpu.memory_space<vmem>> -> memref<8x128xf32, #tpu.memory_space<vmem>>
      %dma_wait3A_252 = arith.constant 0 : i32
      %dma_wait3A_253 = tpu.memref_slice %arg9[%add3A_26, %dma_wait3A_252] : memref<5248x128xf32, #tpu.memory_space<vmem_shared>> -> memref<8x128xf32, #tpu.memory_space<vmem_shared>>
      %dma_wait3A_254 = arith.constant 0 : i32
      %dma_wait3A_255 = tpu.memref_slice %arg9[%add3A_26, %dma_wait3A_254] : memref<5248x128xf32, #tpu.memory_space<vmem_shared>> -> memref<8x128xf32, #tpu.memory_space<vmem_shared>>
      %dma_wait3A_256 = arith.constant 0 : i32
      %dma_wait3A_257 = arith.constant 0 : i32
      %dma_wait3A_258 = tpu.memref_slice %arg8[%run_scoped3A_27, %dma_wait3A_256, %dma_wait3A_257] : memref<2x80x128xf32, #tpu.memory_space<vmem>> -> memref<1x8x128xf32, #tpu.memory_space<vmem>>
      %dma_wait3A_259 = tpu.memref_squeeze %dma_wait3A_258 : memref<1x8x128xf32, #tpu.memory_space<vmem>> -> memref<8x128xf32, #tpu.memory_space<vmem>>
      tpu.wait_dma2 semaphore(%run_scoped3A_235 : memref<!tpu.dma_semaphore, #tpu.memory_space<semaphore_mem>>) src(%dma_wait3A_259 : memref<8x128xf32, #tpu.memory_space<vmem>>) dst(%dma_wait3A_255 : memref<8x128xf32, #tpu.memory_space<vmem_shared>>)
      tpu.yield
    }) : () -> ()
    %barrier3A = arith.constant 0 : index
    tpu.barrier barrier_id(%barrier3A)
    %dma_start3A = arith.constant 0 : i32
    %dma_start3A_28 = arith.constant 0 : i32
    %dma_start3A_29 = arith.constant 0 : i32
    %dma_start3A_30 = arith.constant 0 : i32
    %dma_start3A_31 = tpu.memref_slice %arg8[%dma_start3A_28, %dma_start3A_29, %dma_start3A_30] : memref<2x80x128xf32, #tpu.memory_space<vmem>> -> memref<1x80x128xf32, #tpu.memory_space<vmem>>
    %dma_start3A_32 = tpu.memref_squeeze %dma_start3A_31 : memref<1x80x128xf32, #tpu.memory_space<vmem>> -> memref<80x128xf32, #tpu.memory_space<vmem>>
    %dma_start3A_33 = arith.constant 0 : i32
    %dma_start3A_34 = tpu.memref_slice %arg6[%dma_start3A, %dma_start3A_33] : memref<252x80xi32, #tpu.memory_space<vmem>> -> memref<1x80xi32, #tpu.memory_space<vmem>>
    %dma_start3A_35 = tpu.memref_squeeze %dma_start3A_34 : memref<1x80xi32, #tpu.memory_space<vmem>> -> memref<80xi32, #tpu.memory_space<vmem>>
    %dma_start3A_36 = arith.constant 0 : i32
    %dma_start3A_37 = arith.constant 0 : i32
    %dma_start3A_38 = tpu.memref_slice %arg2[%dma_start3A_36, %dma_start3A_37] : memref<10000x128xf32, #tpu.memory_space<hbm>> -> memref<10000x128xf32, #tpu.memory_space<hbm>>
    tpu.enqueue_indirect_dma source(%dma_start3A_38 : memref<10000x128xf32, #tpu.memory_space<hbm>>) target(%dma_start3A_32 : memref<80x128xf32, #tpu.memory_space<vmem>>) offsets(%dma_start3A_35 : memref<80xi32, #tpu.memory_space<vmem>>) semaphore(%arg10 : memref<!tpu.dma_semaphore, #tpu.memory_space<semaphore_mem>>)
    %dma_start3A_39 = arith.constant 1 : i32
    %dma_start3A_40 = arith.constant 1 : i32
    %dma_start3A_41 = arith.constant 0 : i32
    %dma_start3A_42 = arith.constant 0 : i32
    %dma_start3A_43 = tpu.memref_slice %arg8[%dma_start3A_40, %dma_start3A_41, %dma_start3A_42] : memref<2x80x128xf32, #tpu.memory_space<vmem>> -> memref<1x80x128xf32, #tpu.memory_space<vmem>>
    %dma_start3A_44 = tpu.memref_squeeze %dma_start3A_43 : memref<1x80x128xf32, #tpu.memory_space<vmem>> -> memref<80x128xf32, #tpu.memory_space<vmem>>
    %dma_start3A_45 = arith.constant 0 : i32
    %dma_start3A_46 = tpu.memref_slice %arg6[%dma_start3A_39, %dma_start3A_45] : memref<252x80xi32, #tpu.memory_space<vmem>> -> memref<1x80xi32, #tpu.memory_space<vmem>>
    %dma_start3A_47 = tpu.memref_squeeze %dma_start3A_46 : memref<1x80xi32, #tpu.memory_space<vmem>> -> memref<80xi32, #tpu.memory_space<vmem>>
    %dma_start3A_48 = arith.constant 0 : i32
    %dma_start3A_49 = arith.constant 0 : i32
    %dma_start3A_50 = tpu.memref_slice %arg2[%dma_start3A_48, %dma_start3A_49] : memref<10000x128xf32, #tpu.memory_space<hbm>> -> memref<10000x128xf32, #tpu.memory_space<hbm>>
    tpu.enqueue_indirect_dma source(%dma_start3A_50 : memref<10000x128xf32, #tpu.memory_space<hbm>>) target(%dma_start3A_44 : memref<80x128xf32, #tpu.memory_space<vmem>>) offsets(%dma_start3A_47 : memref<80xi32, #tpu.memory_space<vmem>>) semaphore(%arg11 : memref<!tpu.dma_semaphore, #tpu.memory_space<semaphore_mem>>)
    %scan3A_51 = arith.constant 0 : i32
    %scan3A_52 = arith.constant 0 : i32
    %scan3A_53 = arith.constant 125 : i32
    %scan3A_54 = arith.addi %scan3A_52, %scan3A_53 : i32
    %scan3A_55 = arith.constant 1 : i32
    scf.for %scan3A_235 = %scan3A_52 to %scan3A_54 step %scan3A_55  : i32 {
      %mul3A_236 = arith.constant 2 : i32
      %mul3A_237 = arith.muli %scan3A_235, %mul3A_236 : i32
      %dma_wait3A_238 = arith.constant 0 : i32
      %dma_wait3A_239 = arith.constant 0 : i32
      %dma_wait3A_240 = arith.constant 0 : i32
      %dma_wait3A_241 = tpu.memref_slice %arg8[%dma_wait3A_238, %dma_wait3A_239, %dma_wait3A_240] : memref<2x80x128xf32, #tpu.memory_space<vmem>> -> memref<1x80x128xf32, #tpu.memory_space<vmem>>
      %dma_wait3A_242 = tpu.memref_squeeze %dma_wait3A_241 : memref<1x80x128xf32, #tpu.memory_space<vmem>> -> memref<80x128xf32, #tpu.memory_space<vmem>>
      %dma_wait3A_243 = arith.constant 0 : i32
      %dma_wait3A_244 = tpu.memref_slice %arg6[%mul3A_237, %dma_wait3A_243] : memref<252x80xi32, #tpu.memory_space<vmem>> -> memref<1x80xi32, #tpu.memory_space<vmem>>
      %dma_wait3A_245 = tpu.memref_squeeze %dma_wait3A_244 : memref<1x80xi32, #tpu.memory_space<vmem>> -> memref<80xi32, #tpu.memory_space<vmem>>
      %dma_wait3A_246 = arith.constant 0 : i32
      %dma_wait3A_247 = arith.constant 0 : i32
      %dma_wait3A_248 = tpu.memref_slice %arg2[%dma_wait3A_246, %dma_wait3A_247] : memref<10000x128xf32, #tpu.memory_space<hbm>> -> memref<10000x128xf32, #tpu.memory_space<hbm>>
      tpu.wait_indirect_dma semaphore(%arg10 : memref<!tpu.dma_semaphore, #tpu.memory_space<semaphore_mem>>) src(%dma_wait3A_248 : memref<10000x128xf32, #tpu.memory_space<hbm>>) dst(%dma_wait3A_242 : memref<80x128xf32, #tpu.memory_space<vmem>>)
      %run_scoped3A_249 = arith.constant 0 : i32
      "tpu.region"() ({
        %run_scoped3A_292 = tpu.sem_alloc : memref<!tpu.dma_semaphore, #tpu.memory_space<semaphore_mem>>
        %dma_start3A_293 = arith.constant 0 : i32
        %dma_start3A_294 = arith.constant 0 : i32
        %dma_start3A_295 = tpu.memref_slice %arg8[%run_scoped3A_249, %dma_start3A_293, %dma_start3A_294] : memref<2x80x128xf32, #tpu.memory_space<vmem>> -> memref<1x80x128xf32, #tpu.memory_space<vmem>>
        %dma_start3A_296 = tpu.memref_squeeze %dma_start3A_295 : memref<1x80x128xf32, #tpu.memory_space<vmem>> -> memref<80x128xf32, #tpu.memory_space<vmem>>
        %dma_start3A_297 = arith.constant 0 : i32
        %dma_start3A_298 = tpu.memref_slice %arg7[%mul3A_237, %dma_start3A_297] : memref<252x80xi32, #tpu.memory_space<vmem>> -> memref<1x80xi32, #tpu.memory_space<vmem>>
        %dma_start3A_299 = tpu.memref_squeeze %dma_start3A_298 : memref<1x80xi32, #tpu.memory_space<vmem>> -> memref<80xi32, #tpu.memory_space<vmem>>
        %dma_start3A_300 = arith.constant 0 : i32
        %dma_start3A_301 = arith.constant 0 : i32
        %dma_start3A_302 = tpu.memref_slice %arg9[%dma_start3A_300, %dma_start3A_301] : memref<5248x128xf32, #tpu.memory_space<vmem_shared>> -> memref<5248x128xf32, #tpu.memory_space<vmem_shared>>
        tpu.enqueue_indirect_dma source(%dma_start3A_296 : memref<80x128xf32, #tpu.memory_space<vmem>>) target(%dma_start3A_302 : memref<5248x128xf32, #tpu.memory_space<vmem_shared>>) offsets(%dma_start3A_299 : memref<80xi32, #tpu.memory_space<vmem>>) semaphore(%run_scoped3A_292 : memref<!tpu.dma_semaphore, #tpu.memory_space<semaphore_mem>>) {add = true}
        %dma_wait3A_303 = arith.constant 0 : i32
        %dma_wait3A_304 = arith.constant 0 : i32
        %dma_wait3A_305 = tpu.memref_slice %arg8[%run_scoped3A_249, %dma_wait3A_303, %dma_wait3A_304] : memref<2x80x128xf32, #tpu.memory_space<vmem>> -> memref<1x80x128xf32, #tpu.memory_space<vmem>>
        %dma_wait3A_306 = tpu.memref_squeeze %dma_wait3A_305 : memref<1x80x128xf32, #tpu.memory_space<vmem>> -> memref<80x128xf32, #tpu.memory_space<vmem>>
        %dma_wait3A_307 = arith.constant 0 : i32
        %dma_wait3A_308 = tpu.memref_slice %arg7[%mul3A_237, %dma_wait3A_307] : memref<252x80xi32, #tpu.memory_space<vmem>> -> memref<1x80xi32, #tpu.memory_space<vmem>>
        %dma_wait3A_309 = tpu.memref_squeeze %dma_wait3A_308 : memref<1x80xi32, #tpu.memory_space<vmem>> -> memref<80xi32, #tpu.memory_space<vmem>>
        %dma_wait3A_310 = arith.constant 0 : i32
        %dma_wait3A_311 = arith.constant 0 : i32
        %dma_wait3A_312 = tpu.memref_slice %arg9[%dma_wait3A_310, %dma_wait3A_311] : memref<5248x128xf32, #tpu.memory_space<vmem_shared>> -> memref<5248x128xf32, #tpu.memory_space<vmem_shared>>
        tpu.wait_indirect_dma semaphore(%run_scoped3A_292 : memref<!tpu.dma_semaphore, #tpu.memory_space<semaphore_mem>>) src(%dma_wait3A_306 : memref<80x128xf32, #tpu.memory_space<vmem>>) dst(%dma_wait3A_312 : memref<5248x128xf32, #tpu.memory_space<vmem_shared>>)
        tpu.yield
      }) : () -> ()
      %add3A_250 = arith.constant 2 : i32
      %add3A_251 = arith.addi %mul3A_237, %add3A_250 : i32
      %dma_start3A_252 = arith.constant 0 : i32
      %dma_start3A_253 = arith.constant 0 : i32
      %dma_start3A_254 = arith.constant 0 : i32
      %dma_start3A_255 = tpu.memref_slice %arg8[%dma_start3A_252, %dma_start3A_253, %dma_start3A_254] : memref<2x80x128xf32, #tpu.memory_space<vmem>> -> memref<1x80x128xf32, #tpu.memory_space<vmem>>
      %dma_start3A_256 = tpu.memref_squeeze %dma_start3A_255 : memref<1x80x128xf32, #tpu.memory_space<vmem>> -> memref<80x128xf32, #tpu.memory_space<vmem>>
      %dma_start3A_257 = arith.constant 0 : i32
      %dma_start3A_258 = tpu.memref_slice %arg6[%add3A_251, %dma_start3A_257] : memref<252x80xi32, #tpu.memory_space<vmem>> -> memref<1x80xi32, #tpu.memory_space<vmem>>
      %dma_start3A_259 = tpu.memref_squeeze %dma_start3A_258 : memref<1x80xi32, #tpu.memory_space<vmem>> -> memref<80xi32, #tpu.memory_space<vmem>>
      %dma_start3A_260 = arith.constant 0 : i32
      %dma_start3A_261 = arith.constant 0 : i32
      %dma_start3A_262 = tpu.memref_slice %arg2[%dma_start3A_260, %dma_start3A_261] : memref<10000x128xf32, #tpu.memory_space<hbm>> -> memref<10000x128xf32, #tpu.memory_space<hbm>>
      tpu.enqueue_indirect_dma source(%dma_start3A_262 : memref<10000x128xf32, #tpu.memory_space<hbm>>) target(%dma_start3A_256 : memref<80x128xf32, #tpu.memory_space<vmem>>) offsets(%dma_start3A_259 : memref<80xi32, #tpu.memory_space<vmem>>) semaphore(%arg10 : memref<!tpu.dma_semaphore, #tpu.memory_space<semaphore_mem>>)
      %add3A_263 = arith.constant 1 : i32
      %add3A_264 = arith.addi %mul3A_237, %add3A_263 : i32
      %dma_wait3A_265 = arith.constant 1 : i32
      %dma_wait3A_266 = arith.constant 0 : i32
      %dma_wait3A_267 = arith.constant 0 : i32
      %dma_wait3A_268 = tpu.memref_slice %arg8[%dma_wait3A_265, %dma_wait3A_266, %dma_wait3A_267] : memref<2x80x128xf32, #tpu.memory_space<vmem>> -> memref<1x80x128xf32, #tpu.memory_space<vmem>>
      %dma_wait3A_269 = tpu.memref_squeeze %dma_wait3A_268 : memref<1x80x128xf32, #tpu.memory_space<vmem>> -> memref<80x128xf32, #tpu.memory_space<vmem>>
      %dma_wait3A_270 = arith.constant 0 : i32
      %dma_wait3A_271 = tpu.memref_slice %arg6[%add3A_264, %dma_wait3A_270] : memref<252x80xi32, #tpu.memory_space<vmem>> -> memref<1x80xi32, #tpu.memory_space<vmem>>
      %dma_wait3A_272 = tpu.memref_squeeze %dma_wait3A_271 : memref<1x80xi32, #tpu.memory_space<vmem>> -> memref<80xi32, #tpu.memory_space<vmem>>
      %dma_wait3A_273 = arith.constant 0 : i32
      %dma_wait3A_274 = arith.constant 0 : i32
      %dma_wait3A_275 = tpu.memref_slice %arg2[%dma_wait3A_273, %dma_wait3A_274] : memref<10000x128xf32, #tpu.memory_space<hbm>> -> memref<10000x128xf32, #tpu.memory_space<hbm>>
      tpu.wait_indirect_dma semaphore(%arg11 : memref<!tpu.dma_semaphore, #tpu.memory_space<semaphore_mem>>) src(%dma_wait3A_275 : memref<10000x128xf32, #tpu.memory_space<hbm>>) dst(%dma_wait3A_269 : memref<80x128xf32, #tpu.memory_space<vmem>>)
      %add3A_276 = arith.constant 1 : i32
      %add3A_277 = arith.addi %mul3A_237, %add3A_276 : i32
      %run_scoped3A_278 = arith.constant 1 : i32
      "tpu.region"() ({
        %run_scoped3A_292 = tpu.sem_alloc : memref<!tpu.dma_semaphore, #tpu.memory_space<semaphore_mem>>
        %dma_start3A_293 = arith.constant 0 : i32
        %dma_start3A_294 = arith.constant 0 : i32
        %dma_start3A_295 = tpu.memref_slice %arg8[%run_scoped3A_278, %dma_start3A_293, %dma_start3A_294] : memref<2x80x128xf32, #tpu.memory_space<vmem>> -> memref<1x80x128xf32, #tpu.memory_space<vmem>>
        %dma_start3A_296 = tpu.memref_squeeze %dma_start3A_295 : memref<1x80x128xf32, #tpu.memory_space<vmem>> -> memref<80x128xf32, #tpu.memory_space<vmem>>
        %dma_start3A_297 = arith.constant 0 : i32
        %dma_start3A_298 = tpu.memref_slice %arg7[%add3A_277, %dma_start3A_297] : memref<252x80xi32, #tpu.memory_space<vmem>> -> memref<1x80xi32, #tpu.memory_space<vmem>>
        %dma_start3A_299 = tpu.memref_squeeze %dma_start3A_298 : memref<1x80xi32, #tpu.memory_space<vmem>> -> memref<80xi32, #tpu.memory_space<vmem>>
        %dma_start3A_300 = arith.constant 0 : i32
        %dma_start3A_301 = arith.constant 0 : i32
        %dma_start3A_302 = tpu.memref_slice %arg9[%dma_start3A_300, %dma_start3A_301] : memref<5248x128xf32, #tpu.memory_space<vmem_shared>> -> memref<5248x128xf32, #tpu.memory_space<vmem_shared>>
        tpu.enqueue_indirect_dma source(%dma_start3A_296 : memref<80x128xf32, #tpu.memory_space<vmem>>) target(%dma_start3A_302 : memref<5248x128xf32, #tpu.memory_space<vmem_shared>>) offsets(%dma_start3A_299 : memref<80xi32, #tpu.memory_space<vmem>>) semaphore(%run_scoped3A_292 : memref<!tpu.dma_semaphore, #tpu.memory_space<semaphore_mem>>) {add = true}
        %dma_wait3A_303 = arith.constant 0 : i32
        %dma_wait3A_304 = arith.constant 0 : i32
        %dma_wait3A_305 = tpu.memref_slice %arg8[%run_scoped3A_278, %dma_wait3A_303, %dma_wait3A_304] : memref<2x80x128xf32, #tpu.memory_space<vmem>> -> memref<1x80x128xf32, #tpu.memory_space<vmem>>
        %dma_wait3A_306 = tpu.memref_squeeze %dma_wait3A_305 : memref<1x80x128xf32, #tpu.memory_space<vmem>> -> memref<80x128xf32, #tpu.memory_space<vmem>>
        %dma_wait3A_307 = arith.constant 0 : i32
        %dma_wait3A_308 = tpu.memref_slice %arg7[%add3A_277, %dma_wait3A_307] : memref<252x80xi32, #tpu.memory_space<vmem>> -> memref<1x80xi32, #tpu.memory_space<vmem>>
        %dma_wait3A_309 = tpu.memref_squeeze %dma_wait3A_308 : memref<1x80xi32, #tpu.memory_space<vmem>> -> memref<80xi32, #tpu.memory_space<vmem>>
        %dma_wait3A_310 = arith.constant 0 : i32
        %dma_wait3A_311 = arith.constant 0 : i32
        %dma_wait3A_312 = tpu.memref_slice %arg9[%dma_wait3A_310, %dma_wait3A_311] : memref<5248x128xf32, #tpu.memory_space<vmem_shared>> -> memref<5248x128xf32, #tpu.memory_space<vmem_shared>>
        tpu.wait_indirect_dma semaphore(%run_scoped3A_292 : memref<!tpu.dma_semaphore, #tpu.memory_space<semaphore_mem>>) src(%dma_wait3A_306 : memref<80x128xf32, #tpu.memory_space<vmem>>) dst(%dma_wait3A_312 : memref<5248x128xf32, #tpu.memory_space<vmem_shared>>)
        tpu.yield
      }) : () -> ()
      %add3A_279 = arith.constant 3 : i32
      %add3A_280 = arith.addi %mul3A_237, %add3A_279 : i32
      %dma_start3A_281 = arith.constant 1 : i32
      %dma_start3A_282 = arith.constant 0 : i32
      %dma_start3A_283 = arith.constant 0 : i32
      %dma_start3A_284 = tpu.memref_slice %arg8[%dma_start3A_281, %dma_start3A_282, %dma_start3A_283] : memref<2x80x128xf32, #tpu.memory_space<vmem>> -> memref<1x80x128xf32, #tpu.memory_space<vmem>>
      %dma_start3A_285 = tpu.memref_squeeze %dma_start3A_284 : memref<1x80x128xf32, #tpu.memory_space<vmem>> -> memref<80x128xf32, #tpu.memory_space<vmem>>
      %dma_start3A_286 = arith.constant 0 : i32
      %dma_start3A_287 = tpu.memref_slice %arg6[%add3A_280, %dma_start3A_286] : memref<252x80xi32, #tpu.memory_space<vmem>> -> memref<1x80xi32, #tpu.memory_space<vmem>>
      %dma_start3A_288 = tpu.memref_squeeze %dma_start3A_287 : memref<1x80xi32, #tpu.memory_space<vmem>> -> memref<80xi32, #tpu.memory_space<vmem>>
      %dma_start3A_289 = arith.constant 0 : i32
      %dma_start3A_290 = arith.constant 0 : i32
      %dma_start3A_291 = tpu.memref_slice %arg2[%dma_start3A_289, %dma_start3A_290] : memref<10000x128xf32, #tpu.memory_space<hbm>> -> memref<10000x128xf32, #tpu.memory_space<hbm>>
      tpu.enqueue_indirect_dma source(%dma_start3A_291 : memref<10000x128xf32, #tpu.memory_space<hbm>>) target(%dma_start3A_285 : memref<80x128xf32, #tpu.memory_space<vmem>>) offsets(%dma_start3A_288 : memref<80xi32, #tpu.memory_space<vmem>>) semaphore(%arg11 : memref<!tpu.dma_semaphore, #tpu.memory_space<semaphore_mem>>)
    }
    %scan3A_56 = arith.constant 125 : i32
    %dma_wait3A = arith.constant 250 : i32
    %dma_wait3A_57 = arith.constant 0 : i32
    %dma_wait3A_58 = arith.constant 0 : i32
    %dma_wait3A_59 = arith.constant 0 : i32
    %dma_wait3A_60 = tpu.memref_slice %arg8[%dma_wait3A_57, %dma_wait3A_58, %dma_wait3A_59] : memref<2x80x128xf32, #tpu.memory_space<vmem>> -> memref<1x80x128xf32, #tpu.memory_space<vmem>>
    %dma_wait3A_61 = tpu.memref_squeeze %dma_wait3A_60 : memref<1x80x128xf32, #tpu.memory_space<vmem>> -> memref<80x128xf32, #tpu.memory_space<vmem>>
    %dma_wait3A_62 = arith.constant 0 : i32
    %dma_wait3A_63 = tpu.memref_slice %arg6[%dma_wait3A, %dma_wait3A_62] : memref<252x80xi32, #tpu.memory_space<vmem>> -> memref<1x80xi32, #tpu.memory_space<vmem>>
    %dma_wait3A_64 = tpu.memref_squeeze %dma_wait3A_63 : memref<1x80xi32, #tpu.memory_space<vmem>> -> memref<80xi32, #tpu.memory_space<vmem>>
    %dma_wait3A_65 = arith.constant 0 : i32
    %dma_wait3A_66 = arith.constant 0 : i32
    %dma_wait3A_67 = tpu.memref_slice %arg2[%dma_wait3A_65, %dma_wait3A_66] : memref<10000x128xf32, #tpu.memory_space<hbm>> -> memref<10000x128xf32, #tpu.memory_space<hbm>>
    tpu.wait_indirect_dma semaphore(%arg10 : memref<!tpu.dma_semaphore, #tpu.memory_space<semaphore_mem>>) src(%dma_wait3A_67 : memref<10000x128xf32, #tpu.memory_space<hbm>>) dst(%dma_wait3A_61 : memref<80x128xf32, #tpu.memory_space<vmem>>)
    %dma_wait3A_68 = arith.constant 251 : i32
    %dma_wait3A_69 = arith.constant 1 : i32
    %dma_wait3A_70 = arith.constant 0 : i32
    %dma_wait3A_71 = arith.constant 0 : i32
    %dma_wait3A_72 = tpu.memref_slice %arg8[%dma_wait3A_69, %dma_wait3A_70, %dma_wait3A_71] : memref<2x80x128xf32, #tpu.memory_space<vmem>> -> memref<1x80x128xf32, #tpu.memory_space<vmem>>
    %dma_wait3A_73 = tpu.memref_squeeze %dma_wait3A_72 : memref<1x80x128xf32, #tpu.memory_space<vmem>> -> memref<80x128xf32, #tpu.memory_space<vmem>>
    %dma_wait3A_74 = arith.constant 0 : i32
    %dma_wait3A_75 = tpu.memref_slice %arg6[%dma_wait3A_68, %dma_wait3A_74] : memref<252x80xi32, #tpu.memory_space<vmem>> -> memref<1x80xi32, #tpu.memory_space<vmem>>
    %dma_wait3A_76 = tpu.memref_squeeze %dma_wait3A_75 : memref<1x80xi32, #tpu.memory_space<vmem>> -> memref<80xi32, #tpu.memory_space<vmem>>
    %dma_wait3A_77 = arith.constant 0 : i32
    %dma_wait3A_78 = arith.constant 0 : i32
    %dma_wait3A_79 = tpu.memref_slice %arg2[%dma_wait3A_77, %dma_wait3A_78] : memref<10000x128xf32, #tpu.memory_space<hbm>> -> memref<10000x128xf32, #tpu.memory_space<hbm>>
    tpu.wait_indirect_dma semaphore(%arg11 : memref<!tpu.dma_semaphore, #tpu.memory_space<semaphore_mem>>) src(%dma_wait3A_79 : memref<10000x128xf32, #tpu.memory_space<hbm>>) dst(%dma_wait3A_73 : memref<80x128xf32, #tpu.memory_space<vmem>>)
    %barrier3A_80 = arith.constant 0 : index
    tpu.barrier barrier_id(%barrier3A_80)
    %add3A_81 = arith.constant 0 : i32
    %add3A_82 = arith.addi %mul3A_14, %add3A_81 : i32
    %run_scoped3A_83 = arith.constant 0 : i32
    "tpu.region"() ({
      %run_scoped3A_235 = tpu.sem_alloc : memref<!tpu.dma_semaphore, #tpu.memory_space<semaphore_mem>>
      %dma_start3A_236 = arith.constant 0 : i32
      %dma_start3A_237 = arith.constant 0 : i32
      %dma_start3A_238 = tpu.memref_slice %arg8[%run_scoped3A_83, %dma_start3A_236, %dma_start3A_237] : memref<2x80x128xf32, #tpu.memory_space<vmem>> -> memref<1x80x128xf32, #tpu.memory_space<vmem>>
      %dma_start3A_239 = tpu.memref_squeeze %dma_start3A_238 : memref<1x80x128xf32, #tpu.memory_space<vmem>> -> memref<80x128xf32, #tpu.memory_space<vmem>>
      %dma_start3A_240 = arith.constant 0 : i32
      %dma_start3A_241 = tpu.memref_slice %arg9[%add3A_82, %dma_start3A_240] : memref<5248x128xf32, #tpu.memory_space<vmem_shared>> -> memref<80x128xf32, #tpu.memory_space<vmem_shared>>
      %dma_start3A_242 = arith.constant 0 : i32
      %dma_start3A_243 = arith.constant 0 : i32
      %dma_start3A_244 = tpu.memref_slice %arg8[%run_scoped3A_83, %dma_start3A_242, %dma_start3A_243] : memref<2x80x128xf32, #tpu.memory_space<vmem>> -> memref<1x80x128xf32, #tpu.memory_space<vmem>>
      %dma_start3A_245 = tpu.memref_squeeze %dma_start3A_244 : memref<1x80x128xf32, #tpu.memory_space<vmem>> -> memref<80x128xf32, #tpu.memory_space<vmem>>
      %dma_start3A_246 = arith.constant 0 : i32
      %dma_start3A_247 = tpu.memref_slice %arg9[%add3A_82, %dma_start3A_246] : memref<5248x128xf32, #tpu.memory_space<vmem_shared>> -> memref<80x128xf32, #tpu.memory_space<vmem_shared>>
      tpu.enqueue_dma source(%dma_start3A_247 : memref<80x128xf32, #tpu.memory_space<vmem_shared>>) target(%dma_start3A_245 : memref<80x128xf32, #tpu.memory_space<vmem>>) target_semaphore(%run_scoped3A_235 : memref<!tpu.dma_semaphore, #tpu.memory_space<semaphore_mem>>)
      %dma_wait3A_248 = arith.constant 0 : i32
      %dma_wait3A_249 = arith.constant 0 : i32
      %dma_wait3A_250 = tpu.memref_slice %arg8[%run_scoped3A_83, %dma_wait3A_248, %dma_wait3A_249] : memref<2x80x128xf32, #tpu.memory_space<vmem>> -> memref<1x80x128xf32, #tpu.memory_space<vmem>>
      %dma_wait3A_251 = tpu.memref_squeeze %dma_wait3A_250 : memref<1x80x128xf32, #tpu.memory_space<vmem>> -> memref<80x128xf32, #tpu.memory_space<vmem>>
      %dma_wait3A_252 = arith.constant 0 : i32
      %dma_wait3A_253 = tpu.memref_slice %arg9[%add3A_82, %dma_wait3A_252] : memref<5248x128xf32, #tpu.memory_space<vmem_shared>> -> memref<80x128xf32, #tpu.memory_space<vmem_shared>>
      %dma_wait3A_254 = arith.constant 0 : i32
      %dma_wait3A_255 = arith.constant 0 : i32
      %dma_wait3A_256 = tpu.memref_slice %arg8[%run_scoped3A_83, %dma_wait3A_254, %dma_wait3A_255] : memref<2x80x128xf32, #tpu.memory_space<vmem>> -> memref<1x80x128xf32, #tpu.memory_space<vmem>>
      %dma_wait3A_257 = tpu.memref_squeeze %dma_wait3A_256 : memref<1x80x128xf32, #tpu.memory_space<vmem>> -> memref<80x128xf32, #tpu.memory_space<vmem>>
      %dma_wait3A_258 = arith.constant 0 : i32
      %dma_wait3A_259 = tpu.memref_slice %arg9[%add3A_82, %dma_wait3A_258] : memref<5248x128xf32, #tpu.memory_space<vmem_shared>> -> memref<80x128xf32, #tpu.memory_space<vmem_shared>>
      tpu.wait_dma2 semaphore(%run_scoped3A_235 : memref<!tpu.dma_semaphore, #tpu.memory_space<semaphore_mem>>) src(%dma_wait3A_259 : memref<80x128xf32, #tpu.memory_space<vmem_shared>>) dst(%dma_wait3A_257 : memref<80x128xf32, #tpu.memory_space<vmem>>)
      tpu.yield
    }) : () -> ()
    %add3A_84 = arith.constant 0 : i32
    %add3A_85 = arith.addi %mul3A_14, %add3A_84 : i32
    %dma_start3A_86 = arith.constant 0 : i32
    %dma_start3A_87 = arith.constant 0 : i32
    %dma_start3A_88 = arith.constant 0 : i32
    %dma_start3A_89 = tpu.memref_slice %arg8[%dma_start3A_86, %dma_start3A_87, %dma_start3A_88] : memref<2x80x128xf32, #tpu.memory_space<vmem>> -> memref<1x80x128xf32, #tpu.memory_space<vmem>>
    %dma_start3A_90 = tpu.memref_squeeze %dma_start3A_89 : memref<1x80x128xf32, #tpu.memory_space<vmem>> -> memref<80x128xf32, #tpu.memory_space<vmem>>
    %dma_start3A_91 = arith.constant 0 : i32
    %dma_start3A_92 = tpu.memref_slice %arg5[%arg0, %add3A_85, %dma_start3A_91] : memref<2x5248x128xf32, #tpu.memory_space<hbm>> -> memref<1x80x128xf32, #tpu.memory_space<hbm>>
    %dma_start3A_93 = tpu.memref_squeeze %dma_start3A_92 : memref<1x80x128xf32, #tpu.memory_space<hbm>> -> memref<80x128xf32, #tpu.memory_space<hbm>>
    %dma_start3A_94 = arith.constant 0 : i32
    %dma_start3A_95 = tpu.memref_slice %arg5[%arg0, %add3A_85, %dma_start3A_94] : memref<2x5248x128xf32, #tpu.memory_space<hbm>> -> memref<1x80x128xf32, #tpu.memory_space<hbm>>
    %dma_start3A_96 = tpu.memref_squeeze %dma_start3A_95 : memref<1x80x128xf32, #tpu.memory_space<hbm>> -> memref<80x128xf32, #tpu.memory_space<hbm>>
    %dma_start3A_97 = arith.constant 0 : i32
    %dma_start3A_98 = arith.constant 0 : i32
    %dma_start3A_99 = tpu.memref_slice %arg8[%dma_start3A_86, %dma_start3A_97, %dma_start3A_98] : memref<2x80x128xf32, #tpu.memory_space<vmem>> -> memref<1x80x128xf32, #tpu.memory_space<vmem>>
    %dma_start3A_100 = tpu.memref_squeeze %dma_start3A_99 : memref<1x80x128xf32, #tpu.memory_space<vmem>> -> memref<80x128xf32, #tpu.memory_space<vmem>>
    tpu.enqueue_dma source(%dma_start3A_100 : memref<80x128xf32, #tpu.memory_space<vmem>>) target(%dma_start3A_96 : memref<80x128xf32, #tpu.memory_space<hbm>>) target_semaphore(%arg10 : memref<!tpu.dma_semaphore, #tpu.memory_space<semaphore_mem>>)
    %add3A_101 = arith.constant 80 : i32
    %add3A_102 = arith.addi %mul3A_14, %add3A_101 : i32
    %run_scoped3A_103 = arith.constant 1 : i32
    "tpu.region"() ({
      %run_scoped3A_235 = tpu.sem_alloc : memref<!tpu.dma_semaphore, #tpu.memory_space<semaphore_mem>>
      %dma_start3A_236 = arith.constant 0 : i32
      %dma_start3A_237 = arith.constant 0 : i32
      %dma_start3A_238 = tpu.memref_slice %arg8[%run_scoped3A_103, %dma_start3A_236, %dma_start3A_237] : memref<2x80x128xf32, #tpu.memory_space<vmem>> -> memref<1x80x128xf32, #tpu.memory_space<vmem>>
      %dma_start3A_239 = tpu.memref_squeeze %dma_start3A_238 : memref<1x80x128xf32, #tpu.memory_space<vmem>> -> memref<80x128xf32, #tpu.memory_space<vmem>>
      %dma_start3A_240 = arith.constant 0 : i32
      %dma_start3A_241 = tpu.memref_slice %arg9[%add3A_102, %dma_start3A_240] : memref<5248x128xf32, #tpu.memory_space<vmem_shared>> -> memref<80x128xf32, #tpu.memory_space<vmem_shared>>
      %dma_start3A_242 = arith.constant 0 : i32
      %dma_start3A_243 = arith.constant 0 : i32
      %dma_start3A_244 = tpu.memref_slice %arg8[%run_scoped3A_103, %dma_start3A_242, %dma_start3A_243] : memref<2x80x128xf32, #tpu.memory_space<vmem>> -> memref<1x80x128xf32, #tpu.memory_space<vmem>>
      %dma_start3A_245 = tpu.memref_squeeze %dma_start3A_244 : memref<1x80x128xf32, #tpu.memory_space<vmem>> -> memref<80x128xf32, #tpu.memory_space<vmem>>
      %dma_start3A_246 = arith.constant 0 : i32
      %dma_start3A_247 = tpu.memref_slice %arg9[%add3A_102, %dma_start3A_246] : memref<5248x128xf32, #tpu.memory_space<vmem_shared>> -> memref<80x128xf32, #tpu.memory_space<vmem_shared>>
      tpu.enqueue_dma source(%dma_start3A_247 : memref<80x128xf32, #tpu.memory_space<vmem_shared>>) target(%dma_start3A_245 : memref<80x128xf32, #tpu.memory_space<vmem>>) target_semaphore(%run_scoped3A_235 : memref<!tpu.dma_semaphore, #tpu.memory_space<semaphore_mem>>)
      %dma_wait3A_248 = arith.constant 0 : i32
      %dma_wait3A_249 = arith.constant 0 : i32
      %dma_wait3A_250 = tpu.memref_slice %arg8[%run_scoped3A_103, %dma_wait3A_248, %dma_wait3A_249] : memref<2x80x128xf32, #tpu.memory_space<vmem>> -> memref<1x80x128xf32, #tpu.memory_space<vmem>>
      %dma_wait3A_251 = tpu.memref_squeeze %dma_wait3A_250 : memref<1x80x128xf32, #tpu.memory_space<vmem>> -> memref<80x128xf32, #tpu.memory_space<vmem>>
      %dma_wait3A_252 = arith.constant 0 : i32
      %dma_wait3A_253 = tpu.memref_slice %arg9[%add3A_102, %dma_wait3A_252] : memref<5248x128xf32, #tpu.memory_space<vmem_shared>> -> memref<80x128xf32, #tpu.memory_space<vmem_shared>>
      %dma_wait3A_254 = arith.constant 0 : i32
      %dma_wait3A_255 = arith.constant 0 : i32
      %dma_wait3A_256 = tpu.memref_slice %arg8[%run_scoped3A_103, %dma_wait3A_254, %dma_wait3A_255] : memref<2x80x128xf32, #tpu.memory_space<vmem>> -> memref<1x80x128xf32, #tpu.memory_space<vmem>>
      %dma_wait3A_257 = tpu.memref_squeeze %dma_wait3A_256 : memref<1x80x128xf32, #tpu.memory_space<vmem>> -> memref<80x128xf32, #tpu.memory_space<vmem>>
      %dma_wait3A_258 = arith.constant 0 : i32
      %dma_wait3A_259 = tpu.memref_slice %arg9[%add3A_102, %dma_wait3A_258] : memref<5248x128xf32, #tpu.memory_space<vmem_shared>> -> memref<80x128xf32, #tpu.memory_space<vmem_shared>>
      tpu.wait_dma2 semaphore(%run_scoped3A_235 : memref<!tpu.dma_semaphore, #tpu.memory_space<semaphore_mem>>) src(%dma_wait3A_259 : memref<80x128xf32, #tpu.memory_space<vmem_shared>>) dst(%dma_wait3A_257 : memref<80x128xf32, #tpu.memory_space<vmem>>)
      tpu.yield
    }) : () -> ()
    %add3A_104 = arith.constant 80 : i32
    %add3A_105 = arith.addi %mul3A_14, %add3A_104 : i32
    %dma_start3A_106 = arith.constant 1 : i32
    %dma_start3A_107 = arith.constant 0 : i32
    %dma_start3A_108 = arith.constant 0 : i32
    %dma_start3A_109 = tpu.memref_slice %arg8[%dma_start3A_106, %dma_start3A_107, %dma_start3A_108] : memref<2x80x128xf32, #tpu.memory_space<vmem>> -> memref<1x80x128xf32, #tpu.memory_space<vmem>>
    %dma_start3A_110 = tpu.memref_squeeze %dma_start3A_109 : memref<1x80x128xf32, #tpu.memory_space<vmem>> -> memref<80x128xf32, #tpu.memory_space<vmem>>
    %dma_start3A_111 = arith.constant 0 : i32
    %dma_start3A_112 = tpu.memref_slice %arg5[%arg0, %add3A_105, %dma_start3A_111] : memref<2x5248x128xf32, #tpu.memory_space<hbm>> -> memref<1x80x128xf32, #tpu.memory_space<hbm>>
    %dma_start3A_113 = tpu.memref_squeeze %dma_start3A_112 : memref<1x80x128xf32, #tpu.memory_space<hbm>> -> memref<80x128xf32, #tpu.memory_space<hbm>>
    %dma_start3A_114 = arith.constant 0 : i32
    %dma_start3A_115 = tpu.memref_slice %arg5[%arg0, %add3A_105, %dma_start3A_114] : memref<2x5248x128xf32, #tpu.memory_space<hbm>> -> memref<1x80x128xf32, #tpu.memory_space<hbm>>
    %dma_start3A_116 = tpu.memref_squeeze %dma_start3A_115 : memref<1x80x128xf32, #tpu.memory_space<hbm>> -> memref<80x128xf32, #tpu.memory_space<hbm>>
    %dma_start3A_117 = arith.constant 0 : i32
    %dma_start3A_118 = arith.constant 0 : i32
    %dma_start3A_119 = tpu.memref_slice %arg8[%dma_start3A_106, %dma_start3A_117, %dma_start3A_118] : memref<2x80x128xf32, #tpu.memory_space<vmem>> -> memref<1x80x128xf32, #tpu.memory_space<vmem>>
    %dma_start3A_120 = tpu.memref_squeeze %dma_start3A_119 : memref<1x80x128xf32, #tpu.memory_space<vmem>> -> memref<80x128xf32, #tpu.memory_space<vmem>>
    tpu.enqueue_dma source(%dma_start3A_120 : memref<80x128xf32, #tpu.memory_space<vmem>>) target(%dma_start3A_116 : memref<80x128xf32, #tpu.memory_space<hbm>>) target_semaphore(%arg11 : memref<!tpu.dma_semaphore, #tpu.memory_space<semaphore_mem>>)
    %add3A_121 = arith.constant 0 : i32
    %add3A_122 = arith.addi %mul3A_14, %add3A_121 : i32
    %dma_wait3A_123 = arith.constant 0 : i32
    %dma_wait3A_124 = arith.constant 0 : i32
    %dma_wait3A_125 = arith.constant 0 : i32
    %dma_wait3A_126 = tpu.memref_slice %arg8[%dma_wait3A_123, %dma_wait3A_124, %dma_wait3A_125] : memref<2x80x128xf32, #tpu.memory_space<vmem>> -> memref<1x80x128xf32, #tpu.memory_space<vmem>>
    %dma_wait3A_127 = tpu.memref_squeeze %dma_wait3A_126 : memref<1x80x128xf32, #tpu.memory_space<vmem>> -> memref<80x128xf32, #tpu.memory_space<vmem>>
    %dma_wait3A_128 = arith.constant 0 : i32
    %dma_wait3A_129 = tpu.memref_slice %arg5[%arg0, %add3A_122, %dma_wait3A_128] : memref<2x5248x128xf32, #tpu.memory_space<hbm>> -> memref<1x80x128xf32, #tpu.memory_space<hbm>>
    %dma_wait3A_130 = tpu.memref_squeeze %dma_wait3A_129 : memref<1x80x128xf32, #tpu.memory_space<hbm>> -> memref<80x128xf32, #tpu.memory_space<hbm>>
    %dma_wait3A_131 = arith.constant 0 : i32
    %dma_wait3A_132 = tpu.memref_slice %arg5[%arg0, %add3A_122, %dma_wait3A_131] : memref<2x5248x128xf32, #tpu.memory_space<hbm>> -> memref<1x80x128xf32, #tpu.memory_space<hbm>>
    %dma_wait3A_133 = tpu.memref_squeeze %dma_wait3A_132 : memref<1x80x128xf32, #tpu.memory_space<hbm>> -> memref<80x128xf32, #tpu.memory_space<hbm>>
    %dma_wait3A_134 = arith.constant 0 : i32
    %dma_wait3A_135 = arith.constant 0 : i32
    %dma_wait3A_136 = tpu.memref_slice %arg8[%dma_wait3A_123, %dma_wait3A_134, %dma_wait3A_135] : memref<2x80x128xf32, #tpu.memory_space<vmem>> -> memref<1x80x128xf32, #tpu.memory_space<vmem>>
    %dma_wait3A_137 = tpu.memref_squeeze %dma_wait3A_136 : memref<1x80x128xf32, #tpu.memory_space<vmem>> -> memref<80x128xf32, #tpu.memory_space<vmem>>
    tpu.wait_dma2 semaphore(%arg10 : memref<!tpu.dma_semaphore, #tpu.memory_space<semaphore_mem>>) src(%dma_wait3A_137 : memref<80x128xf32, #tpu.memory_space<vmem>>) dst(%dma_wait3A_133 : memref<80x128xf32, #tpu.memory_space<hbm>>)
    %add3A_138 = arith.constant 160 : i32
    %add3A_139 = arith.addi %mul3A_14, %add3A_138 : i32
    %run_scoped3A_140 = arith.constant 0 : i32
    "tpu.region"() ({
      %run_scoped3A_235 = tpu.sem_alloc : memref<!tpu.dma_semaphore, #tpu.memory_space<semaphore_mem>>
      %dma_start3A_236 = arith.constant 0 : i32
      %dma_start3A_237 = arith.constant 0 : i32
      %dma_start3A_238 = tpu.memref_slice %arg8[%run_scoped3A_140, %dma_start3A_236, %dma_start3A_237] : memref<2x80x128xf32, #tpu.memory_space<vmem>> -> memref<1x80x128xf32, #tpu.memory_space<vmem>>
      %dma_start3A_239 = tpu.memref_squeeze %dma_start3A_238 : memref<1x80x128xf32, #tpu.memory_space<vmem>> -> memref<80x128xf32, #tpu.memory_space<vmem>>
      %dma_start3A_240 = arith.constant 0 : i32
      %dma_start3A_241 = tpu.memref_slice %arg9[%add3A_139, %dma_start3A_240] : memref<5248x128xf32, #tpu.memory_space<vmem_shared>> -> memref<80x128xf32, #tpu.memory_space<vmem_shared>>
      %dma_start3A_242 = arith.constant 0 : i32
      %dma_start3A_243 = arith.constant 0 : i32
      %dma_start3A_244 = tpu.memref_slice %arg8[%run_scoped3A_140, %dma_start3A_242, %dma_start3A_243] : memref<2x80x128xf32, #tpu.memory_space<vmem>> -> memref<1x80x128xf32, #tpu.memory_space<vmem>>
      %dma_start3A_245 = tpu.memref_squeeze %dma_start3A_244 : memref<1x80x128xf32, #tpu.memory_space<vmem>> -> memref<80x128xf32, #tpu.memory_space<vmem>>
      %dma_start3A_246 = arith.constant 0 : i32
      %dma_start3A_247 = tpu.memref_slice %arg9[%add3A_139, %dma_start3A_246] : memref<5248x128xf32, #tpu.memory_space<vmem_shared>> -> memref<80x128xf32, #tpu.memory_space<vmem_shared>>
      tpu.enqueue_dma source(%dma_start3A_247 : memref<80x128xf32, #tpu.memory_space<vmem_shared>>) target(%dma_start3A_245 : memref<80x128xf32, #tpu.memory_space<vmem>>) target_semaphore(%run_scoped3A_235 : memref<!tpu.dma_semaphore, #tpu.memory_space<semaphore_mem>>)
      %dma_wait3A_248 = arith.constant 0 : i32
      %dma_wait3A_249 = arith.constant 0 : i32
      %dma_wait3A_250 = tpu.memref_slice %arg8[%run_scoped3A_140, %dma_wait3A_248, %dma_wait3A_249] : memref<2x80x128xf32, #tpu.memory_space<vmem>> -> memref<1x80x128xf32, #tpu.memory_space<vmem>>
      %dma_wait3A_251 = tpu.memref_squeeze %dma_wait3A_250 : memref<1x80x128xf32, #tpu.memory_space<vmem>> -> memref<80x128xf32, #tpu.memory_space<vmem>>
      %dma_wait3A_252 = arith.constant 0 : i32
      %dma_wait3A_253 = tpu.memref_slice %arg9[%add3A_139, %dma_wait3A_252] : memref<5248x128xf32, #tpu.memory_space<vmem_shared>> -> memref<80x128xf32, #tpu.memory_space<vmem_shared>>
      %dma_wait3A_254 = arith.constant 0 : i32
      %dma_wait3A_255 = arith.constant 0 : i32
      %dma_wait3A_256 = tpu.memref_slice %arg8[%run_scoped3A_140, %dma_wait3A_254, %dma_wait3A_255] : memref<2x80x128xf32, #tpu.memory_space<vmem>> -> memref<1x80x128xf32, #tpu.memory_space<vmem>>
      %dma_wait3A_257 = tpu.memref_squeeze %dma_wait3A_256 : memref<1x80x128xf32, #tpu.memory_space<vmem>> -> memref<80x128xf32, #tpu.memory_space<vmem>>
      %dma_wait3A_258 = arith.constant 0 : i32
      %dma_wait3A_259 = tpu.memref_slice %arg9[%add3A_139, %dma_wait3A_258] : memref<5248x128xf32, #tpu.memory_space<vmem_shared>> -> memref<80x128xf32, #tpu.memory_space<vmem_shared>>
      tpu.wait_dma2 semaphore(%run_scoped3A_235 : memref<!tpu.dma_semaphore, #tpu.memory_space<semaphore_mem>>) src(%dma_wait3A_259 : memref<80x128xf32, #tpu.memory_space<vmem_shared>>) dst(%dma_wait3A_257 : memref<80x128xf32, #tpu.memory_space<vmem>>)
      tpu.yield
    }) : () -> ()
    %add3A_141 = arith.constant 160 : i32
    %add3A_142 = arith.addi %mul3A_14, %add3A_141 : i32
    %dma_start3A_143 = arith.constant 0 : i32
    %dma_start3A_144 = arith.constant 0 : i32
    %dma_start3A_145 = arith.constant 0 : i32
    %dma_start3A_146 = tpu.memref_slice %arg8[%dma_start3A_143, %dma_start3A_144, %dma_start3A_145] : memref<2x80x128xf32, #tpu.memory_space<vmem>> -> memref<1x80x128xf32, #tpu.memory_space<vmem>>
    %dma_start3A_147 = tpu.memref_squeeze %dma_start3A_146 : memref<1x80x128xf32, #tpu.memory_space<vmem>> -> memref<80x128xf32, #tpu.memory_space<vmem>>
    %dma_start3A_148 = arith.constant 0 : i32
    %dma_start3A_149 = tpu.memref_slice %arg5[%arg0, %add3A_142, %dma_start3A_148] : memref<2x5248x128xf32, #tpu.memory_space<hbm>> -> memref<1x80x128xf32, #tpu.memory_space<hbm>>
    %dma_start3A_150 = tpu.memref_squeeze %dma_start3A_149 : memref<1x80x128xf32, #tpu.memory_space<hbm>> -> memref<80x128xf32, #tpu.memory_space<hbm>>
    %dma_start3A_151 = arith.constant 0 : i32
    %dma_start3A_152 = tpu.memref_slice %arg5[%arg0, %add3A_142, %dma_start3A_151] : memref<2x5248x128xf32, #tpu.memory_space<hbm>> -> memref<1x80x128xf32, #tpu.memory_space<hbm>>
    %dma_start3A_153 = tpu.memref_squeeze %dma_start3A_152 : memref<1x80x128xf32, #tpu.memory_space<hbm>> -> memref<80x128xf32, #tpu.memory_space<hbm>>
    %dma_start3A_154 = arith.constant 0 : i32
    %dma_start3A_155 = arith.constant 0 : i32
    %dma_start3A_156 = tpu.memref_slice %arg8[%dma_start3A_143, %dma_start3A_154, %dma_start3A_155] : memref<2x80x128xf32, #tpu.memory_space<vmem>> -> memref<1x80x128xf32, #tpu.memory_space<vmem>>
    %dma_start3A_157 = tpu.memref_squeeze %dma_start3A_156 : memref<1x80x128xf32, #tpu.memory_space<vmem>> -> memref<80x128xf32, #tpu.memory_space<vmem>>
    tpu.enqueue_dma source(%dma_start3A_157 : memref<80x128xf32, #tpu.memory_space<vmem>>) target(%dma_start3A_153 : memref<80x128xf32, #tpu.memory_space<hbm>>) target_semaphore(%arg10 : memref<!tpu.dma_semaphore, #tpu.memory_space<semaphore_mem>>)
    %add3A_158 = arith.constant 80 : i32
    %add3A_159 = arith.addi %mul3A_14, %add3A_158 : i32
    %dma_wait3A_160 = arith.constant 1 : i32
    %dma_wait3A_161 = arith.constant 0 : i32
    %dma_wait3A_162 = arith.constant 0 : i32
    %dma_wait3A_163 = tpu.memref_slice %arg8[%dma_wait3A_160, %dma_wait3A_161, %dma_wait3A_162] : memref<2x80x128xf32, #tpu.memory_space<vmem>> -> memref<1x80x128xf32, #tpu.memory_space<vmem>>
    %dma_wait3A_164 = tpu.memref_squeeze %dma_wait3A_163 : memref<1x80x128xf32, #tpu.memory_space<vmem>> -> memref<80x128xf32, #tpu.memory_space<vmem>>
    %dma_wait3A_165 = arith.constant 0 : i32
    %dma_wait3A_166 = tpu.memref_slice %arg5[%arg0, %add3A_159, %dma_wait3A_165] : memref<2x5248x128xf32, #tpu.memory_space<hbm>> -> memref<1x80x128xf32, #tpu.memory_space<hbm>>
    %dma_wait3A_167 = tpu.memref_squeeze %dma_wait3A_166 : memref<1x80x128xf32, #tpu.memory_space<hbm>> -> memref<80x128xf32, #tpu.memory_space<hbm>>
    %dma_wait3A_168 = arith.constant 0 : i32
    %dma_wait3A_169 = tpu.memref_slice %arg5[%arg0, %add3A_159, %dma_wait3A_168] : memref<2x5248x128xf32, #tpu.memory_space<hbm>> -> memref<1x80x128xf32, #tpu.memory_space<hbm>>
    %dma_wait3A_170 = tpu.memref_squeeze %dma_wait3A_169 : memref<1x80x128xf32, #tpu.memory_space<hbm>> -> memref<80x128xf32, #tpu.memory_space<hbm>>
    %dma_wait3A_171 = arith.constant 0 : i32
    %dma_wait3A_172 = arith.constant 0 : i32
    %dma_wait3A_173 = tpu.memref_slice %arg8[%dma_wait3A_160, %dma_wait3A_171, %dma_wait3A_172] : memref<2x80x128xf32, #tpu.memory_space<vmem>> -> memref<1x80x128xf32, #tpu.memory_space<vmem>>
    %dma_wait3A_174 = tpu.memref_squeeze %dma_wait3A_173 : memref<1x80x128xf32, #tpu.memory_space<vmem>> -> memref<80x128xf32, #tpu.memory_space<vmem>>
    tpu.wait_dma2 semaphore(%arg11 : memref<!tpu.dma_semaphore, #tpu.memory_space<semaphore_mem>>) src(%dma_wait3A_174 : memref<80x128xf32, #tpu.memory_space<vmem>>) dst(%dma_wait3A_170 : memref<80x128xf32, #tpu.memory_space<hbm>>)
    %add3A_175 = arith.constant 240 : i32
    %add3A_176 = arith.addi %mul3A_14, %add3A_175 : i32
    %run_scoped3A_177 = arith.constant 1 : i32
    "tpu.region"() ({
      %run_scoped3A_235 = tpu.sem_alloc : memref<!tpu.dma_semaphore, #tpu.memory_space<semaphore_mem>>
      %dma_start3A_236 = arith.constant 0 : i32
      %dma_start3A_237 = arith.constant 0 : i32
      %dma_start3A_238 = tpu.memref_slice %arg8[%run_scoped3A_177, %dma_start3A_236, %dma_start3A_237] : memref<2x80x128xf32, #tpu.memory_space<vmem>> -> memref<1x80x128xf32, #tpu.memory_space<vmem>>
      %dma_start3A_239 = tpu.memref_squeeze %dma_start3A_238 : memref<1x80x128xf32, #tpu.memory_space<vmem>> -> memref<80x128xf32, #tpu.memory_space<vmem>>
      %dma_start3A_240 = arith.constant 0 : i32
      %dma_start3A_241 = tpu.memref_slice %arg9[%add3A_176, %dma_start3A_240] : memref<5248x128xf32, #tpu.memory_space<vmem_shared>> -> memref<80x128xf32, #tpu.memory_space<vmem_shared>>
      %dma_start3A_242 = arith.constant 0 : i32
      %dma_start3A_243 = arith.constant 0 : i32
      %dma_start3A_244 = tpu.memref_slice %arg8[%run_scoped3A_177, %dma_start3A_242, %dma_start3A_243] : memref<2x80x128xf32, #tpu.memory_space<vmem>> -> memref<1x80x128xf32, #tpu.memory_space<vmem>>
      %dma_start3A_245 = tpu.memref_squeeze %dma_start3A_244 : memref<1x80x128xf32, #tpu.memory_space<vmem>> -> memref<80x128xf32, #tpu.memory_space<vmem>>
      %dma_start3A_246 = arith.constant 0 : i32
      %dma_start3A_247 = tpu.memref_slice %arg9[%add3A_176, %dma_start3A_246] : memref<5248x128xf32, #tpu.memory_space<vmem_shared>> -> memref<80x128xf32, #tpu.memory_space<vmem_shared>>
      tpu.enqueue_dma source(%dma_start3A_247 : memref<80x128xf32, #tpu.memory_space<vmem_shared>>) target(%dma_start3A_245 : memref<80x128xf32, #tpu.memory_space<vmem>>) target_semaphore(%run_scoped3A_235 : memref<!tpu.dma_semaphore, #tpu.memory_space<semaphore_mem>>)
      %dma_wait3A_248 = arith.constant 0 : i32
      %dma_wait3A_249 = arith.constant 0 : i32
      %dma_wait3A_250 = tpu.memref_slice %arg8[%run_scoped3A_177, %dma_wait3A_248, %dma_wait3A_249] : memref<2x80x128xf32, #tpu.memory_space<vmem>> -> memref<1x80x128xf32, #tpu.memory_space<vmem>>
      %dma_wait3A_251 = tpu.memref_squeeze %dma_wait3A_250 : memref<1x80x128xf32, #tpu.memory_space<vmem>> -> memref<80x128xf32, #tpu.memory_space<vmem>>
      %dma_wait3A_252 = arith.constant 0 : i32
      %dma_wait3A_253 = tpu.memref_slice %arg9[%add3A_176, %dma_wait3A_252] : memref<5248x128xf32, #tpu.memory_space<vmem_shared>> -> memref<80x128xf32, #tpu.memory_space<vmem_shared>>
      %dma_wait3A_254 = arith.constant 0 : i32
      %dma_wait3A_255 = arith.constant 0 : i32
      %dma_wait3A_256 = tpu.memref_slice %arg8[%run_scoped3A_177, %dma_wait3A_254, %dma_wait3A_255] : memref<2x80x128xf32, #tpu.memory_space<vmem>> -> memref<1x80x128xf32, #tpu.memory_space<vmem>>
      %dma_wait3A_257 = tpu.memref_squeeze %dma_wait3A_256 : memref<1x80x128xf32, #tpu.memory_space<vmem>> -> memref<80x128xf32, #tpu.memory_space<vmem>>
      %dma_wait3A_258 = arith.constant 0 : i32
      %dma_wait3A_259 = tpu.memref_slice %arg9[%add3A_176, %dma_wait3A_258] : memref<5248x128xf32, #tpu.memory_space<vmem_shared>> -> memref<80x128xf32, #tpu.memory_space<vmem_shared>>
      tpu.wait_dma2 semaphore(%run_scoped3A_235 : memref<!tpu.dma_semaphore, #tpu.memory_space<semaphore_mem>>) src(%dma_wait3A_259 : memref<80x128xf32, #tpu.memory_space<vmem_shared>>) dst(%dma_wait3A_257 : memref<80x128xf32, #tpu.memory_space<vmem>>)
      tpu.yield
    }) : () -> ()
    %add3A_178 = arith.constant 240 : i32
    %add3A_179 = arith.addi %mul3A_14, %add3A_178 : i32
    %dma_start3A_180 = arith.constant 1 : i32
    %dma_start3A_181 = arith.constant 0 : i32
    %dma_start3A_182 = arith.constant 0 : i32
    %dma_start3A_183 = tpu.memref_slice %arg8[%dma_start3A_180, %dma_start3A_181, %dma_start3A_182] : memref<2x80x128xf32, #tpu.memory_space<vmem>> -> memref<1x80x128xf32, #tpu.memory_space<vmem>>
    %dma_start3A_184 = tpu.memref_squeeze %dma_start3A_183 : memref<1x80x128xf32, #tpu.memory_space<vmem>> -> memref<80x128xf32, #tpu.memory_space<vmem>>
    %dma_start3A_185 = arith.constant 0 : i32
    %dma_start3A_186 = tpu.memref_slice %arg5[%arg0, %add3A_179, %dma_start3A_185] : memref<2x5248x128xf32, #tpu.memory_space<hbm>> -> memref<1x80x128xf32, #tpu.memory_space<hbm>>
    %dma_start3A_187 = tpu.memref_squeeze %dma_start3A_186 : memref<1x80x128xf32, #tpu.memory_space<hbm>> -> memref<80x128xf32, #tpu.memory_space<hbm>>
    %dma_start3A_188 = arith.constant 0 : i32
    %dma_start3A_189 = tpu.memref_slice %arg5[%arg0, %add3A_179, %dma_start3A_188] : memref<2x5248x128xf32, #tpu.memory_space<hbm>> -> memref<1x80x128xf32, #tpu.memory_space<hbm>>
    %dma_start3A_190 = tpu.memref_squeeze %dma_start3A_189 : memref<1x80x128xf32, #tpu.memory_space<hbm>> -> memref<80x128xf32, #tpu.memory_space<hbm>>
    %dma_start3A_191 = arith.constant 0 : i32
    %dma_start3A_192 = arith.constant 0 : i32
    %dma_start3A_193 = tpu.memref_slice %arg8[%dma_start3A_180, %dma_start3A_191, %dma_start3A_192] : memref<2x80x128xf32, #tpu.memory_space<vmem>> -> memref<1x80x128xf32, #tpu.memory_space<vmem>>
    %dma_start3A_194 = tpu.memref_squeeze %dma_start3A_193 : memref<1x80x128xf32, #tpu.memory_space<vmem>> -> memref<80x128xf32, #tpu.memory_space<vmem>>
    tpu.enqueue_dma source(%dma_start3A_194 : memref<80x128xf32, #tpu.memory_space<vmem>>) target(%dma_start3A_190 : memref<80x128xf32, #tpu.memory_space<hbm>>) target_semaphore(%arg11 : memref<!tpu.dma_semaphore, #tpu.memory_space<semaphore_mem>>)
    %add3A_195 = arith.constant 160 : i32
    %add3A_196 = arith.addi %mul3A_14, %add3A_195 : i32
    %dma_wait3A_197 = arith.constant 0 : i32
    %dma_wait3A_198 = arith.constant 0 : i32
    %dma_wait3A_199 = arith.constant 0 : i32
    %dma_wait3A_200 = tpu.memref_slice %arg8[%dma_wait3A_197, %dma_wait3A_198, %dma_wait3A_199] : memref<2x80x128xf32, #tpu.memory_space<vmem>> -> memref<1x80x128xf32, #tpu.memory_space<vmem>>
    %dma_wait3A_201 = tpu.memref_squeeze %dma_wait3A_200 : memref<1x80x128xf32, #tpu.memory_space<vmem>> -> memref<80x128xf32, #tpu.memory_space<vmem>>
    %dma_wait3A_202 = arith.constant 0 : i32
    %dma_wait3A_203 = tpu.memref_slice %arg5[%arg0, %add3A_196, %dma_wait3A_202] : memref<2x5248x128xf32, #tpu.memory_space<hbm>> -> memref<1x80x128xf32, #tpu.memory_space<hbm>>
    %dma_wait3A_204 = tpu.memref_squeeze %dma_wait3A_203 : memref<1x80x128xf32, #tpu.memory_space<hbm>> -> memref<80x128xf32, #tpu.memory_space<hbm>>
    %dma_wait3A_205 = arith.constant 0 : i32
    %dma_wait3A_206 = tpu.memref_slice %arg5[%arg0, %add3A_196, %dma_wait3A_205] : memref<2x5248x128xf32, #tpu.memory_space<hbm>> -> memref<1x80x128xf32, #tpu.memory_space<hbm>>
    %dma_wait3A_207 = tpu.memref_squeeze %dma_wait3A_206 : memref<1x80x128xf32, #tpu.memory_space<hbm>> -> memref<80x128xf32, #tpu.memory_space<hbm>>
    %dma_wait3A_208 = arith.constant 0 : i32
    %dma_wait3A_209 = arith.constant 0 : i32
    %dma_wait3A_210 = tpu.memref_slice %arg8[%dma_wait3A_197, %dma_wait3A_208, %dma_wait3A_209] : memref<2x80x128xf32, #tpu.memory_space<vmem>> -> memref<1x80x128xf32, #tpu.memory_space<vmem>>
    %dma_wait3A_211 = tpu.memref_squeeze %dma_wait3A_210 : memref<1x80x128xf32, #tpu.memory_space<vmem>> -> memref<80x128xf32, #tpu.memory_space<vmem>>
    tpu.wait_dma2 semaphore(%arg10 : memref<!tpu.dma_semaphore, #tpu.memory_space<semaphore_mem>>) src(%dma_wait3A_211 : memref<80x128xf32, #tpu.memory_space<vmem>>) dst(%dma_wait3A_207 : memref<80x128xf32, #tpu.memory_space<hbm>>)
    %add3A_212 = arith.constant 320 : i32
    %add3A_213 = arith.addi %mul3A_14, %add3A_212 : i32
    %run_scoped3A_214 = arith.constant 0 : i32
    "tpu.region"() ({
      %run_scoped3A_235 = tpu.sem_alloc : memref<!tpu.dma_semaphore, #tpu.memory_space<semaphore_mem>>
      %dma_start3A_236 = arith.constant 0 : i32
      %dma_start3A_237 = arith.constant 0 : i32
      %dma_start3A_238 = tpu.memref_slice %arg8[%run_scoped3A_214, %dma_start3A_236, %dma_start3A_237] : memref<2x80x128xf32, #tpu.memory_space<vmem>> -> memref<1x8x128xf32, #tpu.memory_space<vmem>>
      %dma_start3A_239 = tpu.memref_squeeze %dma_start3A_238 : memref<1x8x128xf32, #tpu.memory_space<vmem>> -> memref<8x128xf32, #tpu.memory_space<vmem>>
      %dma_start3A_240 = arith.constant 0 : i32
      %dma_start3A_241 = tpu.memref_slice %arg9[%add3A_213, %dma_start3A_240] : memref<5248x128xf32, #tpu.memory_space<vmem_shared>> -> memref<8x128xf32, #tpu.memory_space<vmem_shared>>
      %dma_start3A_242 = arith.constant 0 : i32
      %dma_start3A_243 = arith.constant 0 : i32
      %dma_start3A_244 = tpu.memref_slice %arg8[%run_scoped3A_214, %dma_start3A_242, %dma_start3A_243] : memref<2x80x128xf32, #tpu.memory_space<vmem>> -> memref<1x8x128xf32, #tpu.memory_space<vmem>>
      %dma_start3A_245 = tpu.memref_squeeze %dma_start3A_244 : memref<1x8x128xf32, #tpu.memory_space<vmem>> -> memref<8x128xf32, #tpu.memory_space<vmem>>
      %dma_start3A_246 = arith.constant 0 : i32
      %dma_start3A_247 = tpu.memref_slice %arg9[%add3A_213, %dma_start3A_246] : memref<5248x128xf32, #tpu.memory_space<vmem_shared>> -> memref<8x128xf32, #tpu.memory_space<vmem_shared>>
      tpu.enqueue_dma source(%dma_start3A_247 : memref<8x128xf32, #tpu.memory_space<vmem_shared>>) target(%dma_start3A_245 : memref<8x128xf32, #tpu.memory_space<vmem>>) target_semaphore(%run_scoped3A_235 : memref<!tpu.dma_semaphore, #tpu.memory_space<semaphore_mem>>)
      %dma_wait3A_248 = arith.constant 0 : i32
      %dma_wait3A_249 = arith.constant 0 : i32
      %dma_wait3A_250 = tpu.memref_slice %arg8[%run_scoped3A_214, %dma_wait3A_248, %dma_wait3A_249] : memref<2x80x128xf32, #tpu.memory_space<vmem>> -> memref<1x8x128xf32, #tpu.memory_space<vmem>>
      %dma_wait3A_251 = tpu.memref_squeeze %dma_wait3A_250 : memref<1x8x128xf32, #tpu.memory_space<vmem>> -> memref<8x128xf32, #tpu.memory_space<vmem>>
      %dma_wait3A_252 = arith.constant 0 : i32
      %dma_wait3A_253 = tpu.memref_slice %arg9[%add3A_213, %dma_wait3A_252] : memref<5248x128xf32, #tpu.memory_space<vmem_shared>> -> memref<8x128xf32, #tpu.memory_space<vmem_shared>>
      %dma_wait3A_254 = arith.constant 0 : i32
      %dma_wait3A_255 = arith.constant 0 : i32
      %dma_wait3A_256 = tpu.memref_slice %arg8[%run_scoped3A_214, %dma_wait3A_254, %dma_wait3A_255] : memref<2x80x128xf32, #tpu.memory_space<vmem>> -> memref<1x8x128xf32, #tpu.memory_space<vmem>>
      %dma_wait3A_257 = tpu.memref_squeeze %dma_wait3A_256 : memref<1x8x128xf32, #tpu.memory_space<vmem>> -> memref<8x128xf32, #tpu.memory_space<vmem>>
      %dma_wait3A_258 = arith.constant 0 : i32
      %dma_wait3A_259 = tpu.memref_slice %arg9[%add3A_213, %dma_wait3A_258] : memref<5248x128xf32, #tpu.memory_space<vmem_shared>> -> memref<8x128xf32, #tpu.memory_space<vmem_shared>>
      tpu.wait_dma2 semaphore(%run_scoped3A_235 : memref<!tpu.dma_semaphore, #tpu.memory_space<semaphore_mem>>) src(%dma_wait3A_259 : memref<8x128xf32, #tpu.memory_space<vmem_shared>>) dst(%dma_wait3A_257 : memref<8x128xf32, #tpu.memory_space<vmem>>)
      tpu.yield
    }) : () -> ()
    %add3A_215 = arith.constant 320 : i32
    %add3A_216 = arith.addi %mul3A_14, %add3A_215 : i32
    %run_scoped3A_217 = arith.constant 0 : i32
    "tpu.region"() ({
      %run_scoped3A_235 = tpu.sem_alloc : memref<!tpu.dma_semaphore, #tpu.memory_space<semaphore_mem>>
      %dma_start3A_236 = arith.constant 0 : i32
      %dma_start3A_237 = arith.constant 0 : i32
      %dma_start3A_238 = tpu.memref_slice %arg8[%run_scoped3A_217, %dma_start3A_236, %dma_start3A_237] : memref<2x80x128xf32, #tpu.memory_space<vmem>> -> memref<1x8x128xf32, #tpu.memory_space<vmem>>
      %dma_start3A_239 = tpu.memref_squeeze %dma_start3A_238 : memref<1x8x128xf32, #tpu.memory_space<vmem>> -> memref<8x128xf32, #tpu.memory_space<vmem>>
      %dma_start3A_240 = arith.constant 0 : i32
      %dma_start3A_241 = tpu.memref_slice %arg5[%arg0, %add3A_216, %dma_start3A_240] : memref<2x5248x128xf32, #tpu.memory_space<hbm>> -> memref<1x8x128xf32, #tpu.memory_space<hbm>>
      %dma_start3A_242 = tpu.memref_squeeze %dma_start3A_241 : memref<1x8x128xf32, #tpu.memory_space<hbm>> -> memref<8x128xf32, #tpu.memory_space<hbm>>
      %dma_start3A_243 = arith.constant 0 : i32
      %dma_start3A_244 = tpu.memref_slice %arg5[%arg0, %add3A_216, %dma_start3A_243] : memref<2x5248x128xf32, #tpu.memory_space<hbm>> -> memref<1x8x128xf32, #tpu.memory_space<hbm>>
      %dma_start3A_245 = tpu.memref_squeeze %dma_start3A_244 : memref<1x8x128xf32, #tpu.memory_space<hbm>> -> memref<8x128xf32, #tpu.memory_space<hbm>>
      %dma_start3A_246 = arith.constant 0 : i32
      %dma_start3A_247 = arith.constant 0 : i32
      %dma_start3A_248 = tpu.memref_slice %arg8[%run_scoped3A_217, %dma_start3A_246, %dma_start3A_247] : memref<2x80x128xf32, #tpu.memory_space<vmem>> -> memref<1x8x128xf32, #tpu.memory_space<vmem>>
      %dma_start3A_249 = tpu.memref_squeeze %dma_start3A_248 : memref<1x8x128xf32, #tpu.memory_space<vmem>> -> memref<8x128xf32, #tpu.memory_space<vmem>>
      tpu.enqueue_dma source(%dma_start3A_249 : memref<8x128xf32, #tpu.memory_space<vmem>>) target(%dma_start3A_245 : memref<8x128xf32, #tpu.memory_space<hbm>>) target_semaphore(%run_scoped3A_235 : memref<!tpu.dma_semaphore, #tpu.memory_space<semaphore_mem>>)
      %dma_wait3A_250 = arith.constant 0 : i32
      %dma_wait3A_251 = arith.constant 0 : i32
      %dma_wait3A_252 = tpu.memref_slice %arg8[%run_scoped3A_217, %dma_wait3A_250, %dma_wait3A_251] : memref<2x80x128xf32, #tpu.memory_space<vmem>> -> memref<1x8x128xf32, #tpu.memory_space<vmem>>
      %dma_wait3A_253 = tpu.memref_squeeze %dma_wait3A_252 : memref<1x8x128xf32, #tpu.memory_space<vmem>> -> memref<8x128xf32, #tpu.memory_space<vmem>>
      %dma_wait3A_254 = arith.constant 0 : i32
      %dma_wait3A_255 = tpu.memref_slice %arg5[%arg0, %add3A_216, %dma_wait3A_254] : memref<2x5248x128xf32, #tpu.memory_space<hbm>> -> memref<1x8x128xf32, #tpu.memory_space<hbm>>
      %dma_wait3A_256 = tpu.memref_squeeze %dma_wait3A_255 : memref<1x8x128xf32, #tpu.memory_space<hbm>> -> memref<8x128xf32, #tpu.memory_space<hbm>>
      %dma_wait3A_257 = arith.constant 0 : i32
      %dma_wait3A_258 = tpu.memref_slice %arg5[%arg0, %add3A_216, %dma_wait3A_257] : memref<2x5248x128xf32, #tpu.memory_space<hbm>> -> memref<1x8x128xf32, #tpu.memory_space<hbm>>
      %dma_wait3A_259 = tpu.memref_squeeze %dma_wait3A_258 : memref<1x8x128xf32, #tpu.memory_space<hbm>> -> memref<8x128xf32, #tpu.memory_space<hbm>>
      %dma_wait3A_260 = arith.constant 0 : i32
      %dma_wait3A_261 = arith.constant 0 : i32
      %dma_wait3A_262 = tpu.memref_slice %arg8[%run_scoped3A_217, %dma_wait3A_260, %dma_wait3A_261] : memref<2x80x128xf32, #tpu.memory_space<vmem>> -> memref<1x8x128xf32, #tpu.memory_space<vmem>>
      %dma_wait3A_263 = tpu.memref_squeeze %dma_wait3A_262 : memref<1x8x128xf32, #tpu.memory_space<vmem>> -> memref<8x128xf32, #tpu.memory_space<vmem>>
      tpu.wait_dma2 semaphore(%run_scoped3A_235 : memref<!tpu.dma_semaphore, #tpu.memory_space<semaphore_mem>>) src(%dma_wait3A_263 : memref<8x128xf32, #tpu.memory_space<vmem>>) dst(%dma_wait3A_259 : memref<8x128xf32, #tpu.memory_space<hbm>>)
      tpu.yield
    }) : () -> ()
    %add3A_218 = arith.constant 240 : i32
    %add3A_219 = arith.addi %mul3A_14, %add3A_218 : i32
    %dma_wait3A_220 = arith.constant 1 : i32
    %dma_wait3A_221 = arith.constant 0 : i32
    %dma_wait3A_222 = arith.constant 0 : i32
    %dma_wait3A_223 = tpu.memref_slice %arg8[%dma_wait3A_220, %dma_wait3A_221, %dma_wait3A_222] : memref<2x80x128xf32, #tpu.memory_space<vmem>> -> memref<1x80x128xf32, #tpu.memory_space<vmem>>
    %dma_wait3A_224 = tpu.memref_squeeze %dma_wait3A_223 : memref<1x80x128xf32, #tpu.memory_space<vmem>> -> memref<80x128xf32, #tpu.memory_space<vmem>>
    %dma_wait3A_225 = arith.constant 0 : i32
    %dma_wait3A_226 = tpu.memref_slice %arg5[%arg0, %add3A_219, %dma_wait3A_225] : memref<2x5248x128xf32, #tpu.memory_space<hbm>> -> memref<1x80x128xf32, #tpu.memory_space<hbm>>
    %dma_wait3A_227 = tpu.memref_squeeze %dma_wait3A_226 : memref<1x80x128xf32, #tpu.memory_space<hbm>> -> memref<80x128xf32, #tpu.memory_space<hbm>>
    %dma_wait3A_228 = arith.constant 0 : i32
    %dma_wait3A_229 = tpu.memref_slice %arg5[%arg0, %add3A_219, %dma_wait3A_228] : memref<2x5248x128xf32, #tpu.memory_space<hbm>> -> memref<1x80x128xf32, #tpu.memory_space<hbm>>
    %dma_wait3A_230 = tpu.memref_squeeze %dma_wait3A_229 : memref<1x80x128xf32, #tpu.memory_space<hbm>> -> memref<80x128xf32, #tpu.memory_space<hbm>>
    %dma_wait3A_231 = arith.constant 0 : i32
    %dma_wait3A_232 = arith.constant 0 : i32
    %dma_wait3A_233 = tpu.memref_slice %arg8[%dma_wait3A_220, %dma_wait3A_231, %dma_wait3A_232] : memref<2x80x128xf32, #tpu.memory_space<vmem>> -> memref<1x80x128xf32, #tpu.memory_space<vmem>>
    %dma_wait3A_234 = tpu.memref_squeeze %dma_wait3A_233 : memref<1x80x128xf32, #tpu.memory_space<vmem>> -> memref<80x128xf32, #tpu.memory_space<vmem>>
    tpu.wait_dma2 semaphore(%arg11 : memref<!tpu.dma_semaphore, #tpu.memory_space<semaphore_mem>>) src(%dma_wait3A_234 : memref<80x128xf32, #tpu.memory_space<vmem>>) dst(%dma_wait3A_230 : memref<80x128xf32, #tpu.memory_space<hbm>>)
    return
  }
}

module attributes {stable_mosaic.version = 14 : i64} {
  func.func @_mm_first_body(%arg0: i32, %arg1: memref<2x2560xf32, #tpu.memory_space<vmem>>, %arg2: memref<2560x128xf32, #tpu.memory_space<vmem>>, %arg3: memref<128x128xf32, #tpu.memory_space<vmem>>, %arg4: memref<2560x128xf32, #tpu.memory_space<vmem>>, %arg5: memref<8x2560xf32, #tpu.memory_space<vmem>>) attributes {dimension_semantics = [#tpu.dimension_semantics<arbitrary>], iteration_bounds = array<i64: 4>, scalar_prefetch = 0 : i64, scratch_operands = 0 : i64, tpu.core_type = #tpu.core_type<tc>, window_params = [{transform_indices = @transform_0, window_bounds = array<i64: 2, 2560>}, {transform_indices = @transform_1, window_bounds = array<i64: 2560, 128>}, {pipeline_mode = #tpu.pipeline_mode<synchronous>, transform_indices = @transform_2, window_bounds = array<i64: 128, 128>}, {transform_indices = @transform_3, window_bounds = array<i64: 2560, 128>}, {transform_indices = @transform_4, window_bounds = array<i64: 8, 2560>}]} {
    %get3A = arith.constant 0 : index
    %get3A_0 = arith.constant 0 : index
    %get3A_1 = vector.load %arg1[%get3A, %get3A_0] : memref<2x2560xf32, #tpu.memory_space<vmem>>, vector<1x2560xf32>
    %get3A_2 = vector.shape_cast %get3A_1 : vector<1x2560xf32> to vector<2560xf32>
    %get3A_3 = arith.constant 1 : index
    %get3A_4 = arith.constant 0 : index
    %get3A_5 = vector.load %arg1[%get3A_3, %get3A_4] : memref<2x2560xf32, #tpu.memory_space<vmem>>, vector<1x2560xf32>
    %get3A_6 = vector.shape_cast %get3A_5 : vector<1x2560xf32> to vector<2560xf32>
    %add3A = arith.addf %get3A_2, %get3A_6 : vector<2560xf32>
    %add3A_7 = arith.constant 1.000000e+00 : f32
    %add3A_8 = vector.broadcast %add3A_7 : f32 to vector<2560xf32>
    %add3A_9 = arith.addf %add3A, %add3A_8 : vector<2560xf32>
    %max3A = arith.constant 1.000000e+00 : f32
    %max3A_10 = vector.broadcast %max3A : f32 to vector<2560xf32>
    %max3A_11 = arith.maximumf %add3A_9, %max3A_10 : vector<2560xf32>
    %rsqrt3A = math.rsqrt %max3A_11 : vector<2560xf32>
    %broadcast_in_dim3A = vector.shape_cast %rsqrt3A : vector<2560xf32> to vector<1x2560xf32>
    %broadcast_in_dim3A_12 = vector.shape_cast %broadcast_in_dim3A : vector<1x2560xf32> to vector<1x2560xf32>
    %broadcast_in_dim3A_13 = vector.broadcast %broadcast_in_dim3A_12 : vector<1x2560xf32> to vector<8x2560xf32>
    %swap3A = arith.constant 0 : index
    %swap3A_14 = arith.constant 0 : index
    %swap3A_15 = vector.load %arg5[%swap3A, %swap3A_14] : memref<8x2560xf32, #tpu.memory_space<vmem>>, vector<8x2560xf32>
    tpu.vector_store %arg5[%swap3A, %swap3A_14], %broadcast_in_dim3A_13 {strides = array<i32>} : memref<8x2560xf32, #tpu.memory_space<vmem>>, vector<8x2560xf32>,
    %broadcast_in_dim3A_16 = vector.shape_cast %rsqrt3A : vector<2560xf32> to vector<2560x1xf32>
    %get3A_17 = arith.constant 0 : index
    %get3A_18 = arith.constant 0 : index
    %get3A_19 = vector.load %arg2[%get3A_17, %get3A_18] : memref<2560x128xf32, #tpu.memory_space<vmem>>, vector<2560x128xf32>
    %get3A_20 = arith.constant 0 : index
    %get3A_21 = arith.constant 0 : index
    %get3A_22 = vector.load %arg3[%get3A_20, %get3A_21] : memref<128x128xf32, #tpu.memory_space<vmem>>, vector<128x128xf32>
    %dot_general3A = arith.constant dense<0.000000e+00> : vector<2560x128xf32>
    %dot_general3A_23 = tpu.matmul %get3A_19, %get3A_22, %dot_general3A {dimension_numbers = #tpu.dot_dimension_numbers<[1], [0], [0], [1], [0, 0, 1, 1], [], []>, transpose_lhs_hint = false} : vector<2560x128xf32>, vector<128x128xf32>, vector<2560x128xf32> -> vector<2560x128xf32>
    %mul3A = vector.broadcast %broadcast_in_dim3A_16 : vector<2560x1xf32> to vector<2560x128xf32>
    %mul3A_24 = arith.mulf %mul3A, %dot_general3A_23 : vector<2560x128xf32>
    %swap3A_25 = arith.constant 0 : index
    %swap3A_26 = arith.constant 0 : index
    %swap3A_27 = vector.load %arg4[%swap3A_25, %swap3A_26] : memref<2560x128xf32, #tpu.memory_space<vmem>>, vector<2560x128xf32>
    tpu.vector_store %arg4[%swap3A_25, %swap3A_26], %mul3A_24 {strides = array<i32>} : memref<2560x128xf32, #tpu.memory_space<vmem>>, vector<2560x128xf32>,
    return
  }
  func.func @transform_0(%arg0: i32) -> (i32, i32) {
    %c0_i32 = arith.constant 0 : i32
    %c0_i32_0 = arith.constant 0 : i32
    return %c0_i32, %arg0 : i32, i32
  }
  func.func @transform_1(%arg0: i32) -> (i32, i32) {
    %c0_i32 = arith.constant 0 : i32
    %c0_i32_0 = arith.constant 0 : i32
    return %arg0, %c0_i32 : i32, i32
  }
  func.func @transform_2(%arg0: i32) -> (i32, i32) {
    %c0_i32 = arith.constant 0 : i32
    %c0_i32_0 = arith.constant 0 : i32
    %c0_i32_1 = arith.constant 0 : i32
    return %c0_i32, %c0_i32_0 : i32, i32
  }
  func.func @transform_3(%arg0: i32) -> (i32, i32) {
    %c0_i32 = arith.constant 0 : i32
    %c0_i32_0 = arith.constant 0 : i32
    return %arg0, %c0_i32 : i32, i32
  }
  func.func @transform_4(%arg0: i32) -> (i32, i32) {
    %c0_i32 = arith.constant 0 : i32
    %c0_i32_0 = arith.constant 0 : i32
    return %c0_i32, %arg0 : i32, i32
  }
}

module attributes {stable_mosaic.version = 14 : i64} {
  func.func @_mm_mid_body(%arg0: i32, %arg1: memref<1x2560x128xf32, #tpu.memory_space<vmem>>, %arg2: memref<2560x128xf32, #tpu.memory_space<vmem>>, %arg3: memref<8x2560xf32, #tpu.memory_space<vmem>>, %arg4: memref<128xf32, #tpu.memory_space<vmem>>, %arg5: memref<128x128xf32, #tpu.memory_space<vmem>>, %arg6: memref<2560x128xf32, #tpu.memory_space<vmem>>) attributes {dimension_semantics = [#tpu.dimension_semantics<arbitrary>], iteration_bounds = array<i64: 4>, scalar_prefetch = 0 : i64, scratch_operands = 0 : i64, tpu.core_type = #tpu.core_type<tc>, window_params = [{transform_indices = @transform_0, window_bounds = array<i64: 1, 2560, 128>}, {transform_indices = @transform_1, window_bounds = array<i64: 2560, 128>}, {transform_indices = @transform_2, window_bounds = array<i64: 8, 2560>}, {pipeline_mode = #tpu.pipeline_mode<synchronous>, transform_indices = @transform_3, window_bounds = array<i64: 128>}, {pipeline_mode = #tpu.pipeline_mode<synchronous>, transform_indices = @transform_4, window_bounds = array<i64: 128, 128>}, {transform_indices = @transform_5, window_bounds = array<i64: 2560, 128>}]} {
    %get3A = arith.constant 0 : index
    %get3A_0 = arith.constant 0 : index
    %get3A_1 = arith.constant 0 : index
    %get3A_2 = vector.load %arg1[%get3A, %get3A_0, %get3A_1] : memref<1x2560x128xf32, #tpu.memory_space<vmem>>, vector<1x2560x128xf32>
    %get3A_3 = vector.shape_cast %get3A_2 : vector<1x2560x128xf32> to vector<2560x128xf32>
    %get3A_4 = arith.constant 0 : index
    %get3A_5 = arith.constant 0 : index
    %get3A_6 = vector.load %arg2[%get3A_4, %get3A_5] : memref<2560x128xf32, #tpu.memory_space<vmem>>, vector<2560x128xf32>
    %add3A = arith.addf %get3A_3, %get3A_6 : vector<2560x128xf32>
    %get3A_7 = arith.constant 0 : index
    %get3A_8 = arith.constant 0 : index
    %get3A_9 = vector.load %arg3[%get3A_7, %get3A_8] : memref<8x2560xf32, #tpu.memory_space<vmem>>, vector<1x2560xf32>
    %get3A_10 = vector.shape_cast %get3A_9 : vector<1x2560xf32> to vector<2560xf32>
    %broadcast_in_dim3A = vector.shape_cast %get3A_10 : vector<2560xf32> to vector<2560x1xf32>
    %mul3A = vector.broadcast %broadcast_in_dim3A : vector<2560x1xf32> to vector<2560x128xf32>
    %mul3A_11 = arith.mulf %mul3A, %add3A : vector<2560x128xf32>
    %get3A_12 = arith.constant 0 : index
    %get3A_13 = vector.load %arg4[%get3A_12] : memref<128xf32, #tpu.memory_space<vmem>>, vector<128xf32>
    %broadcast_in_dim3A_14 = vector.shape_cast %get3A_13 : vector<128xf32> to vector<1x128xf32>
    %add3A_15 = vector.broadcast %broadcast_in_dim3A_14 : vector<1x128xf32> to vector<2560x128xf32>
    %add3A_16 = arith.addf %mul3A_11, %add3A_15 : vector<2560x128xf32>
    %max3A = arith.constant 0.000000e+00 : f32
    %max3A_17 = vector.broadcast %max3A : f32 to vector<2560x128xf32>
    %max3A_18 = arith.maximumf %add3A_16, %max3A_17 : vector<2560x128xf32>
    %broadcast_in_dim3A_19 = vector.shape_cast %get3A_10 : vector<2560xf32> to vector<2560x1xf32>
    %get3A_20 = arith.constant 0 : index
    %get3A_21 = arith.constant 0 : index
    %get3A_22 = vector.load %arg5[%get3A_20, %get3A_21] : memref<128x128xf32, #tpu.memory_space<vmem>>, vector<128x128xf32>
    %dot_general3A = arith.constant dense<0.000000e+00> : vector<2560x128xf32>
    %dot_general3A_23 = tpu.matmul %max3A_18, %get3A_22, %dot_general3A {dimension_numbers = #tpu.dot_dimension_numbers<[1], [0], [0], [1], [0, 0, 1, 1], [], []>, transpose_lhs_hint = false} : vector<2560x128xf32>, vector<128x128xf32>, vector<2560x128xf32> -> vector<2560x128xf32>
    %mul3A_24 = vector.broadcast %broadcast_in_dim3A_19 : vector<2560x1xf32> to vector<2560x128xf32>
    %mul3A_25 = arith.mulf %mul3A_24, %dot_general3A_23 : vector<2560x128xf32>
    %swap3A = arith.constant 0 : index
    %swap3A_26 = arith.constant 0 : index
    %swap3A_27 = vector.load %arg6[%swap3A, %swap3A_26] : memref<2560x128xf32, #tpu.memory_space<vmem>>, vector<2560x128xf32>
    tpu.vector_store %arg6[%swap3A, %swap3A_26], %mul3A_25 {strides = array<i32>} : memref<2560x128xf32, #tpu.memory_space<vmem>>, vector<2560x128xf32>,
    return
  }
  func.func @transform_0(%arg0: i32) -> (i32, i32, i32) {
    %jit3A = arith.constant 2 : i32
    %div3A = arith.divsi %arg0, %jit3A : i32
    %sign3A = arith.constant 0 : i32
    %sign3A_0 = arith.cmpi sgt, %arg0, %sign3A : i32
    %sign3A_1 = arith.extui %sign3A_0 : i1 to i32
    %sign3A_2 = arith.constant 0 : i32
    %sign3A_3 = arith.cmpi slt, %arg0, %sign3A_2 : i32
    %sign3A_4 = arith.extui %sign3A_3 : i1 to i32
    %sign3A_5 = arith.subi %sign3A_1, %sign3A_4 : i32
    %sign3A_6 = arith.constant 0 : i32
    %sign3A_7 = arith.cmpi sgt, %jit3A, %sign3A_6 : i32
    %sign3A_8 = arith.extui %sign3A_7 : i1 to i32
    %sign3A_9 = arith.constant 0 : i32
    %sign3A_10 = arith.cmpi slt, %jit3A, %sign3A_9 : i32
    %sign3A_11 = arith.extui %sign3A_10 : i1 to i32
    %sign3A_12 = arith.subi %sign3A_8, %sign3A_11 : i32
    %ne3A = arith.cmpi ne, %sign3A_5, %sign3A_12 : i32
    %rem3A = arith.remsi %arg0, %jit3A : i32
    %ne3A_13 = arith.constant 0 : i32
    %ne3A_14 = arith.cmpi ne, %rem3A, %ne3A_13 : i32
    %and3A = arith.andi %ne3A, %ne3A_14 : i1
    %sub3A = arith.constant 1 : i32
    %sub3A_15 = arith.subi %div3A, %sub3A : i32
    %select_n3A = arith.select %and3A, %sub3A_15, %div3A : i32
    %jit3A_16 = arith.constant 2 : i32
    %eq3A = arith.constant 0 : i32
    %eq3A_17 = arith.cmpi eq, %jit3A_16, %eq3A : i32
    %jit3A_18 = arith.constant 1 : i32
    %select_n3A_19 = arith.select %eq3A_17, %jit3A_18, %jit3A_16 : i32
    %rem3A_20 = arith.remsi %arg0, %select_n3A_19 : i32
    %ne3A_21 = arith.constant 0 : i32
    %ne3A_22 = arith.cmpi ne, %rem3A_20, %ne3A_21 : i32
    %lt3A = arith.constant 0 : i32
    %lt3A_23 = arith.cmpi slt, %rem3A_20, %lt3A : i32
    %lt3A_24 = arith.constant 0 : i32
    %lt3A_25 = arith.cmpi slt, %select_n3A_19, %lt3A_24 : i32
    %ne3A_26 = arith.xori %lt3A_23, %lt3A_25 : i1
    %and3A_27 = arith.andi %ne3A_26, %ne3A_22 : i1
    %add3A = arith.addi %rem3A_20, %select_n3A_19 : i32
    %select_n3A_28 = arith.select %and3A_27, %add3A, %rem3A_20 : i32
    %c0_i32 = arith.constant 0 : i32
    %c0_i32_29 = arith.constant 0 : i32
    return %select_n3A, %select_n3A_28, %c0_i32 : i32, i32, i32
  }
  func.func @transform_1(%arg0: i32) -> (i32, i32) {
    %c0_i32 = arith.constant 0 : i32
    %c0_i32_0 = arith.constant 0 : i32
    return %arg0, %c0_i32 : i32, i32
  }
  func.func @transform_2(%arg0: i32) -> (i32, i32) {
    %c0_i32 = arith.constant 0 : i32
    %c0_i32_0 = arith.constant 0 : i32
    return %c0_i32, %arg0 : i32, i32
  }
  func.func @transform_3(%arg0: i32) -> i32 {
    %c0_i32 = arith.constant 0 : i32
    %c0_i32_0 = arith.constant 0 : i32
    return %c0_i32 : i32
  }
  func.func @transform_4(%arg0: i32) -> (i32, i32) {
    %c0_i32 = arith.constant 0 : i32
    %c0_i32_0 = arith.constant 0 : i32
    %c0_i32_1 = arith.constant 0 : i32
    return %c0_i32, %c0_i32_0 : i32, i32
  }
  func.func @transform_5(%arg0: i32) -> (i32, i32) {
    %c0_i32 = arith.constant 0 : i32
    %c0_i32_0 = arith.constant 0 : i32
    return %arg0, %c0_i32 : i32, i32
  }
}

module attributes {stable_mosaic.version = 14 : i64} {
  func.func @_mm_final_body(%arg0: i32, %arg1: memref<1x2560x128xf32, #tpu.memory_space<vmem>>, %arg2: memref<2560x128xf32, #tpu.memory_space<vmem>>, %arg3: memref<8x2560xf32, #tpu.memory_space<vmem>>, %arg4: memref<128xf32, #tpu.memory_space<vmem>>, %arg5: memref<8x2560xi32, #tpu.memory_space<vmem>>, %arg6: memref<128x10xf32, #tpu.memory_space<vmem>>, %arg7: memref<10xf32, #tpu.memory_space<vmem>>, %arg8: memref<64x128xf32, #tpu.memory_space<vmem>>, %arg9: memref<64x1xf32, #tpu.memory_space<vmem>>, %arg10: memref<64x10xf32, #tpu.memory_space<vmem>>) attributes {dimension_semantics = [#tpu.dimension_semantics<arbitrary>], iteration_bounds = array<i64: 4>, scalar_prefetch = 0 : i64, scratch_operands = 0 : i64, tpu.core_type = #tpu.core_type<tc>, window_params = [{transform_indices = @transform_0, window_bounds = array<i64: 1, 2560, 128>}, {transform_indices = @transform_1, window_bounds = array<i64: 2560, 128>}, {transform_indices = @transform_2, window_bounds = array<i64: 8, 2560>}, {pipeline_mode = #tpu.pipeline_mode<synchronous>, transform_indices = @transform_3, window_bounds = array<i64: 128>}, {transform_indices = @transform_4, window_bounds = array<i64: 8, 2560>}, {pipeline_mode = #tpu.pipeline_mode<synchronous>, transform_indices = @transform_5, window_bounds = array<i64: 128, 10>}, {pipeline_mode = #tpu.pipeline_mode<synchronous>, transform_indices = @transform_6, window_bounds = array<i64: 10>}, {pipeline_mode = #tpu.pipeline_mode<synchronous>, transform_indices = @transform_7, window_bounds = array<i64: 64, 128>}, {pipeline_mode = #tpu.pipeline_mode<synchronous>, transform_indices = @transform_8, window_bounds = array<i64: 64, 1>}, {pipeline_mode = #tpu.pipeline_mode<synchronous>, transform_indices = @transform_9, window_bounds = array<i64: 64, 10>}]} {
    %eq3A = arith.constant 0 : i32
    %eq3A_0 = arith.cmpi eq, %arg0, %eq3A : i32
    %convert_element_type3A = arith.extui %eq3A_0 : i1 to i32
    %cond3A = arith.constant 0 : i32
    %cond3A_1 = arith.cmpi ne, %convert_element_type3A, %cond3A : i32
    scf.if %cond3A_1 {
      %broadcast_in_dim3A_71 = arith.constant 0.000000e+00 : f32
      %broadcast_in_dim3A_72 = vector.broadcast %broadcast_in_dim3A_71 : f32 to vector<64x128xf32>
      %swap3A_73 = arith.constant 0 : index
      %swap3A_74 = arith.constant 0 : index
      %swap3A_75 = vector.load %arg8[%swap3A_73, %swap3A_74] : memref<64x128xf32, #tpu.memory_space<vmem>>, vector<64x128xf32>
      tpu.vector_store %arg8[%swap3A_73, %swap3A_74], %broadcast_in_dim3A_72 {strides = array<i32>} : memref<64x128xf32, #tpu.memory_space<vmem>>, vector<64x128xf32>,
      %broadcast_in_dim3A_76 = arith.constant 0.000000e+00 : f32
      %broadcast_in_dim3A_77 = vector.broadcast %broadcast_in_dim3A_76 : f32 to vector<64x1xf32>
      %swap3A_78 = arith.constant 0 : index
      %swap3A_79 = arith.constant 0 : index
      %swap3A_80 = vector.load %arg9[%swap3A_78, %swap3A_79] : memref<64x1xf32, #tpu.memory_space<vmem>>, vector<64x1xf32>
      tpu.vector_store %arg9[%swap3A_78, %swap3A_79], %broadcast_in_dim3A_77 {strides = array<i32>} : memref<64x1xf32, #tpu.memory_space<vmem>>, vector<64x1xf32>,
    } else {
    }
    %get3A = arith.constant 0 : index
    %get3A_2 = arith.constant 0 : index
    %get3A_3 = arith.constant 0 : index
    %get3A_4 = vector.load %arg1[%get3A, %get3A_2, %get3A_3] : memref<1x2560x128xf32, #tpu.memory_space<vmem>>, vector<1x2560x128xf32>
    %get3A_5 = vector.shape_cast %get3A_4 : vector<1x2560x128xf32> to vector<2560x128xf32>
    %get3A_6 = arith.constant 0 : index
    %get3A_7 = arith.constant 0 : index
    %get3A_8 = vector.load %arg2[%get3A_6, %get3A_7] : memref<2560x128xf32, #tpu.memory_space<vmem>>, vector<2560x128xf32>
    %add3A = arith.addf %get3A_5, %get3A_8 : vector<2560x128xf32>
    %get3A_9 = arith.constant 0 : index
    %get3A_10 = arith.constant 0 : index
    %get3A_11 = vector.load %arg3[%get3A_9, %get3A_10] : memref<8x2560xf32, #tpu.memory_space<vmem>>, vector<1x2560xf32>
    %get3A_12 = vector.shape_cast %get3A_11 : vector<1x2560xf32> to vector<2560xf32>
    %broadcast_in_dim3A = vector.shape_cast %get3A_12 : vector<2560xf32> to vector<2560x1xf32>
    %mul3A = vector.broadcast %broadcast_in_dim3A : vector<2560x1xf32> to vector<2560x128xf32>
    %mul3A_13 = arith.mulf %mul3A, %add3A : vector<2560x128xf32>
    %get3A_14 = arith.constant 0 : index
    %get3A_15 = vector.load %arg4[%get3A_14] : memref<128xf32, #tpu.memory_space<vmem>>, vector<128xf32>
    %broadcast_in_dim3A_16 = vector.shape_cast %get3A_15 : vector<128xf32> to vector<1x128xf32>
    %add3A_17 = vector.broadcast %broadcast_in_dim3A_16 : vector<1x128xf32> to vector<2560x128xf32>
    %add3A_18 = arith.addf %mul3A_13, %add3A_17 : vector<2560x128xf32>
    %mul3A_19 = arith.constant 2560 : i32
    %mul3A_20 = arith.muli %arg0, %mul3A_19 : i32
    %iota3A = tpu.iota {dimensions = array<i32: 0>} : vector<2560x1xi32>
    %add3A_21 = vector.broadcast %mul3A_20 : i32 to vector<2560x1xi32>
    %add3A_22 = arith.addi %add3A_21, %iota3A : vector<2560x1xi32>
    %lt3A = arith.constant 10000 : i32
    %lt3A_23 = vector.broadcast %lt3A : i32 to vector<2560x1xi32>
    %lt3A_24 = arith.cmpi slt, %add3A_22, %lt3A_23 : vector<2560x1xi32>
    %jit3A = arith.constant 0.000000e+00 : f32
    %broadcast_in_dim3A_25 = vector.shape_cast %lt3A_24 : vector<2560x1xi1> to vector<2560x1xi1>
    %broadcast_in_dim3A_26 = vector.broadcast %broadcast_in_dim3A_25 : vector<2560x1xi1> to vector<2560x128xi1>
    %broadcast_in_dim3A_27 = vector.broadcast %jit3A : f32 to vector<2560x128xf32>
    %select_n3A = arith.select %broadcast_in_dim3A_26, %add3A_18, %broadcast_in_dim3A_27 : vector<2560x128xi1>, vector<2560x128xf32>
    %mul3A_28 = arith.constant 2560 : i32
    %mul3A_29 = arith.muli %arg0, %mul3A_28 : i32
    %iota3A_30 = tpu.iota {dimensions = array<i32: 1>} : vector<1x2560xi32>
    %add3A_31 = vector.broadcast %mul3A_29 : i32 to vector<1x2560xi32>
    %add3A_32 = arith.addi %add3A_31, %iota3A_30 : vector<1x2560xi32>
    %lt3A_33 = arith.constant 10000 : i32
    %lt3A_34 = vector.broadcast %lt3A_33 : i32 to vector<1x2560xi32>
    %lt3A_35 = arith.cmpi slt, %add3A_32, %lt3A_34 : vector<1x2560xi32>
    %iota3A_36 = tpu.iota {dimensions = array<i32: 0>} : vector<64x2560xi32>
    %get3A_37 = arith.constant 0 : index
    %get3A_38 = arith.constant 0 : index
    %get3A_39 = vector.load %arg5[%get3A_37, %get3A_38] : memref<8x2560xi32, #tpu.memory_space<vmem>>, vector<1x2560xi32>
    %get3A_40 = vector.shape_cast %get3A_39 : vector<1x2560xi32> to vector<2560xi32>
    %broadcast_in_dim3A_41 = vector.shape_cast %get3A_40 : vector<2560xi32> to vector<1x2560xi32>
    %eq3A_42 = vector.broadcast %broadcast_in_dim3A_41 : vector<1x2560xi32> to vector<64x2560xi32>
    %eq3A_43 = arith.cmpi eq, %iota3A_36, %eq3A_42 : vector<64x2560xi32>
    %and3A = vector.broadcast %lt3A_35 : vector<1x2560xi1> to vector<64x2560xi1>
    %and3A_44 = arith.andi %eq3A_43, %and3A : vector<64x2560xi1>
    %jit3A_45 = arith.constant 1.000000e+00 : f32
    %jit3A_46 = arith.constant 0.000000e+00 : f32
    %broadcast_in_dim3A_47 = vector.broadcast %jit3A_45 : f32 to vector<64x2560xf32>
    %broadcast_in_dim3A_48 = vector.broadcast %jit3A_46 : f32 to vector<64x2560xf32>
    %select_n3A_49 = arith.select %and3A_44, %broadcast_in_dim3A_47, %broadcast_in_dim3A_48 : vector<64x2560xi1>, vector<64x2560xf32>
    %get3A_50 = arith.constant 0 : index
    %get3A_51 = arith.constant 0 : index
    %get3A_52 = vector.load %arg8[%get3A_50, %get3A_51] : memref<64x128xf32, #tpu.memory_space<vmem>>, vector<64x128xf32>
    %dot_general3A = arith.constant dense<0.000000e+00> : vector<64x128xf32>
    %dot_general3A_53 = tpu.matmul %select_n3A_49, %select_n3A, %dot_general3A {dimension_numbers = #tpu.dot_dimension_numbers<[1], [0], [0], [1], [0, 0, 1, 1], [], []>, transpose_lhs_hint = false} : vector<64x2560xf32>, vector<2560x128xf32>, vector<64x128xf32> -> vector<64x128xf32>
    %add3A_54 = arith.addf %get3A_52, %dot_general3A_53 : vector<64x128xf32>
    %swap3A = arith.constant 0 : index
    %swap3A_55 = arith.constant 0 : index
    %swap3A_56 = vector.load %arg8[%swap3A, %swap3A_55] : memref<64x128xf32, #tpu.memory_space<vmem>>, vector<64x128xf32>
    tpu.vector_store %arg8[%swap3A, %swap3A_55], %add3A_54 {strides = array<i32>} : memref<64x128xf32, #tpu.memory_space<vmem>>, vector<64x128xf32>,
    %get3A_57 = arith.constant 0 : index
    %get3A_58 = arith.constant 0 : index
    %get3A_59 = vector.load %arg9[%get3A_57, %get3A_58] : memref<64x1xf32, #tpu.memory_space<vmem>>, vector<64x1xf32>
    %reduce_sum3A = arith.constant dense<0.000000e+00> : vector<64xf32>
    %reduce_sum3A_60 = vector.multi_reduction <add>, %select_n3A_49, %reduce_sum3A [1] : vector<64x2560xf32> to vector<64xf32>
    %broadcast_in_dim3A_61 = vector.shape_cast %reduce_sum3A_60 : vector<64xf32> to vector<64x1xf32>
    %add3A_62 = arith.addf %get3A_59, %broadcast_in_dim3A_61 : vector<64x1xf32>
    %swap3A_63 = arith.constant 0 : index
    %swap3A_64 = arith.constant 0 : index
    %swap3A_65 = vector.load %arg9[%swap3A_63, %swap3A_64] : memref<64x1xf32, #tpu.memory_space<vmem>>, vector<64x1xf32>
    tpu.vector_store %arg9[%swap3A_63, %swap3A_64], %add3A_62 {strides = array<i32>} : memref<64x1xf32, #tpu.memory_space<vmem>>, vector<64x1xf32>,
    %eq3A_66 = arith.constant 3 : i32
    %eq3A_67 = arith.cmpi eq, %arg0, %eq3A_66 : i32
    %convert_element_type3A_68 = arith.extui %eq3A_67 : i1 to i32
    %cond3A_69 = arith.constant 0 : i32
    %cond3A_70 = arith.cmpi ne, %convert_element_type3A_68, %cond3A_69 : i32
    scf.if %cond3A_70 {
      %get3A_71 = arith.constant 0 : index
      %get3A_72 = arith.constant 0 : index
      %get3A_73 = vector.load %arg8[%get3A_71, %get3A_72] : memref<64x128xf32, #tpu.memory_space<vmem>>, vector<64x128xf32>
      %get3A_74 = arith.constant 0 : index
      %get3A_75 = arith.constant 0 : index
      %get3A_76 = vector.load %arg9[%get3A_74, %get3A_75] : memref<64x1xf32, #tpu.memory_space<vmem>>, vector<64x1xf32>
      %max3A = arith.constant 1.000000e+00 : f32
      %max3A_77 = vector.broadcast %max3A : f32 to vector<64x1xf32>
      %max3A_78 = arith.maximumf %get3A_76, %max3A_77 : vector<64x1xf32>
      %div3A = vector.broadcast %max3A_78 : vector<64x1xf32> to vector<64x128xf32>
      %div3A_79 = arith.divf %get3A_73, %div3A : vector<64x128xf32>
      %get3A_80 = arith.constant 0 : index
      %get3A_81 = arith.constant 0 : index
      %get3A_82 = vector.load %arg6[%get3A_80, %get3A_81] : memref<128x10xf32, #tpu.memory_space<vmem>>, vector<128x10xf32>
      %dot_general3A_83 = arith.constant dense<0.000000e+00> : vector<64x10xf32>
      %dot_general3A_84 = tpu.matmul %div3A_79, %get3A_82, %dot_general3A_83 {dimension_numbers = #tpu.dot_dimension_numbers<[1], [0], [0], [1], [0, 0, 1, 1], [], []>, transpose_lhs_hint = false} : vector<64x128xf32>, vector<128x10xf32>, vector<64x10xf32> -> vector<64x10xf32>
      %get3A_85 = arith.constant 0 : index
      %get3A_86 = vector.load %arg7[%get3A_85] : memref<10xf32, #tpu.memory_space<vmem>>, vector<10xf32>
      %broadcast_in_dim3A_87 = vector.shape_cast %get3A_86 : vector<10xf32> to vector<1x10xf32>
      %add3A_88 = vector.broadcast %broadcast_in_dim3A_87 : vector<1x10xf32> to vector<64x10xf32>
      %add3A_89 = arith.addf %dot_general3A_84, %add3A_88 : vector<64x10xf32>
      %reduce_max3A = arith.constant dense<0xFF800000> : vector<64xf32>
      %reduce_max3A_90 = vector.multi_reduction <maximumf>, %add3A_89, %reduce_max3A [1] : vector<64x10xf32> to vector<64xf32>
      %broadcast_in_dim3A_91 = vector.shape_cast %reduce_max3A_90 : vector<64xf32> to vector<64x1xf32>
      %sub3A = vector.broadcast %broadcast_in_dim3A_91 : vector<64x1xf32> to vector<64x10xf32>
      %sub3A_92 = arith.subf %add3A_89, %sub3A : vector<64x10xf32>
      %exp3A = math.exp %sub3A_92 : vector<64x10xf32>
      %reduce_sum3A_93 = arith.constant dense<0.000000e+00> : vector<64xf32>
      %reduce_sum3A_94 = vector.multi_reduction <add>, %exp3A, %reduce_sum3A_93 [1] : vector<64x10xf32> to vector<64xf32>
      %broadcast_in_dim3A_95 = vector.shape_cast %reduce_sum3A_94 : vector<64xf32> to vector<64x1xf32>
      %log3A = math.log %broadcast_in_dim3A_95 : vector<64x1xf32>
      %add3A_96 = arith.addf %log3A, %broadcast_in_dim3A_91 : vector<64x1xf32>
      %sub3A_97 = vector.broadcast %add3A_96 : vector<64x1xf32> to vector<64x10xf32>
      %sub3A_98 = arith.subf %add3A_89, %sub3A_97 : vector<64x10xf32>
      %swap3A_99 = arith.constant 0 : index
      %swap3A_100 = arith.constant 0 : index
      %swap3A_101 = vector.load %arg10[%swap3A_99, %swap3A_100] : memref<64x10xf32, #tpu.memory_space<vmem>>, vector<64x10xf32>
      tpu.vector_store %arg10[%swap3A_99, %swap3A_100], %sub3A_98 {strides = array<i32>} : memref<64x10xf32, #tpu.memory_space<vmem>>, vector<64x10xf32>,
    } else {
    }
    return
  }
  func.func @transform_0(%arg0: i32) -> (i32, i32, i32) {
    %jit3A = arith.constant 2 : i32
    %div3A = arith.divsi %arg0, %jit3A : i32
    %sign3A = arith.constant 0 : i32
    %sign3A_0 = arith.cmpi sgt, %arg0, %sign3A : i32
    %sign3A_1 = arith.extui %sign3A_0 : i1 to i32
    %sign3A_2 = arith.constant 0 : i32
    %sign3A_3 = arith.cmpi slt, %arg0, %sign3A_2 : i32
    %sign3A_4 = arith.extui %sign3A_3 : i1 to i32
    %sign3A_5 = arith.subi %sign3A_1, %sign3A_4 : i32
    %sign3A_6 = arith.constant 0 : i32
    %sign3A_7 = arith.cmpi sgt, %jit3A, %sign3A_6 : i32
    %sign3A_8 = arith.extui %sign3A_7 : i1 to i32
    %sign3A_9 = arith.constant 0 : i32
    %sign3A_10 = arith.cmpi slt, %jit3A, %sign3A_9 : i32
    %sign3A_11 = arith.extui %sign3A_10 : i1 to i32
    %sign3A_12 = arith.subi %sign3A_8, %sign3A_11 : i32
    %ne3A = arith.cmpi ne, %sign3A_5, %sign3A_12 : i32
    %rem3A = arith.remsi %arg0, %jit3A : i32
    %ne3A_13 = arith.constant 0 : i32
    %ne3A_14 = arith.cmpi ne, %rem3A, %ne3A_13 : i32
    %and3A = arith.andi %ne3A, %ne3A_14 : i1
    %sub3A = arith.constant 1 : i32
    %sub3A_15 = arith.subi %div3A, %sub3A : i32
    %select_n3A = arith.select %and3A, %sub3A_15, %div3A : i32
    %jit3A_16 = arith.constant 2 : i32
    %eq3A = arith.constant 0 : i32
    %eq3A_17 = arith.cmpi eq, %jit3A_16, %eq3A : i32
    %jit3A_18 = arith.constant 1 : i32
    %select_n3A_19 = arith.select %eq3A_17, %jit3A_18, %jit3A_16 : i32
    %rem3A_20 = arith.remsi %arg0, %select_n3A_19 : i32
    %ne3A_21 = arith.constant 0 : i32
    %ne3A_22 = arith.cmpi ne, %rem3A_20, %ne3A_21 : i32
    %lt3A = arith.constant 0 : i32
    %lt3A_23 = arith.cmpi slt, %rem3A_20, %lt3A : i32
    %lt3A_24 = arith.constant 0 : i32
    %lt3A_25 = arith.cmpi slt, %select_n3A_19, %lt3A_24 : i32
    %ne3A_26 = arith.xori %lt3A_23, %lt3A_25 : i1
    %and3A_27 = arith.andi %ne3A_26, %ne3A_22 : i1
    %add3A = arith.addi %rem3A_20, %select_n3A_19 : i32
    %select_n3A_28 = arith.select %and3A_27, %add3A, %rem3A_20 : i32
    %c0_i32 = arith.constant 0 : i32
    %c0_i32_29 = arith.constant 0 : i32
    return %select_n3A, %select_n3A_28, %c0_i32 : i32, i32, i32
  }
  func.func @transform_1(%arg0: i32) -> (i32, i32) {
    %c0_i32 = arith.constant 0 : i32
    %c0_i32_0 = arith.constant 0 : i32
    return %arg0, %c0_i32 : i32, i32
  }
  func.func @transform_2(%arg0: i32) -> (i32, i32) {
    %c0_i32 = arith.constant 0 : i32
    %c0_i32_0 = arith.constant 0 : i32
    return %c0_i32, %arg0 : i32, i32
  }
  func.func @transform_3(%arg0: i32) -> i32 {
    %c0_i32 = arith.constant 0 : i32
    %c0_i32_0 = arith.constant 0 : i32
    return %c0_i32 : i32
  }
  func.func @transform_4(%arg0: i32) -> (i32, i32) {
    %c0_i32 = arith.constant 0 : i32
    %c0_i32_0 = arith.constant 0 : i32
    return %c0_i32, %arg0 : i32, i32
  }
  func.func @transform_5(%arg0: i32) -> (i32, i32) {
    %c0_i32 = arith.constant 0 : i32
    %c0_i32_0 = arith.constant 0 : i32
    %c0_i32_1 = arith.constant 0 : i32
    return %c0_i32, %c0_i32_0 : i32, i32
  }
  func.func @transform_6(%arg0: i32) -> i32 {
    %c0_i32 = arith.constant 0 : i32
    %c0_i32_0 = arith.constant 0 : i32
    return %c0_i32 : i32
  }
  func.func @transform_7(%arg0: i32) -> (i32, i32) {
    %c0_i32 = arith.constant 0 : i32
    %c0_i32_0 = arith.constant 0 : i32
    %c0_i32_1 = arith.constant 0 : i32
    return %c0_i32, %c0_i32_0 : i32, i32
  }
  func.func @transform_8(%arg0: i32) -> (i32, i32) {
    %c0_i32 = arith.constant 0 : i32
    %c0_i32_0 = arith.constant 0 : i32
    %c0_i32_1 = arith.constant 0 : i32
    return %c0_i32, %c0_i32_0 : i32, i32
  }
  func.func @transform_9(%arg0: i32) -> (i32, i32) {
    %c0_i32 = arith.constant 0 : i32
    %c0_i32_0 = arith.constant 0 : i32
    %c0_i32_1 = arith.constant 0 : i32
    return %c0_i32, %c0_i32_0 : i32, i32
  }
}

</mosaic_0001>

<sc_bundles>
// kernel: kernel.10.cloned.1.call-start
scs
__scs_entry_jumppad:
0x0: {  	(pc) =	sbr.rel $0x88, $3  }
0x1: {  	(tag) =	ssettag $0x0;
	lr =	simm.s32 $0x1  }
0x2: {  	[smem:$0x3F96] =	sst lr;
	_ =	strace $0xD0000000  }
0x3: {  	_ = 	snop  }
0x4: {  	_ = 	snop  }
0x5: {  	_ = 	snop  }
0x6: {  	_ = 	snop  }
0x7: {  	_ = 	snop  }
__scs_overlays_trampoline_lowered:
0x8: {  	[smem:$0x3FA5] =	sst s0  }
0x9: {  	[smem:$0x3FA6] =	sst s1  }
0xa: {  	[smem:$0x3FA7] =	sst s2  }
0xb: {  	[smem:$0x3FA8] =	sst s3  }
0xc: {  	[smem:$0x3FA9] =	sst s4  }
0xd: {  	[smem:$0x3FAA] =	sst s5  }
0xe: {  	[smem:$0x3FAB] =	sst s6  }
0xf: {  	[smem:$0x3FAC] =	sst s7  }
0x10: {  	[smem:$0x3FAD] =	sst s8  }
0x11: {  	[smem:$0x3FAE] =	sst s9;
	s0 =	simm.s32 @!p0 $0x0  }
0x12: {  	s1 =	sld [smem:$0x3F94];
	s0 =	simm.s32 @p0 $0x1  }
0x13: {  	[smem:$0x3FAF] =	sst s0;
	s0 =	simm.s32 @!p1 $0x0  }
0x14: {  	s2 =	sld [smem:$0x3F93];
	s0 =	simm.s32 @p1 $0x1  }
0x15: {  	[smem:$0x3FB0] =	sst s0;
	s0 =	simm.s32 @!p2 $0x0  }
0x16: {  	s3 =	sld [smem:$0x3FDB];
	s0 =	simm.s32 @p2 $0x1  }
0x17: {  	s4 =	simm.s32 $0x1BF5;
	[smem:$0x3FB2] =	sst s0  }
0x18: {  	s0 =	sld [smem:$0x3F95];
	_ =	swait.ge [sflag:s4], $0x0  }
0x19: {  	s7 =	sld [smem:$0x3F96]  }
0x1a: {  	s8 =	sadd.s32 $0xFFFFE003, lr  }
0x1b: {  	s9 =	sadd.s32 $0xFFFFFEF7, lr;
	s5 =	simm.s32 $0xFFFFFFFF;
	p2 =	slt.u32 s8, $0xFFFFF086  }
0x1c: {  	p1 =	slt.u32 s9, $0xF7A;
	s5 =	simm.s32 @!p2 $0x0  }
0x1d: {  	s5 =	simm.s32 @p1 $0x1;
	p0 =	seq.s32 s7, s2  }
0x1e: {  	s7 =	smul.u32 @!p0 $0xF7A, s2;
	p2 =	seq.s32 @!p0 s5, $0x0  }
0x1f: {  	s9 =	smul.u32 $0xF7A, s1;
	s8 =	simm.s32 @!p0 $0x1BF5;
	p2 =	por !p2, p0  }
0x20: {  	[sflag:s8] =	ssyncset.s32 @!p0 $0xFFFFF086;
	s6 =	sadd.s32 @!p0 s3, s7;
	s7 =	simm.s32 @!p0 $0x108  }
0x21: {  	s3 =	sadd.s32 s3, s9;
	s6 =	sadd.s32 @!p0 $0x88, s6;
	s7 =	simm.s32 @p2 $0x1082  }
0x22: {  	[simem:s7], [sflag:s8] =	dma.local @!p0 [hbm:s6], $0xF7A  }
0x23: {  	s9 =	sor.u32 $0xD0000000, s2;
	s6 =	simm.s32 $0x108;
	_ =	swait.ge @!p0 [sflag:s8], $0x0  }
0x24: {  	s3 =	sadd.s32 $0x88, s3;
	s6 =	simm.s32 @!p1 $0x1082;
	[sflag:s4] =	ssyncset.s32 $0xFFFFF086  }
0x25: {  	[simem:s6], [sflag:s4] =	dma.local [hbm:s3], $0xF7A  }
0x26: {  	[smem:$0x3F96] =	sst s1;
	(tag) =	ssettag s2;
	_ =	strace s9  }
0x27: {  	s1 =	sld [smem:$0x3FA6]  }
0x28: {  	s2 =	sld [smem:$0x3FA7]  }
0x29: {  	s4 =	sld [smem:$0x3FA9]  }
0x2a: {  	p0 =	seq.s32 s5, $0x0;
	s5 =	sld [smem:$0x3FAA]  }
0x2b: {  	s6 =	sld [smem:$0x3FAB]  }
0x2c: {  	s7 =	sld [smem:$0x3FAC]  }
0x2d: {  	s3 =	simm.s32 $0x108;
	s8 =	sld [smem:$0x3FAD]  }
0x2e: {  	s3 =	simm.s32 @!p0 $0x1082;
	s9 =	sld [smem:$0x3FAE]  }
0x2f: {  	lr =	sadd.s32 s0, s3;
	s0 =	sld [smem:$0x3FA5]  }
0x30: {  	s3 =	sld [smem:$0x3FA8]  }
0x31: {  	[smem:$0x3FB1] =	sst s10  }
0x32: {  	s10 =	sld [smem:$0x3FAF];
	_ =	sdelay $0x3  }
0x33: {  	p0 =	seq.s32 s10, $0x1;
	s10 =	sld [smem:$0x3FB1];
	_ =	sdelay $0x3  }
0x34: {  	[smem:$0x3FB1] =	sst s10  }
0x35: {  	s10 =	sld [smem:$0x3FB0];
	_ =	sdelay $0x3  }
0x36: {  	p1 =	seq.s32 s10, $0x1;
	s10 =	sld [smem:$0x3FB1];
	_ =	sdelay $0x3  }
0x37: {  	[smem:$0x3FB1] =	sst s10  }
0x38: {  	s10 =	sld [smem:$0x3FB2]  }
0x39: {  	_ = 	snop;
	(pc) =	sbr.ind lr, $3  }
0x3a: {  	_ = 	snop  }
0x3b: {  	_ = 	snop  }
0x3c: {  	p2 =	seq.s32 s10, $0x1;
	s10 =	sld [smem:$0x3FB1]  }
0x3d: {  	_ =	shalt  }
0x3e: {  	_ =	shalt  }
0x3f: {  	_ =	shalt  }
0x40: {  	_ =	shalt  }
0x41: {  	_ =	shalt  }
0x42: {  	_ =	shalt  }
0x43: {  	_ =	shalt  }
0x44: {  	_ =	shalt  }
0x45: {  	_ =	shalt  }
0x46: {  	_ =	shalt  }
0x47: {  	_ =	shalt  }
0x48: {  	_ =	shalt  }
0x49: {  	_ =	shalt  }
0x4a: {  	_ =	shalt  }
0x4b: {  	_ =	shalt  }
0x4c: {  	_ =	shalt  }
0x4d: {  	_ =	shalt  }
0x4e: {  	_ =	shalt  }
0x4f: {  	_ =	shalt  }
0x50: {  	_ =	shalt  }
0x51: {  	_ =	shalt  }
0x52: {  	_ =	shalt  }
0x53: {  	_ =	shalt  }
0x54: {  	_ =	shalt  }
0x55: {  	_ =	shalt  }
0x56: {  	_ =	shalt  }
0x57: {  	_ =	shalt  }
0x58: {  	_ =	shalt  }
0x59: {  	_ =	shalt  }
0x5a: {  	_ =	shalt  }
0x5b: {  	_ =	shalt  }
0x5c: {  	_ =	shalt  }
0x5d: {  	_ =	shalt  }
0x5e: {  	_ =	shalt  }
0x5f: {  	_ =	shalt  }
0x60: {  	_ =	shalt  }
0x61: {  	_ =	shalt  }
0x62: {  	_ =	shalt  }
0x63: {  	_ =	shalt  }
0x64: {  	_ =	shalt  }
0x65: {  	_ =	shalt  }
0x66: {  	_ =	shalt  }
0x67: {  	_ =	shalt  }
0x68: {  	_ =	shalt  }
0x69: {  	_ =	shalt  }
0x6a: {  	_ =	shalt  }
0x6b: {  	_ =	shalt  }
0x6c: {  	_ =	shalt  }
0x6d: {  	_ =	shalt  }
0x6e: {  	_ =	shalt  }
0x6f: {  	_ =	shalt  }
0x70: {  	_ =	shalt  }
0x71: {  	_ =	shalt  }
0x72: {  	_ =	shalt  }
0x73: {  	_ =	shalt  }
0x74: {  	_ =	shalt  }
0x75: {  	_ =	shalt  }
0x76: {  	_ =	shalt  }
0x77: {  	_ =	shalt  }
0x78: {  	_ =	shalt  }
0x79: {  	_ =	shalt  }
0x7a: {  	_ =	shalt  }
0x7b: {  	_ =	shalt  }
0x7c: {  	_ =	shalt  }
0x7d: {  	_ =	shalt  }
0x7e: {  	_ =	shalt  }
0x7f: {  	_ =	shalt  }
0x80: {  	_ =	shalt  }
0x81: {  	_ =	shalt  }
0x82: {  	_ =	shalt  }
0x83: {  	_ =	shalt  }
0x84: {  	_ =	shalt  }
0x85: {  	_ =	shalt  }
0x86: {  	_ =	shalt  }
0x87: {  	_ =	shalt  }
.Lfunc_end0:
.L_simem_size_0:
called_computation_lowered:
.L_overlay_start_0:
0x88: {  	s2 =	sld [smem:$0x3FD9]  }
0x89: {  	s3 =	sld [smem:$0x3FFE];
	_ =	sdelay $0x1  }
0x8a: {  	s1 =	srdreg.scid  }
0x8b: {  	s0 =	sand.u32 $0x1, s1  }
0x8c: {  	s16 =	sshll.u32 s0, $0xA;
	s2 =	sadd.s32 s3, s2  }
0x8d: {  	s2 =	sadd.s32 s2, s16  }
0x8e: {  	[smem:$0x3FBD] =	sst s2  }
0x8f: {  	_ = 	snop  }
0x90: {  	(tm) =	ssettm $0x1  }
0x91: {  	s17 =	sld [smem:$0x3FFB];
	_ =	sdelay $0x3  }
0x92: {  	_ =	strace s17  }
0x93: {  	s2 =	sld [smem:$0x3FFC];
	_ =	sdelay $0x3  }
0x94: {  	_ =	strace s2  }
0x95: {  	s2 =	sld [smem:$0x3FFD];
	_ =	sdelay $0x3  }
0x96: {  	_ =	strace s2  }
0x97: {  	_ =	strace $0x8FFFFFFF  }
0x98: {  	s18 =	sld [smem:$0x3FDB];
	_ =	sdelay $0x1  }
0x99: {  	s19 =	simm.s32 $_scs_section_size  }
0x9a: {  	s4 =	simm.s32 $_size__tile_overlayer_lowered;
	s5 =	simm.s32 $_tile_overlayer_lowered  }
0x9b: {  	s22 =	simm.s32 $0x1BFF;
	s21 =	sshll.u32 s5, $0x1;
	s2 =	sadd.s32 s19, s18  }
0x9c: {  	s6 =	simm.s32 $0x0;
	s20 =	sshll.u32 s4, $0x1;
	s4 =	sadd.s32 s21, s2  }
0x9d: {  	[timem:s6], [sflag:s22] =	dma.local [hbm:s4], s20  }
0x9e: {  	_ =	swait.ge [sflag:s22], s20  }
0x9f: {  	s3 =	ssub.s32 $0x0, s20;
	[sflag:s22] =	ssyncset.done $0x0  }
0xa0: {  	[sflag:s22] =	ssyncadd.s32 s3;
	_ =	sdelay $0x1  }
0xa1: {  	s23 =	simm.s32 $0x1B8B  }
0xa2: {  	_ =	swait.ge [sflag:s23], $0x1  }
0xa3: {  	[sflag:s23] =	ssyncset.done $0x0  }
0xa4: {  	s25 =	simm.s32 $0x1B8E;
	s24 =	sld [smem:$0x3FFE];
	[sflag:s23] =	ssyncadd.s32 $0xFFFFFFFF  }
0xa5: {  	s26 =	simm.s32 $execute0_lowered;
	[smem:$0x3FD2] =	sst s25  }
0xa6: {  	s4 =	sshll.u32 s26, $0x1;
	_ =	strace $0x80000046;
	[dreg:$0x1] =	wrdreg $0xFFFFFFFF  }
0xa7: {  	s28 =	simm.s32 $_size_execute0_lowered;
	s2 =	sadd.s32 s2, s4;
	[dreg:$0x0] =	wrdreg $0x0  }
0xa8: {  	s4 =	sshll.u32 s28, $0x1;
	[dreg:$0x2] =	wrdreg s2  }
0xa9: {  	[dreg:$0x3] =	wrdreg s4  }
0xaa: {  	[dreg:$0x4] =	wrdreg $0xC0  }
0xab: {  	_ =	task [dreg:s6], $0x5FFFF  }
0xac: {  	[dreg:$0x1] =	wrdreg $0xFFFFFFFF  }
0xad: {  	[dreg:$0x0] =	wrdreg $0x60  }
0xae: {  	[dreg:$0x2] =	wrdreg s24  }
0xaf: {  	[dreg:$0x3] =	wrdreg $0x43000  }
0xb0: {  	[dreg:$0x4] =	wrdreg $0x9  }
0xb1: {  	_ =	task.clear_ibuf [dreg:s6], $0x5FFFF;
	_ =	strace $0x90000046  }
0xb2: {  	s29 =	simm.s32 $0x9;
	_ =	strace $0x80000048  }
0xb3: {  	_ =	swait.ge [sflag:s29], $0x1  }
0xb4: {  	[sflag:s29] =	ssyncadd.s32 $0xFFFFFFFF  }
0xb5: {  	_ =	strace $0x90000048  }
0xb6: {  	_ =	sfence  }
0xb7: {  	s30 =	sld [smem:$0x0];
	_ =	sdelay $0x2  }
0xb8: {  	s31 =	sshll.u32 s1, $0xD;
	s1 =	sshrl.u32 s1, $0x2  }
0xb9: {  	s3 =	sand.u32 $0x4000, s31;
	s1 =	sadd.s32 s1, s30  }
0xba: {  	s0 =	sor.u32 s3, s0;
	s1 =	sshll.u32 s1, $0x11  }
0xbb: {  	s0 =	sor.u32 s1, s0  }
0xbc: {  	s0 =	sadd.s32 $0x8F2B, s0  }
0xbd: {  	[sflag:s0] =	ssyncadd.remote.s32 $0x1  }
0xbe: {  	_ =	sfence.sel $0xFFFF  }
0xbf: {  	[dreg:$0x0] =	wrdreg $0xFFFFFFFF;
	(pc) =	sbr.abs _section_cstart, $3  }
0xc0: {  	[dreg:$0x1] =	wrdreg $0xFFFFFFFF  }
0xc1: {  	_ =	task.clear_ibuf [dreg:s6], $0x2FFFF;
	_ =	strace $0x9FFFFFFF  }
0xc2: {  	(tm) =	ssettm $0x7FFFFFFF  }
0xc3: {  	_ =	shalt  }
tec
execute0_lowered:
.L_overlay_start_1:
0x0: {  	(tag) =	ssettag $0x1  }
0x1: {  	s4 =	rddreg [dreg:$0x0]  }
0x2: {  	s2 =	rddreg [dreg:$0x1]  }
0x3: {  	s0 =	rddreg [dreg:$0x2]  }
0x4: {  	s5 =	srdreg.scid;
	s1 =	stileid.u32;
	s3 =	simm.s32 $0x0  }
0x5: {  	s11 =	simm.s32 $0x4000;
	s12 =	simm.s32 $0x0;
	s5 =	sand.u32 $0x1, s5  }
0x6: {  	s6 =	smul.u32 $0x278, s1;
	[smem:$0x7FF] =	sst s3;
	s10 =	sshll.u32 s1, $0xC  }
0x7: {  	s7 =	smul.u32 $0x2780, s5;
	s8 =	sshll.u32 s5, $0xB;
	s5 =	ssub.s32 $0x2, s5  }
0x8: {  	_ =	strace $0x80000047;
	s8 =	sadd.s32 s8, s4;
	s9 =	sshrl.u32 s5, $0x1  }
0x9: {  	s7 =	sadd.s32 s6, s7;
	s9 =	ssub.s32 s5, s9;
	s31 =	sadd.s32 s10, s8  }
0xa: {  	s5 =	sadd.s32 s6, s2;
	s8 =	simm.s32 $0x1;
	s7 =	sshrl.u32 s7, $0x3  }
0xb: {  	s10 =	simm.s32 $0x50;
	s7 =	sadd.s32 s7, s4;
	s4 =	sadd.s32 $0x3E00, s31  }
0xc: {  	v0 =	vimm.f32 $1.000000000e+00;
	v1 =	vimm.f32 $0.0e+00;
	s6 =	sadd.s32 $0x13E00, s7;
	s7 =	smax.u32 s9, $0x1;
	s9 =	simm.s32 $0x4080  }
.LBB2_1:
0xd: {  	[tilespmem:s3], [sflag:$0x1] =	stream.linear.gather [hbm4b:s4+s3], $0x4000, $0x38;
	[tilespmem:$0x4578] =	vst v63  }
0xe: {  	_ =	swait.ge [sflag:s8], $0x4000  }
0xf: {  	[sflag:s8] =	ssyncset.done $0x0  }
0x10: {  	[sflag:s8] =	ssyncadd.s32 $0xFFFFC000  }
0x11: {  	[tilespmem:$0x4000] =	vst v0  }
0x12: {  	[tilespmem:$0x4010] =	vst v0  }
0x13: {  	[tilespmem:$0x4020] =	vst v0  }
0x14: {  	[tilespmem:$0x4030] =	vst v0  }
0x15: {  	[tilespmem:$0x4040] =	vst v0  }
0x16: {  	[tilespmem:$0x4080] =	vst v1  }
0x17: {  	[tilespmem:$0x4090] =	vst v1  }
0x18: {  	[tilespmem:$0x40A0] =	vst v1  }
0x19: {  	[tilespmem:$0x40B0] =	vst v1  }
0x1a: {  	[tilespmem:$0x40C0] =	vst v1  }
0x1b: {  	[tilespmem:$0x40D0] =	vst v1  }
0x1c: {  	[tilespmem:$0x40E0] =	vst v1  }
0x1d: {  	[tilespmem:$0x40F0] =	vst v1  }
0x1e: {  	[tilespmem:$0x4100] =	vst v1  }
0x1f: {  	[tilespmem:$0x4110] =	vst v1  }
0x20: {  	[tilespmem:$0x4120] =	vst v1  }
0x21: {  	[tilespmem:$0x4130] =	vst v1  }
0x22: {  	[tilespmem:$0x4140] =	vst v1  }
0x23: {  	[tilespmem:$0x4150] =	vst v1  }
0x24: {  	[tilespmem:$0x4160] =	vst v1  }
0x25: {  	[tilespmem:$0x4170] =	vst v1  }
0x26: {  	[tilespmem:$0x4180] =	vst v1  }
0x27: {  	[tilespmem:$0x4190] =	vst v1  }
0x28: {  	[tilespmem:$0x41A0] =	vst v1  }
0x29: {  	[tilespmem:$0x41B0] =	vst v1  }
0x2a: {  	[tilespmem:$0x41C0] =	vst v1  }
0x2b: {  	[tilespmem:$0x41D0] =	vst v1  }
0x2c: {  	[tilespmem:$0x41E0] =	vst v1  }
0x2d: {  	[tilespmem:$0x41F0] =	vst v1  }
0x2e: {  	[tilespmem:$0x4200] =	vst v1  }
0x2f: {  	[tilespmem:$0x4210] =	vst v1  }
0x30: {  	[tilespmem:$0x4220] =	vst v1  }
0x31: {  	[tilespmem:$0x4230] =	vst v1  }
0x32: {  	[tilespmem:$0x4240] =	vst v1  }
0x33: {  	[tilespmem:$0x4250] =	vst v1  }
0x34: {  	[tilespmem:$0x4260] =	vst v1  }
0x35: {  	[tilespmem:$0x4270] =	vst v1  }
0x36: {  	[tilespmem:$0x4280] =	vst v1  }
0x37: {  	[tilespmem:$0x4290] =	vst v1  }
0x38: {  	[tilespmem:$0x42A0] =	vst v1  }
0x39: {  	[tilespmem:$0x42B0] =	vst v1  }
0x3a: {  	[tilespmem:$0x42C0] =	vst v1  }
0x3b: {  	[tilespmem:$0x42D0] =	vst v1  }
0x3c: {  	[tilespmem:$0x42E0] =	vst v1  }
0x3d: {  	[tilespmem:$0x42F0] =	vst v1  }
0x3e: {  	[spmem:s5] =	stream.linear.scatter [tilespmem:s9], [sflag:$0x1], $0x278, $0x38;
	[tilespmem:$0x4578] =	vst v63  }
0x3f: {  	_ =	swait.ge [sflag:s8], $0x278  }
0x40: {  	[sflag:s8] =	ssyncset.done $0x0  }
0x41: {  	[sflag:s8] =	ssyncadd.s32 $0xFFFFFD88  }
0x42: {  	s13 =	simm.s32 $0x0;
	[bflag:$0x0] =	sbarrier.arrive $0xFFFF  }
0x43: {  	[spmem:s2] =	stream.indirect.scatter.add.f32 [tilespmem:s11], [sflag:$0x1], $0x1, s13, s10, $0xb8;
	[tilespmem:$0x4578] =	vst v63  }
0x44: {  	_ =	swait.ge [sflag:s8], $0x50  }
0x45: {  	s13 =	simm.s32 $0x200;
	[sflag:s8] =	ssyncset.done $0x0  }
.LBB2_2:
0x46: {  	s14 =	sshra.s32 s13, $0x2;
	[sflag:s8] =	ssyncadd.s32 $0xFFFFFFB0;
	p0 =	sne.s32 s13, $0xFE00  }
0x47: {  	[spmem:s2] =	stream.indirect.scatter.add.f32 [tilespmem:s11], [sflag:$0x1], $0x1, s14, s10, $0xb8;
	[tilespmem:$0x4578] =	vst v63  }
.Ltmp0:
0x48: {  	_ = 	snop;
	(pc) =	sbr.rel @p0 .LBB2_2-.Ltmp0, $4  }
0x49: {  	_ = 	snop  }
0x4a: {  	s13 =	sadd.s32 $0x200, s13  }
0x4b: {  	_ =	swait.ge [sflag:s8], $0x50  }
0x4c: {  	[sflag:s8] =	ssyncset.done $0x0  }
0x4d: {  	[sflag:s8] =	ssyncadd.s32 $0xFFFFFFB0  }
0x4e: {  	[bflag:$0x0] =	sbarrier.arrive $0xFFFF  }
0x4f: {  	[tilespmem:s9], [sflag:$0x1] =	stream.linear.gather [spmem:s5], $0x278, $0x38;
	[tilespmem:$0x4578] =	vst v63  }
0x50: {  	s12 =	sadd.s32 $0x1, s12;
	_ =	swait.ge [sflag:s8], $0x278  }
0x51: {  	p0 =	sne.s32 s12, s7;
	[sflag:s8] =	ssyncset.done $0x0  }
.Ltmp1:
0x52: {  	[sflag:s8] =	ssyncadd.s32 $0xFFFFFD88;
	(pc) =	sbr.rel @p0 .LBB2_1-.Ltmp1, $4  }
0x53: {  	[hbm4b:s6+s3] =	stream.linear.scatter [tilespmem:s9], [sflag:$0x1], $0x278, $0x38;
	[tilespmem:$0x4578] =	vst v63  }
0x54: {  	_ =	swait.ge [sflag:s8], $0x278  }
0x55: {  	[sflag:s8] =	ssyncset.done $0x0  }
0x56: {  	[sflag:s8] =	ssyncadd.s32 $0xFFFFFD88  }
0x57: {  	_ =	sfence.sel $0x180000  }
0x58: {  	[bflag:$0x0] =	sbarrier.arrive $0xFFFF  }
0x59: {  	p0 =	sne.s32 s1, $0x0;
	_ =	strace $0x90000047  }
0x5a: {  	s0 =	sadd.s32 @!p0 $0x100000, s0;
	[bflag:$0x2] =	sbarrier.arrive $0xFFFF  }
0x5b: {  	[sflag:s0] =	ssyncadd.tile.s32 @!p0 $0x1;
	_ =	shalt  }
.Lfunc_end2:
_tile_overlayer_lowered:
.L_overlay_start_2:
0x5c: {  	(tag) =	ssettag $0x2  }
0x5d: {  	s0 =	rddreg [dreg:$0x0];
	s2 =	stileid.u32  }
0x5e: {  	s1 =	rddreg [dreg:$0x1];
	p0 =	sne.s32 s2, $0x0  }
0x5f: {  	s3 =	rddreg [dreg:$0x2];
	[bflag:$0x3] =	sbarrier.arrive $0xFFFF;
	s2 =	simm.s32 @!p0 $0x1C01  }
0x60: {  	[timem:s3], [sflag:s2] =	dma.local @!p0 [hbm:s0], s1  }
0x61: {  	s0 =	simm.s32 @!p0 $0x1  }
0x62: {  	_ =	swait.ge @!p0 [sflag:s0], s1  }
0x63: {  	s1 =	ssub.s32 @!p0 $0x0, s1;
	[sflag:s0] =	ssyncset.done @!p0 $0x0  }
0x64: {  	[sflag:s0] =	ssyncadd.s32 @!p0 s1  }
0x65: {  	[bflag:$0x3] =	sbarrier.arrive $0xFFFF  }
0x66: {  	_ =	shalt  }

// kernel: kernel.13.cloned.1.call-start
scs
__scs_entry_jumppad:
0x0: {  	(pc) =	sbr.rel $0x88, $3  }
0x1: {  	(tag) =	ssettag $0x0;
	lr =	simm.s32 $0x1  }
0x2: {  	[smem:$0x3F96] =	sst lr;
	_ =	strace $0xD0000000  }
0x3: {  	_ = 	snop  }
0x4: {  	_ = 	snop  }
0x5: {  	_ = 	snop  }
0x6: {  	_ = 	snop  }
0x7: {  	_ = 	snop  }
__scs_overlays_trampoline_lowered:
0x8: {  	[smem:$0x3FA5] =	sst s0  }
0x9: {  	[smem:$0x3FA6] =	sst s1  }
0xa: {  	[smem:$0x3FA7] =	sst s2  }
0xb: {  	[smem:$0x3FA8] =	sst s3  }
0xc: {  	[smem:$0x3FA9] =	sst s4  }
0xd: {  	[smem:$0x3FAA] =	sst s5  }
0xe: {  	[smem:$0x3FAB] =	sst s6  }
0xf: {  	[smem:$0x3FAC] =	sst s7  }
0x10: {  	[smem:$0x3FAD] =	sst s8  }
0x11: {  	[smem:$0x3FAE] =	sst s9;
	s0 =	simm.s32 @!p0 $0x0  }
0x12: {  	s1 =	sld [smem:$0x3F94];
	s0 =	simm.s32 @p0 $0x1  }
0x13: {  	[smem:$0x3FAF] =	sst s0;
	s0 =	simm.s32 @!p1 $0x0  }
0x14: {  	s2 =	sld [smem:$0x3F93];
	s0 =	simm.s32 @p1 $0x1  }
0x15: {  	[smem:$0x3FB0] =	sst s0;
	s0 =	simm.s32 @!p2 $0x0  }
0x16: {  	s3 =	sld [smem:$0x3FDB];
	s0 =	simm.s32 @p2 $0x1  }
0x17: {  	s4 =	simm.s32 $0x1BF5;
	[smem:$0x3FB2] =	sst s0  }
0x18: {  	s0 =	sld [smem:$0x3F95];
	_ =	swait.ge [sflag:s4], $0x0  }
0x19: {  	s7 =	sld [smem:$0x3F96]  }
0x1a: {  	s8 =	sadd.s32 $0xFFFFE003, lr  }
0x1b: {  	s9 =	sadd.s32 $0xFFFFFEF7, lr;
	s5 =	simm.s32 $0xFFFFFFFF;
	p2 =	slt.u32 s8, $0xFFFFF086  }
0x1c: {  	p1 =	slt.u32 s9, $0xF7A;
	s5 =	simm.s32 @!p2 $0x0  }
0x1d: {  	s5 =	simm.s32 @p1 $0x1;
	p0 =	seq.s32 s7, s2  }
0x1e: {  	s7 =	smul.u32 @!p0 $0xF7A, s2;
	p2 =	seq.s32 @!p0 s5, $0x0  }
0x1f: {  	s9 =	smul.u32 $0xF7A, s1;
	s8 =	simm.s32 @!p0 $0x1BF5;
	p2 =	por !p2, p0  }
0x20: {  	[sflag:s8] =	ssyncset.s32 @!p0 $0xFFFFF086;
	s6 =	sadd.s32 @!p0 s3, s7;
	s7 =	simm.s32 @!p0 $0x108  }
0x21: {  	s3 =	sadd.s32 s3, s9;
	s6 =	sadd.s32 @!p0 $0x88, s6;
	s7 =	simm.s32 @p2 $0x1082  }
0x22: {  	[simem:s7], [sflag:s8] =	dma.local @!p0 [hbm:s6], $0xF7A  }
0x23: {  	s9 =	sor.u32 $0xD0000000, s2;
	s6 =	simm.s32 $0x108;
	_ =	swait.ge @!p0 [sflag:s8], $0x0  }
0x24: {  	s3 =	sadd.s32 $0x88, s3;
	s6 =	simm.s32 @!p1 $0x1082;
	[sflag:s4] =	ssyncset.s32 $0xFFFFF086  }
0x25: {  	[simem:s6], [sflag:s4] =	dma.local [hbm:s3], $0xF7A  }
0x26: {  	[smem:$0x3F96] =	sst s1;
	(tag) =	ssettag s2;
	_ =	strace s9  }
0x27: {  	s1 =	sld [smem:$0x3FA6]  }
0x28: {  	s2 =	sld [smem:$0x3FA7]  }
0x29: {  	s4 =	sld [smem:$0x3FA9]  }
0x2a: {  	p0 =	seq.s32 s5, $0x0;
	s5 =	sld [smem:$0x3FAA]  }
0x2b: {  	s6 =	sld [smem:$0x3FAB]  }
0x2c: {  	s7 =	sld [smem:$0x3FAC]  }
0x2d: {  	s3 =	simm.s32 $0x108;
	s8 =	sld [smem:$0x3FAD]  }
0x2e: {  	s3 =	simm.s32 @!p0 $0x1082;
	s9 =	sld [smem:$0x3FAE]  }
0x2f: {  	lr =	sadd.s32 s0, s3;
	s0 =	sld [smem:$0x3FA5]  }
0x30: {  	s3 =	sld [smem:$0x3FA8]  }
0x31: {  	[smem:$0x3FB1] =	sst s10  }
0x32: {  	s10 =	sld [smem:$0x3FAF];
	_ =	sdelay $0x3  }
0x33: {  	p0 =	seq.s32 s10, $0x1;
	s10 =	sld [smem:$0x3FB1];
	_ =	sdelay $0x3  }
0x34: {  	[smem:$0x3FB1] =	sst s10  }
0x35: {  	s10 =	sld [smem:$0x3FB0];
	_ =	sdelay $0x3  }
0x36: {  	p1 =	seq.s32 s10, $0x1;
	s10 =	sld [smem:$0x3FB1];
	_ =	sdelay $0x3  }
0x37: {  	[smem:$0x3FB1] =	sst s10  }
0x38: {  	s10 =	sld [smem:$0x3FB2]  }
0x39: {  	_ = 	snop;
	(pc) =	sbr.ind lr, $3  }
0x3a: {  	_ = 	snop  }
0x3b: {  	_ = 	snop  }
0x3c: {  	p2 =	seq.s32 s10, $0x1;
	s10 =	sld [smem:$0x3FB1]  }
0x3d: {  	_ =	shalt  }
0x3e: {  	_ =	shalt  }
0x3f: {  	_ =	shalt  }
0x40: {  	_ =	shalt  }
0x41: {  	_ =	shalt  }
0x42: {  	_ =	shalt  }
0x43: {  	_ =	shalt  }
0x44: {  	_ =	shalt  }
0x45: {  	_ =	shalt  }
0x46: {  	_ =	shalt  }
0x47: {  	_ =	shalt  }
0x48: {  	_ =	shalt  }
0x49: {  	_ =	shalt  }
0x4a: {  	_ =	shalt  }
0x4b: {  	_ =	shalt  }
0x4c: {  	_ =	shalt  }
0x4d: {  	_ =	shalt  }
0x4e: {  	_ =	shalt  }
0x4f: {  	_ =	shalt  }
0x50: {  	_ =	shalt  }
0x51: {  	_ =	shalt  }
0x52: {  	_ =	shalt  }
0x53: {  	_ =	shalt  }
0x54: {  	_ =	shalt  }
0x55: {  	_ =	shalt  }
0x56: {  	_ =	shalt  }
0x57: {  	_ =	shalt  }
0x58: {  	_ =	shalt  }
0x59: {  	_ =	shalt  }
0x5a: {  	_ =	shalt  }
0x5b: {  	_ =	shalt  }
0x5c: {  	_ =	shalt  }
0x5d: {  	_ =	shalt  }
0x5e: {  	_ =	shalt  }
0x5f: {  	_ =	shalt  }
0x60: {  	_ =	shalt  }
0x61: {  	_ =	shalt  }
0x62: {  	_ =	shalt  }
0x63: {  	_ =	shalt  }
0x64: {  	_ =	shalt  }
0x65: {  	_ =	shalt  }
0x66: {  	_ =	shalt  }
0x67: {  	_ =	shalt  }
0x68: {  	_ =	shalt  }
0x69: {  	_ =	shalt  }
0x6a: {  	_ =	shalt  }
0x6b: {  	_ =	shalt  }
0x6c: {  	_ =	shalt  }
0x6d: {  	_ =	shalt  }
0x6e: {  	_ =	shalt  }
0x6f: {  	_ =	shalt  }
0x70: {  	_ =	shalt  }
0x71: {  	_ =	shalt  }
0x72: {  	_ =	shalt  }
0x73: {  	_ =	shalt  }
0x74: {  	_ =	shalt  }
0x75: {  	_ =	shalt  }
0x76: {  	_ =	shalt  }
0x77: {  	_ =	shalt  }
0x78: {  	_ =	shalt  }
0x79: {  	_ =	shalt  }
0x7a: {  	_ =	shalt  }
0x7b: {  	_ =	shalt  }
0x7c: {  	_ =	shalt  }
0x7d: {  	_ =	shalt  }
0x7e: {  	_ =	shalt  }
0x7f: {  	_ =	shalt  }
0x80: {  	_ =	shalt  }
0x81: {  	_ =	shalt  }
0x82: {  	_ =	shalt  }
0x83: {  	_ =	shalt  }
0x84: {  	_ =	shalt  }
0x85: {  	_ =	shalt  }
0x86: {  	_ =	shalt  }
0x87: {  	_ =	shalt  }
.Lfunc_end0:
.L_simem_size_0:
called_computation.1_lowered:
.L_overlay_start_0:
0x88: {  	s2 =	sld [smem:$0x3FD9]  }
0x89: {  	s3 =	sld [smem:$0x3FFE];
	_ =	sdelay $0x1  }
0x8a: {  	s1 =	srdreg.scid  }
0x8b: {  	s0 =	sand.u32 $0x1, s1  }
0x8c: {  	s16 =	sshll.u32 s0, $0xA;
	s2 =	sadd.s32 s3, s2  }
0x8d: {  	s2 =	sadd.s32 s2, s16  }
0x8e: {  	[smem:$0x3FBD] =	sst s2  }
0x8f: {  	_ = 	snop  }
0x90: {  	(tm) =	ssettm $0x1  }
0x91: {  	s17 =	sld [smem:$0x3FFB];
	_ =	sdelay $0x3  }
0x92: {  	_ =	strace s17  }
0x93: {  	s2 =	sld [smem:$0x3FFC];
	_ =	sdelay $0x3  }
0x94: {  	_ =	strace s2  }
0x95: {  	s2 =	sld [smem:$0x3FFD];
	_ =	sdelay $0x3  }
0x96: {  	_ =	strace s2  }
0x97: {  	_ =	strace $0x8FFFFFFF  }
0x98: {  	s18 =	sld [smem:$0x3FDB];
	_ =	sdelay $0x1  }
0x99: {  	s19 =	simm.s32 $_scs_section_size  }
0x9a: {  	s4 =	simm.s32 $_size__tile_overlayer_lowered;
	s5 =	simm.s32 $_tile_overlayer_lowered  }
0x9b: {  	s22 =	simm.s32 $0x1BFF;
	s21 =	sshll.u32 s5, $0x1;
	s2 =	sadd.s32 s19, s18  }
0x9c: {  	s6 =	simm.s32 $0x0;
	s20 =	sshll.u32 s4, $0x1;
	s4 =	sadd.s32 s21, s2  }
0x9d: {  	[timem:s6], [sflag:s22] =	dma.local [hbm:s4], s20  }
0x9e: {  	_ =	swait.ge [sflag:s22], s20  }
0x9f: {  	s3 =	ssub.s32 $0x0, s20;
	[sflag:s22] =	ssyncset.done $0x0  }
0xa0: {  	[sflag:s22] =	ssyncadd.s32 s3;
	_ =	sdelay $0x1  }
0xa1: {  	s23 =	simm.s32 $0x1B8B  }
0xa2: {  	_ =	swait.ge [sflag:s23], $0x1  }
0xa3: {  	[sflag:s23] =	ssyncset.done $0x0  }
0xa4: {  	s25 =	simm.s32 $0x1B8E;
	s24 =	sld [smem:$0x3FFE];
	[sflag:s23] =	ssyncadd.s32 $0xFFFFFFFF  }
0xa5: {  	s26 =	simm.s32 $execute0_lowered;
	[smem:$0x3FD2] =	sst s25  }
0xa6: {  	s4 =	sshll.u32 s26, $0x1;
	_ =	strace $0x80000049;
	[dreg:$0x1] =	wrdreg $0xFFFFFFFF  }
0xa7: {  	s28 =	simm.s32 $_size_execute0_lowered;
	s2 =	sadd.s32 s2, s4;
	[dreg:$0x0] =	wrdreg $0x0  }
0xa8: {  	s4 =	sshll.u32 s28, $0x1;
	[dreg:$0x2] =	wrdreg s2  }
0xa9: {  	[dreg:$0x3] =	wrdreg s4  }
0xaa: {  	[dreg:$0x4] =	wrdreg $0xC0  }
0xab: {  	_ =	task [dreg:s6], $0x5FFFF  }
0xac: {  	[dreg:$0x1] =	wrdreg $0xFFFFFFFF  }
0xad: {  	[dreg:$0x0] =	wrdreg $0x60  }
0xae: {  	[dreg:$0x2] =	wrdreg s24  }
0xaf: {  	[dreg:$0x3] =	wrdreg $0x150000  }
0xb0: {  	[dreg:$0x4] =	wrdreg $0x9  }
0xb1: {  	_ =	task.clear_ibuf [dreg:s6], $0x5FFFF;
	_ =	strace $0x90000049  }
0xb2: {  	s29 =	simm.s32 $0x9;
	_ =	strace $0x8000004B  }
0xb3: {  	_ =	swait.ge [sflag:s29], $0x1  }
0xb4: {  	[sflag:s29] =	ssyncadd.s32 $0xFFFFFFFF  }
0xb5: {  	_ =	strace $0x9000004B  }
0xb6: {  	_ =	sfence  }
0xb7: {  	s30 =	sld [smem:$0x0];
	_ =	sdelay $0x2  }
0xb8: {  	s31 =	sshll.u32 s1, $0xD;
	s1 =	sshrl.u32 s1, $0x2  }
0xb9: {  	s3 =	sand.u32 $0x4000, s31;
	s1 =	sadd.s32 s1, s30  }
0xba: {  	s0 =	sor.u32 s3, s0;
	s1 =	sshll.u32 s1, $0x11  }
0xbb: {  	s0 =	sor.u32 s1, s0  }
0xbc: {  	s0 =	sadd.s32 $0x8F2B, s0  }
0xbd: {  	[sflag:s0] =	ssyncadd.remote.s32 $0x1  }
0xbe: {  	_ =	sfence.sel $0xFFFF  }
0xbf: {  	[dreg:$0x0] =	wrdreg $0xFFFFFFFF;
	(pc) =	sbr.abs _section_cstart, $3  }
0xc0: {  	[dreg:$0x1] =	wrdreg $0xFFFFFFFF  }
0xc1: {  	_ =	task.clear_ibuf [dreg:s6], $0x2FFFF;
	_ =	strace $0x9FFFFFFF  }
0xc2: {  	(tm) =	ssettm $0x7FFFFFFF  }
0xc3: {  	_ =	shalt  }
tec
execute0_lowered:
.L_overlay_start_1:
0x0: {  	(tag) =	ssettag $0x1  }
0x1: {  	s5 =	rddreg [dreg:$0x0]  }
0x2: {  	s1 =	rddreg [dreg:$0x1]  }
0x3: {  	s3 =	simm.s32 $0x0;
	s4 =	srdreg.scid;
	s2 =	stileid.u32  }
0x4: {  	s21 =	simm.s32 $0x50;
	s22 =	simm.s32 $0x80;
	s23 =	simm.s32 $0x12800  }
0x5: {  	s25 =	simm.s32 $0x2;
	s26 =	simm.s32 $0x0;
	[smem:$0x7FF] =	sst s3  }
0x6: {  	s8 =	sand.u32 $0x1, s4;
	s4 =	sadd.s32 $0x34800, s5;
	s10 =	smul.u32 $0x29000, s2  }
0x7: {  	s6 =	sshll.u32 s2, $0xC;
	s16 =	sadd.s32 $0x5BA00, s5;
	s11 =	smul.u32 $0xA400, s2  }
0x8: {  	_ =	strace $0x8000004A;
	s7 =	ssub.s32 $0x2, s8;
	s24 =	smul.u32 $0xFFFFEC00, s8  }
0x9: {  	s6 =	sadd.s32 s6, s5;
	s18 =	smul.u32 $0xA4000, s8;
	s9 =	sshrl.u32 s7, $0x1  }
0xa: {  	s5 =	sadd.s32 $0x24800, s6;
	s6 =	sadd.s32 $0x14800, s6;
	s31 =	sshrl.u32 s10, $0x2  }
0xb: {  	s12 =	sadd.s32 $0x2800, s11;
	s14 =	sadd.s32 $0x5000, s11;
	s15 =	sadd.s32 $0x7800, s11  }
0xc: {  	s19 =	sadd.s32 $0xA000, s11;
	s17 =	ssub.s32 s7, s9;
	s7 =	sadd.s32 s31, s1  }
0xd: {  	s8 =	sadd.s32 s12, s1;
	s9 =	sadd.s32 s14, s1;
	s10 =	sadd.s32 s15, s1  }
0xe: {  	s13 =	sadd.s32 s11, s18;
	s12 =	sadd.s32 s18, s12;
	s11 =	sadd.s32 s19, s1  }
0xf: {  	s14 =	sadd.s32 s18, s14;
	s15 =	sadd.s32 s18, s15;
	s18 =	sadd.s32 s18, s19  }
0x10: {  	s19 =	simm.s32 $0x8000;
	v0 =	vmov s24;
	s24 =	simm.s32 $0x1;
	s13 =	sshrl.u32 s13, $0x3  }
0x11: {  	s20 =	sshrl.u32 s12, $0x3;
	s14 =	sshrl.u32 s14, $0x3;
	s15 =	sshrl.u32 s15, $0x3  }
0x12: {  	s18 =	sshrl.u32 s18, $0x3;
	s17 =	smax.u32 s17, $0x1;
	s12 =	sadd.s32 s16, s13  }
0x13: {  	s13 =	sadd.s32 s16, s20;
	s14 =	sadd.s32 s16, s14;
	s15 =	sadd.s32 s16, s15  }
0x14: {  	v1 =	vimm.f32 $0.0e+00;
	s16 =	sadd.s32 s16, s18;
	s18 =	simm.s32 $0x3;
	s20 =	simm.s32 $0x10000  }
.LBB2_1:
0x15: {  	[tilespmem:s3], [sflag:$0x3] =	stream.linear.gather [hbm4b:s5+s3], $0x7E00, $0x38;
	[tilespmem:$0x1F400] =	vst v63  }
0x16: {  	s28 =	smul.u32 $0xCCCD, s3  }
0x17: {  	_ =	swait.ge [sflag:s18], $0x7E00  }
0x18: {  	[sflag:s18] =	ssyncset.done $0x0;
	s28 =	sshrl.u32 s28, $0x12  }
0x19: {  	[sflag:s18] =	ssyncadd.s32 $0xFFFF8200;
	s29 =	smul.u32 $0x5, s28  }
0x1a: {  	[tilespmem:s19], [sflag:$0x3] =	stream.linear.gather [hbm4b:s6+s3], $0x7E00, $0x38;
	[tilespmem:$0x1F400] =	vst v63  }
0x1b: {  	s29 =	ssub.s32 $0x0, s29  }
0x1c: {  	_ =	swait.ge [sflag:s18], $0x7E00;
	s29 =	sand.u32 $0xFFFF, s29  }
0x1d: {  	s28 =	sshll.u32 s28, $0x7;
	[sflag:s18] =	ssyncset.done $0x0;
	s30 =	sshll.u32 s29, $0x4  }
0x1e: {  	[sflag:s18] =	ssyncadd.s32 $0xFFFF8200;
	s29 =	simm.s32 $0x1;
	s28 =	sor.u32 s30, s28  }
0x1f: {  	s31 =	smul.u32 $0xCCCD, s29;
	s30 =	simm.s32 $0x2;
	v2 =	vld [tilespmem:s28+$0x8000]  }
.LBB2_2:
0x20: {  	p0 =	sne.s32 s30, $0x4EB  }
0x21: {  	s31 =	sshrl.u32 s31, $0x12  }
0x22: {  	s0 =	smul.u32 $0x5, s31;
	_ =	sdelay $0x1  }
.Ltmp0:
0x23: {  	s0 =	ssub.s32 s29, s0;
	v3 =	vadd.s32 v0, v2;
	v2 =	vand.u32 $0x3F, v2;
	s29 =	smov.u32 s30;
	(pc) =	sbr.rel @p0 .LBB2_2-.Ltmp0, $4  }
0x24: {  	s0 =	sand.u32 $0xFFFF, s0;
	vm0 =	vgt.u32 v3, $0x13FF;
	v2 =	vor.u32 $0x1400, v2  }
0x25: {  	s31 =	sshll.u32 s31, $0x7;
	s0 =	sshll.u32 s0, $0x4;
	v2 =	vsel vm0, v2, v3  }
0x26: {  	[tilespmem:s28+$0x8000] =	vst v2;
	s28 =	sor.u32 s0, s31  }
0x27: {  	s30 =	sadd.s32 $0x1, s30;
	s31 =	smul.u32 $0xCCCD, s29;
	v2 =	vld [tilespmem:s28+$0x8000]  }
0x28: {  	_ = 	snop  }
0x29: {  	s0 =	sshrl.u32 s31, $0x12  }
0x2a: {  	s30 =	smul.u32 $0x5, s0;
	_ =	sdelay $0x1  }
0x2b: {  	s29 =	ssub.s32 s29, s30;
	v3 =	vadd.s32 v0, v2;
	v2 =	vand.u32 $0x3F, v2  }
0x2c: {  	s29 =	sand.u32 $0xFFFF, s29;
	vm0 =	vgt.u32 v3, $0x13FF;
	v2 =	vor.u32 $0x1400, v2  }
0x2d: {  	s0 =	sshll.u32 s0, $0x7;
	s29 =	sshll.u32 s29, $0x4;
	v2 =	vsel vm0, v2, v3  }
0x2e: {  	s0 =	sor.u32 s29, s0;
	[tilespmem:s28+$0x8000] =	vst v2  }
0x2f: {  	v2 =	vld [tilespmem:s0+$0x8000];
	_ =	sdelay $0x4  }
0x30: {  	s28 =	simm.s32 $0x0;
	v3 =	vadd.s32 v0, v2;
	v2 =	vand.u32 $0x3F, v2  }
0x31: {  	s29 =	sand.u32 $0xFE00, s28;
	vm15 =	vgt.u32 v3, $0x13FF;
	v2 =	vor.u32 $0x1400, v2  }
0x32: {  	s30 =	sand.u32 $0x70, s28;
	s31 =	sshrl.u32 s29, $0x2;
	v2 =	vsel vm15, v2, v3  }
0x33: {  	s29 =	simm.s32 $0x40;
	s30 =	sor.u32 s30, s31;
	[tilespmem:s0+$0x8000] =	vst v2  }
.LBB2_4:
0x34: {  	p0 =	sne.s32 s29, $0x9FC0  }
0x35: {  	[tilespmem:s30+$0x10000] =	vst v1;
	s28 =	sadd.s32 $0x10, s28;
	s0 =	smov.u32 s29;
	s29 =	sadd.s32 $0x40, s29  }
.Ltmp1:
0x36: {  	(pc) =	sbr.rel @p0 .LBB2_4-.Ltmp1, $4  }
0x37: {  	_ = 	snop  }
0x38: {  	s0 =	sand.u32 $0xFE00, s0  }
0x39: {  	s30 =	sand.u32 $0x70, s28;
	s0 =	sshrl.u32 s0, $0x2  }
0x3a: {  	s30 =	sor.u32 s30, s0  }
0x3b: {  	[tilespmem:s30+$0x10000] =	vst v1  }
0x3c: {  	[spmem:s7] =	stream.linear.scatter [tilespmem:s20], [sflag:$0x3], $0x2800, $0x38;
	[tilespmem:$0x1F400] =	vst v63  }
0x3d: {  	_ =	swait.ge [sflag:s18], $0x2800  }
0x3e: {  	[sflag:s18] =	ssyncset.done $0x0  }
0x3f: {  	[sflag:s18] =	ssyncadd.s32 $0xFFFFD800  }
0x40: {  	[spmem:s8] =	stream.linear.scatter [tilespmem:s20], [sflag:$0x3], $0x2800, $0x38;
	[tilespmem:$0x1F400] =	vst v63  }
0x41: {  	_ =	swait.ge [sflag:s18], $0x2800  }
0x42: {  	[sflag:s18] =	ssyncset.done $0x0  }
0x43: {  	[sflag:s18] =	ssyncadd.s32 $0xFFFFD800  }
0x44: {  	[spmem:s9] =	stream.linear.scatter [tilespmem:s20], [sflag:$0x3], $0x2800, $0x38;
	[tilespmem:$0x1F400] =	vst v63  }
0x45: {  	_ =	swait.ge [sflag:s18], $0x2800  }
0x46: {  	[sflag:s18] =	ssyncset.done $0x0  }
0x47: {  	[sflag:s18] =	ssyncadd.s32 $0xFFFFD800  }
0x48: {  	[spmem:s10] =	stream.linear.scatter [tilespmem:s20], [sflag:$0x3], $0x2800, $0x38;
	[tilespmem:$0x1F400] =	vst v63  }
0x49: {  	_ =	swait.ge [sflag:s18], $0x2800  }
0x4a: {  	[sflag:s18] =	ssyncset.done $0x0  }
0x4b: {  	[sflag:s18] =	ssyncadd.s32 $0xFFFFD800  }
0x4c: {  	[spmem:s11] =	stream.linear.scatter [tilespmem:s20], [sflag:$0x3], $0x400, $0x38;
	[tilespmem:$0x1F400] =	vst v63  }
0x4d: {  	_ =	swait.ge [sflag:s18], $0x400  }
0x4e: {  	[sflag:s18] =	ssyncset.done $0x0  }
0x4f: {  	[sflag:s18] =	ssyncadd.s32 $0xFFFFFC00  }
0x50: {  	s0 =	simm.s32 $0x0;
	[bflag:$0x0] =	sbarrier.arrive $0xFFFF  }
0x51: {  	[tilespmem:s20], [sflag:$0x1] =	stream.indirect.gather [hbm4b:s4+s21], $0x80, s0, s21, $0xb8;
	[tilespmem:$0x1F400] =	vst v63  }
0x52: {  	_ = 	snop  }
0x53: {  	[tilespmem:s23], [sflag:$0x2] =	stream.indirect.gather [hbm4b:s4+s21], $0x80, s22, s21, $0xb8;
	[tilespmem:$0x1F400] =	vst v63  }
0x54: {  	_ =	swait.ge [sflag:s24], $0x2800  }
0x55: {  	[sflag:s24] =	ssyncset.done $0x0  }
0x56: {  	s31 =	simm.s32 $0x8000;
	[sflag:s24] =	ssyncadd.s32 $0xFFFFD800  }
0x57: {  	[spmem:s1] =	stream.indirect.scatter.add.f32 [tilespmem:s20], [sflag:$0x3], $0x80, s31, s21, $0xb8;
	[tilespmem:$0x1F400] =	vst v63  }
0x58: {  	_ =	swait.ge [sflag:s18], $0x2800  }
0x59: {  	[sflag:s18] =	ssyncset.done $0x0  }
0x5a: {  	s30 =	simm.s32 $0x100;
	[sflag:s18] =	ssyncadd.s32 $0xFFFFD800  }
0x5b: {  	[tilespmem:s20], [sflag:$0x1] =	stream.indirect.gather [hbm4b:s4+s21], $0x80, s30, s21, $0xb8;
	[tilespmem:$0x1F400] =	vst v63  }
0x5c: {  	_ =	swait.ge [sflag:s25], $0x2800  }
0x5d: {  	[sflag:s25] =	ssyncset.done $0x0  }
0x5e: {  	s31 =	simm.s32 $0x8080;
	[sflag:s25] =	ssyncadd.s32 $0xFFFFD800  }
0x5f: {  	[spmem:s1] =	stream.indirect.scatter.add.f32 [tilespmem:s23], [sflag:$0x3], $0x80, s31, s21, $0xb8;
	[tilespmem:$0x1F400] =	vst v63  }
0x60: {  	_ =	swait.ge [sflag:s18], $0x2800  }
0x61: {  	[sflag:s18] =	ssyncset.done $0x0  }
0x62: {  	s28 =	simm.s32 $0x400;
	s29 =	simm.s32 $0x180;
	[sflag:s18] =	ssyncadd.s32 $0xFFFFD800  }
.LBB2_6:
0x63: {  	[tilespmem:s23], [sflag:$0x2] =	stream.indirect.gather [hbm4b:s4+s21], $0x80, s29, s21, $0xb8;
	[tilespmem:$0x1F400] =	vst v63  }
0x64: {  	s0 =	smov.u32 s28  }
0x65: {  	p0 =	sne.s32 s28, $0x1F000;
	s28 =	sadd.s32 $0x400, s28;
	_ =	swait.ge [sflag:s24], $0x2800  }
0x66: {  	s0 =	sshra.s32 s0, $0x2;
	[sflag:s24] =	ssyncset.done $0x0  }
0x67: {  	s29 =	sadd.s32 $0x8000, s0;
	[sflag:s24] =	ssyncadd.s32 $0xFFFFD800  }
0x68: {  	[spmem:s1] =	stream.indirect.scatter.add.f32 [tilespmem:s20], [sflag:$0x3], $0x80, s29, s21, $0xb8;
	[tilespmem:$0x1F400] =	vst v63  }
0x69: {  	_ =	swait.ge [sflag:s18], $0x2800  }
0x6a: {  	[sflag:s18] =	ssyncset.done $0x0  }
0x6b: {  	s29 =	sadd.s32 $0x100, s0;
	[sflag:s18] =	ssyncadd.s32 $0xFFFFD800  }
0x6c: {  	[tilespmem:s20], [sflag:$0x1] =	stream.indirect.gather [hbm4b:s4+s21], $0x80, s29, s21, $0xb8;
	[tilespmem:$0x1F400] =	vst v63  }
0x6d: {  	_ =	swait.ge [sflag:s25], $0x2800  }
0x6e: {  	[sflag:s25] =	ssyncset.done $0x0  }
.Ltmp2:
0x6f: {  	s29 =	sadd.s32 $0x8080, s0;
	[sflag:s25] =	ssyncadd.s32 $0xFFFFD800;
	(pc) =	sbr.rel @p0 .LBB2_6-.Ltmp2, $4  }
0x70: {  	[spmem:s1] =	stream.indirect.scatter.add.f32 [tilespmem:s23], [sflag:$0x3], $0x80, s29, s21, $0xb8;
	[tilespmem:$0x1F400] =	vst v63  }
0x71: {  	_ =	swait.ge [sflag:s18], $0x2800  }
0x72: {  	[sflag:s18] =	ssyncset.done $0x0  }
0x73: {  	s29 =	sadd.s32 $0x180, s0;
	[sflag:s18] =	ssyncadd.s32 $0xFFFFD800  }
0x74: {  	[tilespmem:s23], [sflag:$0x2] =	stream.indirect.gather [hbm4b:s4+s21], $0x80, s29, s21, $0xb8;
	[tilespmem:$0x1F400] =	vst v63  }
0x75: {  	_ =	swait.ge [sflag:s24], $0x2800  }
0x76: {  	[sflag:s24] =	ssyncset.done $0x0  }
0x77: {  	[sflag:s24] =	ssyncadd.s32 $0xFFFFD800  }
0x78: {  	_ =	swait.ge [sflag:s25], $0x2800  }
0x79: {  	[sflag:s25] =	ssyncset.done $0x0  }
0x7a: {  	[sflag:s25] =	ssyncadd.s32 $0xFFFFD800  }
0x7b: {  	[bflag:$0x0] =	sbarrier.arrive $0xFFFF  }
0x7c: {  	[tilespmem:s20], [sflag:$0x3] =	stream.linear.gather [spmem:s7], $0x2800, $0x38;
	[tilespmem:$0x1F400] =	vst v63  }
0x7d: {  	_ =	swait.ge [sflag:s18], $0x2800  }
0x7e: {  	[sflag:s18] =	ssyncset.done $0x0  }
0x7f: {  	[sflag:s18] =	ssyncadd.s32 $0xFFFFD800  }
0x80: {  	[hbm4b:s12+s3] =	stream.linear.scatter [tilespmem:s20], [sflag:$0x1], $0x2800, $0x38;
	[tilespmem:$0x1F400] =	vst v63  }
0x81: {  	_ = 	snop  }
0x82: {  	[tilespmem:s23], [sflag:$0x3] =	stream.linear.gather [spmem:s8], $0x2800, $0x38;
	[tilespmem:$0x1F400] =	vst v63  }
0x83: {  	_ =	swait.ge [sflag:s18], $0x2800  }
0x84: {  	[sflag:s18] =	ssyncset.done $0x0  }
0x85: {  	[sflag:s18] =	ssyncadd.s32 $0xFFFFD800  }
0x86: {  	[hbm4b:s13+s3] =	stream.linear.scatter [tilespmem:s23], [sflag:$0x2], $0x2800, $0x38;
	[tilespmem:$0x1F400] =	vst v63  }
0x87: {  	_ =	swait.ge [sflag:s24], $0x2800  }
0x88: {  	[sflag:s24] =	ssyncset.done $0x0  }
0x89: {  	[sflag:s24] =	ssyncadd.s32 $0xFFFFD800  }
0x8a: {  	[tilespmem:s20], [sflag:$0x3] =	stream.linear.gather [spmem:s9], $0x2800, $0x38;
	[tilespmem:$0x1F400] =	vst v63  }
0x8b: {  	_ =	swait.ge [sflag:s18], $0x2800  }
0x8c: {  	[sflag:s18] =	ssyncset.done $0x0  }
0x8d: {  	[sflag:s18] =	ssyncadd.s32 $0xFFFFD800  }
0x8e: {  	[hbm4b:s14+s3] =	stream.linear.scatter [tilespmem:s20], [sflag:$0x1], $0x2800, $0x38;
	[tilespmem:$0x1F400] =	vst v63  }
0x8f: {  	_ =	swait.ge [sflag:s25], $0x2800  }
0x90: {  	[sflag:s25] =	ssyncset.done $0x0  }
0x91: {  	[sflag:s25] =	ssyncadd.s32 $0xFFFFD800  }
0x92: {  	[tilespmem:s23], [sflag:$0x3] =	stream.linear.gather [spmem:s10], $0x2800, $0x38;
	[tilespmem:$0x1F400] =	vst v63  }
0x93: {  	_ =	swait.ge [sflag:s18], $0x2800  }
0x94: {  	[sflag:s18] =	ssyncset.done $0x0  }
0x95: {  	[sflag:s18] =	ssyncadd.s32 $0xFFFFD800  }
0x96: {  	[hbm4b:s15+s3] =	stream.linear.scatter [tilespmem:s23], [sflag:$0x2], $0x2800, $0x38;
	[tilespmem:$0x1F400] =	vst v63  }
0x97: {  	_ =	swait.ge [sflag:s24], $0x2800  }
0x98: {  	[sflag:s24] =	ssyncset.done $0x0  }
0x99: {  	[sflag:s24] =	ssyncadd.s32 $0xFFFFD800  }
0x9a: {  	[tilespmem:s20], [sflag:$0x3] =	stream.linear.gather [spmem:s11], $0x400, $0x38;
	[tilespmem:$0x1F400] =	vst v63  }
0x9b: {  	_ =	swait.ge [sflag:s18], $0x400  }
0x9c: {  	[sflag:s18] =	ssyncset.done $0x0  }
0x9d: {  	s26 =	sadd.s32 $0x1, s26;
	[sflag:s18] =	ssyncadd.s32 $0xFFFFFC00  }
0x9e: {  	[hbm4b:s16+s3] =	stream.linear.scatter [tilespmem:s20], [sflag:$0x3], $0x400, $0x38;
	[tilespmem:$0x1F400] =	vst v63  }
0x9f: {  	p0 =	sne.s32 s26, s17;
	_ =	swait.ge [sflag:s18], $0x400  }
.Ltmp3:
0xa0: {  	[sflag:s18] =	ssyncset.done $0x0;
	(pc) =	sbr.rel @p0 .LBB2_1-.Ltmp3, $4  }
0xa1: {  	[sflag:s18] =	ssyncadd.s32 $0xFFFFFC00  }
0xa2: {  	_ =	swait.ge [sflag:s25], $0x2800  }
0xa3: {  	[sflag:s25] =	ssyncset.done $0x0  }
0xa4: {  	[sflag:s25] =	ssyncadd.s32 $0xFFFFD800  }
0xa5: {  	_ =	sfence.sel $0x180000  }
0xa6: {  	[bflag:$0x0] =	sbarrier.arrive $0xFFFF  }
0xa7: {  	_ =	strace $0x9000004A  }
0xa8: {  	[bflag:$0x2] =	sbarrier.arrive $0xFFFF  }
0xa9: {  	p0 =	sne.s32 s2, $0x0;
	s0 =	rddreg [dreg:$0x2]  }
0xaa: {  	s0 =	sadd.s32 @!p0 $0x100000, s0  }
0xab: {  	[sflag:s0] =	ssyncadd.tile.s32 @!p0 $0x1;
	_ =	shalt  }
.Lfunc_end2:
_tile_overlayer_lowered:
.L_overlay_start_2:
0xac: {  	(tag) =	ssettag $0x2  }
0xad: {  	s0 =	rddreg [dreg:$0x0];
	s2 =	stileid.u32  }
0xae: {  	s1 =	rddreg [dreg:$0x1];
	p0 =	sne.s32 s2, $0x0  }
0xaf: {  	s3 =	rddreg [dreg:$0x2];
	[bflag:$0x3] =	sbarrier.arrive $0xFFFF;
	s2 =	simm.s32 @!p0 $0x1C03  }
0xb0: {  	[timem:s3], [sflag:s2] =	dma.local @!p0 [hbm:s0], s1  }
0xb1: {  	s0 =	simm.s32 @!p0 $0x3  }
0xb2: {  	_ =	swait.ge @!p0 [sflag:s0], s1  }
0xb3: {  	s1 =	ssub.s32 @!p0 $0x0, s1;
	[sflag:s0] =	ssyncset.done @!p0 $0x0  }
0xb4: {  	[sflag:s0] =	ssyncadd.s32 @!p0 s1  }
0xb5: {  	[bflag:$0x3] =	sbarrier.arrive $0xFFFF  }
0xb6: {  	_ =	shalt  }

// kernel: kernel.16.cloned.1.call-start
scs
__scs_entry_jumppad:
0x0: {  	(pc) =	sbr.rel $0x88, $3  }
0x1: {  	(tag) =	ssettag $0x0;
	lr =	simm.s32 $0x1  }
0x2: {  	[smem:$0x3F96] =	sst lr;
	_ =	strace $0xD0000000  }
0x3: {  	_ = 	snop  }
0x4: {  	_ = 	snop  }
0x5: {  	_ = 	snop  }
0x6: {  	_ = 	snop  }
0x7: {  	_ = 	snop  }
__scs_overlays_trampoline_lowered:
0x8: {  	[smem:$0x3FA5] =	sst s0  }
0x9: {  	[smem:$0x3FA6] =	sst s1  }
0xa: {  	[smem:$0x3FA7] =	sst s2  }
0xb: {  	[smem:$0x3FA8] =	sst s3  }
0xc: {  	[smem:$0x3FA9] =	sst s4  }
0xd: {  	[smem:$0x3FAA] =	sst s5  }
0xe: {  	[smem:$0x3FAB] =	sst s6  }
0xf: {  	[smem:$0x3FAC] =	sst s7  }
0x10: {  	[smem:$0x3FAD] =	sst s8  }
0x11: {  	[smem:$0x3FAE] =	sst s9;
	s0 =	simm.s32 @!p0 $0x0  }
0x12: {  	s1 =	sld [smem:$0x3F94];
	s0 =	simm.s32 @p0 $0x1  }
0x13: {  	[smem:$0x3FAF] =	sst s0;
	s0 =	simm.s32 @!p1 $0x0  }
0x14: {  	s2 =	sld [smem:$0x3F93];
	s0 =	simm.s32 @p1 $0x1  }
0x15: {  	[smem:$0x3FB0] =	sst s0;
	s0 =	simm.s32 @!p2 $0x0  }
0x16: {  	s3 =	sld [smem:$0x3FDB];
	s0 =	simm.s32 @p2 $0x1  }
0x17: {  	s4 =	simm.s32 $0x1BF5;
	[smem:$0x3FB2] =	sst s0  }
0x18: {  	s0 =	sld [smem:$0x3F95];
	_ =	swait.ge [sflag:s4], $0x0  }
0x19: {  	s7 =	sld [smem:$0x3F96]  }
0x1a: {  	s8 =	sadd.s32 $0xFFFFE003, lr  }
0x1b: {  	s9 =	sadd.s32 $0xFFFFFEF7, lr;
	s5 =	simm.s32 $0xFFFFFFFF;
	p2 =	slt.u32 s8, $0xFFFFF086  }
0x1c: {  	p1 =	slt.u32 s9, $0xF7A;
	s5 =	simm.s32 @!p2 $0x0  }
0x1d: {  	s5 =	simm.s32 @p1 $0x1;
	p0 =	seq.s32 s7, s2  }
0x1e: {  	s7 =	smul.u32 @!p0 $0xF7A, s2;
	p2 =	seq.s32 @!p0 s5, $0x0  }
0x1f: {  	s9 =	smul.u32 $0xF7A, s1;
	s8 =	simm.s32 @!p0 $0x1BF5;
	p2 =	por !p2, p0  }
0x20: {  	[sflag:s8] =	ssyncset.s32 @!p0 $0xFFFFF086;
	s6 =	sadd.s32 @!p0 s3, s7;
	s7 =	simm.s32 @!p0 $0x108  }
0x21: {  	s3 =	sadd.s32 s3, s9;
	s6 =	sadd.s32 @!p0 $0x88, s6;
	s7 =	simm.s32 @p2 $0x1082  }
0x22: {  	[simem:s7], [sflag:s8] =	dma.local @!p0 [hbm:s6], $0xF7A  }
0x23: {  	s9 =	sor.u32 $0xD0000000, s2;
	s6 =	simm.s32 $0x108;
	_ =	swait.ge @!p0 [sflag:s8], $0x0  }
0x24: {  	s3 =	sadd.s32 $0x88, s3;
	s6 =	simm.s32 @!p1 $0x1082;
	[sflag:s4] =	ssyncset.s32 $0xFFFFF086  }
0x25: {  	[simem:s6], [sflag:s4] =	dma.local [hbm:s3], $0xF7A  }
0x26: {  	[smem:$0x3F96] =	sst s1;
	(tag) =	ssettag s2;
	_ =	strace s9  }
0x27: {  	s1 =	sld [smem:$0x3FA6]  }
0x28: {  	s2 =	sld [smem:$0x3FA7]  }
0x29: {  	s4 =	sld [smem:$0x3FA9]  }
0x2a: {  	p0 =	seq.s32 s5, $0x0;
	s5 =	sld [smem:$0x3FAA]  }
0x2b: {  	s6 =	sld [smem:$0x3FAB]  }
0x2c: {  	s7 =	sld [smem:$0x3FAC]  }
0x2d: {  	s3 =	simm.s32 $0x108;
	s8 =	sld [smem:$0x3FAD]  }
0x2e: {  	s3 =	simm.s32 @!p0 $0x1082;
	s9 =	sld [smem:$0x3FAE]  }
0x2f: {  	lr =	sadd.s32 s0, s3;
	s0 =	sld [smem:$0x3FA5]  }
0x30: {  	s3 =	sld [smem:$0x3FA8]  }
0x31: {  	[smem:$0x3FB1] =	sst s10  }
0x32: {  	s10 =	sld [smem:$0x3FAF];
	_ =	sdelay $0x3  }
0x33: {  	p0 =	seq.s32 s10, $0x1;
	s10 =	sld [smem:$0x3FB1];
	_ =	sdelay $0x3  }
0x34: {  	[smem:$0x3FB1] =	sst s10  }
0x35: {  	s10 =	sld [smem:$0x3FB0];
	_ =	sdelay $0x3  }
0x36: {  	p1 =	seq.s32 s10, $0x1;
	s10 =	sld [smem:$0x3FB1];
	_ =	sdelay $0x3  }
0x37: {  	[smem:$0x3FB1] =	sst s10  }
0x38: {  	s10 =	sld [smem:$0x3FB2]  }
0x39: {  	_ = 	snop;
	(pc) =	sbr.ind lr, $3  }
0x3a: {  	_ = 	snop  }
0x3b: {  	_ = 	snop  }
0x3c: {  	p2 =	seq.s32 s10, $0x1;
	s10 =	sld [smem:$0x3FB1]  }
0x3d: {  	_ =	shalt  }
0x3e: {  	_ =	shalt  }
0x3f: {  	_ =	shalt  }
0x40: {  	_ =	shalt  }
0x41: {  	_ =	shalt  }
0x42: {  	_ =	shalt  }
0x43: {  	_ =	shalt  }
0x44: {  	_ =	shalt  }
0x45: {  	_ =	shalt  }
0x46: {  	_ =	shalt  }
0x47: {  	_ =	shalt  }
0x48: {  	_ =	shalt  }
0x49: {  	_ =	shalt  }
0x4a: {  	_ =	shalt  }
0x4b: {  	_ =	shalt  }
0x4c: {  	_ =	shalt  }
0x4d: {  	_ =	shalt  }
0x4e: {  	_ =	shalt  }
0x4f: {  	_ =	shalt  }
0x50: {  	_ =	shalt  }
0x51: {  	_ =	shalt  }
0x52: {  	_ =	shalt  }
0x53: {  	_ =	shalt  }
0x54: {  	_ =	shalt  }
0x55: {  	_ =	shalt  }
0x56: {  	_ =	shalt  }
0x57: {  	_ =	shalt  }
0x58: {  	_ =	shalt  }
0x59: {  	_ =	shalt  }
0x5a: {  	_ =	shalt  }
0x5b: {  	_ =	shalt  }
0x5c: {  	_ =	shalt  }
0x5d: {  	_ =	shalt  }
0x5e: {  	_ =	shalt  }
0x5f: {  	_ =	shalt  }
0x60: {  	_ =	shalt  }
0x61: {  	_ =	shalt  }
0x62: {  	_ =	shalt  }
0x63: {  	_ =	shalt  }
0x64: {  	_ =	shalt  }
0x65: {  	_ =	shalt  }
0x66: {  	_ =	shalt  }
0x67: {  	_ =	shalt  }
0x68: {  	_ =	shalt  }
0x69: {  	_ =	shalt  }
0x6a: {  	_ =	shalt  }
0x6b: {  	_ =	shalt  }
0x6c: {  	_ =	shalt  }
0x6d: {  	_ =	shalt  }
0x6e: {  	_ =	shalt  }
0x6f: {  	_ =	shalt  }
0x70: {  	_ =	shalt  }
0x71: {  	_ =	shalt  }
0x72: {  	_ =	shalt  }
0x73: {  	_ =	shalt  }
0x74: {  	_ =	shalt  }
0x75: {  	_ =	shalt  }
0x76: {  	_ =	shalt  }
0x77: {  	_ =	shalt  }
0x78: {  	_ =	shalt  }
0x79: {  	_ =	shalt  }
0x7a: {  	_ =	shalt  }
0x7b: {  	_ =	shalt  }
0x7c: {  	_ =	shalt  }
0x7d: {  	_ =	shalt  }
0x7e: {  	_ =	shalt  }
0x7f: {  	_ =	shalt  }
0x80: {  	_ =	shalt  }
0x81: {  	_ =	shalt  }
0x82: {  	_ =	shalt  }
0x83: {  	_ =	shalt  }
0x84: {  	_ =	shalt  }
0x85: {  	_ =	shalt  }
0x86: {  	_ =	shalt  }
0x87: {  	_ =	shalt  }
.Lfunc_end0:
.L_simem_size_0:
called_computation.2_lowered:
.L_overlay_start_0:
0x88: {  	s2 =	sld [smem:$0x3FD9]  }
0x89: {  	s3 =	sld [smem:$0x3FFE];
	_ =	sdelay $0x1  }
0x8a: {  	s1 =	srdreg.scid  }
0x8b: {  	s0 =	sand.u32 $0x1, s1  }
0x8c: {  	s16 =	sshll.u32 s0, $0xA;
	s2 =	sadd.s32 s3, s2  }
0x8d: {  	s2 =	sadd.s32 s2, s16  }
0x8e: {  	[smem:$0x3FBD] =	sst s2  }
0x8f: {  	_ = 	snop  }
0x90: {  	(tm) =	ssettm $0x1  }
0x91: {  	s17 =	sld [smem:$0x3FFB];
	_ =	sdelay $0x3  }
0x92: {  	_ =	strace s17  }
0x93: {  	s2 =	sld [smem:$0x3FFC];
	_ =	sdelay $0x3  }
0x94: {  	_ =	strace s2  }
0x95: {  	s2 =	sld [smem:$0x3FFD];
	_ =	sdelay $0x3  }
0x96: {  	_ =	strace s2  }
0x97: {  	_ =	strace $0x8FFFFFFF  }
0x98: {  	s18 =	sld [smem:$0x3FDB];
	_ =	sdelay $0x1  }
0x99: {  	s19 =	simm.s32 $_scs_section_size  }
0x9a: {  	s4 =	simm.s32 $_size__tile_overlayer_lowered;
	s5 =	simm.s32 $_tile_overlayer_lowered  }
0x9b: {  	s22 =	simm.s32 $0x1BFF;
	s21 =	sshll.u32 s5, $0x1;
	s2 =	sadd.s32 s19, s18  }
0x9c: {  	s6 =	simm.s32 $0x0;
	s20 =	sshll.u32 s4, $0x1;
	s4 =	sadd.s32 s21, s2  }
0x9d: {  	[timem:s6], [sflag:s22] =	dma.local [hbm:s4], s20  }
0x9e: {  	_ =	swait.ge [sflag:s22], s20  }
0x9f: {  	s3 =	ssub.s32 $0x0, s20;
	[sflag:s22] =	ssyncset.done $0x0  }
0xa0: {  	[sflag:s22] =	ssyncadd.s32 s3;
	_ =	sdelay $0x1  }
0xa1: {  	s23 =	simm.s32 $0x1B8B  }
0xa2: {  	_ =	swait.ge [sflag:s23], $0x1  }
0xa3: {  	[sflag:s23] =	ssyncset.done $0x0  }
0xa4: {  	s25 =	simm.s32 $0x1B8E;
	s24 =	sld [smem:$0x3FFE];
	[sflag:s23] =	ssyncadd.s32 $0xFFFFFFFF  }
0xa5: {  	s26 =	simm.s32 $execute0_lowered;
	[smem:$0x3FD2] =	sst s25  }
0xa6: {  	s4 =	sshll.u32 s26, $0x1;
	_ =	strace $0x8000004C;
	[dreg:$0x1] =	wrdreg $0xFFFFFFFF  }
0xa7: {  	s28 =	simm.s32 $_size_execute0_lowered;
	s2 =	sadd.s32 s2, s4;
	[dreg:$0x0] =	wrdreg $0x0  }
0xa8: {  	s4 =	sshll.u32 s28, $0x1;
	[dreg:$0x2] =	wrdreg s2  }
0xa9: {  	[dreg:$0x3] =	wrdreg s4  }
0xaa: {  	[dreg:$0x4] =	wrdreg $0xC0  }
0xab: {  	_ =	task [dreg:s6], $0x5FFFF  }
0xac: {  	[dreg:$0x1] =	wrdreg $0xFFFFFFFF  }
0xad: {  	[dreg:$0x0] =	wrdreg $0x60  }
0xae: {  	[dreg:$0x2] =	wrdreg s24  }
0xaf: {  	[dreg:$0x3] =	wrdreg $0x150000  }
0xb0: {  	[dreg:$0x4] =	wrdreg $0x9  }
0xb1: {  	_ =	task.clear_ibuf [dreg:s6], $0x5FFFF;
	_ =	strace $0x9000004C  }
0xb2: {  	s29 =	simm.s32 $0x9;
	_ =	strace $0x8000004E  }
0xb3: {  	_ =	swait.ge [sflag:s29], $0x1  }
0xb4: {  	[sflag:s29] =	ssyncadd.s32 $0xFFFFFFFF  }
0xb5: {  	_ =	strace $0x9000004E  }
0xb6: {  	_ =	sfence  }
0xb7: {  	s30 =	sld [smem:$0x0];
	_ =	sdelay $0x2  }
0xb8: {  	s31 =	sshll.u32 s1, $0xD;
	s1 =	sshrl.u32 s1, $0x2  }
0xb9: {  	s3 =	sand.u32 $0x4000, s31;
	s1 =	sadd.s32 s1, s30  }
0xba: {  	s0 =	sor.u32 s3, s0;
	s1 =	sshll.u32 s1, $0x11  }
0xbb: {  	s0 =	sor.u32 s1, s0  }
0xbc: {  	s0 =	sadd.s32 $0x8F2B, s0  }
0xbd: {  	[sflag:s0] =	ssyncadd.remote.s32 $0x1  }
0xbe: {  	_ =	sfence.sel $0xFFFF  }
0xbf: {  	[dreg:$0x0] =	wrdreg $0xFFFFFFFF;
	(pc) =	sbr.abs _section_cstart, $3  }
0xc0: {  	[dreg:$0x1] =	wrdreg $0xFFFFFFFF  }
0xc1: {  	_ =	task.clear_ibuf [dreg:s6], $0x2FFFF;
	_ =	strace $0x9FFFFFFF  }
0xc2: {  	(tm) =	ssettm $0x7FFFFFFF  }
0xc3: {  	_ =	shalt  }
tec
execute0_lowered:
.L_overlay_start_1:
0x0: {  	(tag) =	ssettag $0x1  }
0x1: {  	s5 =	rddreg [dreg:$0x0]  }
0x2: {  	s1 =	rddreg [dreg:$0x1]  }
0x3: {  	s3 =	simm.s32 $0x0;
	s4 =	srdreg.scid;
	s2 =	stileid.u32  }
0x4: {  	s21 =	simm.s32 $0x50;
	s22 =	simm.s32 $0x80;
	s23 =	simm.s32 $0x12800  }
0x5: {  	s25 =	simm.s32 $0x2;
	s26 =	simm.s32 $0x0;
	[smem:$0x7FF] =	sst s3  }
0x6: {  	s8 =	sand.u32 $0x1, s4;
	s4 =	sadd.s32 $0x34800, s5;
	s10 =	smul.u32 $0x29000, s2  }
0x7: {  	s6 =	sshll.u32 s2, $0xC;
	s16 =	sadd.s32 $0x5BA00, s5;
	s11 =	smul.u32 $0xA400, s2  }
0x8: {  	_ =	strace $0x8000004D;
	s7 =	ssub.s32 $0x2, s8;
	s24 =	smul.u32 $0xFFFFEC00, s8  }
0x9: {  	s6 =	sadd.s32 s6, s5;
	s18 =	smul.u32 $0xA4000, s8;
	s9 =	sshrl.u32 s7, $0x1  }
0xa: {  	s5 =	sadd.s32 $0x24800, s6;
	s6 =	sadd.s32 $0x14800, s6;
	s31 =	sshrl.u32 s10, $0x2  }
0xb: {  	s12 =	sadd.s32 $0x2800, s11;
	s14 =	sadd.s32 $0x5000, s11;
	s15 =	sadd.s32 $0x7800, s11  }
0xc: {  	s19 =	sadd.s32 $0xA000, s11;
	s17 =	ssub.s32 s7, s9;
	s7 =	sadd.s32 s31, s1  }
0xd: {  	s8 =	sadd.s32 s12, s1;
	s9 =	sadd.s32 s14, s1;
	s10 =	sadd.s32 s15, s1  }
0xe: {  	s13 =	sadd.s32 s11, s18;
	s12 =	sadd.s32 s18, s12;
	s11 =	sadd.s32 s19, s1  }
0xf: {  	s14 =	sadd.s32 s18, s14;
	s15 =	sadd.s32 s18, s15;
	s18 =	sadd.s32 s18, s19  }
0x10: {  	s19 =	simm.s32 $0x8000;
	v0 =	vmov s24;
	s24 =	simm.s32 $0x1;
	s13 =	sshrl.u32 s13, $0x3  }
0x11: {  	s20 =	sshrl.u32 s12, $0x3;
	s14 =	sshrl.u32 s14, $0x3;
	s15 =	sshrl.u32 s15, $0x3  }
0x12: {  	s18 =	sshrl.u32 s18, $0x3;
	s17 =	smax.u32 s17, $0x1;
	s12 =	sadd.s32 s16, s13  }
0x13: {  	s13 =	sadd.s32 s16, s20;
	s14 =	sadd.s32 s16, s14;
	s15 =	sadd.s32 s16, s15  }
0x14: {  	v1 =	vimm.f32 $0.0e+00;
	s16 =	sadd.s32 s16, s18;
	s18 =	simm.s32 $0x3;
	s20 =	simm.s32 $0x10000  }
.LBB2_1:
0x15: {  	[tilespmem:s3], [sflag:$0x3] =	stream.linear.gather [hbm4b:s5+s3], $0x7E00, $0x38;
	[tilespmem:$0x1F400] =	vst v63  }
0x16: {  	s28 =	smul.u32 $0xCCCD, s3  }
0x17: {  	_ =	swait.ge [sflag:s18], $0x7E00  }
0x18: {  	[sflag:s18] =	ssyncset.done $0x0;
	s28 =	sshrl.u32 s28, $0x12  }
0x19: {  	[sflag:s18] =	ssyncadd.s32 $0xFFFF8200;
	s29 =	smul.u32 $0x5, s28  }
0x1a: {  	[tilespmem:s19], [sflag:$0x3] =	stream.linear.gather [hbm4b:s6+s3], $0x7E00, $0x38;
	[tilespmem:$0x1F400] =	vst v63  }
0x1b: {  	s29 =	ssub.s32 $0x0, s29  }
0x1c: {  	_ =	swait.ge [sflag:s18], $0x7E00;
	s29 =	sand.u32 $0xFFFF, s29  }
0x1d: {  	s28 =	sshll.u32 s28, $0x7;
	[sflag:s18] =	ssyncset.done $0x0;
	s30 =	sshll.u32 s29, $0x4  }
0x1e: {  	[sflag:s18] =	ssyncadd.s32 $0xFFFF8200;
	s29 =	simm.s32 $0x1;
	s28 =	sor.u32 s30, s28  }
0x1f: {  	s31 =	smul.u32 $0xCCCD, s29;
	s30 =	simm.s32 $0x2;
	v2 =	vld [tilespmem:s28+$0x8000]  }
.LBB2_2:
0x20: {  	p0 =	sne.s32 s30, $0x4EB  }
0x21: {  	s31 =	sshrl.u32 s31, $0x12  }
0x22: {  	s0 =	smul.u32 $0x5, s31;
	_ =	sdelay $0x1  }
.Ltmp0:
0x23: {  	s0 =	ssub.s32 s29, s0;
	v3 =	vadd.s32 v0, v2;
	v2 =	vand.u32 $0x3F, v2;
	s29 =	smov.u32 s30;
	(pc) =	sbr.rel @p0 .LBB2_2-.Ltmp0, $4  }
0x24: {  	s0 =	sand.u32 $0xFFFF, s0;
	vm0 =	vgt.u32 v3, $0x13FF;
	v2 =	vor.u32 $0x1400, v2  }
0x25: {  	s31 =	sshll.u32 s31, $0x7;
	s0 =	sshll.u32 s0, $0x4;
	v2 =	vsel vm0, v2, v3  }
0x26: {  	[tilespmem:s28+$0x8000] =	vst v2;
	s28 =	sor.u32 s0, s31  }
0x27: {  	s30 =	sadd.s32 $0x1, s30;
	s31 =	smul.u32 $0xCCCD, s29;
	v2 =	vld [tilespmem:s28+$0x8000]  }
0x28: {  	_ = 	snop  }
0x29: {  	s0 =	sshrl.u32 s31, $0x12  }
0x2a: {  	s30 =	smul.u32 $0x5, s0;
	_ =	sdelay $0x1  }
0x2b: {  	s29 =	ssub.s32 s29, s30;
	v3 =	vadd.s32 v0, v2;
	v2 =	vand.u32 $0x3F, v2  }
0x2c: {  	s29 =	sand.u32 $0xFFFF, s29;
	vm0 =	vgt.u32 v3, $0x13FF;
	v2 =	vor.u32 $0x1400, v2  }
0x2d: {  	s0 =	sshll.u32 s0, $0x7;
	s29 =	sshll.u32 s29, $0x4;
	v2 =	vsel vm0, v2, v3  }
0x2e: {  	s0 =	sor.u32 s29, s0;
	[tilespmem:s28+$0x8000] =	vst v2  }
0x2f: {  	v2 =	vld [tilespmem:s0+$0x8000];
	_ =	sdelay $0x4  }
0x30: {  	s28 =	simm.s32 $0x0;
	v3 =	vadd.s32 v0, v2;
	v2 =	vand.u32 $0x3F, v2  }
0x31: {  	s29 =	sand.u32 $0xFE00, s28;
	vm15 =	vgt.u32 v3, $0x13FF;
	v2 =	vor.u32 $0x1400, v2  }
0x32: {  	s30 =	sand.u32 $0x70, s28;
	s31 =	sshrl.u32 s29, $0x2;
	v2 =	vsel vm15, v2, v3  }
0x33: {  	s29 =	simm.s32 $0x40;
	s30 =	sor.u32 s30, s31;
	[tilespmem:s0+$0x8000] =	vst v2  }
.LBB2_4:
0x34: {  	p0 =	sne.s32 s29, $0x9FC0  }
0x35: {  	[tilespmem:s30+$0x10000] =	vst v1;
	s28 =	sadd.s32 $0x10, s28;
	s0 =	smov.u32 s29;
	s29 =	sadd.s32 $0x40, s29  }
.Ltmp1:
0x36: {  	(pc) =	sbr.rel @p0 .LBB2_4-.Ltmp1, $4  }
0x37: {  	_ = 	snop  }
0x38: {  	s0 =	sand.u32 $0xFE00, s0  }
0x39: {  	s30 =	sand.u32 $0x70, s28;
	s0 =	sshrl.u32 s0, $0x2  }
0x3a: {  	s30 =	sor.u32 s30, s0  }
0x3b: {  	[tilespmem:s30+$0x10000] =	vst v1  }
0x3c: {  	[spmem:s7] =	stream.linear.scatter [tilespmem:s20], [sflag:$0x3], $0x2800, $0x38;
	[tilespmem:$0x1F400] =	vst v63  }
0x3d: {  	_ =	swait.ge [sflag:s18], $0x2800  }
0x3e: {  	[sflag:s18] =	ssyncset.done $0x0  }
0x3f: {  	[sflag:s18] =	ssyncadd.s32 $0xFFFFD800  }
0x40: {  	[spmem:s8] =	stream.linear.scatter [tilespmem:s20], [sflag:$0x3], $0x2800, $0x38;
	[tilespmem:$0x1F400] =	vst v63  }
0x41: {  	_ =	swait.ge [sflag:s18], $0x2800  }
0x42: {  	[sflag:s18] =	ssyncset.done $0x0  }
0x43: {  	[sflag:s18] =	ssyncadd.s32 $0xFFFFD800  }
0x44: {  	[spmem:s9] =	stream.linear.scatter [tilespmem:s20], [sflag:$0x3], $0x2800, $0x38;
	[tilespmem:$0x1F400] =	vst v63  }
0x45: {  	_ =	swait.ge [sflag:s18], $0x2800  }
0x46: {  	[sflag:s18] =	ssyncset.done $0x0  }
0x47: {  	[sflag:s18] =	ssyncadd.s32 $0xFFFFD800  }
0x48: {  	[spmem:s10] =	stream.linear.scatter [tilespmem:s20], [sflag:$0x3], $0x2800, $0x38;
	[tilespmem:$0x1F400] =	vst v63  }
0x49: {  	_ =	swait.ge [sflag:s18], $0x2800  }
0x4a: {  	[sflag:s18] =	ssyncset.done $0x0  }
0x4b: {  	[sflag:s18] =	ssyncadd.s32 $0xFFFFD800  }
0x4c: {  	[spmem:s11] =	stream.linear.scatter [tilespmem:s20], [sflag:$0x3], $0x400, $0x38;
	[tilespmem:$0x1F400] =	vst v63  }
0x4d: {  	_ =	swait.ge [sflag:s18], $0x400  }
0x4e: {  	[sflag:s18] =	ssyncset.done $0x0  }
0x4f: {  	[sflag:s18] =	ssyncadd.s32 $0xFFFFFC00  }
0x50: {  	s0 =	simm.s32 $0x0;
	[bflag:$0x0] =	sbarrier.arrive $0xFFFF  }
0x51: {  	[tilespmem:s20], [sflag:$0x1] =	stream.indirect.gather [hbm4b:s4+s21], $0x80, s0, s21, $0xb8;
	[tilespmem:$0x1F400] =	vst v63  }
0x52: {  	_ = 	snop  }
0x53: {  	[tilespmem:s23], [sflag:$0x2] =	stream.indirect.gather [hbm4b:s4+s21], $0x80, s22, s21, $0xb8;
	[tilespmem:$0x1F400] =	vst v63  }
0x54: {  	_ =	swait.ge [sflag:s24], $0x2800  }
0x55: {  	[sflag:s24] =	ssyncset.done $0x0  }
0x56: {  	s31 =	simm.s32 $0x8000;
	[sflag:s24] =	ssyncadd.s32 $0xFFFFD800  }
0x57: {  	[spmem:s1] =	stream.indirect.scatter.add.f32 [tilespmem:s20], [sflag:$0x3], $0x80, s31, s21, $0xb8;
	[tilespmem:$0x1F400] =	vst v63  }
0x58: {  	_ =	swait.ge [sflag:s18], $0x2800  }
0x59: {  	[sflag:s18] =	ssyncset.done $0x0  }
0x5a: {  	s30 =	simm.s32 $0x100;
	[sflag:s18] =	ssyncadd.s32 $0xFFFFD800  }
0x5b: {  	[tilespmem:s20], [sflag:$0x1] =	stream.indirect.gather [hbm4b:s4+s21], $0x80, s30, s21, $0xb8;
	[tilespmem:$0x1F400] =	vst v63  }
0x5c: {  	_ =	swait.ge [sflag:s25], $0x2800  }
0x5d: {  	[sflag:s25] =	ssyncset.done $0x0  }
0x5e: {  	s31 =	simm.s32 $0x8080;
	[sflag:s25] =	ssyncadd.s32 $0xFFFFD800  }
0x5f: {  	[spmem:s1] =	stream.indirect.scatter.add.f32 [tilespmem:s23], [sflag:$0x3], $0x80, s31, s21, $0xb8;
	[tilespmem:$0x1F400] =	vst v63  }
0x60: {  	_ =	swait.ge [sflag:s18], $0x2800  }
0x61: {  	[sflag:s18] =	ssyncset.done $0x0  }
0x62: {  	s28 =	simm.s32 $0x400;
	s29 =	simm.s32 $0x180;
	[sflag:s18] =	ssyncadd.s32 $0xFFFFD800  }
.LBB2_6:
0x63: {  	[tilespmem:s23], [sflag:$0x2] =	stream.indirect.gather [hbm4b:s4+s21], $0x80, s29, s21, $0xb8;
	[tilespmem:$0x1F400] =	vst v63  }
0x64: {  	s0 =	smov.u32 s28  }
0x65: {  	p0 =	sne.s32 s28, $0x1F000;
	s28 =	sadd.s32 $0x400, s28;
	_ =	swait.ge [sflag:s24], $0x2800  }
0x66: {  	s0 =	sshra.s32 s0, $0x2;
	[sflag:s24] =	ssyncset.done $0x0  }
0x67: {  	s29 =	sadd.s32 $0x8000, s0;
	[sflag:s24] =	ssyncadd.s32 $0xFFFFD800  }
0x68: {  	[spmem:s1] =	stream.indirect.scatter.add.f32 [tilespmem:s20], [sflag:$0x3], $0x80, s29, s21, $0xb8;
	[tilespmem:$0x1F400] =	vst v63  }
0x69: {  	_ =	swait.ge [sflag:s18], $0x2800  }
0x6a: {  	[sflag:s18] =	ssyncset.done $0x0  }
0x6b: {  	s29 =	sadd.s32 $0x100, s0;
	[sflag:s18] =	ssyncadd.s32 $0xFFFFD800  }
0x6c: {  	[tilespmem:s20], [sflag:$0x1] =	stream.indirect.gather [hbm4b:s4+s21], $0x80, s29, s21, $0xb8;
	[tilespmem:$0x1F400] =	vst v63  }
0x6d: {  	_ =	swait.ge [sflag:s25], $0x2800  }
0x6e: {  	[sflag:s25] =	ssyncset.done $0x0  }
.Ltmp2:
0x6f: {  	s29 =	sadd.s32 $0x8080, s0;
	[sflag:s25] =	ssyncadd.s32 $0xFFFFD800;
	(pc) =	sbr.rel @p0 .LBB2_6-.Ltmp2, $4  }
0x70: {  	[spmem:s1] =	stream.indirect.scatter.add.f32 [tilespmem:s23], [sflag:$0x3], $0x80, s29, s21, $0xb8;
	[tilespmem:$0x1F400] =	vst v63  }
0x71: {  	_ =	swait.ge [sflag:s18], $0x2800  }
0x72: {  	[sflag:s18] =	ssyncset.done $0x0  }
0x73: {  	s29 =	sadd.s32 $0x180, s0;
	[sflag:s18] =	ssyncadd.s32 $0xFFFFD800  }
0x74: {  	[tilespmem:s23], [sflag:$0x2] =	stream.indirect.gather [hbm4b:s4+s21], $0x80, s29, s21, $0xb8;
	[tilespmem:$0x1F400] =	vst v63  }
0x75: {  	_ =	swait.ge [sflag:s24], $0x2800  }
0x76: {  	[sflag:s24] =	ssyncset.done $0x0  }
0x77: {  	[sflag:s24] =	ssyncadd.s32 $0xFFFFD800  }
0x78: {  	_ =	swait.ge [sflag:s25], $0x2800  }
0x79: {  	[sflag:s25] =	ssyncset.done $0x0  }
0x7a: {  	[sflag:s25] =	ssyncadd.s32 $0xFFFFD800  }
0x7b: {  	[bflag:$0x0] =	sbarrier.arrive $0xFFFF  }
0x7c: {  	[tilespmem:s20], [sflag:$0x3] =	stream.linear.gather [spmem:s7], $0x2800, $0x38;
	[tilespmem:$0x1F400] =	vst v63  }
0x7d: {  	_ =	swait.ge [sflag:s18], $0x2800  }
0x7e: {  	[sflag:s18] =	ssyncset.done $0x0  }
0x7f: {  	[sflag:s18] =	ssyncadd.s32 $0xFFFFD800  }
0x80: {  	[hbm4b:s12+s3] =	stream.linear.scatter [tilespmem:s20], [sflag:$0x1], $0x2800, $0x38;
	[tilespmem:$0x1F400] =	vst v63  }
0x81: {  	_ = 	snop  }
0x82: {  	[tilespmem:s23], [sflag:$0x3] =	stream.linear.gather [spmem:s8], $0x2800, $0x38;
	[tilespmem:$0x1F400] =	vst v63  }
0x83: {  	_ =	swait.ge [sflag:s18], $0x2800  }
0x84: {  	[sflag:s18] =	ssyncset.done $0x0  }
0x85: {  	[sflag:s18] =	ssyncadd.s32 $0xFFFFD800  }
0x86: {  	[hbm4b:s13+s3] =	stream.linear.scatter [tilespmem:s23], [sflag:$0x2], $0x2800, $0x38;
	[tilespmem:$0x1F400] =	vst v63  }
0x87: {  	_ =	swait.ge [sflag:s24], $0x2800  }
0x88: {  	[sflag:s24] =	ssyncset.done $0x0  }
0x89: {  	[sflag:s24] =	ssyncadd.s32 $0xFFFFD800  }
0x8a: {  	[tilespmem:s20], [sflag:$0x3] =	stream.linear.gather [spmem:s9], $0x2800, $0x38;
	[tilespmem:$0x1F400] =	vst v63  }
0x8b: {  	_ =	swait.ge [sflag:s18], $0x2800  }
0x8c: {  	[sflag:s18] =	ssyncset.done $0x0  }
0x8d: {  	[sflag:s18] =	ssyncadd.s32 $0xFFFFD800  }
0x8e: {  	[hbm4b:s14+s3] =	stream.linear.scatter [tilespmem:s20], [sflag:$0x1], $0x2800, $0x38;
	[tilespmem:$0x1F400] =	vst v63  }
0x8f: {  	_ =	swait.ge [sflag:s25], $0x2800  }
0x90: {  	[sflag:s25] =	ssyncset.done $0x0  }
0x91: {  	[sflag:s25] =	ssyncadd.s32 $0xFFFFD800  }
0x92: {  	[tilespmem:s23], [sflag:$0x3] =	stream.linear.gather [spmem:s10], $0x2800, $0x38;
	[tilespmem:$0x1F400] =	vst v63  }
0x93: {  	_ =	swait.ge [sflag:s18], $0x2800  }
0x94: {  	[sflag:s18] =	ssyncset.done $0x0  }
0x95: {  	[sflag:s18] =	ssyncadd.s32 $0xFFFFD800  }
0x96: {  	[hbm4b:s15+s3] =	stream.linear.scatter [tilespmem:s23], [sflag:$0x2], $0x2800, $0x38;
	[tilespmem:$0x1F400] =	vst v63  }
0x97: {  	_ =	swait.ge [sflag:s24], $0x2800  }
0x98: {  	[sflag:s24] =	ssyncset.done $0x0  }
0x99: {  	[sflag:s24] =	ssyncadd.s32 $0xFFFFD800  }
0x9a: {  	[tilespmem:s20], [sflag:$0x3] =	stream.linear.gather [spmem:s11], $0x400, $0x38;
	[tilespmem:$0x1F400] =	vst v63  }
0x9b: {  	_ =	swait.ge [sflag:s18], $0x400  }
0x9c: {  	[sflag:s18] =	ssyncset.done $0x0  }
0x9d: {  	s26 =	sadd.s32 $0x1, s26;
	[sflag:s18] =	ssyncadd.s32 $0xFFFFFC00  }
0x9e: {  	[hbm4b:s16+s3] =	stream.linear.scatter [tilespmem:s20], [sflag:$0x3], $0x400, $0x38;
	[tilespmem:$0x1F400] =	vst v63  }
0x9f: {  	p0 =	sne.s32 s26, s17;
	_ =	swait.ge [sflag:s18], $0x400  }
.Ltmp3:
0xa0: {  	[sflag:s18] =	ssyncset.done $0x0;
	(pc) =	sbr.rel @p0 .LBB2_1-.Ltmp3, $4  }
0xa1: {  	[sflag:s18] =	ssyncadd.s32 $0xFFFFFC00  }
0xa2: {  	_ =	swait.ge [sflag:s25], $0x2800  }
0xa3: {  	[sflag:s25] =	ssyncset.done $0x0  }
0xa4: {  	[sflag:s25] =	ssyncadd.s32 $0xFFFFD800  }
0xa5: {  	_ =	sfence.sel $0x180000  }
0xa6: {  	[bflag:$0x0] =	sbarrier.arrive $0xFFFF  }
0xa7: {  	_ =	strace $0x9000004D  }
0xa8: {  	[bflag:$0x2] =	sbarrier.arrive $0xFFFF  }
0xa9: {  	p0 =	sne.s32 s2, $0x0;
	s0 =	rddreg [dreg:$0x2]  }
0xaa: {  	s0 =	sadd.s32 @!p0 $0x100000, s0  }
0xab: {  	[sflag:s0] =	ssyncadd.tile.s32 @!p0 $0x1;
	_ =	shalt  }
.Lfunc_end2:
_tile_overlayer_lowered:
.L_overlay_start_2:
0xac: {  	(tag) =	ssettag $0x2  }
0xad: {  	s0 =	rddreg [dreg:$0x0];
	s2 =	stileid.u32  }
0xae: {  	s1 =	rddreg [dreg:$0x1];
	p0 =	sne.s32 s2, $0x0  }
0xaf: {  	s3 =	rddreg [dreg:$0x2];
	[bflag:$0x3] =	sbarrier.arrive $0xFFFF;
	s2 =	simm.s32 @!p0 $0x1C03  }
0xb0: {  	[timem:s3], [sflag:s2] =	dma.local @!p0 [hbm:s0], s1  }
0xb1: {  	s0 =	simm.s32 @!p0 $0x3  }
0xb2: {  	_ =	swait.ge @!p0 [sflag:s0], s1  }
0xb3: {  	s1 =	ssub.s32 @!p0 $0x0, s1;
	[sflag:s0] =	ssyncset.done @!p0 $0x0  }
0xb4: {  	[sflag:s0] =	ssyncadd.s32 @!p0 s1  }
0xb5: {  	[bflag:$0x3] =	sbarrier.arrive $0xFFFF  }
0xb6: {  	_ =	shalt  }

// kernel: kernel.19.cloned.1.call-start
scs
__scs_entry_jumppad:
0x0: {  	(pc) =	sbr.rel $0x88, $3  }
0x1: {  	(tag) =	ssettag $0x0;
	lr =	simm.s32 $0x1  }
0x2: {  	[smem:$0x3F96] =	sst lr;
	_ =	strace $0xD0000000  }
0x3: {  	_ = 	snop  }
0x4: {  	_ = 	snop  }
0x5: {  	_ = 	snop  }
0x6: {  	_ = 	snop  }
0x7: {  	_ = 	snop  }
__scs_overlays_trampoline_lowered:
0x8: {  	[smem:$0x3FA5] =	sst s0  }
0x9: {  	[smem:$0x3FA6] =	sst s1  }
0xa: {  	[smem:$0x3FA7] =	sst s2  }
0xb: {  	[smem:$0x3FA8] =	sst s3  }
0xc: {  	[smem:$0x3FA9] =	sst s4  }
0xd: {  	[smem:$0x3FAA] =	sst s5  }
0xe: {  	[smem:$0x3FAB] =	sst s6  }
0xf: {  	[smem:$0x3FAC] =	sst s7  }
0x10: {  	[smem:$0x3FAD] =	sst s8  }
0x11: {  	[smem:$0x3FAE] =	sst s9;
	s0 =	simm.s32 @!p0 $0x0  }
0x12: {  	s1 =	sld [smem:$0x3F94];
	s0 =	simm.s32 @p0 $0x1  }
0x13: {  	[smem:$0x3FAF] =	sst s0;
	s0 =	simm.s32 @!p1 $0x0  }
0x14: {  	s2 =	sld [smem:$0x3F93];
	s0 =	simm.s32 @p1 $0x1  }
0x15: {  	[smem:$0x3FB0] =	sst s0;
	s0 =	simm.s32 @!p2 $0x0  }
0x16: {  	s3 =	sld [smem:$0x3FDB];
	s0 =	simm.s32 @p2 $0x1  }
0x17: {  	s4 =	simm.s32 $0x1BF5;
	[smem:$0x3FB2] =	sst s0  }
0x18: {  	s0 =	sld [smem:$0x3F95];
	_ =	swait.ge [sflag:s4], $0x0  }
0x19: {  	s7 =	sld [smem:$0x3F96]  }
0x1a: {  	s8 =	sadd.s32 $0xFFFFE003, lr  }
0x1b: {  	s9 =	sadd.s32 $0xFFFFFEF7, lr;
	s5 =	simm.s32 $0xFFFFFFFF;
	p2 =	slt.u32 s8, $0xFFFFF086  }
0x1c: {  	p1 =	slt.u32 s9, $0xF7A;
	s5 =	simm.s32 @!p2 $0x0  }
0x1d: {  	s5 =	simm.s32 @p1 $0x1;
	p0 =	seq.s32 s7, s2  }
0x1e: {  	s7 =	smul.u32 @!p0 $0xF7A, s2;
	p2 =	seq.s32 @!p0 s5, $0x0  }
0x1f: {  	s9 =	smul.u32 $0xF7A, s1;
	s8 =	simm.s32 @!p0 $0x1BF5;
	p2 =	por !p2, p0  }
0x20: {  	[sflag:s8] =	ssyncset.s32 @!p0 $0xFFFFF086;
	s6 =	sadd.s32 @!p0 s3, s7;
	s7 =	simm.s32 @!p0 $0x108  }
0x21: {  	s3 =	sadd.s32 s3, s9;
	s6 =	sadd.s32 @!p0 $0x88, s6;
	s7 =	simm.s32 @p2 $0x1082  }
0x22: {  	[simem:s7], [sflag:s8] =	dma.local @!p0 [hbm:s6], $0xF7A  }
0x23: {  	s9 =	sor.u32 $0xD0000000, s2;
	s6 =	simm.s32 $0x108;
	_ =	swait.ge @!p0 [sflag:s8], $0x0  }
0x24: {  	s3 =	sadd.s32 $0x88, s3;
	s6 =	simm.s32 @!p1 $0x1082;
	[sflag:s4] =	ssyncset.s32 $0xFFFFF086  }
0x25: {  	[simem:s6], [sflag:s4] =	dma.local [hbm:s3], $0xF7A  }
0x26: {  	[smem:$0x3F96] =	sst s1;
	(tag) =	ssettag s2;
	_ =	strace s9  }
0x27: {  	s1 =	sld [smem:$0x3FA6]  }
0x28: {  	s2 =	sld [smem:$0x3FA7]  }
0x29: {  	s4 =	sld [smem:$0x3FA9]  }
0x2a: {  	p0 =	seq.s32 s5, $0x0;
	s5 =	sld [smem:$0x3FAA]  }
0x2b: {  	s6 =	sld [smem:$0x3FAB]  }
0x2c: {  	s7 =	sld [smem:$0x3FAC]  }
0x2d: {  	s3 =	simm.s32 $0x108;
	s8 =	sld [smem:$0x3FAD]  }
0x2e: {  	s3 =	simm.s32 @!p0 $0x1082;
	s9 =	sld [smem:$0x3FAE]  }
0x2f: {  	lr =	sadd.s32 s0, s3;
	s0 =	sld [smem:$0x3FA5]  }
0x30: {  	s3 =	sld [smem:$0x3FA8]  }
0x31: {  	[smem:$0x3FB1] =	sst s10  }
0x32: {  	s10 =	sld [smem:$0x3FAF];
	_ =	sdelay $0x3  }
0x33: {  	p0 =	seq.s32 s10, $0x1;
	s10 =	sld [smem:$0x3FB1];
	_ =	sdelay $0x3  }
0x34: {  	[smem:$0x3FB1] =	sst s10  }
0x35: {  	s10 =	sld [smem:$0x3FB0];
	_ =	sdelay $0x3  }
0x36: {  	p1 =	seq.s32 s10, $0x1;
	s10 =	sld [smem:$0x3FB1];
	_ =	sdelay $0x3  }
0x37: {  	[smem:$0x3FB1] =	sst s10  }
0x38: {  	s10 =	sld [smem:$0x3FB2]  }
0x39: {  	_ = 	snop;
	(pc) =	sbr.ind lr, $3  }
0x3a: {  	_ = 	snop  }
0x3b: {  	_ = 	snop  }
0x3c: {  	p2 =	seq.s32 s10, $0x1;
	s10 =	sld [smem:$0x3FB1]  }
0x3d: {  	_ =	shalt  }
0x3e: {  	_ =	shalt  }
0x3f: {  	_ =	shalt  }
0x40: {  	_ =	shalt  }
0x41: {  	_ =	shalt  }
0x42: {  	_ =	shalt  }
0x43: {  	_ =	shalt  }
0x44: {  	_ =	shalt  }
0x45: {  	_ =	shalt  }
0x46: {  	_ =	shalt  }
0x47: {  	_ =	shalt  }
0x48: {  	_ =	shalt  }
0x49: {  	_ =	shalt  }
0x4a: {  	_ =	shalt  }
0x4b: {  	_ =	shalt  }
0x4c: {  	_ =	shalt  }
0x4d: {  	_ =	shalt  }
0x4e: {  	_ =	shalt  }
0x4f: {  	_ =	shalt  }
0x50: {  	_ =	shalt  }
0x51: {  	_ =	shalt  }
0x52: {  	_ =	shalt  }
0x53: {  	_ =	shalt  }
0x54: {  	_ =	shalt  }
0x55: {  	_ =	shalt  }
0x56: {  	_ =	shalt  }
0x57: {  	_ =	shalt  }
0x58: {  	_ =	shalt  }
0x59: {  	_ =	shalt  }
0x5a: {  	_ =	shalt  }
0x5b: {  	_ =	shalt  }
0x5c: {  	_ =	shalt  }
0x5d: {  	_ =	shalt  }
0x5e: {  	_ =	shalt  }
0x5f: {  	_ =	shalt  }
0x60: {  	_ =	shalt  }
0x61: {  	_ =	shalt  }
0x62: {  	_ =	shalt  }
0x63: {  	_ =	shalt  }
0x64: {  	_ =	shalt  }
0x65: {  	_ =	shalt  }
0x66: {  	_ =	shalt  }
0x67: {  	_ =	shalt  }
0x68: {  	_ =	shalt  }
0x69: {  	_ =	shalt  }
0x6a: {  	_ =	shalt  }
0x6b: {  	_ =	shalt  }
0x6c: {  	_ =	shalt  }
0x6d: {  	_ =	shalt  }
0x6e: {  	_ =	shalt  }
0x6f: {  	_ =	shalt  }
0x70: {  	_ =	shalt  }
0x71: {  	_ =	shalt  }
0x72: {  	_ =	shalt  }
0x73: {  	_ =	shalt  }
0x74: {  	_ =	shalt  }
0x75: {  	_ =	shalt  }
0x76: {  	_ =	shalt  }
0x77: {  	_ =	shalt  }
0x78: {  	_ =	shalt  }
0x79: {  	_ =	shalt  }
0x7a: {  	_ =	shalt  }
0x7b: {  	_ =	shalt  }
0x7c: {  	_ =	shalt  }
0x7d: {  	_ =	shalt  }
0x7e: {  	_ =	shalt  }
0x7f: {  	_ =	shalt  }
0x80: {  	_ =	shalt  }
0x81: {  	_ =	shalt  }
0x82: {  	_ =	shalt  }
0x83: {  	_ =	shalt  }
0x84: {  	_ =	shalt  }
0x85: {  	_ =	shalt  }
0x86: {  	_ =	shalt  }
0x87: {  	_ =	shalt  }
.Lfunc_end0:
.L_simem_size_0:
called_computation.3_lowered:
.L_overlay_start_0:
0x88: {  	s2 =	sld [smem:$0x3FD9]  }
0x89: {  	s3 =	sld [smem:$0x3FFE];
	_ =	sdelay $0x1  }
0x8a: {  	s1 =	srdreg.scid  }
0x8b: {  	s0 =	sand.u32 $0x1, s1  }
0x8c: {  	s16 =	sshll.u32 s0, $0xA;
	s2 =	sadd.s32 s3, s2  }
0x8d: {  	s2 =	sadd.s32 s2, s16  }
0x8e: {  	[smem:$0x3FBD] =	sst s2  }
0x8f: {  	_ = 	snop  }
0x90: {  	(tm) =	ssettm $0x1  }
0x91: {  	s17 =	sld [smem:$0x3FFB];
	_ =	sdelay $0x3  }
0x92: {  	_ =	strace s17  }
0x93: {  	s2 =	sld [smem:$0x3FFC];
	_ =	sdelay $0x3  }
0x94: {  	_ =	strace s2  }
0x95: {  	s2 =	sld [smem:$0x3FFD];
	_ =	sdelay $0x3  }
0x96: {  	_ =	strace s2  }
0x97: {  	_ =	strace $0x8FFFFFFF  }
0x98: {  	s18 =	sld [smem:$0x3FDB];
	_ =	sdelay $0x1  }
0x99: {  	s19 =	simm.s32 $_scs_section_size  }
0x9a: {  	s4 =	simm.s32 $_size__tile_overlayer_lowered;
	s5 =	simm.s32 $_tile_overlayer_lowered  }
0x9b: {  	s22 =	simm.s32 $0x1BFF;
	s21 =	sshll.u32 s5, $0x1;
	s2 =	sadd.s32 s19, s18  }
0x9c: {  	s6 =	simm.s32 $0x0;
	s20 =	sshll.u32 s4, $0x1;
	s4 =	sadd.s32 s21, s2  }
0x9d: {  	[timem:s6], [sflag:s22] =	dma.local [hbm:s4], s20  }
0x9e: {  	_ =	swait.ge [sflag:s22], s20  }
0x9f: {  	s3 =	ssub.s32 $0x0, s20;
	[sflag:s22] =	ssyncset.done $0x0  }
0xa0: {  	[sflag:s22] =	ssyncadd.s32 s3;
	_ =	sdelay $0x1  }
0xa1: {  	s23 =	simm.s32 $0x1B8B  }
0xa2: {  	_ =	swait.ge [sflag:s23], $0x1  }
0xa3: {  	[sflag:s23] =	ssyncset.done $0x0  }
0xa4: {  	s25 =	simm.s32 $0x1B8E;
	s24 =	sld [smem:$0x3FFE];
	[sflag:s23] =	ssyncadd.s32 $0xFFFFFFFF  }
0xa5: {  	s26 =	simm.s32 $execute0_lowered;
	[smem:$0x3FD2] =	sst s25  }
0xa6: {  	s4 =	sshll.u32 s26, $0x1;
	_ =	strace $0x8000004F;
	[dreg:$0x1] =	wrdreg $0xFFFFFFFF  }
0xa7: {  	s28 =	simm.s32 $_size_execute0_lowered;
	s2 =	sadd.s32 s2, s4;
	[dreg:$0x0] =	wrdreg $0x0  }
0xa8: {  	s4 =	sshll.u32 s28, $0x1;
	[dreg:$0x2] =	wrdreg s2  }
0xa9: {  	[dreg:$0x3] =	wrdreg s4  }
0xaa: {  	[dreg:$0x4] =	wrdreg $0xC0  }
0xab: {  	_ =	task [dreg:s6], $0x5FFFF  }
0xac: {  	[dreg:$0x1] =	wrdreg $0xFFFFFFFF  }
0xad: {  	[dreg:$0x0] =	wrdreg $0x60  }
0xae: {  	[dreg:$0x2] =	wrdreg s24  }
0xaf: {  	[dreg:$0x3] =	wrdreg $0x150000  }
0xb0: {  	[dreg:$0x4] =	wrdreg $0x9  }
0xb1: {  	_ =	task.clear_ibuf [dreg:s6], $0x5FFFF;
	_ =	strace $0x9000004F  }
0xb2: {  	s29 =	simm.s32 $0x9;
	_ =	strace $0x80000051  }
0xb3: {  	_ =	swait.ge [sflag:s29], $0x1  }
0xb4: {  	[sflag:s29] =	ssyncadd.s32 $0xFFFFFFFF  }
0xb5: {  	_ =	strace $0x90000051  }
0xb6: {  	_ =	sfence  }
0xb7: {  	s30 =	sld [smem:$0x0];
	_ =	sdelay $0x2  }
0xb8: {  	s31 =	sshll.u32 s1, $0xD;
	s1 =	sshrl.u32 s1, $0x2  }
0xb9: {  	s3 =	sand.u32 $0x4000, s31;
	s1 =	sadd.s32 s1, s30  }
0xba: {  	s0 =	sor.u32 s3, s0;
	s1 =	sshll.u32 s1, $0x11  }
0xbb: {  	s0 =	sor.u32 s1, s0  }
0xbc: {  	s0 =	sadd.s32 $0x8F2B, s0  }
0xbd: {  	[sflag:s0] =	ssyncadd.remote.s32 $0x1  }
0xbe: {  	_ =	sfence.sel $0xFFFF  }
0xbf: {  	[dreg:$0x0] =	wrdreg $0xFFFFFFFF;
	(pc) =	sbr.abs _section_cstart, $3  }
0xc0: {  	[dreg:$0x1] =	wrdreg $0xFFFFFFFF  }
0xc1: {  	_ =	task.clear_ibuf [dreg:s6], $0x2FFFF;
	_ =	strace $0x9FFFFFFF  }
0xc2: {  	(tm) =	ssettm $0x7FFFFFFF  }
0xc3: {  	_ =	shalt  }
tec
execute0_lowered:
.L_overlay_start_1:
0x0: {  	(tag) =	ssettag $0x1  }
0x1: {  	s5 =	rddreg [dreg:$0x0]  }
0x2: {  	s1 =	rddreg [dreg:$0x1]  }
0x3: {  	s3 =	simm.s32 $0x0;
	s4 =	srdreg.scid;
	s2 =	stileid.u32  }
0x4: {  	s21 =	simm.s32 $0x50;
	s22 =	simm.s32 $0x80;
	s23 =	simm.s32 $0x12800  }
0x5: {  	s25 =	simm.s32 $0x2;
	s26 =	simm.s32 $0x0;
	[smem:$0x7FF] =	sst s3  }
0x6: {  	s8 =	sand.u32 $0x1, s4;
	s4 =	sadd.s32 $0x34800, s5;
	s10 =	smul.u32 $0x29000, s2  }
0x7: {  	s6 =	sshll.u32 s2, $0xC;
	s16 =	sadd.s32 $0x5BA00, s5;
	s11 =	smul.u32 $0xA400, s2  }
0x8: {  	_ =	strace $0x80000050;
	s7 =	ssub.s32 $0x2, s8;
	s24 =	smul.u32 $0xFFFFEC00, s8  }
0x9: {  	s6 =	sadd.s32 s6, s5;
	s18 =	smul.u32 $0xA4000, s8;
	s9 =	sshrl.u32 s7, $0x1  }
0xa: {  	s5 =	sadd.s32 $0x24800, s6;
	s6 =	sadd.s32 $0x14800, s6;
	s31 =	sshrl.u32 s10, $0x2  }
0xb: {  	s12 =	sadd.s32 $0x2800, s11;
	s14 =	sadd.s32 $0x5000, s11;
	s15 =	sadd.s32 $0x7800, s11  }
0xc: {  	s19 =	sadd.s32 $0xA000, s11;
	s17 =	ssub.s32 s7, s9;
	s7 =	sadd.s32 s31, s1  }
0xd: {  	s8 =	sadd.s32 s12, s1;
	s9 =	sadd.s32 s14, s1;
	s10 =	sadd.s32 s15, s1  }
0xe: {  	s13 =	sadd.s32 s11, s18;
	s12 =	sadd.s32 s18, s12;
	s11 =	sadd.s32 s19, s1  }
0xf: {  	s14 =	sadd.s32 s18, s14;
	s15 =	sadd.s32 s18, s15;
	s18 =	sadd.s32 s18, s19  }
0x10: {  	s19 =	simm.s32 $0x8000;
	v0 =	vmov s24;
	s24 =	simm.s32 $0x1;
	s13 =	sshrl.u32 s13, $0x3  }
0x11: {  	s20 =	sshrl.u32 s12, $0x3;
	s14 =	sshrl.u32 s14, $0x3;
	s15 =	sshrl.u32 s15, $0x3  }
0x12: {  	s18 =	sshrl.u32 s18, $0x3;
	s17 =	smax.u32 s17, $0x1;
	s12 =	sadd.s32 s16, s13  }
0x13: {  	s13 =	sadd.s32 s16, s20;
	s14 =	sadd.s32 s16, s14;
	s15 =	sadd.s32 s16, s15  }
0x14: {  	v1 =	vimm.f32 $0.0e+00;
	s16 =	sadd.s32 s16, s18;
	s18 =	simm.s32 $0x3;
	s20 =	simm.s32 $0x10000  }
.LBB2_1:
0x15: {  	[tilespmem:s3], [sflag:$0x3] =	stream.linear.gather [hbm4b:s5+s3], $0x7E00, $0x38;
	[tilespmem:$0x1F400] =	vst v63  }
0x16: {  	s28 =	smul.u32 $0xCCCD, s3  }
0x17: {  	_ =	swait.ge [sflag:s18], $0x7E00  }
0x18: {  	[sflag:s18] =	ssyncset.done $0x0;
	s28 =	sshrl.u32 s28, $0x12  }
0x19: {  	[sflag:s18] =	ssyncadd.s32 $0xFFFF8200;
	s29 =	smul.u32 $0x5, s28  }
0x1a: {  	[tilespmem:s19], [sflag:$0x3] =	stream.linear.gather [hbm4b:s6+s3], $0x7E00, $0x38;
	[tilespmem:$0x1F400] =	vst v63  }
0x1b: {  	s29 =	ssub.s32 $0x0, s29  }
0x1c: {  	_ =	swait.ge [sflag:s18], $0x7E00;
	s29 =	sand.u32 $0xFFFF, s29  }
0x1d: {  	s28 =	sshll.u32 s28, $0x7;
	[sflag:s18] =	ssyncset.done $0x0;
	s30 =	sshll.u32 s29, $0x4  }
0x1e: {  	[sflag:s18] =	ssyncadd.s32 $0xFFFF8200;
	s29 =	simm.s32 $0x1;
	s28 =	sor.u32 s30, s28  }
0x1f: {  	s31 =	smul.u32 $0xCCCD, s29;
	s30 =	simm.s32 $0x2;
	v2 =	vld [tilespmem:s28+$0x8000]  }
.LBB2_2:
0x20: {  	p0 =	sne.s32 s30, $0x4EB  }
0x21: {  	s31 =	sshrl.u32 s31, $0x12  }
0x22: {  	s0 =	smul.u32 $0x5, s31;
	_ =	sdelay $0x1  }
.Ltmp0:
0x23: {  	s0 =	ssub.s32 s29, s0;
	v3 =	vadd.s32 v0, v2;
	v2 =	vand.u32 $0x3F, v2;
	s29 =	smov.u32 s30;
	(pc) =	sbr.rel @p0 .LBB2_2-.Ltmp0, $4  }
0x24: {  	s0 =	sand.u32 $0xFFFF, s0;
	vm0 =	vgt.u32 v3, $0x13FF;
	v2 =	vor.u32 $0x1400, v2  }
0x25: {  	s31 =	sshll.u32 s31, $0x7;
	s0 =	sshll.u32 s0, $0x4;
	v2 =	vsel vm0, v2, v3  }
0x26: {  	[tilespmem:s28+$0x8000] =	vst v2;
	s28 =	sor.u32 s0, s31  }
0x27: {  	s30 =	sadd.s32 $0x1, s30;
	s31 =	smul.u32 $0xCCCD, s29;
	v2 =	vld [tilespmem:s28+$0x8000]  }
0x28: {  	_ = 	snop  }
0x29: {  	s0 =	sshrl.u32 s31, $0x12  }
0x2a: {  	s30 =	smul.u32 $0x5, s0;
	_ =	sdelay $0x1  }
0x2b: {  	s29 =	ssub.s32 s29, s30;
	v3 =	vadd.s32 v0, v2;
	v2 =	vand.u32 $0x3F, v2  }
0x2c: {  	s29 =	sand.u32 $0xFFFF, s29;
	vm0 =	vgt.u32 v3, $0x13FF;
	v2 =	vor.u32 $0x1400, v2  }
0x2d: {  	s0 =	sshll.u32 s0, $0x7;
	s29 =	sshll.u32 s29, $0x4;
	v2 =	vsel vm0, v2, v3  }
0x2e: {  	s0 =	sor.u32 s29, s0;
	[tilespmem:s28+$0x8000] =	vst v2  }
0x2f: {  	v2 =	vld [tilespmem:s0+$0x8000];
	_ =	sdelay $0x4  }
0x30: {  	s28 =	simm.s32 $0x0;
	v3 =	vadd.s32 v0, v2;
	v2 =	vand.u32 $0x3F, v2  }
0x31: {  	s29 =	sand.u32 $0xFE00, s28;
	vm15 =	vgt.u32 v3, $0x13FF;
	v2 =	vor.u32 $0x1400, v2  }
0x32: {  	s30 =	sand.u32 $0x70, s28;
	s31 =	sshrl.u32 s29, $0x2;
	v2 =	vsel vm15, v2, v3  }
0x33: {  	s29 =	simm.s32 $0x40;
	s30 =	sor.u32 s30, s31;
	[tilespmem:s0+$0x8000] =	vst v2  }
.LBB2_4:
0x34: {  	p0 =	sne.s32 s29, $0x9FC0  }
0x35: {  	[tilespmem:s30+$0x10000] =	vst v1;
	s28 =	sadd.s32 $0x10, s28;
	s0 =	smov.u32 s29;
	s29 =	sadd.s32 $0x40, s29  }
.Ltmp1:
0x36: {  	(pc) =	sbr.rel @p0 .LBB2_4-.Ltmp1, $4  }
0x37: {  	_ = 	snop  }
0x38: {  	s0 =	sand.u32 $0xFE00, s0  }
0x39: {  	s30 =	sand.u32 $0x70, s28;
	s0 =	sshrl.u32 s0, $0x2  }
0x3a: {  	s30 =	sor.u32 s30, s0  }
0x3b: {  	[tilespmem:s30+$0x10000] =	vst v1  }
0x3c: {  	[spmem:s7] =	stream.linear.scatter [tilespmem:s20], [sflag:$0x3], $0x2800, $0x38;
	[tilespmem:$0x1F400] =	vst v63  }
0x3d: {  	_ =	swait.ge [sflag:s18], $0x2800  }
0x3e: {  	[sflag:s18] =	ssyncset.done $0x0  }
0x3f: {  	[sflag:s18] =	ssyncadd.s32 $0xFFFFD800  }
0x40: {  	[spmem:s8] =	stream.linear.scatter [tilespmem:s20], [sflag:$0x3], $0x2800, $0x38;
	[tilespmem:$0x1F400] =	vst v63  }
0x41: {  	_ =	swait.ge [sflag:s18], $0x2800  }
0x42: {  	[sflag:s18] =	ssyncset.done $0x0  }
0x43: {  	[sflag:s18] =	ssyncadd.s32 $0xFFFFD800  }
0x44: {  	[spmem:s9] =	stream.linear.scatter [tilespmem:s20], [sflag:$0x3], $0x2800, $0x38;
	[tilespmem:$0x1F400] =	vst v63  }
0x45: {  	_ =	swait.ge [sflag:s18], $0x2800  }
0x46: {  	[sflag:s18] =	ssyncset.done $0x0  }
0x47: {  	[sflag:s18] =	ssyncadd.s32 $0xFFFFD800  }
0x48: {  	[spmem:s10] =	stream.linear.scatter [tilespmem:s20], [sflag:$0x3], $0x2800, $0x38;
	[tilespmem:$0x1F400] =	vst v63  }
0x49: {  	_ =	swait.ge [sflag:s18], $0x2800  }
0x4a: {  	[sflag:s18] =	ssyncset.done $0x0  }
0x4b: {  	[sflag:s18] =	ssyncadd.s32 $0xFFFFD800  }
0x4c: {  	[spmem:s11] =	stream.linear.scatter [tilespmem:s20], [sflag:$0x3], $0x400, $0x38;
	[tilespmem:$0x1F400] =	vst v63  }
0x4d: {  	_ =	swait.ge [sflag:s18], $0x400  }
0x4e: {  	[sflag:s18] =	ssyncset.done $0x0  }
0x4f: {  	[sflag:s18] =	ssyncadd.s32 $0xFFFFFC00  }
0x50: {  	s0 =	simm.s32 $0x0;
	[bflag:$0x0] =	sbarrier.arrive $0xFFFF  }
0x51: {  	[tilespmem:s20], [sflag:$0x1] =	stream.indirect.gather [hbm4b:s4+s21], $0x80, s0, s21, $0xb8;
	[tilespmem:$0x1F400] =	vst v63  }
0x52: {  	_ = 	snop  }
0x53: {  	[tilespmem:s23], [sflag:$0x2] =	stream.indirect.gather [hbm4b:s4+s21], $0x80, s22, s21, $0xb8;
	[tilespmem:$0x1F400] =	vst v63  }
0x54: {  	_ =	swait.ge [sflag:s24], $0x2800  }
0x55: {  	[sflag:s24] =	ssyncset.done $0x0  }
0x56: {  	s31 =	simm.s32 $0x8000;
	[sflag:s24] =	ssyncadd.s32 $0xFFFFD800  }
0x57: {  	[spmem:s1] =	stream.indirect.scatter.add.f32 [tilespmem:s20], [sflag:$0x3], $0x80, s31, s21, $0xb8;
	[tilespmem:$0x1F400] =	vst v63  }
0x58: {  	_ =	swait.ge [sflag:s18], $0x2800  }
0x59: {  	[sflag:s18] =	ssyncset.done $0x0  }
0x5a: {  	s30 =	simm.s32 $0x100;
	[sflag:s18] =	ssyncadd.s32 $0xFFFFD800  }
0x5b: {  	[tilespmem:s20], [sflag:$0x1] =	stream.indirect.gather [hbm4b:s4+s21], $0x80, s30, s21, $0xb8;
	[tilespmem:$0x1F400] =	vst v63  }
0x5c: {  	_ =	swait.ge [sflag:s25], $0x2800  }
0x5d: {  	[sflag:s25] =	ssyncset.done $0x0  }
0x5e: {  	s31 =	simm.s32 $0x8080;
	[sflag:s25] =	ssyncadd.s32 $0xFFFFD800  }
0x5f: {  	[spmem:s1] =	stream.indirect.scatter.add.f32 [tilespmem:s23], [sflag:$0x3], $0x80, s31, s21, $0xb8;
	[tilespmem:$0x1F400] =	vst v63  }
0x60: {  	_ =	swait.ge [sflag:s18], $0x2800  }
0x61: {  	[sflag:s18] =	ssyncset.done $0x0  }
0x62: {  	s28 =	simm.s32 $0x400;
	s29 =	simm.s32 $0x180;
	[sflag:s18] =	ssyncadd.s32 $0xFFFFD800  }
.LBB2_6:
0x63: {  	[tilespmem:s23], [sflag:$0x2] =	stream.indirect.gather [hbm4b:s4+s21], $0x80, s29, s21, $0xb8;
	[tilespmem:$0x1F400] =	vst v63  }
0x64: {  	s0 =	smov.u32 s28  }
0x65: {  	p0 =	sne.s32 s28, $0x1F000;
	s28 =	sadd.s32 $0x400, s28;
	_ =	swait.ge [sflag:s24], $0x2800  }
0x66: {  	s0 =	sshra.s32 s0, $0x2;
	[sflag:s24] =	ssyncset.done $0x0  }
0x67: {  	s29 =	sadd.s32 $0x8000, s0;
	[sflag:s24] =	ssyncadd.s32 $0xFFFFD800  }
0x68: {  	[spmem:s1] =	stream.indirect.scatter.add.f32 [tilespmem:s20], [sflag:$0x3], $0x80, s29, s21, $0xb8;
	[tilespmem:$0x1F400] =	vst v63  }
0x69: {  	_ =	swait.ge [sflag:s18], $0x2800  }
0x6a: {  	[sflag:s18] =	ssyncset.done $0x0  }
0x6b: {  	s29 =	sadd.s32 $0x100, s0;
	[sflag:s18] =	ssyncadd.s32 $0xFFFFD800  }
0x6c: {  	[tilespmem:s20], [sflag:$0x1] =	stream.indirect.gather [hbm4b:s4+s21], $0x80, s29, s21, $0xb8;
	[tilespmem:$0x1F400] =	vst v63  }
0x6d: {  	_ =	swait.ge [sflag:s25], $0x2800  }
0x6e: {  	[sflag:s25] =	ssyncset.done $0x0  }
.Ltmp2:
0x6f: {  	s29 =	sadd.s32 $0x8080, s0;
	[sflag:s25] =	ssyncadd.s32 $0xFFFFD800;
	(pc) =	sbr.rel @p0 .LBB2_6-.Ltmp2, $4  }
0x70: {  	[spmem:s1] =	stream.indirect.scatter.add.f32 [tilespmem:s23], [sflag:$0x3], $0x80, s29, s21, $0xb8;
	[tilespmem:$0x1F400] =	vst v63  }
0x71: {  	_ =	swait.ge [sflag:s18], $0x2800  }
0x72: {  	[sflag:s18] =	ssyncset.done $0x0  }
0x73: {  	s29 =	sadd.s32 $0x180, s0;
	[sflag:s18] =	ssyncadd.s32 $0xFFFFD800  }
0x74: {  	[tilespmem:s23], [sflag:$0x2] =	stream.indirect.gather [hbm4b:s4+s21], $0x80, s29, s21, $0xb8;
	[tilespmem:$0x1F400] =	vst v63  }
0x75: {  	_ =	swait.ge [sflag:s24], $0x2800  }
0x76: {  	[sflag:s24] =	ssyncset.done $0x0  }
0x77: {  	[sflag:s24] =	ssyncadd.s32 $0xFFFFD800  }
0x78: {  	_ =	swait.ge [sflag:s25], $0x2800  }
0x79: {  	[sflag:s25] =	ssyncset.done $0x0  }
0x7a: {  	[sflag:s25] =	ssyncadd.s32 $0xFFFFD800  }
0x7b: {  	[bflag:$0x0] =	sbarrier.arrive $0xFFFF  }
0x7c: {  	[tilespmem:s20], [sflag:$0x3] =	stream.linear.gather [spmem:s7], $0x2800, $0x38;
	[tilespmem:$0x1F400] =	vst v63  }
0x7d: {  	_ =	swait.ge [sflag:s18], $0x2800  }
0x7e: {  	[sflag:s18] =	ssyncset.done $0x0  }
0x7f: {  	[sflag:s18] =	ssyncadd.s32 $0xFFFFD800  }
0x80: {  	[hbm4b:s12+s3] =	stream.linear.scatter [tilespmem:s20], [sflag:$0x1], $0x2800, $0x38;
	[tilespmem:$0x1F400] =	vst v63  }
0x81: {  	_ = 	snop  }
0x82: {  	[tilespmem:s23], [sflag:$0x3] =	stream.linear.gather [spmem:s8], $0x2800, $0x38;
	[tilespmem:$0x1F400] =	vst v63  }
0x83: {  	_ =	swait.ge [sflag:s18], $0x2800  }
0x84: {  	[sflag:s18] =	ssyncset.done $0x0  }
0x85: {  	[sflag:s18] =	ssyncadd.s32 $0xFFFFD800  }
0x86: {  	[hbm4b:s13+s3] =	stream.linear.scatter [tilespmem:s23], [sflag:$0x2], $0x2800, $0x38;
	[tilespmem:$0x1F400] =	vst v63  }
0x87: {  	_ =	swait.ge [sflag:s24], $0x2800  }
0x88: {  	[sflag:s24] =	ssyncset.done $0x0  }
0x89: {  	[sflag:s24] =	ssyncadd.s32 $0xFFFFD800  }
0x8a: {  	[tilespmem:s20], [sflag:$0x3] =	stream.linear.gather [spmem:s9], $0x2800, $0x38;
	[tilespmem:$0x1F400] =	vst v63  }
0x8b: {  	_ =	swait.ge [sflag:s18], $0x2800  }
0x8c: {  	[sflag:s18] =	ssyncset.done $0x0  }
0x8d: {  	[sflag:s18] =	ssyncadd.s32 $0xFFFFD800  }
0x8e: {  	[hbm4b:s14+s3] =	stream.linear.scatter [tilespmem:s20], [sflag:$0x1], $0x2800, $0x38;
	[tilespmem:$0x1F400] =	vst v63  }
0x8f: {  	_ =	swait.ge [sflag:s25], $0x2800  }
0x90: {  	[sflag:s25] =	ssyncset.done $0x0  }
0x91: {  	[sflag:s25] =	ssyncadd.s32 $0xFFFFD800  }
0x92: {  	[tilespmem:s23], [sflag:$0x3] =	stream.linear.gather [spmem:s10], $0x2800, $0x38;
	[tilespmem:$0x1F400] =	vst v63  }
0x93: {  	_ =	swait.ge [sflag:s18], $0x2800  }
0x94: {  	[sflag:s18] =	ssyncset.done $0x0  }
0x95: {  	[sflag:s18] =	ssyncadd.s32 $0xFFFFD800  }
0x96: {  	[hbm4b:s15+s3] =	stream.linear.scatter [tilespmem:s23], [sflag:$0x2], $0x2800, $0x38;
	[tilespmem:$0x1F400] =	vst v63  }
0x97: {  	_ =	swait.ge [sflag:s24], $0x2800  }
0x98: {  	[sflag:s24] =	ssyncset.done $0x0  }
0x99: {  	[sflag:s24] =	ssyncadd.s32 $0xFFFFD800  }
0x9a: {  	[tilespmem:s20], [sflag:$0x3] =	stream.linear.gather [spmem:s11], $0x400, $0x38;
	[tilespmem:$0x1F400] =	vst v63  }
0x9b: {  	_ =	swait.ge [sflag:s18], $0x400  }
0x9c: {  	[sflag:s18] =	ssyncset.done $0x0  }
0x9d: {  	s26 =	sadd.s32 $0x1, s26;
	[sflag:s18] =	ssyncadd.s32 $0xFFFFFC00  }
0x9e: {  	[hbm4b:s16+s3] =	stream.linear.scatter [tilespmem:s20], [sflag:$0x3], $0x400, $0x38;
	[tilespmem:$0x1F400] =	vst v63  }
0x9f: {  	p0 =	sne.s32 s26, s17;
	_ =	swait.ge [sflag:s18], $0x400  }
.Ltmp3:
0xa0: {  	[sflag:s18] =	ssyncset.done $0x0;
	(pc) =	sbr.rel @p0 .LBB2_1-.Ltmp3, $4  }
0xa1: {  	[sflag:s18] =	ssyncadd.s32 $0xFFFFFC00  }
0xa2: {  	_ =	swait.ge [sflag:s25], $0x2800  }
0xa3: {  	[sflag:s25] =	ssyncset.done $0x0  }
0xa4: {  	[sflag:s25] =	ssyncadd.s32 $0xFFFFD800  }
0xa5: {  	_ =	sfence.sel $0x180000  }
0xa6: {  	[bflag:$0x0] =	sbarrier.arrive $0xFFFF  }
0xa7: {  	_ =	strace $0x90000050  }
0xa8: {  	[bflag:$0x2] =	sbarrier.arrive $0xFFFF  }
0xa9: {  	p0 =	sne.s32 s2, $0x0;
	s0 =	rddreg [dreg:$0x2]  }
0xaa: {  	s0 =	sadd.s32 @!p0 $0x100000, s0  }
0xab: {  	[sflag:s0] =	ssyncadd.tile.s32 @!p0 $0x1;
	_ =	shalt  }
.Lfunc_end2:
_tile_overlayer_lowered:
.L_overlay_start_2:
0xac: {  	(tag) =	ssettag $0x2  }
0xad: {  	s0 =	rddreg [dreg:$0x0];
	s2 =	stileid.u32  }
0xae: {  	s1 =	rddreg [dreg:$0x1];
	p0 =	sne.s32 s2, $0x0  }
0xaf: {  	s3 =	rddreg [dreg:$0x2];
	[bflag:$0x3] =	sbarrier.arrive $0xFFFF;
	s2 =	simm.s32 @!p0 $0x1C03  }
0xb0: {  	[timem:s3], [sflag:s2] =	dma.local @!p0 [hbm:s0], s1  }
0xb1: {  	s0 =	simm.s32 @!p0 $0x3  }
0xb2: {  	_ =	swait.ge @!p0 [sflag:s0], s1  }
0xb3: {  	s1 =	ssub.s32 @!p0 $0x0, s1;
	[sflag:s0] =	ssyncset.done @!p0 $0x0  }
0xb4: {  	[sflag:s0] =	ssyncadd.s32 @!p0 s1  }
0xb5: {  	[bflag:$0x3] =	sbarrier.arrive $0xFFFF  }
0xb6: {  	_ =	shalt  }

</sc_bundles>
